<compile_context>
chip_gen: v7x
topology: tpu7x:2x2x1
jax: 0.10.2.dev20260603
libtpu: 0.0.44.dev20260713+nightly
codegen_flags: <defaults>
</compile_context>

<pallas_src>
import functools

import jax
import jax.numpy as jnp
from jax import lax
from jax.experimental import pallas as pl
from jax.experimental.pallas import tpu as pltpu
from jax.experimental.pallas import tpu_sc as plsc

N_NODES = 10000
N_EDGES = 320000
F = 128

NC = 2
NS = 16
NW = NC * NS
EPW = N_EDGES // NW
CHUNK = 128
SC_CH = 8
NBLK = 10
EPT = NBLK * SC_CH * CHUNK
PAD = EPT - EPW
N_ACC = N_NODES + CHUNK
ROWS_PT = 624
ZTAIL = N_ACC - NS * ROWS_PT
OTAIL = N_NODES - NS * ROWS_PT

_sc_mesh = plsc.VectorSubcoreMesh(core_axis_name="c", subcore_axis_name="s")


@functools.partial(
    pl.kernel,
    out_type=jax.ShapeDtypeStruct((NC, N_NODES, F), jnp.float32),
    mesh=_sc_mesh,
    scratch_types=[
        pltpu.VMEM((SC_CH, CHUNK), jnp.int32),
        pltpu.VMEM((SC_CH, CHUNK), jnp.int32),
        pltpu.VMEM((SC_CH, CHUNK), jnp.int32),
        pltpu.VMEM((SC_CH, CHUNK), jnp.int32),
        pltpu.VMEM((CHUNK, F), jnp.float32),
        pltpu.VMEM((CHUNK, F), jnp.float32),
        pltpu.VMEM_SHARED((N_ACC, F), jnp.float32),
        pltpu.SemaphoreType.DMA,
        pltpu.SemaphoreType.DMA,
        pltpu.SemaphoreType.DMA,
    ],
)
def _sc_aggregate(y_hbm, srcs_hbm, dsts_hbm, zeros_hbm, out_hbm,
                  srcA, srcB, dstA, dstB, buf0, buf1, acc,
                  semg0, semg1, semi):
    c = lax.axis_index("c")
    s = lax.axis_index("s")
    wid = c * NS + s
    bufs = (buf0, buf1)
    semg = (semg0, semg1)

    pltpu.sync_copy(zeros_hbm, acc.at[pl.ds(s * ROWS_PT, ROWS_PT)])

    @pl.when(s == NS - 1)
    def _():
        pltpu.sync_copy(zeros_hbm.at[pl.ds(0, ZTAIL)],
                        acc.at[pl.ds(NS * ROWS_PT, ZTAIL)])

    pltpu.sync_copy(srcs_hbm.at[wid * NBLK], srcA)
    pltpu.sync_copy(dsts_hbm.at[wid * NBLK], dstA)
    plsc.subcore_barrier()
    pltpu.async_copy(y_hbm.at[srcA.at[0]], buf0, semg0)

    def half(blk, Xs, Xd, Ys, Yd, nxt):
        for k in range(SC_CH):
            if k == 0:
                pltpu.async_copy(srcs_hbm.at[nxt], Ys, semi)
                pltpu.async_copy(dsts_hbm.at[nxt], Yd, semi)
            if k < SC_CH - 1:
                pltpu.async_copy(y_hbm.at[Xs.at[k + 1]],
                                 bufs[(k + 1) % 2], semg[(k + 1) % 2])
            else:
                pltpu.make_async_copy(srcs_hbm.at[nxt], Ys, semi).wait()
                pltpu.make_async_copy(dsts_hbm.at[nxt], Yd, semi).wait()
                pltpu.async_copy(y_hbm.at[Ys.at[0]], bufs[0], semg[0])
            pltpu.make_async_copy(y_hbm.at[Xs.at[k]],
                                  bufs[k % 2], semg[k % 2]).wait()
            pltpu.sync_copy(bufs[k % 2], acc.at[Xd.at[k]], add=True)

    def pair_body(j, carry):
        blkA = 2 * j
        base = wid * NBLK
        half(blkA, srcA, dstA, srcB, dstB, base + blkA + 1)
        nxtA = base + jnp.minimum(blkA + 2, NBLK - 1)
        half(blkA + 1, srcB, dstB, srcA, dstA, nxtA)
        return carry

    lax.fori_loop(0, NBLK // 2, pair_body, 0)
    pltpu.make_async_copy(y_hbm.at[srcA.at[0]], buf0, semg0).wait()
    plsc.subcore_barrier()
    pltpu.sync_copy(acc.at[pl.ds(s * ROWS_PT, ROWS_PT)],
                    out_hbm.at[c, pl.ds(s * ROWS_PT, ROWS_PT)])

    @pl.when(s == NS - 1)
    def _():
        pltpu.sync_copy(acc.at[pl.ds(NS * ROWS_PT, OTAIL)],
                        out_hbm.at[c, pl.ds(NS * ROWS_PT, OTAIL)])


_BLK = 10000


def _mm_first_body(x_ref, w_ref, o_ref):
    o_ref[...] = lax.dot_general(
        x_ref[...], w_ref[...], (((1,), (1,)), ((), ())),
        preferred_element_type=jnp.float32)


def _mm_fused_body(p_ref, q_ref, b_ref, w_ref, o_ref):
    h = p_ref[...] + q_ref[...] + b_ref[...]
    o_ref[...] = lax.dot_general(
        h, w_ref[...], (((1,), (1,)), ((), ())),
        preferred_element_type=jnp.float32)


def _add_bias_body(p_ref, q_ref, b_ref, o_ref):
    o_ref[...] = p_ref[...] + q_ref[...] + b_ref[...]


_row_spec = pl.BlockSpec((_BLK, F), lambda i: (i, 0))
_b_spec = pl.BlockSpec((1, F), lambda i: (0, 0))
_w_spec = pl.BlockSpec((F, F), lambda i: (0, 0))
_out_shape = jax.ShapeDtypeStruct((N_NODES, F), jnp.float32)

_mm_first = pl.pallas_call(
    _mm_first_body, grid=(N_NODES // _BLK,),
    in_specs=[_row_spec, _w_spec], out_specs=_row_spec,
    out_shape=_out_shape)

_mm_fused = pl.pallas_call(
    _mm_fused_body, grid=(N_NODES // _BLK,),
    in_specs=[_row_spec, _row_spec, _b_spec, _w_spec], out_specs=_row_spec,
    out_shape=_out_shape)

_add_bias = pl.pallas_call(
    _add_bias_body, grid=(N_NODES // _BLK,),
    in_specs=[_row_spec, _row_spec, _b_spec], out_specs=_row_spec,
    out_shape=_out_shape)


def kernel(features, edge_index, W0, b0, W1, b1, W2, b2):
    src = edge_index[0].astype(jnp.int32).reshape(NW, EPW)
    dst = edge_index[1].astype(jnp.int32).reshape(NW, EPW)
    t = jnp.arange(NW, dtype=jnp.int32)[:, None]
    j = jnp.arange(PAD, dtype=jnp.int32)[None, :]
    dummy_src = (t * 613 + j * 97) % N_NODES
    dummy_dst = N_NODES + (t % NS) * 8 + (j % 8)
    src = jnp.concatenate([src, dummy_src.astype(jnp.int32)], axis=1)
    dst = jnp.concatenate([dst, dummy_dst.astype(jnp.int32)], axis=1)
    src = src.reshape(NW * NBLK, SC_CH, CHUNK)
    dst = dst.reshape(NW * NBLK, SC_CH, CHUNK)
    zeros = jnp.zeros((ROWS_PT, F), jnp.float32)

    y = _mm_first(features, W0)
    p = _sc_aggregate(y, src, dst, zeros)
    y = _mm_fused(p[0], p[1], b0.reshape(1, F), W1)
    p = _sc_aggregate(y, src, dst, zeros)
    y = _mm_fused(p[0], p[1], b1.reshape(1, F), W2)
    p = _sc_aggregate(y, src, dst, zeros)
    return _add_bias(p[0], p[1], b2.reshape(1, F))

# --- scband reference (transcript-rebuilt; emitter-appended) ---
"""Pipeline reference for scband-gcn-10591389352059 (READ-ONLY COPY).

The authoritative reference and input builder live on the scoring server;
editing this copy changes nothing except your own understanding.
"""

import jax, jax.numpy as jnp
import numpy as np

N_NODES = 10000
N_EDGES = 320000
IN_FEATS = 128
N_HIDDEN = 128
N_CLASSES = 128


def setup_inputs(seed: int = 0) -> dict:
    key = jax.random.key(seed)
    ks = jax.random.split(key, 10)
    features = jax.random.normal(ks[0], (N_NODES, IN_FEATS), dtype=jnp.float32)
    edge_index = jax.random.randint(ks[1], (2, N_EDGES), 0, N_NODES).astype(jnp.int64)
    # nn.Linear params: weight [out, in], bias [out]
    s0 = 1.0 / np.sqrt(IN_FEATS)
    s1 = 1.0 / np.sqrt(N_HIDDEN)
    W0 = jax.random.uniform(ks[2], (N_HIDDEN, IN_FEATS), dtype=jnp.float32, minval=-s0, maxval=s0)
    b0 = jax.random.uniform(ks[3], (N_HIDDEN,), dtype=jnp.float32, minval=-s0, maxval=s0)
    W1 = jax.random.uniform(ks[4], (N_HIDDEN, N_HIDDEN), dtype=jnp.float32, minval=-s1, maxval=s1)
    b1 = jax.random.uniform(ks[5], (N_HIDDEN,), dtype=jnp.float32, minval=-s1, maxval=s1)
    W2 = jax.random.uniform(ks[6], (N_CLASSES, N_HIDDEN), dtype=jnp.float32, minval=-s1, maxval=s1)
    b2 = jax.random.uniform(ks[7], (N_CLASSES,), dtype=jnp.float32, minval=-s1, maxval=s1)
    return {"features": features, "edge_index": edge_index,
            "W0": W0, "b0": b0, "W1": W1, "b1": b1, "W2": W2, "b2": b2}


def reference(features, edge_index, W0, b0, W1, b1, W2, b2):
    # GCN.forward: for each layer, update_all(copy_src -> sum) then NodeApplyModule (Linear,
    # activation=None, dropout=0).
    src = edge_index[0]
    dst = edge_index[1]
    h = features
    for (W, b) in ((W0, b0), (W1, b1), (W2, b2)):
        m = jnp.take(h, src, axis=0)                               # copy_src: gather source features per edge
        agg = jax.ops.segment_sum(m, dst, num_segments=N_NODES)    # fn.sum: scatter-add to dst nodes
        h = agg @ W.T + b                                          # NodeApplyModule linear (no activation/dropout)
    return h

if __name__ == "__main__":
    import jax
    _d = setup_inputs()
    print(jax.jit(kernel)(*tuple(_d.values())))

</pallas_src>

<mosaic_0001>
#map = affine_map<(d0, d1) -> (0, 0)>
#map1 = affine_map<(d0, d1) -> (0, 0, 0)>
module attributes {stable_mosaic.version = 14 : i64} {
  func.func @_sc_aggregate(%arg0: i32, %arg1: i32, %arg2: memref<10000x128xf32, #tpu.memory_space<hbm>>, %arg3: memref<320x8x128xi32, #tpu.memory_space<hbm>>, %arg4: memref<320x8x128xi32, #tpu.memory_space<hbm>>, %arg5: memref<624x128xf32, #tpu.memory_space<hbm>>, %arg6: memref<2x10000x128xf32, #tpu.memory_space<hbm>>, %arg7: memref<8x128xi32, #tpu.memory_space<vmem>>, %arg8: memref<8x128xi32, #tpu.memory_space<vmem>>, %arg9: memref<8x128xi32, #tpu.memory_space<vmem>>, %arg10: memref<8x128xi32, #tpu.memory_space<vmem>>, %arg11: memref<128x128xf32, #tpu.memory_space<vmem>>, %arg12: memref<128x128xf32, #tpu.memory_space<vmem>>, %arg13: memref<10128x128xf32, #tpu.memory_space<vmem_shared>>, %arg14: memref<!tpu.dma_semaphore, #tpu.memory_space<semaphore_mem>>, %arg15: memref<!tpu.dma_semaphore, #tpu.memory_space<semaphore_mem>>, %arg16: memref<!tpu.dma_semaphore, #tpu.memory_space<semaphore_mem>>) attributes {dimension_semantics = [#tpu.dimension_semantics<core_parallel>, #tpu.dimension_semantics<subcore_parallel>], iteration_bounds = array<i64: 2, 16>, scalar_prefetch = 0 : i64, scratch_operands = 10 : i64, tpu.core_type = #tpu.core_type<sc_vector_subcore>, window_params = [{transform_indices = #map}, {transform_indices = #map1}, {transform_indices = #map1}, {transform_indices = #map}, {transform_indices = #map1}]} {
    %mul3A = arith.constant 16 : i32
    %mul3A_0 = arith.muli %arg0, %mul3A : i32
    %add3A = arith.addi %mul3A_0, %arg1 : i32
    %mul3A_1 = arith.constant 624 : i32
    %mul3A_2 = arith.muli %arg1, %mul3A_1 : i32
    "tpu.region"() ({
      %run_scoped3A = tpu.sem_alloc : memref<!tpu.dma_semaphore, #tpu.memory_space<semaphore_mem>>
      %dma_start3A_36 = arith.constant 0 : i32
      %dma_start3A_37 = tpu.memref_slice %arg13[%mul3A_2, %dma_start3A_36] : memref<10128x128xf32, #tpu.memory_space<vmem_shared>> -> memref<624x128xf32, #tpu.memory_space<vmem_shared>>
      tpu.enqueue_dma source(%arg5 : memref<624x128xf32, #tpu.memory_space<hbm>>) target(%dma_start3A_37 : memref<624x128xf32, #tpu.memory_space<vmem_shared>>) target_semaphore(%run_scoped3A : memref<!tpu.dma_semaphore, #tpu.memory_space<semaphore_mem>>)
      %dma_wait3A_38 = arith.constant 0 : i32
      %dma_wait3A_39 = tpu.memref_slice %arg13[%mul3A_2, %dma_wait3A_38] : memref<10128x128xf32, #tpu.memory_space<vmem_shared>> -> memref<624x128xf32, #tpu.memory_space<vmem_shared>>
      tpu.wait_dma2 semaphore(%run_scoped3A : memref<!tpu.dma_semaphore, #tpu.memory_space<semaphore_mem>>) src(%arg5 : memref<624x128xf32, #tpu.memory_space<hbm>>) dst(%dma_wait3A_39 : memref<624x128xf32, #tpu.memory_space<vmem_shared>>)
      tpu.yield
    }) : () -> ()
    %eq3A = arith.constant 15 : i32
    %eq3A_3 = arith.cmpi eq, %arg1, %eq3A : i32
    %convert_element_type3A = arith.extui %eq3A_3 : i1 to i32
    %cond3A = arith.constant 0 : i32
    %cond3A_4 = arith.cmpi ne, %convert_element_type3A, %cond3A : i32
    scf.if %cond3A_4 {
      "tpu.region"() ({
        %run_scoped3A = tpu.sem_alloc : memref<!tpu.dma_semaphore, #tpu.memory_space<semaphore_mem>>
        %dma_start3A_36 = arith.constant 9984 : i32
        %dma_start3A_37 = arith.constant 0 : i32
        %dma_start3A_38 = tpu.memref_slice %arg13[%dma_start3A_36, %dma_start3A_37] : memref<10128x128xf32, #tpu.memory_space<vmem_shared>> -> memref<144x128xf32, #tpu.memory_space<vmem_shared>>
        %dma_start3A_39 = arith.constant 0 : i32
        %dma_start3A_40 = arith.constant 0 : i32
        %dma_start3A_41 = tpu.memref_slice %arg5[%dma_start3A_39, %dma_start3A_40] : memref<624x128xf32, #tpu.memory_space<hbm>> -> memref<144x128xf32, #tpu.memory_space<hbm>>
        tpu.enqueue_dma source(%dma_start3A_41 : memref<144x128xf32, #tpu.memory_space<hbm>>) target(%dma_start3A_38 : memref<144x128xf32, #tpu.memory_space<vmem_shared>>) target_semaphore(%run_scoped3A : memref<!tpu.dma_semaphore, #tpu.memory_space<semaphore_mem>>)
        %dma_wait3A_42 = arith.constant 9984 : i32
        %dma_wait3A_43 = arith.constant 0 : i32
        %dma_wait3A_44 = tpu.memref_slice %arg13[%dma_wait3A_42, %dma_wait3A_43] : memref<10128x128xf32, #tpu.memory_space<vmem_shared>> -> memref<144x128xf32, #tpu.memory_space<vmem_shared>>
        %dma_wait3A_45 = arith.constant 0 : i32
        %dma_wait3A_46 = arith.constant 0 : i32
        %dma_wait3A_47 = tpu.memref_slice %arg5[%dma_wait3A_45, %dma_wait3A_46] : memref<624x128xf32, #tpu.memory_space<hbm>> -> memref<144x128xf32, #tpu.memory_space<hbm>>
        tpu.wait_dma2 semaphore(%run_scoped3A : memref<!tpu.dma_semaphore, #tpu.memory_space<semaphore_mem>>) src(%dma_wait3A_47 : memref<144x128xf32, #tpu.memory_space<hbm>>) dst(%dma_wait3A_44 : memref<144x128xf32, #tpu.memory_space<vmem_shared>>)
        tpu.yield
      }) : () -> ()
    } else {
    }
    %mul3A_5 = arith.constant 10 : i32
    %mul3A_6 = arith.muli %add3A, %mul3A_5 : i32
    "tpu.region"() ({
      %run_scoped3A = tpu.sem_alloc : memref<!tpu.dma_semaphore, #tpu.memory_space<semaphore_mem>>
      %dma_start3A_36 = arith.constant 0 : i32
      %dma_start3A_37 = arith.constant 0 : i32
      %dma_start3A_38 = tpu.memref_slice %arg3[%mul3A_6, %dma_start3A_36, %dma_start3A_37] : memref<320x8x128xi32, #tpu.memory_space<hbm>> -> memref<1x8x128xi32, #tpu.memory_space<hbm>>
      %dma_start3A_39 = tpu.memref_squeeze %dma_start3A_38 : memref<1x8x128xi32, #tpu.memory_space<hbm>> -> memref<8x128xi32, #tpu.memory_space<hbm>>
      %dma_start3A_40 = arith.constant 0 : i32
      %dma_start3A_41 = arith.constant 0 : i32
      %dma_start3A_42 = tpu.memref_slice %arg3[%mul3A_6, %dma_start3A_40, %dma_start3A_41] : memref<320x8x128xi32, #tpu.memory_space<hbm>> -> memref<1x8x128xi32, #tpu.memory_space<hbm>>
      %dma_start3A_43 = tpu.memref_squeeze %dma_start3A_42 : memref<1x8x128xi32, #tpu.memory_space<hbm>> -> memref<8x128xi32, #tpu.memory_space<hbm>>
      tpu.enqueue_dma source(%dma_start3A_43 : memref<8x128xi32, #tpu.memory_space<hbm>>) target(%arg7 : memref<8x128xi32, #tpu.memory_space<vmem>>) target_semaphore(%run_scoped3A : memref<!tpu.dma_semaphore, #tpu.memory_space<semaphore_mem>>)
      %dma_wait3A_44 = arith.constant 0 : i32
      %dma_wait3A_45 = arith.constant 0 : i32
      %dma_wait3A_46 = tpu.memref_slice %arg3[%mul3A_6, %dma_wait3A_44, %dma_wait3A_45] : memref<320x8x128xi32, #tpu.memory_space<hbm>> -> memref<1x8x128xi32, #tpu.memory_space<hbm>>
      %dma_wait3A_47 = tpu.memref_squeeze %dma_wait3A_46 : memref<1x8x128xi32, #tpu.memory_space<hbm>> -> memref<8x128xi32, #tpu.memory_space<hbm>>
      %dma_wait3A_48 = arith.constant 0 : i32
      %dma_wait3A_49 = arith.constant 0 : i32
      %dma_wait3A_50 = tpu.memref_slice %arg3[%mul3A_6, %dma_wait3A_48, %dma_wait3A_49] : memref<320x8x128xi32, #tpu.memory_space<hbm>> -> memref<1x8x128xi32, #tpu.memory_space<hbm>>
      %dma_wait3A_51 = tpu.memref_squeeze %dma_wait3A_50 : memref<1x8x128xi32, #tpu.memory_space<hbm>> -> memref<8x128xi32, #tpu.memory_space<hbm>>
      tpu.wait_dma2 semaphore(%run_scoped3A : memref<!tpu.dma_semaphore, #tpu.memory_space<semaphore_mem>>) src(%dma_wait3A_51 : memref<8x128xi32, #tpu.memory_space<hbm>>) dst(%arg7 : memref<8x128xi32, #tpu.memory_space<vmem>>)
      tpu.yield
    }) : () -> ()
    %mul3A_7 = arith.constant 10 : i32
    %mul3A_8 = arith.muli %add3A, %mul3A_7 : i32
    "tpu.region"() ({
      %run_scoped3A = tpu.sem_alloc : memref<!tpu.dma_semaphore, #tpu.memory_space<semaphore_mem>>
      %dma_start3A_36 = arith.constant 0 : i32
      %dma_start3A_37 = arith.constant 0 : i32
      %dma_start3A_38 = tpu.memref_slice %arg4[%mul3A_8, %dma_start3A_36, %dma_start3A_37] : memref<320x8x128xi32, #tpu.memory_space<hbm>> -> memref<1x8x128xi32, #tpu.memory_space<hbm>>
      %dma_start3A_39 = tpu.memref_squeeze %dma_start3A_38 : memref<1x8x128xi32, #tpu.memory_space<hbm>> -> memref<8x128xi32, #tpu.memory_space<hbm>>
      %dma_start3A_40 = arith.constant 0 : i32
      %dma_start3A_41 = arith.constant 0 : i32
      %dma_start3A_42 = tpu.memref_slice %arg4[%mul3A_8, %dma_start3A_40, %dma_start3A_41] : memref<320x8x128xi32, #tpu.memory_space<hbm>> -> memref<1x8x128xi32, #tpu.memory_space<hbm>>
      %dma_start3A_43 = tpu.memref_squeeze %dma_start3A_42 : memref<1x8x128xi32, #tpu.memory_space<hbm>> -> memref<8x128xi32, #tpu.memory_space<hbm>>
      tpu.enqueue_dma source(%dma_start3A_43 : memref<8x128xi32, #tpu.memory_space<hbm>>) target(%arg9 : memref<8x128xi32, #tpu.memory_space<vmem>>) target_semaphore(%run_scoped3A : memref<!tpu.dma_semaphore, #tpu.memory_space<semaphore_mem>>)
      %dma_wait3A_44 = arith.constant 0 : i32
      %dma_wait3A_45 = arith.constant 0 : i32
      %dma_wait3A_46 = tpu.memref_slice %arg4[%mul3A_8, %dma_wait3A_44, %dma_wait3A_45] : memref<320x8x128xi32, #tpu.memory_space<hbm>> -> memref<1x8x128xi32, #tpu.memory_space<hbm>>
      %dma_wait3A_47 = tpu.memref_squeeze %dma_wait3A_46 : memref<1x8x128xi32, #tpu.memory_space<hbm>> -> memref<8x128xi32, #tpu.memory_space<hbm>>
      %dma_wait3A_48 = arith.constant 0 : i32
      %dma_wait3A_49 = arith.constant 0 : i32
      %dma_wait3A_50 = tpu.memref_slice %arg4[%mul3A_8, %dma_wait3A_48, %dma_wait3A_49] : memref<320x8x128xi32, #tpu.memory_space<hbm>> -> memref<1x8x128xi32, #tpu.memory_space<hbm>>
      %dma_wait3A_51 = tpu.memref_squeeze %dma_wait3A_50 : memref<1x8x128xi32, #tpu.memory_space<hbm>> -> memref<8x128xi32, #tpu.memory_space<hbm>>
      tpu.wait_dma2 semaphore(%run_scoped3A : memref<!tpu.dma_semaphore, #tpu.memory_space<semaphore_mem>>) src(%dma_wait3A_51 : memref<8x128xi32, #tpu.memory_space<hbm>>) dst(%arg9 : memref<8x128xi32, #tpu.memory_space<vmem>>)
      tpu.yield
    }) : () -> ()
    %barrier3A = arith.constant 0 : index
    tpu.barrier barrier_id(%barrier3A)
    %dma_start3A = arith.constant 0 : i32
    %dma_start3A_9 = arith.constant 0 : i32
    %dma_start3A_10 = tpu.memref_slice %arg7[%dma_start3A, %dma_start3A_9] : memref<8x128xi32, #tpu.memory_space<vmem>> -> memref<1x128xi32, #tpu.memory_space<vmem>>
    %dma_start3A_11 = tpu.memref_squeeze %dma_start3A_10 : memref<1x128xi32, #tpu.memory_space<vmem>> -> memref<128xi32, #tpu.memory_space<vmem>>
    %dma_start3A_12 = arith.constant 0 : i32
    %dma_start3A_13 = arith.constant 0 : i32
    %dma_start3A_14 = tpu.memref_slice %arg2[%dma_start3A_12, %dma_start3A_13] : memref<10000x128xf32, #tpu.memory_space<hbm>> -> memref<10000x128xf32, #tpu.memory_space<hbm>>
    tpu.enqueue_indirect_dma source(%dma_start3A_14 : memref<10000x128xf32, #tpu.memory_space<hbm>>) target(%arg11 : memref<128x128xf32, #tpu.memory_space<vmem>>) offsets(%dma_start3A_11 : memref<128xi32, #tpu.memory_space<vmem>>) semaphore(%arg14 : memref<!tpu.dma_semaphore, #tpu.memory_space<semaphore_mem>>)
    %scan3A = arith.constant 0 : i32
    %scan3A_15 = arith.constant 0 : i32
    %scan3A_16 = arith.constant 5 : i32
    %scan3A_17 = arith.addi %scan3A_15, %scan3A_16 : i32
    %scan3A_18 = arith.constant 1 : i32
    scf.for %scan3A_36 = %scan3A_15 to %scan3A_17 step %scan3A_18  : i32 {
      %mul3A_37 = arith.constant 2 : i32
      %mul3A_38 = arith.muli %mul3A_37, %scan3A_36 : i32
      %mul3A_39 = arith.constant 10 : i32
      %mul3A_40 = arith.muli %add3A, %mul3A_39 : i32
      %add3A_41 = arith.addi %mul3A_40, %mul3A_38 : i32
      %add3A_42 = arith.constant 1 : i32
      %add3A_43 = arith.addi %add3A_41, %add3A_42 : i32
      %dma_start3A_44 = arith.constant 0 : i32
      %dma_start3A_45 = arith.constant 0 : i32
      %dma_start3A_46 = tpu.memref_slice %arg3[%add3A_43, %dma_start3A_44, %dma_start3A_45] : memref<320x8x128xi32, #tpu.memory_space<hbm>> -> memref<1x8x128xi32, #tpu.memory_space<hbm>>
      %dma_start3A_47 = tpu.memref_squeeze %dma_start3A_46 : memref<1x8x128xi32, #tpu.memory_space<hbm>> -> memref<8x128xi32, #tpu.memory_space<hbm>>
      %dma_start3A_48 = arith.constant 0 : i32
      %dma_start3A_49 = arith.constant 0 : i32
      %dma_start3A_50 = tpu.memref_slice %arg3[%add3A_43, %dma_start3A_48, %dma_start3A_49] : memref<320x8x128xi32, #tpu.memory_space<hbm>> -> memref<1x8x128xi32, #tpu.memory_space<hbm>>
      %dma_start3A_51 = tpu.memref_squeeze %dma_start3A_50 : memref<1x8x128xi32, #tpu.memory_space<hbm>> -> memref<8x128xi32, #tpu.memory_space<hbm>>
      tpu.enqueue_dma source(%dma_start3A_51 : memref<8x128xi32, #tpu.memory_space<hbm>>) target(%arg8 : memref<8x128xi32, #tpu.memory_space<vmem>>) target_semaphore(%arg16 : memref<!tpu.dma_semaphore, #tpu.memory_space<semaphore_mem>>)
      %dma_start3A_52 = arith.constant 0 : i32
      %dma_start3A_53 = arith.constant 0 : i32
      %dma_start3A_54 = tpu.memref_slice %arg4[%add3A_43, %dma_start3A_52, %dma_start3A_53] : memref<320x8x128xi32, #tpu.memory_space<hbm>> -> memref<1x8x128xi32, #tpu.memory_space<hbm>>
      %dma_start3A_55 = tpu.memref_squeeze %dma_start3A_54 : memref<1x8x128xi32, #tpu.memory_space<hbm>> -> memref<8x128xi32, #tpu.memory_space<hbm>>
      %dma_start3A_56 = arith.constant 0 : i32
      %dma_start3A_57 = arith.constant 0 : i32
      %dma_start3A_58 = tpu.memref_slice %arg4[%add3A_43, %dma_start3A_56, %dma_start3A_57] : memref<320x8x128xi32, #tpu.memory_space<hbm>> -> memref<1x8x128xi32, #tpu.memory_space<hbm>>
      %dma_start3A_59 = tpu.memref_squeeze %dma_start3A_58 : memref<1x8x128xi32, #tpu.memory_space<hbm>> -> memref<8x128xi32, #tpu.memory_space<hbm>>
      tpu.enqueue_dma source(%dma_start3A_59 : memref<8x128xi32, #tpu.memory_space<hbm>>) target(%arg10 : memref<8x128xi32, #tpu.memory_space<vmem>>) target_semaphore(%arg16 : memref<!tpu.dma_semaphore, #tpu.memory_space<semaphore_mem>>)
      %dma_start3A_60 = arith.constant 1 : i32
      %dma_start3A_61 = arith.constant 0 : i32
      %dma_start3A_62 = tpu.memref_slice %arg7[%dma_start3A_60, %dma_start3A_61] : memref<8x128xi32, #tpu.memory_space<vmem>> -> memref<1x128xi32, #tpu.memory_space<vmem>>
      %dma_start3A_63 = tpu.memref_squeeze %dma_start3A_62 : memref<1x128xi32, #tpu.memory_space<vmem>> -> memref<128xi32, #tpu.memory_space<vmem>>
      %dma_start3A_64 = arith.constant 0 : i32
      %dma_start3A_65 = arith.constant 0 : i32
      %dma_start3A_66 = tpu.memref_slice %arg2[%dma_start3A_64, %dma_start3A_65] : memref<10000x128xf32, #tpu.memory_space<hbm>> -> memref<10000x128xf32, #tpu.memory_space<hbm>>
      tpu.enqueue_indirect_dma source(%dma_start3A_66 : memref<10000x128xf32, #tpu.memory_space<hbm>>) target(%arg12 : memref<128x128xf32, #tpu.memory_space<vmem>>) offsets(%dma_start3A_63 : memref<128xi32, #tpu.memory_space<vmem>>) semaphore(%arg15 : memref<!tpu.dma_semaphore, #tpu.memory_space<semaphore_mem>>)
      %dma_wait3A_67 = arith.constant 0 : i32
      %dma_wait3A_68 = arith.constant 0 : i32
      %dma_wait3A_69 = tpu.memref_slice %arg7[%dma_wait3A_67, %dma_wait3A_68] : memref<8x128xi32, #tpu.memory_space<vmem>> -> memref<1x128xi32, #tpu.memory_space<vmem>>
      %dma_wait3A_70 = tpu.memref_squeeze %dma_wait3A_69 : memref<1x128xi32, #tpu.memory_space<vmem>> -> memref<128xi32, #tpu.memory_space<vmem>>
      %dma_wait3A_71 = arith.constant 0 : i32
      %dma_wait3A_72 = arith.constant 0 : i32
      %dma_wait3A_73 = tpu.memref_slice %arg2[%dma_wait3A_71, %dma_wait3A_72] : memref<10000x128xf32, #tpu.memory_space<hbm>> -> memref<10000x128xf32, #tpu.memory_space<hbm>>
      tpu.wait_indirect_dma semaphore(%arg14 : memref<!tpu.dma_semaphore, #tpu.memory_space<semaphore_mem>>) src(%dma_wait3A_73 : memref<10000x128xf32, #tpu.memory_space<hbm>>) dst(%arg11 : memref<128x128xf32, #tpu.memory_space<vmem>>)
      %run_scoped3A = arith.constant 0 : i32
      "tpu.region"() ({
        %run_scoped3A_353 = tpu.sem_alloc : memref<!tpu.dma_semaphore, #tpu.memory_space<semaphore_mem>>
        %dma_start3A_354 = arith.constant 0 : i32
        %dma_start3A_355 = tpu.memref_slice %arg9[%run_scoped3A, %dma_start3A_354] : memref<8x128xi32, #tpu.memory_space<vmem>> -> memref<1x128xi32, #tpu.memory_space<vmem>>
        %dma_start3A_356 = tpu.memref_squeeze %dma_start3A_355 : memref<1x128xi32, #tpu.memory_space<vmem>> -> memref<128xi32, #tpu.memory_space<vmem>>
        %dma_start3A_357 = arith.constant 0 : i32
        %dma_start3A_358 = arith.constant 0 : i32
        %dma_start3A_359 = tpu.memref_slice %arg13[%dma_start3A_357, %dma_start3A_358] : memref<10128x128xf32, #tpu.memory_space<vmem_shared>> -> memref<10128x128xf32, #tpu.memory_space<vmem_shared>>
        tpu.enqueue_indirect_dma source(%arg11 : memref<128x128xf32, #tpu.memory_space<vmem>>) target(%dma_start3A_359 : memref<10128x128xf32, #tpu.memory_space<vmem_shared>>) offsets(%dma_start3A_356 : memref<128xi32, #tpu.memory_space<vmem>>) semaphore(%run_scoped3A_353 : memref<!tpu.dma_semaphore, #tpu.memory_space<semaphore_mem>>) {add = true}
        %dma_wait3A_360 = arith.constant 0 : i32
        %dma_wait3A_361 = tpu.memref_slice %arg9[%run_scoped3A, %dma_wait3A_360] : memref<8x128xi32, #tpu.memory_space<vmem>> -> memref<1x128xi32, #tpu.memory_space<vmem>>
        %dma_wait3A_362 = tpu.memref_squeeze %dma_wait3A_361 : memref<1x128xi32, #tpu.memory_space<vmem>> -> memref<128xi32, #tpu.memory_space<vmem>>
        %dma_wait3A_363 = arith.constant 0 : i32
        %dma_wait3A_364 = arith.constant 0 : i32
        %dma_wait3A_365 = tpu.memref_slice %arg13[%dma_wait3A_363, %dma_wait3A_364] : memref<10128x128xf32, #tpu.memory_space<vmem_shared>> -> memref<10128x128xf32, #tpu.memory_space<vmem_shared>>
        tpu.wait_indirect_dma semaphore(%run_scoped3A_353 : memref<!tpu.dma_semaphore, #tpu.memory_space<semaphore_mem>>) src(%arg11 : memref<128x128xf32, #tpu.memory_space<vmem>>) dst(%dma_wait3A_365 : memref<10128x128xf32, #tpu.memory_space<vmem_shared>>)
        tpu.yield
      }) : () -> ()
      %dma_start3A_74 = arith.constant 2 : i32
      %dma_start3A_75 = arith.constant 0 : i32
      %dma_start3A_76 = tpu.memref_slice %arg7[%dma_start3A_74, %dma_start3A_75] : memref<8x128xi32, #tpu.memory_space<vmem>> -> memref<1x128xi32, #tpu.memory_space<vmem>>
      %dma_start3A_77 = tpu.memref_squeeze %dma_start3A_76 : memref<1x128xi32, #tpu.memory_space<vmem>> -> memref<128xi32, #tpu.memory_space<vmem>>
      %dma_start3A_78 = arith.constant 0 : i32
      %dma_start3A_79 = arith.constant 0 : i32
      %dma_start3A_80 = tpu.memref_slice %arg2[%dma_start3A_78, %dma_start3A_79] : memref<10000x128xf32, #tpu.memory_space<hbm>> -> memref<10000x128xf32, #tpu.memory_space<hbm>>
      tpu.enqueue_indirect_dma source(%dma_start3A_80 : memref<10000x128xf32, #tpu.memory_space<hbm>>) target(%arg11 : memref<128x128xf32, #tpu.memory_space<vmem>>) offsets(%dma_start3A_77 : memref<128xi32, #tpu.memory_space<vmem>>) semaphore(%arg14 : memref<!tpu.dma_semaphore, #tpu.memory_space<semaphore_mem>>)
      %dma_wait3A_81 = arith.constant 1 : i32
      %dma_wait3A_82 = arith.constant 0 : i32
      %dma_wait3A_83 = tpu.memref_slice %arg7[%dma_wait3A_81, %dma_wait3A_82] : memref<8x128xi32, #tpu.memory_space<vmem>> -> memref<1x128xi32, #tpu.memory_space<vmem>>
      %dma_wait3A_84 = tpu.memref_squeeze %dma_wait3A_83 : memref<1x128xi32, #tpu.memory_space<vmem>> -> memref<128xi32, #tpu.memory_space<vmem>>
      %dma_wait3A_85 = arith.constant 0 : i32
      %dma_wait3A_86 = arith.constant 0 : i32
      %dma_wait3A_87 = tpu.memref_slice %arg2[%dma_wait3A_85, %dma_wait3A_86] : memref<10000x128xf32, #tpu.memory_space<hbm>> -> memref<10000x128xf32, #tpu.memory_space<hbm>>
      tpu.wait_indirect_dma semaphore(%arg15 : memref<!tpu.dma_semaphore, #tpu.memory_space<semaphore_mem>>) src(%dma_wait3A_87 : memref<10000x128xf32, #tpu.memory_space<hbm>>) dst(%arg12 : memref<128x128xf32, #tpu.memory_space<vmem>>)
      %run_scoped3A_88 = arith.constant 1 : i32
      "tpu.region"() ({
        %run_scoped3A_353 = tpu.sem_alloc : memref<!tpu.dma_semaphore, #tpu.memory_space<semaphore_mem>>
        %dma_start3A_354 = arith.constant 0 : i32
        %dma_start3A_355 = tpu.memref_slice %arg9[%run_scoped3A_88, %dma_start3A_354] : memref<8x128xi32, #tpu.memory_space<vmem>> -> memref<1x128xi32, #tpu.memory_space<vmem>>
        %dma_start3A_356 = tpu.memref_squeeze %dma_start3A_355 : memref<1x128xi32, #tpu.memory_space<vmem>> -> memref<128xi32, #tpu.memory_space<vmem>>
        %dma_start3A_357 = arith.constant 0 : i32
        %dma_start3A_358 = arith.constant 0 : i32
        %dma_start3A_359 = tpu.memref_slice %arg13[%dma_start3A_357, %dma_start3A_358] : memref<10128x128xf32, #tpu.memory_space<vmem_shared>> -> memref<10128x128xf32, #tpu.memory_space<vmem_shared>>
        tpu.enqueue_indirect_dma source(%arg12 : memref<128x128xf32, #tpu.memory_space<vmem>>) target(%dma_start3A_359 : memref<10128x128xf32, #tpu.memory_space<vmem_shared>>) offsets(%dma_start3A_356 : memref<128xi32, #tpu.memory_space<vmem>>) semaphore(%run_scoped3A_353 : memref<!tpu.dma_semaphore, #tpu.memory_space<semaphore_mem>>) {add = true}
        %dma_wait3A_360 = arith.constant 0 : i32
        %dma_wait3A_361 = tpu.memref_slice %arg9[%run_scoped3A_88, %dma_wait3A_360] : memref<8x128xi32, #tpu.memory_space<vmem>> -> memref<1x128xi32, #tpu.memory_space<vmem>>
        %dma_wait3A_362 = tpu.memref_squeeze %dma_wait3A_361 : memref<1x128xi32, #tpu.memory_space<vmem>> -> memref<128xi32, #tpu.memory_space<vmem>>
        %dma_wait3A_363 = arith.constant 0 : i32
        %dma_wait3A_364 = arith.constant 0 : i32
        %dma_wait3A_365 = tpu.memref_slice %arg13[%dma_wait3A_363, %dma_wait3A_364] : memref<10128x128xf32, #tpu.memory_space<vmem_shared>> -> memref<10128x128xf32, #tpu.memory_space<vmem_shared>>
        tpu.wait_indirect_dma semaphore(%run_scoped3A_353 : memref<!tpu.dma_semaphore, #tpu.memory_space<semaphore_mem>>) src(%arg12 : memref<128x128xf32, #tpu.memory_space<vmem>>) dst(%dma_wait3A_365 : memref<10128x128xf32, #tpu.memory_space<vmem_shared>>)
        tpu.yield
      }) : () -> ()
      %dma_start3A_89 = arith.constant 3 : i32
      %dma_start3A_90 = arith.constant 0 : i32
      %dma_start3A_91 = tpu.memref_slice %arg7[%dma_start3A_89, %dma_start3A_90] : memref<8x128xi32, #tpu.memory_space<vmem>> -> memref<1x128xi32, #tpu.memory_space<vmem>>
      %dma_start3A_92 = tpu.memref_squeeze %dma_start3A_91 : memref<1x128xi32, #tpu.memory_space<vmem>> -> memref<128xi32, #tpu.memory_space<vmem>>
      %dma_start3A_93 = arith.constant 0 : i32
      %dma_start3A_94 = arith.constant 0 : i32
      %dma_start3A_95 = tpu.memref_slice %arg2[%dma_start3A_93, %dma_start3A_94] : memref<10000x128xf32, #tpu.memory_space<hbm>> -> memref<10000x128xf32, #tpu.memory_space<hbm>>
      tpu.enqueue_indirect_dma source(%dma_start3A_95 : memref<10000x128xf32, #tpu.memory_space<hbm>>) target(%arg12 : memref<128x128xf32, #tpu.memory_space<vmem>>) offsets(%dma_start3A_92 : memref<128xi32, #tpu.memory_space<vmem>>) semaphore(%arg15 : memref<!tpu.dma_semaphore, #tpu.memory_space<semaphore_mem>>)
      %dma_wait3A_96 = arith.constant 2 : i32
      %dma_wait3A_97 = arith.constant 0 : i32
      %dma_wait3A_98 = tpu.memref_slice %arg7[%dma_wait3A_96, %dma_wait3A_97] : memref<8x128xi32, #tpu.memory_space<vmem>> -> memref<1x128xi32, #tpu.memory_space<vmem>>
      %dma_wait3A_99 = tpu.memref_squeeze %dma_wait3A_98 : memref<1x128xi32, #tpu.memory_space<vmem>> -> memref<128xi32, #tpu.memory_space<vmem>>
      %dma_wait3A_100 = arith.constant 0 : i32
      %dma_wait3A_101 = arith.constant 0 : i32
      %dma_wait3A_102 = tpu.memref_slice %arg2[%dma_wait3A_100, %dma_wait3A_101] : memref<10000x128xf32, #tpu.memory_space<hbm>> -> memref<10000x128xf32, #tpu.memory_space<hbm>>
      tpu.wait_indirect_dma semaphore(%arg14 : memref<!tpu.dma_semaphore, #tpu.memory_space<semaphore_mem>>) src(%dma_wait3A_102 : memref<10000x128xf32, #tpu.memory_space<hbm>>) dst(%arg11 : memref<128x128xf32, #tpu.memory_space<vmem>>)
      %run_scoped3A_103 = arith.constant 2 : i32
      "tpu.region"() ({
        %run_scoped3A_353 = tpu.sem_alloc : memref<!tpu.dma_semaphore, #tpu.memory_space<semaphore_mem>>
        %dma_start3A_354 = arith.constant 0 : i32
        %dma_start3A_355 = tpu.memref_slice %arg9[%run_scoped3A_103, %dma_start3A_354] : memref<8x128xi32, #tpu.memory_space<vmem>> -> memref<1x128xi32, #tpu.memory_space<vmem>>
        %dma_start3A_356 = tpu.memref_squeeze %dma_start3A_355 : memref<1x128xi32, #tpu.memory_space<vmem>> -> memref<128xi32, #tpu.memory_space<vmem>>
        %dma_start3A_357 = arith.constant 0 : i32
        %dma_start3A_358 = arith.constant 0 : i32
        %dma_start3A_359 = tpu.memref_slice %arg13[%dma_start3A_357, %dma_start3A_358] : memref<10128x128xf32, #tpu.memory_space<vmem_shared>> -> memref<10128x128xf32, #tpu.memory_space<vmem_shared>>
        tpu.enqueue_indirect_dma source(%arg11 : memref<128x128xf32, #tpu.memory_space<vmem>>) target(%dma_start3A_359 : memref<10128x128xf32, #tpu.memory_space<vmem_shared>>) offsets(%dma_start3A_356 : memref<128xi32, #tpu.memory_space<vmem>>) semaphore(%run_scoped3A_353 : memref<!tpu.dma_semaphore, #tpu.memory_space<semaphore_mem>>) {add = true}
        %dma_wait3A_360 = arith.constant 0 : i32
        %dma_wait3A_361 = tpu.memref_slice %arg9[%run_scoped3A_103, %dma_wait3A_360] : memref<8x128xi32, #tpu.memory_space<vmem>> -> memref<1x128xi32, #tpu.memory_space<vmem>>
        %dma_wait3A_362 = tpu.memref_squeeze %dma_wait3A_361 : memref<1x128xi32, #tpu.memory_space<vmem>> -> memref<128xi32, #tpu.memory_space<vmem>>
        %dma_wait3A_363 = arith.constant 0 : i32
        %dma_wait3A_364 = arith.constant 0 : i32
        %dma_wait3A_365 = tpu.memref_slice %arg13[%dma_wait3A_363, %dma_wait3A_364] : memref<10128x128xf32, #tpu.memory_space<vmem_shared>> -> memref<10128x128xf32, #tpu.memory_space<vmem_shared>>
        tpu.wait_indirect_dma semaphore(%run_scoped3A_353 : memref<!tpu.dma_semaphore, #tpu.memory_space<semaphore_mem>>) src(%arg11 : memref<128x128xf32, #tpu.memory_space<vmem>>) dst(%dma_wait3A_365 : memref<10128x128xf32, #tpu.memory_space<vmem_shared>>)
        tpu.yield
      }) : () -> ()
      %dma_start3A_104 = arith.constant 4 : i32
      %dma_start3A_105 = arith.constant 0 : i32
      %dma_start3A_106 = tpu.memref_slice %arg7[%dma_start3A_104, %dma_start3A_105] : memref<8x128xi32, #tpu.memory_space<vmem>> -> memref<1x128xi32, #tpu.memory_space<vmem>>
      %dma_start3A_107 = tpu.memref_squeeze %dma_start3A_106 : memref<1x128xi32, #tpu.memory_space<vmem>> -> memref<128xi32, #tpu.memory_space<vmem>>
      %dma_start3A_108 = arith.constant 0 : i32
      %dma_start3A_109 = arith.constant 0 : i32
      %dma_start3A_110 = tpu.memref_slice %arg2[%dma_start3A_108, %dma_start3A_109] : memref<10000x128xf32, #tpu.memory_space<hbm>> -> memref<10000x128xf32, #tpu.memory_space<hbm>>
      tpu.enqueue_indirect_dma source(%dma_start3A_110 : memref<10000x128xf32, #tpu.memory_space<hbm>>) target(%arg11 : memref<128x128xf32, #tpu.memory_space<vmem>>) offsets(%dma_start3A_107 : memref<128xi32, #tpu.memory_space<vmem>>) semaphore(%arg14 : memref<!tpu.dma_semaphore, #tpu.memory_space<semaphore_mem>>)
      %dma_wait3A_111 = arith.constant 3 : i32
      %dma_wait3A_112 = arith.constant 0 : i32
      %dma_wait3A_113 = tpu.memref_slice %arg7[%dma_wait3A_111, %dma_wait3A_112] : memref<8x128xi32, #tpu.memory_space<vmem>> -> memref<1x128xi32, #tpu.memory_space<vmem>>
      %dma_wait3A_114 = tpu.memref_squeeze %dma_wait3A_113 : memref<1x128xi32, #tpu.memory_space<vmem>> -> memref<128xi32, #tpu.memory_space<vmem>>
      %dma_wait3A_115 = arith.constant 0 : i32
      %dma_wait3A_116 = arith.constant 0 : i32
      %dma_wait3A_117 = tpu.memref_slice %arg2[%dma_wait3A_115, %dma_wait3A_116] : memref<10000x128xf32, #tpu.memory_space<hbm>> -> memref<10000x128xf32, #tpu.memory_space<hbm>>
      tpu.wait_indirect_dma semaphore(%arg15 : memref<!tpu.dma_semaphore, #tpu.memory_space<semaphore_mem>>) src(%dma_wait3A_117 : memref<10000x128xf32, #tpu.memory_space<hbm>>) dst(%arg12 : memref<128x128xf32, #tpu.memory_space<vmem>>)
      %run_scoped3A_118 = arith.constant 3 : i32
      "tpu.region"() ({
        %run_scoped3A_353 = tpu.sem_alloc : memref<!tpu.dma_semaphore, #tpu.memory_space<semaphore_mem>>
        %dma_start3A_354 = arith.constant 0 : i32
        %dma_start3A_355 = tpu.memref_slice %arg9[%run_scoped3A_118, %dma_start3A_354] : memref<8x128xi32, #tpu.memory_space<vmem>> -> memref<1x128xi32, #tpu.memory_space<vmem>>
        %dma_start3A_356 = tpu.memref_squeeze %dma_start3A_355 : memref<1x128xi32, #tpu.memory_space<vmem>> -> memref<128xi32, #tpu.memory_space<vmem>>
        %dma_start3A_357 = arith.constant 0 : i32
        %dma_start3A_358 = arith.constant 0 : i32
        %dma_start3A_359 = tpu.memref_slice %arg13[%dma_start3A_357, %dma_start3A_358] : memref<10128x128xf32, #tpu.memory_space<vmem_shared>> -> memref<10128x128xf32, #tpu.memory_space<vmem_shared>>
        tpu.enqueue_indirect_dma source(%arg12 : memref<128x128xf32, #tpu.memory_space<vmem>>) target(%dma_start3A_359 : memref<10128x128xf32, #tpu.memory_space<vmem_shared>>) offsets(%dma_start3A_356 : memref<128xi32, #tpu.memory_space<vmem>>) semaphore(%run_scoped3A_353 : memref<!tpu.dma_semaphore, #tpu.memory_space<semaphore_mem>>) {add = true}
        %dma_wait3A_360 = arith.constant 0 : i32
        %dma_wait3A_361 = tpu.memref_slice %arg9[%run_scoped3A_118, %dma_wait3A_360] : memref<8x128xi32, #tpu.memory_space<vmem>> -> memref<1x128xi32, #tpu.memory_space<vmem>>
        %dma_wait3A_362 = tpu.memref_squeeze %dma_wait3A_361 : memref<1x128xi32, #tpu.memory_space<vmem>> -> memref<128xi32, #tpu.memory_space<vmem>>
        %dma_wait3A_363 = arith.constant 0 : i32
        %dma_wait3A_364 = arith.constant 0 : i32
        %dma_wait3A_365 = tpu.memref_slice %arg13[%dma_wait3A_363, %dma_wait3A_364] : memref<10128x128xf32, #tpu.memory_space<vmem_shared>> -> memref<10128x128xf32, #tpu.memory_space<vmem_shared>>
        tpu.wait_indirect_dma semaphore(%run_scoped3A_353 : memref<!tpu.dma_semaphore, #tpu.memory_space<semaphore_mem>>) src(%arg12 : memref<128x128xf32, #tpu.memory_space<vmem>>) dst(%dma_wait3A_365 : memref<10128x128xf32, #tpu.memory_space<vmem_shared>>)
        tpu.yield
      }) : () -> ()
      %dma_start3A_119 = arith.constant 5 : i32
      %dma_start3A_120 = arith.constant 0 : i32
      %dma_start3A_121 = tpu.memref_slice %arg7[%dma_start3A_119, %dma_start3A_120] : memref<8x128xi32, #tpu.memory_space<vmem>> -> memref<1x128xi32, #tpu.memory_space<vmem>>
      %dma_start3A_122 = tpu.memref_squeeze %dma_start3A_121 : memref<1x128xi32, #tpu.memory_space<vmem>> -> memref<128xi32, #tpu.memory_space<vmem>>
      %dma_start3A_123 = arith.constant 0 : i32
      %dma_start3A_124 = arith.constant 0 : i32
      %dma_start3A_125 = tpu.memref_slice %arg2[%dma_start3A_123, %dma_start3A_124] : memref<10000x128xf32, #tpu.memory_space<hbm>> -> memref<10000x128xf32, #tpu.memory_space<hbm>>
      tpu.enqueue_indirect_dma source(%dma_start3A_125 : memref<10000x128xf32, #tpu.memory_space<hbm>>) target(%arg12 : memref<128x128xf32, #tpu.memory_space<vmem>>) offsets(%dma_start3A_122 : memref<128xi32, #tpu.memory_space<vmem>>) semaphore(%arg15 : memref<!tpu.dma_semaphore, #tpu.memory_space<semaphore_mem>>)
      %dma_wait3A_126 = arith.constant 4 : i32
      %dma_wait3A_127 = arith.constant 0 : i32
      %dma_wait3A_128 = tpu.memref_slice %arg7[%dma_wait3A_126, %dma_wait3A_127] : memref<8x128xi32, #tpu.memory_space<vmem>> -> memref<1x128xi32, #tpu.memory_space<vmem>>
      %dma_wait3A_129 = tpu.memref_squeeze %dma_wait3A_128 : memref<1x128xi32, #tpu.memory_space<vmem>> -> memref<128xi32, #tpu.memory_space<vmem>>
      %dma_wait3A_130 = arith.constant 0 : i32
      %dma_wait3A_131 = arith.constant 0 : i32
      %dma_wait3A_132 = tpu.memref_slice %arg2[%dma_wait3A_130, %dma_wait3A_131] : memref<10000x128xf32, #tpu.memory_space<hbm>> -> memref<10000x128xf32, #tpu.memory_space<hbm>>
      tpu.wait_indirect_dma semaphore(%arg14 : memref<!tpu.dma_semaphore, #tpu.memory_space<semaphore_mem>>) src(%dma_wait3A_132 : memref<10000x128xf32, #tpu.memory_space<hbm>>) dst(%arg11 : memref<128x128xf32, #tpu.memory_space<vmem>>)
      %run_scoped3A_133 = arith.constant 4 : i32
      "tpu.region"() ({
        %run_scoped3A_353 = tpu.sem_alloc : memref<!tpu.dma_semaphore, #tpu.memory_space<semaphore_mem>>
        %dma_start3A_354 = arith.constant 0 : i32
        %dma_start3A_355 = tpu.memref_slice %arg9[%run_scoped3A_133, %dma_start3A_354] : memref<8x128xi32, #tpu.memory_space<vmem>> -> memref<1x128xi32, #tpu.memory_space<vmem>>
        %dma_start3A_356 = tpu.memref_squeeze %dma_start3A_355 : memref<1x128xi32, #tpu.memory_space<vmem>> -> memref<128xi32, #tpu.memory_space<vmem>>
        %dma_start3A_357 = arith.constant 0 : i32
        %dma_start3A_358 = arith.constant 0 : i32
        %dma_start3A_359 = tpu.memref_slice %arg13[%dma_start3A_357, %dma_start3A_358] : memref<10128x128xf32, #tpu.memory_space<vmem_shared>> -> memref<10128x128xf32, #tpu.memory_space<vmem_shared>>
        tpu.enqueue_indirect_dma source(%arg11 : memref<128x128xf32, #tpu.memory_space<vmem>>) target(%dma_start3A_359 : memref<10128x128xf32, #tpu.memory_space<vmem_shared>>) offsets(%dma_start3A_356 : memref<128xi32, #tpu.memory_space<vmem>>) semaphore(%run_scoped3A_353 : memref<!tpu.dma_semaphore, #tpu.memory_space<semaphore_mem>>) {add = true}
        %dma_wait3A_360 = arith.constant 0 : i32
        %dma_wait3A_361 = tpu.memref_slice %arg9[%run_scoped3A_133, %dma_wait3A_360] : memref<8x128xi32, #tpu.memory_space<vmem>> -> memref<1x128xi32, #tpu.memory_space<vmem>>
        %dma_wait3A_362 = tpu.memref_squeeze %dma_wait3A_361 : memref<1x128xi32, #tpu.memory_space<vmem>> -> memref<128xi32, #tpu.memory_space<vmem>>
        %dma_wait3A_363 = arith.constant 0 : i32
        %dma_wait3A_364 = arith.constant 0 : i32
        %dma_wait3A_365 = tpu.memref_slice %arg13[%dma_wait3A_363, %dma_wait3A_364] : memref<10128x128xf32, #tpu.memory_space<vmem_shared>> -> memref<10128x128xf32, #tpu.memory_space<vmem_shared>>
        tpu.wait_indirect_dma semaphore(%run_scoped3A_353 : memref<!tpu.dma_semaphore, #tpu.memory_space<semaphore_mem>>) src(%arg11 : memref<128x128xf32, #tpu.memory_space<vmem>>) dst(%dma_wait3A_365 : memref<10128x128xf32, #tpu.memory_space<vmem_shared>>)
        tpu.yield
      }) : () -> ()
      %dma_start3A_134 = arith.constant 6 : i32
      %dma_start3A_135 = arith.constant 0 : i32
      %dma_start3A_136 = tpu.memref_slice %arg7[%dma_start3A_134, %dma_start3A_135] : memref<8x128xi32, #tpu.memory_space<vmem>> -> memref<1x128xi32, #tpu.memory_space<vmem>>
      %dma_start3A_137 = tpu.memref_squeeze %dma_start3A_136 : memref<1x128xi32, #tpu.memory_space<vmem>> -> memref<128xi32, #tpu.memory_space<vmem>>
      %dma_start3A_138 = arith.constant 0 : i32
      %dma_start3A_139 = arith.constant 0 : i32
      %dma_start3A_140 = tpu.memref_slice %arg2[%dma_start3A_138, %dma_start3A_139] : memref<10000x128xf32, #tpu.memory_space<hbm>> -> memref<10000x128xf32, #tpu.memory_space<hbm>>
      tpu.enqueue_indirect_dma source(%dma_start3A_140 : memref<10000x128xf32, #tpu.memory_space<hbm>>) target(%arg11 : memref<128x128xf32, #tpu.memory_space<vmem>>) offsets(%dma_start3A_137 : memref<128xi32, #tpu.memory_space<vmem>>) semaphore(%arg14 : memref<!tpu.dma_semaphore, #tpu.memory_space<semaphore_mem>>)
      %dma_wait3A_141 = arith.constant 5 : i32
      %dma_wait3A_142 = arith.constant 0 : i32
      %dma_wait3A_143 = tpu.memref_slice %arg7[%dma_wait3A_141, %dma_wait3A_142] : memref<8x128xi32, #tpu.memory_space<vmem>> -> memref<1x128xi32, #tpu.memory_space<vmem>>
      %dma_wait3A_144 = tpu.memref_squeeze %dma_wait3A_143 : memref<1x128xi32, #tpu.memory_space<vmem>> -> memref<128xi32, #tpu.memory_space<vmem>>
      %dma_wait3A_145 = arith.constant 0 : i32
      %dma_wait3A_146 = arith.constant 0 : i32
      %dma_wait3A_147 = tpu.memref_slice %arg2[%dma_wait3A_145, %dma_wait3A_146] : memref<10000x128xf32, #tpu.memory_space<hbm>> -> memref<10000x128xf32, #tpu.memory_space<hbm>>
      tpu.wait_indirect_dma semaphore(%arg15 : memref<!tpu.dma_semaphore, #tpu.memory_space<semaphore_mem>>) src(%dma_wait3A_147 : memref<10000x128xf32, #tpu.memory_space<hbm>>) dst(%arg12 : memref<128x128xf32, #tpu.memory_space<vmem>>)
      %run_scoped3A_148 = arith.constant 5 : i32
      "tpu.region"() ({
        %run_scoped3A_353 = tpu.sem_alloc : memref<!tpu.dma_semaphore, #tpu.memory_space<semaphore_mem>>
        %dma_start3A_354 = arith.constant 0 : i32
        %dma_start3A_355 = tpu.memref_slice %arg9[%run_scoped3A_148, %dma_start3A_354] : memref<8x128xi32, #tpu.memory_space<vmem>> -> memref<1x128xi32, #tpu.memory_space<vmem>>
        %dma_start3A_356 = tpu.memref_squeeze %dma_start3A_355 : memref<1x128xi32, #tpu.memory_space<vmem>> -> memref<128xi32, #tpu.memory_space<vmem>>
        %dma_start3A_357 = arith.constant 0 : i32
        %dma_start3A_358 = arith.constant 0 : i32
        %dma_start3A_359 = tpu.memref_slice %arg13[%dma_start3A_357, %dma_start3A_358] : memref<10128x128xf32, #tpu.memory_space<vmem_shared>> -> memref<10128x128xf32, #tpu.memory_space<vmem_shared>>
        tpu.enqueue_indirect_dma source(%arg12 : memref<128x128xf32, #tpu.memory_space<vmem>>) target(%dma_start3A_359 : memref<10128x128xf32, #tpu.memory_space<vmem_shared>>) offsets(%dma_start3A_356 : memref<128xi32, #tpu.memory_space<vmem>>) semaphore(%run_scoped3A_353 : memref<!tpu.dma_semaphore, #tpu.memory_space<semaphore_mem>>) {add = true}
        %dma_wait3A_360 = arith.constant 0 : i32
        %dma_wait3A_361 = tpu.memref_slice %arg9[%run_scoped3A_148, %dma_wait3A_360] : memref<8x128xi32, #tpu.memory_space<vmem>> -> memref<1x128xi32, #tpu.memory_space<vmem>>
        %dma_wait3A_362 = tpu.memref_squeeze %dma_wait3A_361 : memref<1x128xi32, #tpu.memory_space<vmem>> -> memref<128xi32, #tpu.memory_space<vmem>>
        %dma_wait3A_363 = arith.constant 0 : i32
        %dma_wait3A_364 = arith.constant 0 : i32
        %dma_wait3A_365 = tpu.memref_slice %arg13[%dma_wait3A_363, %dma_wait3A_364] : memref<10128x128xf32, #tpu.memory_space<vmem_shared>> -> memref<10128x128xf32, #tpu.memory_space<vmem_shared>>
        tpu.wait_indirect_dma semaphore(%run_scoped3A_353 : memref<!tpu.dma_semaphore, #tpu.memory_space<semaphore_mem>>) src(%arg12 : memref<128x128xf32, #tpu.memory_space<vmem>>) dst(%dma_wait3A_365 : memref<10128x128xf32, #tpu.memory_space<vmem_shared>>)
        tpu.yield
      }) : () -> ()
      %dma_start3A_149 = arith.constant 7 : i32
      %dma_start3A_150 = arith.constant 0 : i32
      %dma_start3A_151 = tpu.memref_slice %arg7[%dma_start3A_149, %dma_start3A_150] : memref<8x128xi32, #tpu.memory_space<vmem>> -> memref<1x128xi32, #tpu.memory_space<vmem>>
      %dma_start3A_152 = tpu.memref_squeeze %dma_start3A_151 : memref<1x128xi32, #tpu.memory_space<vmem>> -> memref<128xi32, #tpu.memory_space<vmem>>
      %dma_start3A_153 = arith.constant 0 : i32
      %dma_start3A_154 = arith.constant 0 : i32
      %dma_start3A_155 = tpu.memref_slice %arg2[%dma_start3A_153, %dma_start3A_154] : memref<10000x128xf32, #tpu.memory_space<hbm>> -> memref<10000x128xf32, #tpu.memory_space<hbm>>
      tpu.enqueue_indirect_dma source(%dma_start3A_155 : memref<10000x128xf32, #tpu.memory_space<hbm>>) target(%arg12 : memref<128x128xf32, #tpu.memory_space<vmem>>) offsets(%dma_start3A_152 : memref<128xi32, #tpu.memory_space<vmem>>) semaphore(%arg15 : memref<!tpu.dma_semaphore, #tpu.memory_space<semaphore_mem>>)
      %dma_wait3A_156 = arith.constant 6 : i32
      %dma_wait3A_157 = arith.constant 0 : i32
      %dma_wait3A_158 = tpu.memref_slice %arg7[%dma_wait3A_156, %dma_wait3A_157] : memref<8x128xi32, #tpu.memory_space<vmem>> -> memref<1x128xi32, #tpu.memory_space<vmem>>
      %dma_wait3A_159 = tpu.memref_squeeze %dma_wait3A_158 : memref<1x128xi32, #tpu.memory_space<vmem>> -> memref<128xi32, #tpu.memory_space<vmem>>
      %dma_wait3A_160 = arith.constant 0 : i32
      %dma_wait3A_161 = arith.constant 0 : i32
      %dma_wait3A_162 = tpu.memref_slice %arg2[%dma_wait3A_160, %dma_wait3A_161] : memref<10000x128xf32, #tpu.memory_space<hbm>> -> memref<10000x128xf32, #tpu.memory_space<hbm>>
      tpu.wait_indirect_dma semaphore(%arg14 : memref<!tpu.dma_semaphore, #tpu.memory_space<semaphore_mem>>) src(%dma_wait3A_162 : memref<10000x128xf32, #tpu.memory_space<hbm>>) dst(%arg11 : memref<128x128xf32, #tpu.memory_space<vmem>>)
      %run_scoped3A_163 = arith.constant 6 : i32
      "tpu.region"() ({
        %run_scoped3A_353 = tpu.sem_alloc : memref<!tpu.dma_semaphore, #tpu.memory_space<semaphore_mem>>
        %dma_start3A_354 = arith.constant 0 : i32
        %dma_start3A_355 = tpu.memref_slice %arg9[%run_scoped3A_163, %dma_start3A_354] : memref<8x128xi32, #tpu.memory_space<vmem>> -> memref<1x128xi32, #tpu.memory_space<vmem>>
        %dma_start3A_356 = tpu.memref_squeeze %dma_start3A_355 : memref<1x128xi32, #tpu.memory_space<vmem>> -> memref<128xi32, #tpu.memory_space<vmem>>
        %dma_start3A_357 = arith.constant 0 : i32
        %dma_start3A_358 = arith.constant 0 : i32
        %dma_start3A_359 = tpu.memref_slice %arg13[%dma_start3A_357, %dma_start3A_358] : memref<10128x128xf32, #tpu.memory_space<vmem_shared>> -> memref<10128x128xf32, #tpu.memory_space<vmem_shared>>
        tpu.enqueue_indirect_dma source(%arg11 : memref<128x128xf32, #tpu.memory_space<vmem>>) target(%dma_start3A_359 : memref<10128x128xf32, #tpu.memory_space<vmem_shared>>) offsets(%dma_start3A_356 : memref<128xi32, #tpu.memory_space<vmem>>) semaphore(%run_scoped3A_353 : memref<!tpu.dma_semaphore, #tpu.memory_space<semaphore_mem>>) {add = true}
        %dma_wait3A_360 = arith.constant 0 : i32
        %dma_wait3A_361 = tpu.memref_slice %arg9[%run_scoped3A_163, %dma_wait3A_360] : memref<8x128xi32, #tpu.memory_space<vmem>> -> memref<1x128xi32, #tpu.memory_space<vmem>>
        %dma_wait3A_362 = tpu.memref_squeeze %dma_wait3A_361 : memref<1x128xi32, #tpu.memory_space<vmem>> -> memref<128xi32, #tpu.memory_space<vmem>>
        %dma_wait3A_363 = arith.constant 0 : i32
        %dma_wait3A_364 = arith.constant 0 : i32
        %dma_wait3A_365 = tpu.memref_slice %arg13[%dma_wait3A_363, %dma_wait3A_364] : memref<10128x128xf32, #tpu.memory_space<vmem_shared>> -> memref<10128x128xf32, #tpu.memory_space<vmem_shared>>
        tpu.wait_indirect_dma semaphore(%run_scoped3A_353 : memref<!tpu.dma_semaphore, #tpu.memory_space<semaphore_mem>>) src(%arg11 : memref<128x128xf32, #tpu.memory_space<vmem>>) dst(%dma_wait3A_365 : memref<10128x128xf32, #tpu.memory_space<vmem_shared>>)
        tpu.yield
      }) : () -> ()
      %dma_wait3A_164 = arith.constant 0 : i32
      %dma_wait3A_165 = arith.constant 0 : i32
      %dma_wait3A_166 = tpu.memref_slice %arg3[%add3A_43, %dma_wait3A_164, %dma_wait3A_165] : memref<320x8x128xi32, #tpu.memory_space<hbm>> -> memref<1x8x128xi32, #tpu.memory_space<hbm>>
      %dma_wait3A_167 = tpu.memref_squeeze %dma_wait3A_166 : memref<1x8x128xi32, #tpu.memory_space<hbm>> -> memref<8x128xi32, #tpu.memory_space<hbm>>
      %dma_wait3A_168 = arith.constant 0 : i32
      %dma_wait3A_169 = arith.constant 0 : i32
      %dma_wait3A_170 = tpu.memref_slice %arg3[%add3A_43, %dma_wait3A_168, %dma_wait3A_169] : memref<320x8x128xi32, #tpu.memory_space<hbm>> -> memref<1x8x128xi32, #tpu.memory_space<hbm>>
      %dma_wait3A_171 = tpu.memref_squeeze %dma_wait3A_170 : memref<1x8x128xi32, #tpu.memory_space<hbm>> -> memref<8x128xi32, #tpu.memory_space<hbm>>
      tpu.wait_dma2 semaphore(%arg16 : memref<!tpu.dma_semaphore, #tpu.memory_space<semaphore_mem>>) src(%dma_wait3A_171 : memref<8x128xi32, #tpu.memory_space<hbm>>) dst(%arg8 : memref<8x128xi32, #tpu.memory_space<vmem>>)
      %dma_wait3A_172 = arith.constant 0 : i32
      %dma_wait3A_173 = arith.constant 0 : i32
      %dma_wait3A_174 = tpu.memref_slice %arg4[%add3A_43, %dma_wait3A_172, %dma_wait3A_173] : memref<320x8x128xi32, #tpu.memory_space<hbm>> -> memref<1x8x128xi32, #tpu.memory_space<hbm>>
      %dma_wait3A_175 = tpu.memref_squeeze %dma_wait3A_174 : memref<1x8x128xi32, #tpu.memory_space<hbm>> -> memref<8x128xi32, #tpu.memory_space<hbm>>
      %dma_wait3A_176 = arith.constant 0 : i32
      %dma_wait3A_177 = arith.constant 0 : i32
      %dma_wait3A_178 = tpu.memref_slice %arg4[%add3A_43, %dma_wait3A_176, %dma_wait3A_177] : memref<320x8x128xi32, #tpu.memory_space<hbm>> -> memref<1x8x128xi32, #tpu.memory_space<hbm>>
      %dma_wait3A_179 = tpu.memref_squeeze %dma_wait3A_178 : memref<1x8x128xi32, #tpu.memory_space<hbm>> -> memref<8x128xi32, #tpu.memory_space<hbm>>
      tpu.wait_dma2 semaphore(%arg16 : memref<!tpu.dma_semaphore, #tpu.memory_space<semaphore_mem>>) src(%dma_wait3A_179 : memref<8x128xi32, #tpu.memory_space<hbm>>) dst(%arg10 : memref<8x128xi32, #tpu.memory_space<vmem>>)
      %dma_start3A_180 = arith.constant 0 : i32
      %dma_start3A_181 = arith.constant 0 : i32
      %dma_start3A_182 = tpu.memref_slice %arg8[%dma_start3A_180, %dma_start3A_181] : memref<8x128xi32, #tpu.memory_space<vmem>> -> memref<1x128xi32, #tpu.memory_space<vmem>>
      %dma_start3A_183 = tpu.memref_squeeze %dma_start3A_182 : memref<1x128xi32, #tpu.memory_space<vmem>> -> memref<128xi32, #tpu.memory_space<vmem>>
      %dma_start3A_184 = arith.constant 0 : i32
      %dma_start3A_185 = arith.constant 0 : i32
      %dma_start3A_186 = tpu.memref_slice %arg2[%dma_start3A_184, %dma_start3A_185] : memref<10000x128xf32, #tpu.memory_space<hbm>> -> memref<10000x128xf32, #tpu.memory_space<hbm>>
      tpu.enqueue_indirect_dma source(%dma_start3A_186 : memref<10000x128xf32, #tpu.memory_space<hbm>>) target(%arg11 : memref<128x128xf32, #tpu.memory_space<vmem>>) offsets(%dma_start3A_183 : memref<128xi32, #tpu.memory_space<vmem>>) semaphore(%arg14 : memref<!tpu.dma_semaphore, #tpu.memory_space<semaphore_mem>>)
      %dma_wait3A_187 = arith.constant 7 : i32
      %dma_wait3A_188 = arith.constant 0 : i32
      %dma_wait3A_189 = tpu.memref_slice %arg7[%dma_wait3A_187, %dma_wait3A_188] : memref<8x128xi32, #tpu.memory_space<vmem>> -> memref<1x128xi32, #tpu.memory_space<vmem>>
      %dma_wait3A_190 = tpu.memref_squeeze %dma_wait3A_189 : memref<1x128xi32, #tpu.memory_space<vmem>> -> memref<128xi32, #tpu.memory_space<vmem>>
      %dma_wait3A_191 = arith.constant 0 : i32
      %dma_wait3A_192 = arith.constant 0 : i32
      %dma_wait3A_193 = tpu.memref_slice %arg2[%dma_wait3A_191, %dma_wait3A_192] : memref<10000x128xf32, #tpu.memory_space<hbm>> -> memref<10000x128xf32, #tpu.memory_space<hbm>>
      tpu.wait_indirect_dma semaphore(%arg15 : memref<!tpu.dma_semaphore, #tpu.memory_space<semaphore_mem>>) src(%dma_wait3A_193 : memref<10000x128xf32, #tpu.memory_space<hbm>>) dst(%arg12 : memref<128x128xf32, #tpu.memory_space<vmem>>)
      %run_scoped3A_194 = arith.constant 7 : i32
      "tpu.region"() ({
        %run_scoped3A_353 = tpu.sem_alloc : memref<!tpu.dma_semaphore, #tpu.memory_space<semaphore_mem>>
        %dma_start3A_354 = arith.constant 0 : i32
        %dma_start3A_355 = tpu.memref_slice %arg9[%run_scoped3A_194, %dma_start3A_354] : memref<8x128xi32, #tpu.memory_space<vmem>> -> memref<1x128xi32, #tpu.memory_space<vmem>>
        %dma_start3A_356 = tpu.memref_squeeze %dma_start3A_355 : memref<1x128xi32, #tpu.memory_space<vmem>> -> memref<128xi32, #tpu.memory_space<vmem>>
        %dma_start3A_357 = arith.constant 0 : i32
        %dma_start3A_358 = arith.constant 0 : i32
        %dma_start3A_359 = tpu.memref_slice %arg13[%dma_start3A_357, %dma_start3A_358] : memref<10128x128xf32, #tpu.memory_space<vmem_shared>> -> memref<10128x128xf32, #tpu.memory_space<vmem_shared>>
        tpu.enqueue_indirect_dma source(%arg12 : memref<128x128xf32, #tpu.memory_space<vmem>>) target(%dma_start3A_359 : memref<10128x128xf32, #tpu.memory_space<vmem_shared>>) offsets(%dma_start3A_356 : memref<128xi32, #tpu.memory_space<vmem>>) semaphore(%run_scoped3A_353 : memref<!tpu.dma_semaphore, #tpu.memory_space<semaphore_mem>>) {add = true}
        %dma_wait3A_360 = arith.constant 0 : i32
        %dma_wait3A_361 = tpu.memref_slice %arg9[%run_scoped3A_194, %dma_wait3A_360] : memref<8x128xi32, #tpu.memory_space<vmem>> -> memref<1x128xi32, #tpu.memory_space<vmem>>
        %dma_wait3A_362 = tpu.memref_squeeze %dma_wait3A_361 : memref<1x128xi32, #tpu.memory_space<vmem>> -> memref<128xi32, #tpu.memory_space<vmem>>
        %dma_wait3A_363 = arith.constant 0 : i32
        %dma_wait3A_364 = arith.constant 0 : i32
        %dma_wait3A_365 = tpu.memref_slice %arg13[%dma_wait3A_363, %dma_wait3A_364] : memref<10128x128xf32, #tpu.memory_space<vmem_shared>> -> memref<10128x128xf32, #tpu.memory_space<vmem_shared>>
        tpu.wait_indirect_dma semaphore(%run_scoped3A_353 : memref<!tpu.dma_semaphore, #tpu.memory_space<semaphore_mem>>) src(%arg12 : memref<128x128xf32, #tpu.memory_space<vmem>>) dst(%dma_wait3A_365 : memref<10128x128xf32, #tpu.memory_space<vmem_shared>>)
        tpu.yield
      }) : () -> ()
      %add3A_195 = arith.constant 2 : i32
      %add3A_196 = arith.addi %mul3A_38, %add3A_195 : i32
      %min3A = arith.constant 9 : i32
      %min3A_197 = arith.minsi %add3A_196, %min3A : i32
      %add3A_198 = arith.addi %mul3A_40, %min3A_197 : i32
      %add3A_199 = arith.constant 1 : i32
      %add3A_200 = arith.addi %mul3A_38, %add3A_199 : i32
      %dma_start3A_201 = arith.constant 0 : i32
      %dma_start3A_202 = arith.constant 0 : i32
      %dma_start3A_203 = tpu.memref_slice %arg3[%add3A_198, %dma_start3A_201, %dma_start3A_202] : memref<320x8x128xi32, #tpu.memory_space<hbm>> -> memref<1x8x128xi32, #tpu.memory_space<hbm>>
      %dma_start3A_204 = tpu.memref_squeeze %dma_start3A_203 : memref<1x8x128xi32, #tpu.memory_space<hbm>> -> memref<8x128xi32, #tpu.memory_space<hbm>>
      %dma_start3A_205 = arith.constant 0 : i32
      %dma_start3A_206 = arith.constant 0 : i32
      %dma_start3A_207 = tpu.memref_slice %arg3[%add3A_198, %dma_start3A_205, %dma_start3A_206] : memref<320x8x128xi32, #tpu.memory_space<hbm>> -> memref<1x8x128xi32, #tpu.memory_space<hbm>>
      %dma_start3A_208 = tpu.memref_squeeze %dma_start3A_207 : memref<1x8x128xi32, #tpu.memory_space<hbm>> -> memref<8x128xi32, #tpu.memory_space<hbm>>
      tpu.enqueue_dma source(%dma_start3A_208 : memref<8x128xi32, #tpu.memory_space<hbm>>) target(%arg7 : memref<8x128xi32, #tpu.memory_space<vmem>>) target_semaphore(%arg16 : memref<!tpu.dma_semaphore, #tpu.memory_space<semaphore_mem>>)
      %dma_start3A_209 = arith.constant 0 : i32
      %dma_start3A_210 = arith.constant 0 : i32
      %dma_start3A_211 = tpu.memref_slice %arg4[%add3A_198, %dma_start3A_209, %dma_start3A_210] : memref<320x8x128xi32, #tpu.memory_space<hbm>> -> memref<1x8x128xi32, #tpu.memory_space<hbm>>
      %dma_start3A_212 = tpu.memref_squeeze %dma_start3A_211 : memref<1x8x128xi32, #tpu.memory_space<hbm>> -> memref<8x128xi32, #tpu.memory_space<hbm>>
      %dma_start3A_213 = arith.constant 0 : i32
      %dma_start3A_214 = arith.constant 0 : i32
      %dma_start3A_215 = tpu.memref_slice %arg4[%add3A_198, %dma_start3A_213, %dma_start3A_214] : memref<320x8x128xi32, #tpu.memory_space<hbm>> -> memref<1x8x128xi32, #tpu.memory_space<hbm>>
      %dma_start3A_216 = tpu.memref_squeeze %dma_start3A_215 : memref<1x8x128xi32, #tpu.memory_space<hbm>> -> memref<8x128xi32, #tpu.memory_space<hbm>>
      tpu.enqueue_dma source(%dma_start3A_216 : memref<8x128xi32, #tpu.memory_space<hbm>>) target(%arg9 : memref<8x128xi32, #tpu.memory_space<vmem>>) target_semaphore(%arg16 : memref<!tpu.dma_semaphore, #tpu.memory_space<semaphore_mem>>)
      %dma_start3A_217 = arith.constant 1 : i32
      %dma_start3A_218 = arith.constant 0 : i32
      %dma_start3A_219 = tpu.memref_slice %arg8[%dma_start3A_217, %dma_start3A_218] : memref<8x128xi32, #tpu.memory_space<vmem>> -> memref<1x128xi32, #tpu.memory_space<vmem>>
      %dma_start3A_220 = tpu.memref_squeeze %dma_start3A_219 : memref<1x128xi32, #tpu.memory_space<vmem>> -> memref<128xi32, #tpu.memory_space<vmem>>
      %dma_start3A_221 = arith.constant 0 : i32
      %dma_start3A_222 = arith.constant 0 : i32
      %dma_start3A_223 = tpu.memref_slice %arg2[%dma_start3A_221, %dma_start3A_222] : memref<10000x128xf32, #tpu.memory_space<hbm>> -> memref<10000x128xf32, #tpu.memory_space<hbm>>
      tpu.enqueue_indirect_dma source(%dma_start3A_223 : memref<10000x128xf32, #tpu.memory_space<hbm>>) target(%arg12 : memref<128x128xf32, #tpu.memory_space<vmem>>) offsets(%dma_start3A_220 : memref<128xi32, #tpu.memory_space<vmem>>) semaphore(%arg15 : memref<!tpu.dma_semaphore, #tpu.memory_space<semaphore_mem>>)
      %dma_wait3A_224 = arith.constant 0 : i32
      %dma_wait3A_225 = arith.constant 0 : i32
      %dma_wait3A_226 = tpu.memref_slice %arg8[%dma_wait3A_224, %dma_wait3A_225] : memref<8x128xi32, #tpu.memory_space<vmem>> -> memref<1x128xi32, #tpu.memory_space<vmem>>
      %dma_wait3A_227 = tpu.memref_squeeze %dma_wait3A_226 : memref<1x128xi32, #tpu.memory_space<vmem>> -> memref<128xi32, #tpu.memory_space<vmem>>
      %dma_wait3A_228 = arith.constant 0 : i32
      %dma_wait3A_229 = arith.constant 0 : i32
      %dma_wait3A_230 = tpu.memref_slice %arg2[%dma_wait3A_228, %dma_wait3A_229] : memref<10000x128xf32, #tpu.memory_space<hbm>> -> memref<10000x128xf32, #tpu.memory_space<hbm>>
      tpu.wait_indirect_dma semaphore(%arg14 : memref<!tpu.dma_semaphore, #tpu.memory_space<semaphore_mem>>) src(%dma_wait3A_230 : memref<10000x128xf32, #tpu.memory_space<hbm>>) dst(%arg11 : memref<128x128xf32, #tpu.memory_space<vmem>>)
      %run_scoped3A_231 = arith.constant 0 : i32
      "tpu.region"() ({
        %run_scoped3A_353 = tpu.sem_alloc : memref<!tpu.dma_semaphore, #tpu.memory_space<semaphore_mem>>
        %dma_start3A_354 = arith.constant 0 : i32
        %dma_start3A_355 = tpu.memref_slice %arg10[%run_scoped3A_231, %dma_start3A_354] : memref<8x128xi32, #tpu.memory_space<vmem>> -> memref<1x128xi32, #tpu.memory_space<vmem>>
        %dma_start3A_356 = tpu.memref_squeeze %dma_start3A_355 : memref<1x128xi32, #tpu.memory_space<vmem>> -> memref<128xi32, #tpu.memory_space<vmem>>
        %dma_start3A_357 = arith.constant 0 : i32
        %dma_start3A_358 = arith.constant 0 : i32
        %dma_start3A_359 = tpu.memref_slice %arg13[%dma_start3A_357, %dma_start3A_358] : memref<10128x128xf32, #tpu.memory_space<vmem_shared>> -> memref<10128x128xf32, #tpu.memory_space<vmem_shared>>
        tpu.enqueue_indirect_dma source(%arg11 : memref<128x128xf32, #tpu.memory_space<vmem>>) target(%dma_start3A_359 : memref<10128x128xf32, #tpu.memory_space<vmem_shared>>) offsets(%dma_start3A_356 : memref<128xi32, #tpu.memory_space<vmem>>) semaphore(%run_scoped3A_353 : memref<!tpu.dma_semaphore, #tpu.memory_space<semaphore_mem>>) {add = true}
        %dma_wait3A_360 = arith.constant 0 : i32
        %dma_wait3A_361 = tpu.memref_slice %arg10[%run_scoped3A_231, %dma_wait3A_360] : memref<8x128xi32, #tpu.memory_space<vmem>> -> memref<1x128xi32, #tpu.memory_space<vmem>>
        %dma_wait3A_362 = tpu.memref_squeeze %dma_wait3A_361 : memref<1x128xi32, #tpu.memory_space<vmem>> -> memref<128xi32, #tpu.memory_space<vmem>>
        %dma_wait3A_363 = arith.constant 0 : i32
        %dma_wait3A_364 = arith.constant 0 : i32
        %dma_wait3A_365 = tpu.memref_slice %arg13[%dma_wait3A_363, %dma_wait3A_364] : memref<10128x128xf32, #tpu.memory_space<vmem_shared>> -> memref<10128x128xf32, #tpu.memory_space<vmem_shared>>
        tpu.wait_indirect_dma semaphore(%run_scoped3A_353 : memref<!tpu.dma_semaphore, #tpu.memory_space<semaphore_mem>>) src(%arg11 : memref<128x128xf32, #tpu.memory_space<vmem>>) dst(%dma_wait3A_365 : memref<10128x128xf32, #tpu.memory_space<vmem_shared>>)
        tpu.yield
      }) : () -> ()
      %dma_start3A_232 = arith.constant 2 : i32
      %dma_start3A_233 = arith.constant 0 : i32
      %dma_start3A_234 = tpu.memref_slice %arg8[%dma_start3A_232, %dma_start3A_233] : memref<8x128xi32, #tpu.memory_space<vmem>> -> memref<1x128xi32, #tpu.memory_space<vmem>>
      %dma_start3A_235 = tpu.memref_squeeze %dma_start3A_234 : memref<1x128xi32, #tpu.memory_space<vmem>> -> memref<128xi32, #tpu.memory_space<vmem>>
      %dma_start3A_236 = arith.constant 0 : i32
      %dma_start3A_237 = arith.constant 0 : i32
      %dma_start3A_238 = tpu.memref_slice %arg2[%dma_start3A_236, %dma_start3A_237] : memref<10000x128xf32, #tpu.memory_space<hbm>> -> memref<10000x128xf32, #tpu.memory_space<hbm>>
      tpu.enqueue_indirect_dma source(%dma_start3A_238 : memref<10000x128xf32, #tpu.memory_space<hbm>>) target(%arg11 : memref<128x128xf32, #tpu.memory_space<vmem>>) offsets(%dma_start3A_235 : memref<128xi32, #tpu.memory_space<vmem>>) semaphore(%arg14 : memref<!tpu.dma_semaphore, #tpu.memory_space<semaphore_mem>>)
      %dma_wait3A_239 = arith.constant 1 : i32
      %dma_wait3A_240 = arith.constant 0 : i32
      %dma_wait3A_241 = tpu.memref_slice %arg8[%dma_wait3A_239, %dma_wait3A_240] : memref<8x128xi32, #tpu.memory_space<vmem>> -> memref<1x128xi32, #tpu.memory_space<vmem>>
      %dma_wait3A_242 = tpu.memref_squeeze %dma_wait3A_241 : memref<1x128xi32, #tpu.memory_space<vmem>> -> memref<128xi32, #tpu.memory_space<vmem>>
      %dma_wait3A_243 = arith.constant 0 : i32
      %dma_wait3A_244 = arith.constant 0 : i32
      %dma_wait3A_245 = tpu.memref_slice %arg2[%dma_wait3A_243, %dma_wait3A_244] : memref<10000x128xf32, #tpu.memory_space<hbm>> -> memref<10000x128xf32, #tpu.memory_space<hbm>>
      tpu.wait_indirect_dma semaphore(%arg15 : memref<!tpu.dma_semaphore, #tpu.memory_space<semaphore_mem>>) src(%dma_wait3A_245 : memref<10000x128xf32, #tpu.memory_space<hbm>>) dst(%arg12 : memref<128x128xf32, #tpu.memory_space<vmem>>)
      %run_scoped3A_246 = arith.constant 1 : i32
      "tpu.region"() ({
        %run_scoped3A_353 = tpu.sem_alloc : memref<!tpu.dma_semaphore, #tpu.memory_space<semaphore_mem>>
        %dma_start3A_354 = arith.constant 0 : i32
        %dma_start3A_355 = tpu.memref_slice %arg10[%run_scoped3A_246, %dma_start3A_354] : memref<8x128xi32, #tpu.memory_space<vmem>> -> memref<1x128xi32, #tpu.memory_space<vmem>>
        %dma_start3A_356 = tpu.memref_squeeze %dma_start3A_355 : memref<1x128xi32, #tpu.memory_space<vmem>> -> memref<128xi32, #tpu.memory_space<vmem>>
        %dma_start3A_357 = arith.constant 0 : i32
        %dma_start3A_358 = arith.constant 0 : i32
        %dma_start3A_359 = tpu.memref_slice %arg13[%dma_start3A_357, %dma_start3A_358] : memref<10128x128xf32, #tpu.memory_space<vmem_shared>> -> memref<10128x128xf32, #tpu.memory_space<vmem_shared>>
        tpu.enqueue_indirect_dma source(%arg12 : memref<128x128xf32, #tpu.memory_space<vmem>>) target(%dma_start3A_359 : memref<10128x128xf32, #tpu.memory_space<vmem_shared>>) offsets(%dma_start3A_356 : memref<128xi32, #tpu.memory_space<vmem>>) semaphore(%run_scoped3A_353 : memref<!tpu.dma_semaphore, #tpu.memory_space<semaphore_mem>>) {add = true}
        %dma_wait3A_360 = arith.constant 0 : i32
        %dma_wait3A_361 = tpu.memref_slice %arg10[%run_scoped3A_246, %dma_wait3A_360] : memref<8x128xi32, #tpu.memory_space<vmem>> -> memref<1x128xi32, #tpu.memory_space<vmem>>
        %dma_wait3A_362 = tpu.memref_squeeze %dma_wait3A_361 : memref<1x128xi32, #tpu.memory_space<vmem>> -> memref<128xi32, #tpu.memory_space<vmem>>
        %dma_wait3A_363 = arith.constant 0 : i32
        %dma_wait3A_364 = arith.constant 0 : i32
        %dma_wait3A_365 = tpu.memref_slice %arg13[%dma_wait3A_363, %dma_wait3A_364] : memref<10128x128xf32, #tpu.memory_space<vmem_shared>> -> memref<10128x128xf32, #tpu.memory_space<vmem_shared>>
        tpu.wait_indirect_dma semaphore(%run_scoped3A_353 : memref<!tpu.dma_semaphore, #tpu.memory_space<semaphore_mem>>) src(%arg12 : memref<128x128xf32, #tpu.memory_space<vmem>>) dst(%dma_wait3A_365 : memref<10128x128xf32, #tpu.memory_space<vmem_shared>>)
        tpu.yield
      }) : () -> ()
      %dma_start3A_247 = arith.constant 3 : i32
      %dma_start3A_248 = arith.constant 0 : i32
      %dma_start3A_249 = tpu.memref_slice %arg8[%dma_start3A_247, %dma_start3A_248] : memref<8x128xi32, #tpu.memory_space<vmem>> -> memref<1x128xi32, #tpu.memory_space<vmem>>
      %dma_start3A_250 = tpu.memref_squeeze %dma_start3A_249 : memref<1x128xi32, #tpu.memory_space<vmem>> -> memref<128xi32, #tpu.memory_space<vmem>>
      %dma_start3A_251 = arith.constant 0 : i32
      %dma_start3A_252 = arith.constant 0 : i32
      %dma_start3A_253 = tpu.memref_slice %arg2[%dma_start3A_251, %dma_start3A_252] : memref<10000x128xf32, #tpu.memory_space<hbm>> -> memref<10000x128xf32, #tpu.memory_space<hbm>>
      tpu.enqueue_indirect_dma source(%dma_start3A_253 : memref<10000x128xf32, #tpu.memory_space<hbm>>) target(%arg12 : memref<128x128xf32, #tpu.memory_space<vmem>>) offsets(%dma_start3A_250 : memref<128xi32, #tpu.memory_space<vmem>>) semaphore(%arg15 : memref<!tpu.dma_semaphore, #tpu.memory_space<semaphore_mem>>)
      %dma_wait3A_254 = arith.constant 2 : i32
      %dma_wait3A_255 = arith.constant 0 : i32
      %dma_wait3A_256 = tpu.memref_slice %arg8[%dma_wait3A_254, %dma_wait3A_255] : memref<8x128xi32, #tpu.memory_space<vmem>> -> memref<1x128xi32, #tpu.memory_space<vmem>>
      %dma_wait3A_257 = tpu.memref_squeeze %dma_wait3A_256 : memref<1x128xi32, #tpu.memory_space<vmem>> -> memref<128xi32, #tpu.memory_space<vmem>>
      %dma_wait3A_258 = arith.constant 0 : i32
      %dma_wait3A_259 = arith.constant 0 : i32
      %dma_wait3A_260 = tpu.memref_slice %arg2[%dma_wait3A_258, %dma_wait3A_259] : memref<10000x128xf32, #tpu.memory_space<hbm>> -> memref<10000x128xf32, #tpu.memory_space<hbm>>
      tpu.wait_indirect_dma semaphore(%arg14 : memref<!tpu.dma_semaphore, #tpu.memory_space<semaphore_mem>>) src(%dma_wait3A_260 : memref<10000x128xf32, #tpu.memory_space<hbm>>) dst(%arg11 : memref<128x128xf32, #tpu.memory_space<vmem>>)
      %run_scoped3A_261 = arith.constant 2 : i32
      "tpu.region"() ({
        %run_scoped3A_353 = tpu.sem_alloc : memref<!tpu.dma_semaphore, #tpu.memory_space<semaphore_mem>>
        %dma_start3A_354 = arith.constant 0 : i32
        %dma_start3A_355 = tpu.memref_slice %arg10[%run_scoped3A_261, %dma_start3A_354] : memref<8x128xi32, #tpu.memory_space<vmem>> -> memref<1x128xi32, #tpu.memory_space<vmem>>
        %dma_start3A_356 = tpu.memref_squeeze %dma_start3A_355 : memref<1x128xi32, #tpu.memory_space<vmem>> -> memref<128xi32, #tpu.memory_space<vmem>>
        %dma_start3A_357 = arith.constant 0 : i32
        %dma_start3A_358 = arith.constant 0 : i32
        %dma_start3A_359 = tpu.memref_slice %arg13[%dma_start3A_357, %dma_start3A_358] : memref<10128x128xf32, #tpu.memory_space<vmem_shared>> -> memref<10128x128xf32, #tpu.memory_space<vmem_shared>>
        tpu.enqueue_indirect_dma source(%arg11 : memref<128x128xf32, #tpu.memory_space<vmem>>) target(%dma_start3A_359 : memref<10128x128xf32, #tpu.memory_space<vmem_shared>>) offsets(%dma_start3A_356 : memref<128xi32, #tpu.memory_space<vmem>>) semaphore(%run_scoped3A_353 : memref<!tpu.dma_semaphore, #tpu.memory_space<semaphore_mem>>) {add = true}
        %dma_wait3A_360 = arith.constant 0 : i32
        %dma_wait3A_361 = tpu.memref_slice %arg10[%run_scoped3A_261, %dma_wait3A_360] : memref<8x128xi32, #tpu.memory_space<vmem>> -> memref<1x128xi32, #tpu.memory_space<vmem>>
        %dma_wait3A_362 = tpu.memref_squeeze %dma_wait3A_361 : memref<1x128xi32, #tpu.memory_space<vmem>> -> memref<128xi32, #tpu.memory_space<vmem>>
        %dma_wait3A_363 = arith.constant 0 : i32
        %dma_wait3A_364 = arith.constant 0 : i32
        %dma_wait3A_365 = tpu.memref_slice %arg13[%dma_wait3A_363, %dma_wait3A_364] : memref<10128x128xf32, #tpu.memory_space<vmem_shared>> -> memref<10128x128xf32, #tpu.memory_space<vmem_shared>>
        tpu.wait_indirect_dma semaphore(%run_scoped3A_353 : memref<!tpu.dma_semaphore, #tpu.memory_space<semaphore_mem>>) src(%arg11 : memref<128x128xf32, #tpu.memory_space<vmem>>) dst(%dma_wait3A_365 : memref<10128x128xf32, #tpu.memory_space<vmem_shared>>)
        tpu.yield
      }) : () -> ()
      %dma_start3A_262 = arith.constant 4 : i32
      %dma_start3A_263 = arith.constant 0 : i32
      %dma_start3A_264 = tpu.memref_slice %arg8[%dma_start3A_262, %dma_start3A_263] : memref<8x128xi32, #tpu.memory_space<vmem>> -> memref<1x128xi32, #tpu.memory_space<vmem>>
      %dma_start3A_265 = tpu.memref_squeeze %dma_start3A_264 : memref<1x128xi32, #tpu.memory_space<vmem>> -> memref<128xi32, #tpu.memory_space<vmem>>
      %dma_start3A_266 = arith.constant 0 : i32
      %dma_start3A_267 = arith.constant 0 : i32
      %dma_start3A_268 = tpu.memref_slice %arg2[%dma_start3A_266, %dma_start3A_267] : memref<10000x128xf32, #tpu.memory_space<hbm>> -> memref<10000x128xf32, #tpu.memory_space<hbm>>
      tpu.enqueue_indirect_dma source(%dma_start3A_268 : memref<10000x128xf32, #tpu.memory_space<hbm>>) target(%arg11 : memref<128x128xf32, #tpu.memory_space<vmem>>) offsets(%dma_start3A_265 : memref<128xi32, #tpu.memory_space<vmem>>) semaphore(%arg14 : memref<!tpu.dma_semaphore, #tpu.memory_space<semaphore_mem>>)
      %dma_wait3A_269 = arith.constant 3 : i32
      %dma_wait3A_270 = arith.constant 0 : i32
      %dma_wait3A_271 = tpu.memref_slice %arg8[%dma_wait3A_269, %dma_wait3A_270] : memref<8x128xi32, #tpu.memory_space<vmem>> -> memref<1x128xi32, #tpu.memory_space<vmem>>
      %dma_wait3A_272 = tpu.memref_squeeze %dma_wait3A_271 : memref<1x128xi32, #tpu.memory_space<vmem>> -> memref<128xi32, #tpu.memory_space<vmem>>
      %dma_wait3A_273 = arith.constant 0 : i32
      %dma_wait3A_274 = arith.constant 0 : i32
      %dma_wait3A_275 = tpu.memref_slice %arg2[%dma_wait3A_273, %dma_wait3A_274] : memref<10000x128xf32, #tpu.memory_space<hbm>> -> memref<10000x128xf32, #tpu.memory_space<hbm>>
      tpu.wait_indirect_dma semaphore(%arg15 : memref<!tpu.dma_semaphore, #tpu.memory_space<semaphore_mem>>) src(%dma_wait3A_275 : memref<10000x128xf32, #tpu.memory_space<hbm>>) dst(%arg12 : memref<128x128xf32, #tpu.memory_space<vmem>>)
      %run_scoped3A_276 = arith.constant 3 : i32
      "tpu.region"() ({
        %run_scoped3A_353 = tpu.sem_alloc : memref<!tpu.dma_semaphore, #tpu.memory_space<semaphore_mem>>
        %dma_start3A_354 = arith.constant 0 : i32
        %dma_start3A_355 = tpu.memref_slice %arg10[%run_scoped3A_276, %dma_start3A_354] : memref<8x128xi32, #tpu.memory_space<vmem>> -> memref<1x128xi32, #tpu.memory_space<vmem>>
        %dma_start3A_356 = tpu.memref_squeeze %dma_start3A_355 : memref<1x128xi32, #tpu.memory_space<vmem>> -> memref<128xi32, #tpu.memory_space<vmem>>
        %dma_start3A_357 = arith.constant 0 : i32
        %dma_start3A_358 = arith.constant 0 : i32
        %dma_start3A_359 = tpu.memref_slice %arg13[%dma_start3A_357, %dma_start3A_358] : memref<10128x128xf32, #tpu.memory_space<vmem_shared>> -> memref<10128x128xf32, #tpu.memory_space<vmem_shared>>
        tpu.enqueue_indirect_dma source(%arg12 : memref<128x128xf32, #tpu.memory_space<vmem>>) target(%dma_start3A_359 : memref<10128x128xf32, #tpu.memory_space<vmem_shared>>) offsets(%dma_start3A_356 : memref<128xi32, #tpu.memory_space<vmem>>) semaphore(%run_scoped3A_353 : memref<!tpu.dma_semaphore, #tpu.memory_space<semaphore_mem>>) {add = true}
        %dma_wait3A_360 = arith.constant 0 : i32
        %dma_wait3A_361 = tpu.memref_slice %arg10[%run_scoped3A_276, %dma_wait3A_360] : memref<8x128xi32, #tpu.memory_space<vmem>> -> memref<1x128xi32, #tpu.memory_space<vmem>>
        %dma_wait3A_362 = tpu.memref_squeeze %dma_wait3A_361 : memref<1x128xi32, #tpu.memory_space<vmem>> -> memref<128xi32, #tpu.memory_space<vmem>>
        %dma_wait3A_363 = arith.constant 0 : i32
        %dma_wait3A_364 = arith.constant 0 : i32
        %dma_wait3A_365 = tpu.memref_slice %arg13[%dma_wait3A_363, %dma_wait3A_364] : memref<10128x128xf32, #tpu.memory_space<vmem_shared>> -> memref<10128x128xf32, #tpu.memory_space<vmem_shared>>
        tpu.wait_indirect_dma semaphore(%run_scoped3A_353 : memref<!tpu.dma_semaphore, #tpu.memory_space<semaphore_mem>>) src(%arg12 : memref<128x128xf32, #tpu.memory_space<vmem>>) dst(%dma_wait3A_365 : memref<10128x128xf32, #tpu.memory_space<vmem_shared>>)
        tpu.yield
      }) : () -> ()
      %dma_start3A_277 = arith.constant 5 : i32
      %dma_start3A_278 = arith.constant 0 : i32
      %dma_start3A_279 = tpu.memref_slice %arg8[%dma_start3A_277, %dma_start3A_278] : memref<8x128xi32, #tpu.memory_space<vmem>> -> memref<1x128xi32, #tpu.memory_space<vmem>>
      %dma_start3A_280 = tpu.memref_squeeze %dma_start3A_279 : memref<1x128xi32, #tpu.memory_space<vmem>> -> memref<128xi32, #tpu.memory_space<vmem>>
      %dma_start3A_281 = arith.constant 0 : i32
      %dma_start3A_282 = arith.constant 0 : i32
      %dma_start3A_283 = tpu.memref_slice %arg2[%dma_start3A_281, %dma_start3A_282] : memref<10000x128xf32, #tpu.memory_space<hbm>> -> memref<10000x128xf32, #tpu.memory_space<hbm>>
      tpu.enqueue_indirect_dma source(%dma_start3A_283 : memref<10000x128xf32, #tpu.memory_space<hbm>>) target(%arg12 : memref<128x128xf32, #tpu.memory_space<vmem>>) offsets(%dma_start3A_280 : memref<128xi32, #tpu.memory_space<vmem>>) semaphore(%arg15 : memref<!tpu.dma_semaphore, #tpu.memory_space<semaphore_mem>>)
      %dma_wait3A_284 = arith.constant 4 : i32
      %dma_wait3A_285 = arith.constant 0 : i32
      %dma_wait3A_286 = tpu.memref_slice %arg8[%dma_wait3A_284, %dma_wait3A_285] : memref<8x128xi32, #tpu.memory_space<vmem>> -> memref<1x128xi32, #tpu.memory_space<vmem>>
      %dma_wait3A_287 = tpu.memref_squeeze %dma_wait3A_286 : memref<1x128xi32, #tpu.memory_space<vmem>> -> memref<128xi32, #tpu.memory_space<vmem>>
      %dma_wait3A_288 = arith.constant 0 : i32
      %dma_wait3A_289 = arith.constant 0 : i32
      %dma_wait3A_290 = tpu.memref_slice %arg2[%dma_wait3A_288, %dma_wait3A_289] : memref<10000x128xf32, #tpu.memory_space<hbm>> -> memref<10000x128xf32, #tpu.memory_space<hbm>>
      tpu.wait_indirect_dma semaphore(%arg14 : memref<!tpu.dma_semaphore, #tpu.memory_space<semaphore_mem>>) src(%dma_wait3A_290 : memref<10000x128xf32, #tpu.memory_space<hbm>>) dst(%arg11 : memref<128x128xf32, #tpu.memory_space<vmem>>)
      %run_scoped3A_291 = arith.constant 4 : i32
      "tpu.region"() ({
        %run_scoped3A_353 = tpu.sem_alloc : memref<!tpu.dma_semaphore, #tpu.memory_space<semaphore_mem>>
        %dma_start3A_354 = arith.constant 0 : i32
        %dma_start3A_355 = tpu.memref_slice %arg10[%run_scoped3A_291, %dma_start3A_354] : memref<8x128xi32, #tpu.memory_space<vmem>> -> memref<1x128xi32, #tpu.memory_space<vmem>>
        %dma_start3A_356 = tpu.memref_squeeze %dma_start3A_355 : memref<1x128xi32, #tpu.memory_space<vmem>> -> memref<128xi32, #tpu.memory_space<vmem>>
        %dma_start3A_357 = arith.constant 0 : i32
        %dma_start3A_358 = arith.constant 0 : i32
        %dma_start3A_359 = tpu.memref_slice %arg13[%dma_start3A_357, %dma_start3A_358] : memref<10128x128xf32, #tpu.memory_space<vmem_shared>> -> memref<10128x128xf32, #tpu.memory_space<vmem_shared>>
        tpu.enqueue_indirect_dma source(%arg11 : memref<128x128xf32, #tpu.memory_space<vmem>>) target(%dma_start3A_359 : memref<10128x128xf32, #tpu.memory_space<vmem_shared>>) offsets(%dma_start3A_356 : memref<128xi32, #tpu.memory_space<vmem>>) semaphore(%run_scoped3A_353 : memref<!tpu.dma_semaphore, #tpu.memory_space<semaphore_mem>>) {add = true}
        %dma_wait3A_360 = arith.constant 0 : i32
        %dma_wait3A_361 = tpu.memref_slice %arg10[%run_scoped3A_291, %dma_wait3A_360] : memref<8x128xi32, #tpu.memory_space<vmem>> -> memref<1x128xi32, #tpu.memory_space<vmem>>
        %dma_wait3A_362 = tpu.memref_squeeze %dma_wait3A_361 : memref<1x128xi32, #tpu.memory_space<vmem>> -> memref<128xi32, #tpu.memory_space<vmem>>
        %dma_wait3A_363 = arith.constant 0 : i32
        %dma_wait3A_364 = arith.constant 0 : i32
        %dma_wait3A_365 = tpu.memref_slice %arg13[%dma_wait3A_363, %dma_wait3A_364] : memref<10128x128xf32, #tpu.memory_space<vmem_shared>> -> memref<10128x128xf32, #tpu.memory_space<vmem_shared>>
        tpu.wait_indirect_dma semaphore(%run_scoped3A_353 : memref<!tpu.dma_semaphore, #tpu.memory_space<semaphore_mem>>) src(%arg11 : memref<128x128xf32, #tpu.memory_space<vmem>>) dst(%dma_wait3A_365 : memref<10128x128xf32, #tpu.memory_space<vmem_shared>>)
        tpu.yield
      }) : () -> ()
      %dma_start3A_292 = arith.constant 6 : i32
      %dma_start3A_293 = arith.constant 0 : i32
      %dma_start3A_294 = tpu.memref_slice %arg8[%dma_start3A_292, %dma_start3A_293] : memref<8x128xi32, #tpu.memory_space<vmem>> -> memref<1x128xi32, #tpu.memory_space<vmem>>
      %dma_start3A_295 = tpu.memref_squeeze %dma_start3A_294 : memref<1x128xi32, #tpu.memory_space<vmem>> -> memref<128xi32, #tpu.memory_space<vmem>>
      %dma_start3A_296 = arith.constant 0 : i32
      %dma_start3A_297 = arith.constant 0 : i32
      %dma_start3A_298 = tpu.memref_slice %arg2[%dma_start3A_296, %dma_start3A_297] : memref<10000x128xf32, #tpu.memory_space<hbm>> -> memref<10000x128xf32, #tpu.memory_space<hbm>>
      tpu.enqueue_indirect_dma source(%dma_start3A_298 : memref<10000x128xf32, #tpu.memory_space<hbm>>) target(%arg11 : memref<128x128xf32, #tpu.memory_space<vmem>>) offsets(%dma_start3A_295 : memref<128xi32, #tpu.memory_space<vmem>>) semaphore(%arg14 : memref<!tpu.dma_semaphore, #tpu.memory_space<semaphore_mem>>)
      %dma_wait3A_299 = arith.constant 5 : i32
      %dma_wait3A_300 = arith.constant 0 : i32
      %dma_wait3A_301 = tpu.memref_slice %arg8[%dma_wait3A_299, %dma_wait3A_300] : memref<8x128xi32, #tpu.memory_space<vmem>> -> memref<1x128xi32, #tpu.memory_space<vmem>>
      %dma_wait3A_302 = tpu.memref_squeeze %dma_wait3A_301 : memref<1x128xi32, #tpu.memory_space<vmem>> -> memref<128xi32, #tpu.memory_space<vmem>>
      %dma_wait3A_303 = arith.constant 0 : i32
      %dma_wait3A_304 = arith.constant 0 : i32
      %dma_wait3A_305 = tpu.memref_slice %arg2[%dma_wait3A_303, %dma_wait3A_304] : memref<10000x128xf32, #tpu.memory_space<hbm>> -> memref<10000x128xf32, #tpu.memory_space<hbm>>
      tpu.wait_indirect_dma semaphore(%arg15 : memref<!tpu.dma_semaphore, #tpu.memory_space<semaphore_mem>>) src(%dma_wait3A_305 : memref<10000x128xf32, #tpu.memory_space<hbm>>) dst(%arg12 : memref<128x128xf32, #tpu.memory_space<vmem>>)
      %run_scoped3A_306 = arith.constant 5 : i32
      "tpu.region"() ({
        %run_scoped3A_353 = tpu.sem_alloc : memref<!tpu.dma_semaphore, #tpu.memory_space<semaphore_mem>>
        %dma_start3A_354 = arith.constant 0 : i32
        %dma_start3A_355 = tpu.memref_slice %arg10[%run_scoped3A_306, %dma_start3A_354] : memref<8x128xi32, #tpu.memory_space<vmem>> -> memref<1x128xi32, #tpu.memory_space<vmem>>
        %dma_start3A_356 = tpu.memref_squeeze %dma_start3A_355 : memref<1x128xi32, #tpu.memory_space<vmem>> -> memref<128xi32, #tpu.memory_space<vmem>>
        %dma_start3A_357 = arith.constant 0 : i32
        %dma_start3A_358 = arith.constant 0 : i32
        %dma_start3A_359 = tpu.memref_slice %arg13[%dma_start3A_357, %dma_start3A_358] : memref<10128x128xf32, #tpu.memory_space<vmem_shared>> -> memref<10128x128xf32, #tpu.memory_space<vmem_shared>>
        tpu.enqueue_indirect_dma source(%arg12 : memref<128x128xf32, #tpu.memory_space<vmem>>) target(%dma_start3A_359 : memref<10128x128xf32, #tpu.memory_space<vmem_shared>>) offsets(%dma_start3A_356 : memref<128xi32, #tpu.memory_space<vmem>>) semaphore(%run_scoped3A_353 : memref<!tpu.dma_semaphore, #tpu.memory_space<semaphore_mem>>) {add = true}
        %dma_wait3A_360 = arith.constant 0 : i32
        %dma_wait3A_361 = tpu.memref_slice %arg10[%run_scoped3A_306, %dma_wait3A_360] : memref<8x128xi32, #tpu.memory_space<vmem>> -> memref<1x128xi32, #tpu.memory_space<vmem>>
        %dma_wait3A_362 = tpu.memref_squeeze %dma_wait3A_361 : memref<1x128xi32, #tpu.memory_space<vmem>> -> memref<128xi32, #tpu.memory_space<vmem>>
        %dma_wait3A_363 = arith.constant 0 : i32
        %dma_wait3A_364 = arith.constant 0 : i32
        %dma_wait3A_365 = tpu.memref_slice %arg13[%dma_wait3A_363, %dma_wait3A_364] : memref<10128x128xf32, #tpu.memory_space<vmem_shared>> -> memref<10128x128xf32, #tpu.memory_space<vmem_shared>>
        tpu.wait_indirect_dma semaphore(%run_scoped3A_353 : memref<!tpu.dma_semaphore, #tpu.memory_space<semaphore_mem>>) src(%arg12 : memref<128x128xf32, #tpu.memory_space<vmem>>) dst(%dma_wait3A_365 : memref<10128x128xf32, #tpu.memory_space<vmem_shared>>)
        tpu.yield
      }) : () -> ()
      %dma_start3A_307 = arith.constant 7 : i32
      %dma_start3A_308 = arith.constant 0 : i32
      %dma_start3A_309 = tpu.memref_slice %arg8[%dma_start3A_307, %dma_start3A_308] : memref<8x128xi32, #tpu.memory_space<vmem>> -> memref<1x128xi32, #tpu.memory_space<vmem>>
      %dma_start3A_310 = tpu.memref_squeeze %dma_start3A_309 : memref<1x128xi32, #tpu.memory_space<vmem>> -> memref<128xi32, #tpu.memory_space<vmem>>
      %dma_start3A_311 = arith.constant 0 : i32
      %dma_start3A_312 = arith.constant 0 : i32
      %dma_start3A_313 = tpu.memref_slice %arg2[%dma_start3A_311, %dma_start3A_312] : memref<10000x128xf32, #tpu.memory_space<hbm>> -> memref<10000x128xf32, #tpu.memory_space<hbm>>
      tpu.enqueue_indirect_dma source(%dma_start3A_313 : memref<10000x128xf32, #tpu.memory_space<hbm>>) target(%arg12 : memref<128x128xf32, #tpu.memory_space<vmem>>) offsets(%dma_start3A_310 : memref<128xi32, #tpu.memory_space<vmem>>) semaphore(%arg15 : memref<!tpu.dma_semaphore, #tpu.memory_space<semaphore_mem>>)
      %dma_wait3A_314 = arith.constant 6 : i32
      %dma_wait3A_315 = arith.constant 0 : i32
      %dma_wait3A_316 = tpu.memref_slice %arg8[%dma_wait3A_314, %dma_wait3A_315] : memref<8x128xi32, #tpu.memory_space<vmem>> -> memref<1x128xi32, #tpu.memory_space<vmem>>
      %dma_wait3A_317 = tpu.memref_squeeze %dma_wait3A_316 : memref<1x128xi32, #tpu.memory_space<vmem>> -> memref<128xi32, #tpu.memory_space<vmem>>
      %dma_wait3A_318 = arith.constant 0 : i32
      %dma_wait3A_319 = arith.constant 0 : i32
      %dma_wait3A_320 = tpu.memref_slice %arg2[%dma_wait3A_318, %dma_wait3A_319] : memref<10000x128xf32, #tpu.memory_space<hbm>> -> memref<10000x128xf32, #tpu.memory_space<hbm>>
      tpu.wait_indirect_dma semaphore(%arg14 : memref<!tpu.dma_semaphore, #tpu.memory_space<semaphore_mem>>) src(%dma_wait3A_320 : memref<10000x128xf32, #tpu.memory_space<hbm>>) dst(%arg11 : memref<128x128xf32, #tpu.memory_space<vmem>>)
      %run_scoped3A_321 = arith.constant 6 : i32
      "tpu.region"() ({
        %run_scoped3A_353 = tpu.sem_alloc : memref<!tpu.dma_semaphore, #tpu.memory_space<semaphore_mem>>
        %dma_start3A_354 = arith.constant 0 : i32
        %dma_start3A_355 = tpu.memref_slice %arg10[%run_scoped3A_321, %dma_start3A_354] : memref<8x128xi32, #tpu.memory_space<vmem>> -> memref<1x128xi32, #tpu.memory_space<vmem>>
        %dma_start3A_356 = tpu.memref_squeeze %dma_start3A_355 : memref<1x128xi32, #tpu.memory_space<vmem>> -> memref<128xi32, #tpu.memory_space<vmem>>
        %dma_start3A_357 = arith.constant 0 : i32
        %dma_start3A_358 = arith.constant 0 : i32
        %dma_start3A_359 = tpu.memref_slice %arg13[%dma_start3A_357, %dma_start3A_358] : memref<10128x128xf32, #tpu.memory_space<vmem_shared>> -> memref<10128x128xf32, #tpu.memory_space<vmem_shared>>
        tpu.enqueue_indirect_dma source(%arg11 : memref<128x128xf32, #tpu.memory_space<vmem>>) target(%dma_start3A_359 : memref<10128x128xf32, #tpu.memory_space<vmem_shared>>) offsets(%dma_start3A_356 : memref<128xi32, #tpu.memory_space<vmem>>) semaphore(%run_scoped3A_353 : memref<!tpu.dma_semaphore, #tpu.memory_space<semaphore_mem>>) {add = true}
        %dma_wait3A_360 = arith.constant 0 : i32
        %dma_wait3A_361 = tpu.memref_slice %arg10[%run_scoped3A_321, %dma_wait3A_360] : memref<8x128xi32, #tpu.memory_space<vmem>> -> memref<1x128xi32, #tpu.memory_space<vmem>>
        %dma_wait3A_362 = tpu.memref_squeeze %dma_wait3A_361 : memref<1x128xi32, #tpu.memory_space<vmem>> -> memref<128xi32, #tpu.memory_space<vmem>>
        %dma_wait3A_363 = arith.constant 0 : i32
        %dma_wait3A_364 = arith.constant 0 : i32
        %dma_wait3A_365 = tpu.memref_slice %arg13[%dma_wait3A_363, %dma_wait3A_364] : memref<10128x128xf32, #tpu.memory_space<vmem_shared>> -> memref<10128x128xf32, #tpu.memory_space<vmem_shared>>
        tpu.wait_indirect_dma semaphore(%run_scoped3A_353 : memref<!tpu.dma_semaphore, #tpu.memory_space<semaphore_mem>>) src(%arg11 : memref<128x128xf32, #tpu.memory_space<vmem>>) dst(%dma_wait3A_365 : memref<10128x128xf32, #tpu.memory_space<vmem_shared>>)
        tpu.yield
      }) : () -> ()
      %dma_wait3A_322 = arith.constant 0 : i32
      %dma_wait3A_323 = arith.constant 0 : i32
      %dma_wait3A_324 = tpu.memref_slice %arg3[%add3A_198, %dma_wait3A_322, %dma_wait3A_323] : memref<320x8x128xi32, #tpu.memory_space<hbm>> -> memref<1x8x128xi32, #tpu.memory_space<hbm>>
      %dma_wait3A_325 = tpu.memref_squeeze %dma_wait3A_324 : memref<1x8x128xi32, #tpu.memory_space<hbm>> -> memref<8x128xi32, #tpu.memory_space<hbm>>
      %dma_wait3A_326 = arith.constant 0 : i32
      %dma_wait3A_327 = arith.constant 0 : i32
      %dma_wait3A_328 = tpu.memref_slice %arg3[%add3A_198, %dma_wait3A_326, %dma_wait3A_327] : memref<320x8x128xi32, #tpu.memory_space<hbm>> -> memref<1x8x128xi32, #tpu.memory_space<hbm>>
      %dma_wait3A_329 = tpu.memref_squeeze %dma_wait3A_328 : memref<1x8x128xi32, #tpu.memory_space<hbm>> -> memref<8x128xi32, #tpu.memory_space<hbm>>
      tpu.wait_dma2 semaphore(%arg16 : memref<!tpu.dma_semaphore, #tpu.memory_space<semaphore_mem>>) src(%dma_wait3A_329 : memref<8x128xi32, #tpu.memory_space<hbm>>) dst(%arg7 : memref<8x128xi32, #tpu.memory_space<vmem>>)
      %dma_wait3A_330 = arith.constant 0 : i32
      %dma_wait3A_331 = arith.constant 0 : i32
      %dma_wait3A_332 = tpu.memref_slice %arg4[%add3A_198, %dma_wait3A_330, %dma_wait3A_331] : memref<320x8x128xi32, #tpu.memory_space<hbm>> -> memref<1x8x128xi32, #tpu.memory_space<hbm>>
      %dma_wait3A_333 = tpu.memref_squeeze %dma_wait3A_332 : memref<1x8x128xi32, #tpu.memory_space<hbm>> -> memref<8x128xi32, #tpu.memory_space<hbm>>
      %dma_wait3A_334 = arith.constant 0 : i32
      %dma_wait3A_335 = arith.constant 0 : i32
      %dma_wait3A_336 = tpu.memref_slice %arg4[%add3A_198, %dma_wait3A_334, %dma_wait3A_335] : memref<320x8x128xi32, #tpu.memory_space<hbm>> -> memref<1x8x128xi32, #tpu.memory_space<hbm>>
      %dma_wait3A_337 = tpu.memref_squeeze %dma_wait3A_336 : memref<1x8x128xi32, #tpu.memory_space<hbm>> -> memref<8x128xi32, #tpu.memory_space<hbm>>
      tpu.wait_dma2 semaphore(%arg16 : memref<!tpu.dma_semaphore, #tpu.memory_space<semaphore_mem>>) src(%dma_wait3A_337 : memref<8x128xi32, #tpu.memory_space<hbm>>) dst(%arg9 : memref<8x128xi32, #tpu.memory_space<vmem>>)
      %dma_start3A_338 = arith.constant 0 : i32
      %dma_start3A_339 = arith.constant 0 : i32
      %dma_start3A_340 = tpu.memref_slice %arg7[%dma_start3A_338, %dma_start3A_339] : memref<8x128xi32, #tpu.memory_space<vmem>> -> memref<1x128xi32, #tpu.memory_space<vmem>>
      %dma_start3A_341 = tpu.memref_squeeze %dma_start3A_340 : memref<1x128xi32, #tpu.memory_space<vmem>> -> memref<128xi32, #tpu.memory_space<vmem>>
      %dma_start3A_342 = arith.constant 0 : i32
      %dma_start3A_343 = arith.constant 0 : i32
      %dma_start3A_344 = tpu.memref_slice %arg2[%dma_start3A_342, %dma_start3A_343] : memref<10000x128xf32, #tpu.memory_space<hbm>> -> memref<10000x128xf32, #tpu.memory_space<hbm>>
      tpu.enqueue_indirect_dma source(%dma_start3A_344 : memref<10000x128xf32, #tpu.memory_space<hbm>>) target(%arg11 : memref<128x128xf32, #tpu.memory_space<vmem>>) offsets(%dma_start3A_341 : memref<128xi32, #tpu.memory_space<vmem>>) semaphore(%arg14 : memref<!tpu.dma_semaphore, #tpu.memory_space<semaphore_mem>>)
      %dma_wait3A_345 = arith.constant 7 : i32
      %dma_wait3A_346 = arith.constant 0 : i32
      %dma_wait3A_347 = tpu.memref_slice %arg8[%dma_wait3A_345, %dma_wait3A_346] : memref<8x128xi32, #tpu.memory_space<vmem>> -> memref<1x128xi32, #tpu.memory_space<vmem>>
      %dma_wait3A_348 = tpu.memref_squeeze %dma_wait3A_347 : memref<1x128xi32, #tpu.memory_space<vmem>> -> memref<128xi32, #tpu.memory_space<vmem>>
      %dma_wait3A_349 = arith.constant 0 : i32
      %dma_wait3A_350 = arith.constant 0 : i32
      %dma_wait3A_351 = tpu.memref_slice %arg2[%dma_wait3A_349, %dma_wait3A_350] : memref<10000x128xf32, #tpu.memory_space<hbm>> -> memref<10000x128xf32, #tpu.memory_space<hbm>>
      tpu.wait_indirect_dma semaphore(%arg15 : memref<!tpu.dma_semaphore, #tpu.memory_space<semaphore_mem>>) src(%dma_wait3A_351 : memref<10000x128xf32, #tpu.memory_space<hbm>>) dst(%arg12 : memref<128x128xf32, #tpu.memory_space<vmem>>)
      %run_scoped3A_352 = arith.constant 7 : i32
      "tpu.region"() ({
        %run_scoped3A_353 = tpu.sem_alloc : memref<!tpu.dma_semaphore, #tpu.memory_space<semaphore_mem>>
        %dma_start3A_354 = arith.constant 0 : i32
        %dma_start3A_355 = tpu.memref_slice %arg10[%run_scoped3A_352, %dma_start3A_354] : memref<8x128xi32, #tpu.memory_space<vmem>> -> memref<1x128xi32, #tpu.memory_space<vmem>>
        %dma_start3A_356 = tpu.memref_squeeze %dma_start3A_355 : memref<1x128xi32, #tpu.memory_space<vmem>> -> memref<128xi32, #tpu.memory_space<vmem>>
        %dma_start3A_357 = arith.constant 0 : i32
        %dma_start3A_358 = arith.constant 0 : i32
        %dma_start3A_359 = tpu.memref_slice %arg13[%dma_start3A_357, %dma_start3A_358] : memref<10128x128xf32, #tpu.memory_space<vmem_shared>> -> memref<10128x128xf32, #tpu.memory_space<vmem_shared>>
        tpu.enqueue_indirect_dma source(%arg12 : memref<128x128xf32, #tpu.memory_space<vmem>>) target(%dma_start3A_359 : memref<10128x128xf32, #tpu.memory_space<vmem_shared>>) offsets(%dma_start3A_356 : memref<128xi32, #tpu.memory_space<vmem>>) semaphore(%run_scoped3A_353 : memref<!tpu.dma_semaphore, #tpu.memory_space<semaphore_mem>>) {add = true}
        %dma_wait3A_360 = arith.constant 0 : i32
        %dma_wait3A_361 = tpu.memref_slice %arg10[%run_scoped3A_352, %dma_wait3A_360] : memref<8x128xi32, #tpu.memory_space<vmem>> -> memref<1x128xi32, #tpu.memory_space<vmem>>
        %dma_wait3A_362 = tpu.memref_squeeze %dma_wait3A_361 : memref<1x128xi32, #tpu.memory_space<vmem>> -> memref<128xi32, #tpu.memory_space<vmem>>
        %dma_wait3A_363 = arith.constant 0 : i32
        %dma_wait3A_364 = arith.constant 0 : i32
        %dma_wait3A_365 = tpu.memref_slice %arg13[%dma_wait3A_363, %dma_wait3A_364] : memref<10128x128xf32, #tpu.memory_space<vmem_shared>> -> memref<10128x128xf32, #tpu.memory_space<vmem_shared>>
        tpu.wait_indirect_dma semaphore(%run_scoped3A_353 : memref<!tpu.dma_semaphore, #tpu.memory_space<semaphore_mem>>) src(%arg12 : memref<128x128xf32, #tpu.memory_space<vmem>>) dst(%dma_wait3A_365 : memref<10128x128xf32, #tpu.memory_space<vmem_shared>>)
        tpu.yield
      }) : () -> ()
    }
    %scan3A_19 = arith.constant 5 : i32
    %dma_wait3A = arith.constant 0 : i32
    %dma_wait3A_20 = arith.constant 0 : i32
    %dma_wait3A_21 = tpu.memref_slice %arg7[%dma_wait3A, %dma_wait3A_20] : memref<8x128xi32, #tpu.memory_space<vmem>> -> memref<1x128xi32, #tpu.memory_space<vmem>>
    %dma_wait3A_22 = tpu.memref_squeeze %dma_wait3A_21 : memref<1x128xi32, #tpu.memory_space<vmem>> -> memref<128xi32, #tpu.memory_space<vmem>>
    %dma_wait3A_23 = arith.constant 0 : i32
    %dma_wait3A_24 = arith.constant 0 : i32
    %dma_wait3A_25 = tpu.memref_slice %arg2[%dma_wait3A_23, %dma_wait3A_24] : memref<10000x128xf32, #tpu.memory_space<hbm>> -> memref<10000x128xf32, #tpu.memory_space<hbm>>
    tpu.wait_indirect_dma semaphore(%arg14 : memref<!tpu.dma_semaphore, #tpu.memory_space<semaphore_mem>>) src(%dma_wait3A_25 : memref<10000x128xf32, #tpu.memory_space<hbm>>) dst(%arg11 : memref<128x128xf32, #tpu.memory_space<vmem>>)
    %barrier3A_26 = arith.constant 0 : index
    tpu.barrier barrier_id(%barrier3A_26)
    %mul3A_27 = arith.constant 624 : i32
    %mul3A_28 = arith.muli %arg1, %mul3A_27 : i32
    %mul3A_29 = arith.constant 624 : i32
    %mul3A_30 = arith.muli %arg1, %mul3A_29 : i32
    "tpu.region"() ({
      %run_scoped3A = tpu.sem_alloc : memref<!tpu.dma_semaphore, #tpu.memory_space<semaphore_mem>>
      %dma_start3A_36 = arith.constant 0 : i32
      %dma_start3A_37 = tpu.memref_slice %arg6[%arg0, %mul3A_30, %dma_start3A_36] : memref<2x10000x128xf32, #tpu.memory_space<hbm>> -> memref<1x624x128xf32, #tpu.memory_space<hbm>>
      %dma_start3A_38 = tpu.memref_squeeze %dma_start3A_37 : memref<1x624x128xf32, #tpu.memory_space<hbm>> -> memref<624x128xf32, #tpu.memory_space<hbm>>
      %dma_start3A_39 = arith.constant 0 : i32
      %dma_start3A_40 = tpu.memref_slice %arg13[%mul3A_28, %dma_start3A_39] : memref<10128x128xf32, #tpu.memory_space<vmem_shared>> -> memref<624x128xf32, #tpu.memory_space<vmem_shared>>
      tpu.enqueue_dma source(%dma_start3A_40 : memref<624x128xf32, #tpu.memory_space<vmem_shared>>) target(%dma_start3A_38 : memref<624x128xf32, #tpu.memory_space<hbm>>) target_semaphore(%run_scoped3A : memref<!tpu.dma_semaphore, #tpu.memory_space<semaphore_mem>>)
      %dma_wait3A_41 = arith.constant 0 : i32
      %dma_wait3A_42 = tpu.memref_slice %arg6[%arg0, %mul3A_30, %dma_wait3A_41] : memref<2x10000x128xf32, #tpu.memory_space<hbm>> -> memref<1x624x128xf32, #tpu.memory_space<hbm>>
      %dma_wait3A_43 = tpu.memref_squeeze %dma_wait3A_42 : memref<1x624x128xf32, #tpu.memory_space<hbm>> -> memref<624x128xf32, #tpu.memory_space<hbm>>
      %dma_wait3A_44 = arith.constant 0 : i32
      %dma_wait3A_45 = tpu.memref_slice %arg13[%mul3A_28, %dma_wait3A_44] : memref<10128x128xf32, #tpu.memory_space<vmem_shared>> -> memref<624x128xf32, #tpu.memory_space<vmem_shared>>
      tpu.wait_dma2 semaphore(%run_scoped3A : memref<!tpu.dma_semaphore, #tpu.memory_space<semaphore_mem>>) src(%dma_wait3A_45 : memref<624x128xf32, #tpu.memory_space<vmem_shared>>) dst(%dma_wait3A_43 : memref<624x128xf32, #tpu.memory_space<hbm>>)
      tpu.yield
    }) : () -> ()
    %eq3A_31 = arith.constant 15 : i32
    %eq3A_32 = arith.cmpi eq, %arg1, %eq3A_31 : i32
    %convert_element_type3A_33 = arith.extui %eq3A_32 : i1 to i32
    %cond3A_34 = arith.constant 0 : i32
    %cond3A_35 = arith.cmpi ne, %convert_element_type3A_33, %cond3A_34 : i32
    scf.if %cond3A_35 {
      "tpu.region"() ({
        %run_scoped3A = tpu.sem_alloc : memref<!tpu.dma_semaphore, #tpu.memory_space<semaphore_mem>>
        %dma_start3A_36 = arith.constant 9984 : i32
        %dma_start3A_37 = arith.constant 0 : i32
        %dma_start3A_38 = tpu.memref_slice %arg6[%arg0, %dma_start3A_36, %dma_start3A_37] : memref<2x10000x128xf32, #tpu.memory_space<hbm>> -> memref<1x16x128xf32, #tpu.memory_space<hbm>>
        %dma_start3A_39 = tpu.memref_squeeze %dma_start3A_38 : memref<1x16x128xf32, #tpu.memory_space<hbm>> -> memref<16x128xf32, #tpu.memory_space<hbm>>
        %dma_start3A_40 = arith.constant 9984 : i32
        %dma_start3A_41 = arith.constant 0 : i32
        %dma_start3A_42 = tpu.memref_slice %arg13[%dma_start3A_40, %dma_start3A_41] : memref<10128x128xf32, #tpu.memory_space<vmem_shared>> -> memref<16x128xf32, #tpu.memory_space<vmem_shared>>
        tpu.enqueue_dma source(%dma_start3A_42 : memref<16x128xf32, #tpu.memory_space<vmem_shared>>) target(%dma_start3A_39 : memref<16x128xf32, #tpu.memory_space<hbm>>) target_semaphore(%run_scoped3A : memref<!tpu.dma_semaphore, #tpu.memory_space<semaphore_mem>>)
        %dma_wait3A_43 = arith.constant 9984 : i32
        %dma_wait3A_44 = arith.constant 0 : i32
        %dma_wait3A_45 = tpu.memref_slice %arg6[%arg0, %dma_wait3A_43, %dma_wait3A_44] : memref<2x10000x128xf32, #tpu.memory_space<hbm>> -> memref<1x16x128xf32, #tpu.memory_space<hbm>>
        %dma_wait3A_46 = tpu.memref_squeeze %dma_wait3A_45 : memref<1x16x128xf32, #tpu.memory_space<hbm>> -> memref<16x128xf32, #tpu.memory_space<hbm>>
        %dma_wait3A_47 = arith.constant 9984 : i32
        %dma_wait3A_48 = arith.constant 0 : i32
        %dma_wait3A_49 = tpu.memref_slice %arg13[%dma_wait3A_47, %dma_wait3A_48] : memref<10128x128xf32, #tpu.memory_space<vmem_shared>> -> memref<16x128xf32, #tpu.memory_space<vmem_shared>>
        tpu.wait_dma2 semaphore(%run_scoped3A : memref<!tpu.dma_semaphore, #tpu.memory_space<semaphore_mem>>) src(%dma_wait3A_49 : memref<16x128xf32, #tpu.memory_space<vmem_shared>>) dst(%dma_wait3A_46 : memref<16x128xf32, #tpu.memory_space<hbm>>)
        tpu.yield
      }) : () -> ()
    } else {
    }
    return
  }
}

#map = affine_map<(d0, d1) -> (0, 0)>
#map1 = affine_map<(d0, d1) -> (0, 0, 0)>
module attributes {stable_mosaic.version = 14 : i64} {
  func.func @_sc_aggregate(%arg0: i32, %arg1: i32, %arg2: memref<10000x128xf32, #tpu.memory_space<hbm>>, %arg3: memref<320x8x128xi32, #tpu.memory_space<hbm>>, %arg4: memref<320x8x128xi32, #tpu.memory_space<hbm>>, %arg5: memref<624x128xf32, #tpu.memory_space<hbm>>, %arg6: memref<2x10000x128xf32, #tpu.memory_space<hbm>>, %arg7: memref<8x128xi32, #tpu.memory_space<vmem>>, %arg8: memref<8x128xi32, #tpu.memory_space<vmem>>, %arg9: memref<8x128xi32, #tpu.memory_space<vmem>>, %arg10: memref<8x128xi32, #tpu.memory_space<vmem>>, %arg11: memref<128x128xf32, #tpu.memory_space<vmem>>, %arg12: memref<128x128xf32, #tpu.memory_space<vmem>>, %arg13: memref<10128x128xf32, #tpu.memory_space<vmem_shared>>, %arg14: memref<!tpu.dma_semaphore, #tpu.memory_space<semaphore_mem>>, %arg15: memref<!tpu.dma_semaphore, #tpu.memory_space<semaphore_mem>>, %arg16: memref<!tpu.dma_semaphore, #tpu.memory_space<semaphore_mem>>) attributes {dimension_semantics = [#tpu.dimension_semantics<core_parallel>, #tpu.dimension_semantics<subcore_parallel>], iteration_bounds = array<i64: 2, 16>, scalar_prefetch = 0 : i64, scratch_operands = 10 : i64, tpu.core_type = #tpu.core_type<sc_vector_subcore>, window_params = [{transform_indices = #map}, {transform_indices = #map1}, {transform_indices = #map1}, {transform_indices = #map}, {transform_indices = #map1}]} {
    %mul3A = arith.constant 16 : i32
    %mul3A_0 = arith.muli %arg0, %mul3A : i32
    %add3A = arith.addi %mul3A_0, %arg1 : i32
    %mul3A_1 = arith.constant 624 : i32
    %mul3A_2 = arith.muli %arg1, %mul3A_1 : i32
    "tpu.region"() ({
      %run_scoped3A = tpu.sem_alloc : memref<!tpu.dma_semaphore, #tpu.memory_space<semaphore_mem>>
      %dma_start3A_36 = arith.constant 0 : i32
      %dma_start3A_37 = tpu.memref_slice %arg13[%mul3A_2, %dma_start3A_36] : memref<10128x128xf32, #tpu.memory_space<vmem_shared>> -> memref<624x128xf32, #tpu.memory_space<vmem_shared>>
      tpu.enqueue_dma source(%arg5 : memref<624x128xf32, #tpu.memory_space<hbm>>) target(%dma_start3A_37 : memref<624x128xf32, #tpu.memory_space<vmem_shared>>) target_semaphore(%run_scoped3A : memref<!tpu.dma_semaphore, #tpu.memory_space<semaphore_mem>>)
      %dma_wait3A_38 = arith.constant 0 : i32
      %dma_wait3A_39 = tpu.memref_slice %arg13[%mul3A_2, %dma_wait3A_38] : memref<10128x128xf32, #tpu.memory_space<vmem_shared>> -> memref<624x128xf32, #tpu.memory_space<vmem_shared>>
      tpu.wait_dma2 semaphore(%run_scoped3A : memref<!tpu.dma_semaphore, #tpu.memory_space<semaphore_mem>>) src(%arg5 : memref<624x128xf32, #tpu.memory_space<hbm>>) dst(%dma_wait3A_39 : memref<624x128xf32, #tpu.memory_space<vmem_shared>>)
      tpu.yield
    }) : () -> ()
    %eq3A = arith.constant 15 : i32
    %eq3A_3 = arith.cmpi eq, %arg1, %eq3A : i32
    %convert_element_type3A = arith.extui %eq3A_3 : i1 to i32
    %cond3A = arith.constant 0 : i32
    %cond3A_4 = arith.cmpi ne, %convert_element_type3A, %cond3A : i32
    scf.if %cond3A_4 {
      "tpu.region"() ({
        %run_scoped3A = tpu.sem_alloc : memref<!tpu.dma_semaphore, #tpu.memory_space<semaphore_mem>>
        %dma_start3A_36 = arith.constant 9984 : i32
        %dma_start3A_37 = arith.constant 0 : i32
        %dma_start3A_38 = tpu.memref_slice %arg13[%dma_start3A_36, %dma_start3A_37] : memref<10128x128xf32, #tpu.memory_space<vmem_shared>> -> memref<144x128xf32, #tpu.memory_space<vmem_shared>>
        %dma_start3A_39 = arith.constant 0 : i32
        %dma_start3A_40 = arith.constant 0 : i32
        %dma_start3A_41 = tpu.memref_slice %arg5[%dma_start3A_39, %dma_start3A_40] : memref<624x128xf32, #tpu.memory_space<hbm>> -> memref<144x128xf32, #tpu.memory_space<hbm>>
        tpu.enqueue_dma source(%dma_start3A_41 : memref<144x128xf32, #tpu.memory_space<hbm>>) target(%dma_start3A_38 : memref<144x128xf32, #tpu.memory_space<vmem_shared>>) target_semaphore(%run_scoped3A : memref<!tpu.dma_semaphore, #tpu.memory_space<semaphore_mem>>)
        %dma_wait3A_42 = arith.constant 9984 : i32
        %dma_wait3A_43 = arith.constant 0 : i32
        %dma_wait3A_44 = tpu.memref_slice %arg13[%dma_wait3A_42, %dma_wait3A_43] : memref<10128x128xf32, #tpu.memory_space<vmem_shared>> -> memref<144x128xf32, #tpu.memory_space<vmem_shared>>
        %dma_wait3A_45 = arith.constant 0 : i32
        %dma_wait3A_46 = arith.constant 0 : i32
        %dma_wait3A_47 = tpu.memref_slice %arg5[%dma_wait3A_45, %dma_wait3A_46] : memref<624x128xf32, #tpu.memory_space<hbm>> -> memref<144x128xf32, #tpu.memory_space<hbm>>
        tpu.wait_dma2 semaphore(%run_scoped3A : memref<!tpu.dma_semaphore, #tpu.memory_space<semaphore_mem>>) src(%dma_wait3A_47 : memref<144x128xf32, #tpu.memory_space<hbm>>) dst(%dma_wait3A_44 : memref<144x128xf32, #tpu.memory_space<vmem_shared>>)
        tpu.yield
      }) : () -> ()
    } else {
    }
    %mul3A_5 = arith.constant 10 : i32
    %mul3A_6 = arith.muli %add3A, %mul3A_5 : i32
    "tpu.region"() ({
      %run_scoped3A = tpu.sem_alloc : memref<!tpu.dma_semaphore, #tpu.memory_space<semaphore_mem>>
      %dma_start3A_36 = arith.constant 0 : i32
      %dma_start3A_37 = arith.constant 0 : i32
      %dma_start3A_38 = tpu.memref_slice %arg3[%mul3A_6, %dma_start3A_36, %dma_start3A_37] : memref<320x8x128xi32, #tpu.memory_space<hbm>> -> memref<1x8x128xi32, #tpu.memory_space<hbm>>
      %dma_start3A_39 = tpu.memref_squeeze %dma_start3A_38 : memref<1x8x128xi32, #tpu.memory_space<hbm>> -> memref<8x128xi32, #tpu.memory_space<hbm>>
      %dma_start3A_40 = arith.constant 0 : i32
      %dma_start3A_41 = arith.constant 0 : i32
      %dma_start3A_42 = tpu.memref_slice %arg3[%mul3A_6, %dma_start3A_40, %dma_start3A_41] : memref<320x8x128xi32, #tpu.memory_space<hbm>> -> memref<1x8x128xi32, #tpu.memory_space<hbm>>
      %dma_start3A_43 = tpu.memref_squeeze %dma_start3A_42 : memref<1x8x128xi32, #tpu.memory_space<hbm>> -> memref<8x128xi32, #tpu.memory_space<hbm>>
      tpu.enqueue_dma source(%dma_start3A_43 : memref<8x128xi32, #tpu.memory_space<hbm>>) target(%arg7 : memref<8x128xi32, #tpu.memory_space<vmem>>) target_semaphore(%run_scoped3A : memref<!tpu.dma_semaphore, #tpu.memory_space<semaphore_mem>>)
      %dma_wait3A_44 = arith.constant 0 : i32
      %dma_wait3A_45 = arith.constant 0 : i32
      %dma_wait3A_46 = tpu.memref_slice %arg3[%mul3A_6, %dma_wait3A_44, %dma_wait3A_45] : memref<320x8x128xi32, #tpu.memory_space<hbm>> -> memref<1x8x128xi32, #tpu.memory_space<hbm>>
      %dma_wait3A_47 = tpu.memref_squeeze %dma_wait3A_46 : memref<1x8x128xi32, #tpu.memory_space<hbm>> -> memref<8x128xi32, #tpu.memory_space<hbm>>
      %dma_wait3A_48 = arith.constant 0 : i32
      %dma_wait3A_49 = arith.constant 0 : i32
      %dma_wait3A_50 = tpu.memref_slice %arg3[%mul3A_6, %dma_wait3A_48, %dma_wait3A_49] : memref<320x8x128xi32, #tpu.memory_space<hbm>> -> memref<1x8x128xi32, #tpu.memory_space<hbm>>
      %dma_wait3A_51 = tpu.memref_squeeze %dma_wait3A_50 : memref<1x8x128xi32, #tpu.memory_space<hbm>> -> memref<8x128xi32, #tpu.memory_space<hbm>>
      tpu.wait_dma2 semaphore(%run_scoped3A : memref<!tpu.dma_semaphore, #tpu.memory_space<semaphore_mem>>) src(%dma_wait3A_51 : memref<8x128xi32, #tpu.memory_space<hbm>>) dst(%arg7 : memref<8x128xi32, #tpu.memory_space<vmem>>)
      tpu.yield
    }) : () -> ()
    %mul3A_7 = arith.constant 10 : i32
    %mul3A_8 = arith.muli %add3A, %mul3A_7 : i32
    "tpu.region"() ({
      %run_scoped3A = tpu.sem_alloc : memref<!tpu.dma_semaphore, #tpu.memory_space<semaphore_mem>>
      %dma_start3A_36 = arith.constant 0 : i32
      %dma_start3A_37 = arith.constant 0 : i32
      %dma_start3A_38 = tpu.memref_slice %arg4[%mul3A_8, %dma_start3A_36, %dma_start3A_37] : memref<320x8x128xi32, #tpu.memory_space<hbm>> -> memref<1x8x128xi32, #tpu.memory_space<hbm>>
      %dma_start3A_39 = tpu.memref_squeeze %dma_start3A_38 : memref<1x8x128xi32, #tpu.memory_space<hbm>> -> memref<8x128xi32, #tpu.memory_space<hbm>>
      %dma_start3A_40 = arith.constant 0 : i32
      %dma_start3A_41 = arith.constant 0 : i32
      %dma_start3A_42 = tpu.memref_slice %arg4[%mul3A_8, %dma_start3A_40, %dma_start3A_41] : memref<320x8x128xi32, #tpu.memory_space<hbm>> -> memref<1x8x128xi32, #tpu.memory_space<hbm>>
      %dma_start3A_43 = tpu.memref_squeeze %dma_start3A_42 : memref<1x8x128xi32, #tpu.memory_space<hbm>> -> memref<8x128xi32, #tpu.memory_space<hbm>>
      tpu.enqueue_dma source(%dma_start3A_43 : memref<8x128xi32, #tpu.memory_space<hbm>>) target(%arg9 : memref<8x128xi32, #tpu.memory_space<vmem>>) target_semaphore(%run_scoped3A : memref<!tpu.dma_semaphore, #tpu.memory_space<semaphore_mem>>)
      %dma_wait3A_44 = arith.constant 0 : i32
      %dma_wait3A_45 = arith.constant 0 : i32
      %dma_wait3A_46 = tpu.memref_slice %arg4[%mul3A_8, %dma_wait3A_44, %dma_wait3A_45] : memref<320x8x128xi32, #tpu.memory_space<hbm>> -> memref<1x8x128xi32, #tpu.memory_space<hbm>>
      %dma_wait3A_47 = tpu.memref_squeeze %dma_wait3A_46 : memref<1x8x128xi32, #tpu.memory_space<hbm>> -> memref<8x128xi32, #tpu.memory_space<hbm>>
      %dma_wait3A_48 = arith.constant 0 : i32
      %dma_wait3A_49 = arith.constant 0 : i32
      %dma_wait3A_50 = tpu.memref_slice %arg4[%mul3A_8, %dma_wait3A_48, %dma_wait3A_49] : memref<320x8x128xi32, #tpu.memory_space<hbm>> -> memref<1x8x128xi32, #tpu.memory_space<hbm>>
      %dma_wait3A_51 = tpu.memref_squeeze %dma_wait3A_50 : memref<1x8x128xi32, #tpu.memory_space<hbm>> -> memref<8x128xi32, #tpu.memory_space<hbm>>
      tpu.wait_dma2 semaphore(%run_scoped3A : memref<!tpu.dma_semaphore, #tpu.memory_space<semaphore_mem>>) src(%dma_wait3A_51 : memref<8x128xi32, #tpu.memory_space<hbm>>) dst(%arg9 : memref<8x128xi32, #tpu.memory_space<vmem>>)
      tpu.yield
    }) : () -> ()
    %barrier3A = arith.constant 0 : index
    tpu.barrier barrier_id(%barrier3A)
    %dma_start3A = arith.constant 0 : i32
    %dma_start3A_9 = arith.constant 0 : i32
    %dma_start3A_10 = tpu.memref_slice %arg7[%dma_start3A, %dma_start3A_9] : memref<8x128xi32, #tpu.memory_space<vmem>> -> memref<1x128xi32, #tpu.memory_space<vmem>>
    %dma_start3A_11 = tpu.memref_squeeze %dma_start3A_10 : memref<1x128xi32, #tpu.memory_space<vmem>> -> memref<128xi32, #tpu.memory_space<vmem>>
    %dma_start3A_12 = arith.constant 0 : i32
    %dma_start3A_13 = arith.constant 0 : i32
    %dma_start3A_14 = tpu.memref_slice %arg2[%dma_start3A_12, %dma_start3A_13] : memref<10000x128xf32, #tpu.memory_space<hbm>> -> memref<10000x128xf32, #tpu.memory_space<hbm>>
    tpu.enqueue_indirect_dma source(%dma_start3A_14 : memref<10000x128xf32, #tpu.memory_space<hbm>>) target(%arg11 : memref<128x128xf32, #tpu.memory_space<vmem>>) offsets(%dma_start3A_11 : memref<128xi32, #tpu.memory_space<vmem>>) semaphore(%arg14 : memref<!tpu.dma_semaphore, #tpu.memory_space<semaphore_mem>>)
    %scan3A = arith.constant 0 : i32
    %scan3A_15 = arith.constant 0 : i32
    %scan3A_16 = arith.constant 5 : i32
    %scan3A_17 = arith.addi %scan3A_15, %scan3A_16 : i32
    %scan3A_18 = arith.constant 1 : i32
    scf.for %scan3A_36 = %scan3A_15 to %scan3A_17 step %scan3A_18  : i32 {
      %mul3A_37 = arith.constant 2 : i32
      %mul3A_38 = arith.muli %mul3A_37, %scan3A_36 : i32
      %mul3A_39 = arith.constant 10 : i32
      %mul3A_40 = arith.muli %add3A, %mul3A_39 : i32
      %add3A_41 = arith.addi %mul3A_40, %mul3A_38 : i32
      %add3A_42 = arith.constant 1 : i32
      %add3A_43 = arith.addi %add3A_41, %add3A_42 : i32
      %dma_start3A_44 = arith.constant 0 : i32
      %dma_start3A_45 = arith.constant 0 : i32
      %dma_start3A_46 = tpu.memref_slice %arg3[%add3A_43, %dma_start3A_44, %dma_start3A_45] : memref<320x8x128xi32, #tpu.memory_space<hbm>> -> memref<1x8x128xi32, #tpu.memory_space<hbm>>
      %dma_start3A_47 = tpu.memref_squeeze %dma_start3A_46 : memref<1x8x128xi32, #tpu.memory_space<hbm>> -> memref<8x128xi32, #tpu.memory_space<hbm>>
      %dma_start3A_48 = arith.constant 0 : i32
      %dma_start3A_49 = arith.constant 0 : i32
      %dma_start3A_50 = tpu.memref_slice %arg3[%add3A_43, %dma_start3A_48, %dma_start3A_49] : memref<320x8x128xi32, #tpu.memory_space<hbm>> -> memref<1x8x128xi32, #tpu.memory_space<hbm>>
      %dma_start3A_51 = tpu.memref_squeeze %dma_start3A_50 : memref<1x8x128xi32, #tpu.memory_space<hbm>> -> memref<8x128xi32, #tpu.memory_space<hbm>>
      tpu.enqueue_dma source(%dma_start3A_51 : memref<8x128xi32, #tpu.memory_space<hbm>>) target(%arg8 : memref<8x128xi32, #tpu.memory_space<vmem>>) target_semaphore(%arg16 : memref<!tpu.dma_semaphore, #tpu.memory_space<semaphore_mem>>)
      %dma_start3A_52 = arith.constant 0 : i32
      %dma_start3A_53 = arith.constant 0 : i32
      %dma_start3A_54 = tpu.memref_slice %arg4[%add3A_43, %dma_start3A_52, %dma_start3A_53] : memref<320x8x128xi32, #tpu.memory_space<hbm>> -> memref<1x8x128xi32, #tpu.memory_space<hbm>>
      %dma_start3A_55 = tpu.memref_squeeze %dma_start3A_54 : memref<1x8x128xi32, #tpu.memory_space<hbm>> -> memref<8x128xi32, #tpu.memory_space<hbm>>
      %dma_start3A_56 = arith.constant 0 : i32
      %dma_start3A_57 = arith.constant 0 : i32
      %dma_start3A_58 = tpu.memref_slice %arg4[%add3A_43, %dma_start3A_56, %dma_start3A_57] : memref<320x8x128xi32, #tpu.memory_space<hbm>> -> memref<1x8x128xi32, #tpu.memory_space<hbm>>
      %dma_start3A_59 = tpu.memref_squeeze %dma_start3A_58 : memref<1x8x128xi32, #tpu.memory_space<hbm>> -> memref<8x128xi32, #tpu.memory_space<hbm>>
      tpu.enqueue_dma source(%dma_start3A_59 : memref<8x128xi32, #tpu.memory_space<hbm>>) target(%arg10 : memref<8x128xi32, #tpu.memory_space<vmem>>) target_semaphore(%arg16 : memref<!tpu.dma_semaphore, #tpu.memory_space<semaphore_mem>>)
      %dma_start3A_60 = arith.constant 1 : i32
      %dma_start3A_61 = arith.constant 0 : i32
      %dma_start3A_62 = tpu.memref_slice %arg7[%dma_start3A_60, %dma_start3A_61] : memref<8x128xi32, #tpu.memory_space<vmem>> -> memref<1x128xi32, #tpu.memory_space<vmem>>
      %dma_start3A_63 = tpu.memref_squeeze %dma_start3A_62 : memref<1x128xi32, #tpu.memory_space<vmem>> -> memref<128xi32, #tpu.memory_space<vmem>>
      %dma_start3A_64 = arith.constant 0 : i32
      %dma_start3A_65 = arith.constant 0 : i32
      %dma_start3A_66 = tpu.memref_slice %arg2[%dma_start3A_64, %dma_start3A_65] : memref<10000x128xf32, #tpu.memory_space<hbm>> -> memref<10000x128xf32, #tpu.memory_space<hbm>>
      tpu.enqueue_indirect_dma source(%dma_start3A_66 : memref<10000x128xf32, #tpu.memory_space<hbm>>) target(%arg12 : memref<128x128xf32, #tpu.memory_space<vmem>>) offsets(%dma_start3A_63 : memref<128xi32, #tpu.memory_space<vmem>>) semaphore(%arg15 : memref<!tpu.dma_semaphore, #tpu.memory_space<semaphore_mem>>)
      %dma_wait3A_67 = arith.constant 0 : i32
      %dma_wait3A_68 = arith.constant 0 : i32
      %dma_wait3A_69 = tpu.memref_slice %arg7[%dma_wait3A_67, %dma_wait3A_68] : memref<8x128xi32, #tpu.memory_space<vmem>> -> memref<1x128xi32, #tpu.memory_space<vmem>>
      %dma_wait3A_70 = tpu.memref_squeeze %dma_wait3A_69 : memref<1x128xi32, #tpu.memory_space<vmem>> -> memref<128xi32, #tpu.memory_space<vmem>>
      %dma_wait3A_71 = arith.constant 0 : i32
      %dma_wait3A_72 = arith.constant 0 : i32
      %dma_wait3A_73 = tpu.memref_slice %arg2[%dma_wait3A_71, %dma_wait3A_72] : memref<10000x128xf32, #tpu.memory_space<hbm>> -> memref<10000x128xf32, #tpu.memory_space<hbm>>
      tpu.wait_indirect_dma semaphore(%arg14 : memref<!tpu.dma_semaphore, #tpu.memory_space<semaphore_mem>>) src(%dma_wait3A_73 : memref<10000x128xf32, #tpu.memory_space<hbm>>) dst(%arg11 : memref<128x128xf32, #tpu.memory_space<vmem>>)
      %run_scoped3A = arith.constant 0 : i32
      "tpu.region"() ({
        %run_scoped3A_353 = tpu.sem_alloc : memref<!tpu.dma_semaphore, #tpu.memory_space<semaphore_mem>>
        %dma_start3A_354 = arith.constant 0 : i32
        %dma_start3A_355 = tpu.memref_slice %arg9[%run_scoped3A, %dma_start3A_354] : memref<8x128xi32, #tpu.memory_space<vmem>> -> memref<1x128xi32, #tpu.memory_space<vmem>>
        %dma_start3A_356 = tpu.memref_squeeze %dma_start3A_355 : memref<1x128xi32, #tpu.memory_space<vmem>> -> memref<128xi32, #tpu.memory_space<vmem>>
        %dma_start3A_357 = arith.constant 0 : i32
        %dma_start3A_358 = arith.constant 0 : i32
        %dma_start3A_359 = tpu.memref_slice %arg13[%dma_start3A_357, %dma_start3A_358] : memref<10128x128xf32, #tpu.memory_space<vmem_shared>> -> memref<10128x128xf32, #tpu.memory_space<vmem_shared>>
        tpu.enqueue_indirect_dma source(%arg11 : memref<128x128xf32, #tpu.memory_space<vmem>>) target(%dma_start3A_359 : memref<10128x128xf32, #tpu.memory_space<vmem_shared>>) offsets(%dma_start3A_356 : memref<128xi32, #tpu.memory_space<vmem>>) semaphore(%run_scoped3A_353 : memref<!tpu.dma_semaphore, #tpu.memory_space<semaphore_mem>>) {add = true}
        %dma_wait3A_360 = arith.constant 0 : i32
        %dma_wait3A_361 = tpu.memref_slice %arg9[%run_scoped3A, %dma_wait3A_360] : memref<8x128xi32, #tpu.memory_space<vmem>> -> memref<1x128xi32, #tpu.memory_space<vmem>>
        %dma_wait3A_362 = tpu.memref_squeeze %dma_wait3A_361 : memref<1x128xi32, #tpu.memory_space<vmem>> -> memref<128xi32, #tpu.memory_space<vmem>>
        %dma_wait3A_363 = arith.constant 0 : i32
        %dma_wait3A_364 = arith.constant 0 : i32
        %dma_wait3A_365 = tpu.memref_slice %arg13[%dma_wait3A_363, %dma_wait3A_364] : memref<10128x128xf32, #tpu.memory_space<vmem_shared>> -> memref<10128x128xf32, #tpu.memory_space<vmem_shared>>
        tpu.wait_indirect_dma semaphore(%run_scoped3A_353 : memref<!tpu.dma_semaphore, #tpu.memory_space<semaphore_mem>>) src(%arg11 : memref<128x128xf32, #tpu.memory_space<vmem>>) dst(%dma_wait3A_365 : memref<10128x128xf32, #tpu.memory_space<vmem_shared>>)
        tpu.yield
      }) : () -> ()
      %dma_start3A_74 = arith.constant 2 : i32
      %dma_start3A_75 = arith.constant 0 : i32
      %dma_start3A_76 = tpu.memref_slice %arg7[%dma_start3A_74, %dma_start3A_75] : memref<8x128xi32, #tpu.memory_space<vmem>> -> memref<1x128xi32, #tpu.memory_space<vmem>>
      %dma_start3A_77 = tpu.memref_squeeze %dma_start3A_76 : memref<1x128xi32, #tpu.memory_space<vmem>> -> memref<128xi32, #tpu.memory_space<vmem>>
      %dma_start3A_78 = arith.constant 0 : i32
      %dma_start3A_79 = arith.constant 0 : i32
      %dma_start3A_80 = tpu.memref_slice %arg2[%dma_start3A_78, %dma_start3A_79] : memref<10000x128xf32, #tpu.memory_space<hbm>> -> memref<10000x128xf32, #tpu.memory_space<hbm>>
      tpu.enqueue_indirect_dma source(%dma_start3A_80 : memref<10000x128xf32, #tpu.memory_space<hbm>>) target(%arg11 : memref<128x128xf32, #tpu.memory_space<vmem>>) offsets(%dma_start3A_77 : memref<128xi32, #tpu.memory_space<vmem>>) semaphore(%arg14 : memref<!tpu.dma_semaphore, #tpu.memory_space<semaphore_mem>>)
      %dma_wait3A_81 = arith.constant 1 : i32
      %dma_wait3A_82 = arith.constant 0 : i32
      %dma_wait3A_83 = tpu.memref_slice %arg7[%dma_wait3A_81, %dma_wait3A_82] : memref<8x128xi32, #tpu.memory_space<vmem>> -> memref<1x128xi32, #tpu.memory_space<vmem>>
      %dma_wait3A_84 = tpu.memref_squeeze %dma_wait3A_83 : memref<1x128xi32, #tpu.memory_space<vmem>> -> memref<128xi32, #tpu.memory_space<vmem>>
      %dma_wait3A_85 = arith.constant 0 : i32
      %dma_wait3A_86 = arith.constant 0 : i32
      %dma_wait3A_87 = tpu.memref_slice %arg2[%dma_wait3A_85, %dma_wait3A_86] : memref<10000x128xf32, #tpu.memory_space<hbm>> -> memref<10000x128xf32, #tpu.memory_space<hbm>>
      tpu.wait_indirect_dma semaphore(%arg15 : memref<!tpu.dma_semaphore, #tpu.memory_space<semaphore_mem>>) src(%dma_wait3A_87 : memref<10000x128xf32, #tpu.memory_space<hbm>>) dst(%arg12 : memref<128x128xf32, #tpu.memory_space<vmem>>)
      %run_scoped3A_88 = arith.constant 1 : i32
      "tpu.region"() ({
        %run_scoped3A_353 = tpu.sem_alloc : memref<!tpu.dma_semaphore, #tpu.memory_space<semaphore_mem>>
        %dma_start3A_354 = arith.constant 0 : i32
        %dma_start3A_355 = tpu.memref_slice %arg9[%run_scoped3A_88, %dma_start3A_354] : memref<8x128xi32, #tpu.memory_space<vmem>> -> memref<1x128xi32, #tpu.memory_space<vmem>>
        %dma_start3A_356 = tpu.memref_squeeze %dma_start3A_355 : memref<1x128xi32, #tpu.memory_space<vmem>> -> memref<128xi32, #tpu.memory_space<vmem>>
        %dma_start3A_357 = arith.constant 0 : i32
        %dma_start3A_358 = arith.constant 0 : i32
        %dma_start3A_359 = tpu.memref_slice %arg13[%dma_start3A_357, %dma_start3A_358] : memref<10128x128xf32, #tpu.memory_space<vmem_shared>> -> memref<10128x128xf32, #tpu.memory_space<vmem_shared>>
        tpu.enqueue_indirect_dma source(%arg12 : memref<128x128xf32, #tpu.memory_space<vmem>>) target(%dma_start3A_359 : memref<10128x128xf32, #tpu.memory_space<vmem_shared>>) offsets(%dma_start3A_356 : memref<128xi32, #tpu.memory_space<vmem>>) semaphore(%run_scoped3A_353 : memref<!tpu.dma_semaphore, #tpu.memory_space<semaphore_mem>>) {add = true}
        %dma_wait3A_360 = arith.constant 0 : i32
        %dma_wait3A_361 = tpu.memref_slice %arg9[%run_scoped3A_88, %dma_wait3A_360] : memref<8x128xi32, #tpu.memory_space<vmem>> -> memref<1x128xi32, #tpu.memory_space<vmem>>
        %dma_wait3A_362 = tpu.memref_squeeze %dma_wait3A_361 : memref<1x128xi32, #tpu.memory_space<vmem>> -> memref<128xi32, #tpu.memory_space<vmem>>
        %dma_wait3A_363 = arith.constant 0 : i32
        %dma_wait3A_364 = arith.constant 0 : i32
        %dma_wait3A_365 = tpu.memref_slice %arg13[%dma_wait3A_363, %dma_wait3A_364] : memref<10128x128xf32, #tpu.memory_space<vmem_shared>> -> memref<10128x128xf32, #tpu.memory_space<vmem_shared>>
        tpu.wait_indirect_dma semaphore(%run_scoped3A_353 : memref<!tpu.dma_semaphore, #tpu.memory_space<semaphore_mem>>) src(%arg12 : memref<128x128xf32, #tpu.memory_space<vmem>>) dst(%dma_wait3A_365 : memref<10128x128xf32, #tpu.memory_space<vmem_shared>>)
        tpu.yield
      }) : () -> ()
      %dma_start3A_89 = arith.constant 3 : i32
      %dma_start3A_90 = arith.constant 0 : i32
      %dma_start3A_91 = tpu.memref_slice %arg7[%dma_start3A_89, %dma_start3A_90] : memref<8x128xi32, #tpu.memory_space<vmem>> -> memref<1x128xi32, #tpu.memory_space<vmem>>
      %dma_start3A_92 = tpu.memref_squeeze %dma_start3A_91 : memref<1x128xi32, #tpu.memory_space<vmem>> -> memref<128xi32, #tpu.memory_space<vmem>>
      %dma_start3A_93 = arith.constant 0 : i32
      %dma_start3A_94 = arith.constant 0 : i32
      %dma_start3A_95 = tpu.memref_slice %arg2[%dma_start3A_93, %dma_start3A_94] : memref<10000x128xf32, #tpu.memory_space<hbm>> -> memref<10000x128xf32, #tpu.memory_space<hbm>>
      tpu.enqueue_indirect_dma source(%dma_start3A_95 : memref<10000x128xf32, #tpu.memory_space<hbm>>) target(%arg12 : memref<128x128xf32, #tpu.memory_space<vmem>>) offsets(%dma_start3A_92 : memref<128xi32, #tpu.memory_space<vmem>>) semaphore(%arg15 : memref<!tpu.dma_semaphore, #tpu.memory_space<semaphore_mem>>)
      %dma_wait3A_96 = arith.constant 2 : i32
      %dma_wait3A_97 = arith.constant 0 : i32
      %dma_wait3A_98 = tpu.memref_slice %arg7[%dma_wait3A_96, %dma_wait3A_97] : memref<8x128xi32, #tpu.memory_space<vmem>> -> memref<1x128xi32, #tpu.memory_space<vmem>>
      %dma_wait3A_99 = tpu.memref_squeeze %dma_wait3A_98 : memref<1x128xi32, #tpu.memory_space<vmem>> -> memref<128xi32, #tpu.memory_space<vmem>>
      %dma_wait3A_100 = arith.constant 0 : i32
      %dma_wait3A_101 = arith.constant 0 : i32
      %dma_wait3A_102 = tpu.memref_slice %arg2[%dma_wait3A_100, %dma_wait3A_101] : memref<10000x128xf32, #tpu.memory_space<hbm>> -> memref<10000x128xf32, #tpu.memory_space<hbm>>
      tpu.wait_indirect_dma semaphore(%arg14 : memref<!tpu.dma_semaphore, #tpu.memory_space<semaphore_mem>>) src(%dma_wait3A_102 : memref<10000x128xf32, #tpu.memory_space<hbm>>) dst(%arg11 : memref<128x128xf32, #tpu.memory_space<vmem>>)
      %run_scoped3A_103 = arith.constant 2 : i32
      "tpu.region"() ({
        %run_scoped3A_353 = tpu.sem_alloc : memref<!tpu.dma_semaphore, #tpu.memory_space<semaphore_mem>>
        %dma_start3A_354 = arith.constant 0 : i32
        %dma_start3A_355 = tpu.memref_slice %arg9[%run_scoped3A_103, %dma_start3A_354] : memref<8x128xi32, #tpu.memory_space<vmem>> -> memref<1x128xi32, #tpu.memory_space<vmem>>
        %dma_start3A_356 = tpu.memref_squeeze %dma_start3A_355 : memref<1x128xi32, #tpu.memory_space<vmem>> -> memref<128xi32, #tpu.memory_space<vmem>>
        %dma_start3A_357 = arith.constant 0 : i32
        %dma_start3A_358 = arith.constant 0 : i32
        %dma_start3A_359 = tpu.memref_slice %arg13[%dma_start3A_357, %dma_start3A_358] : memref<10128x128xf32, #tpu.memory_space<vmem_shared>> -> memref<10128x128xf32, #tpu.memory_space<vmem_shared>>
        tpu.enqueue_indirect_dma source(%arg11 : memref<128x128xf32, #tpu.memory_space<vmem>>) target(%dma_start3A_359 : memref<10128x128xf32, #tpu.memory_space<vmem_shared>>) offsets(%dma_start3A_356 : memref<128xi32, #tpu.memory_space<vmem>>) semaphore(%run_scoped3A_353 : memref<!tpu.dma_semaphore, #tpu.memory_space<semaphore_mem>>) {add = true}
        %dma_wait3A_360 = arith.constant 0 : i32
        %dma_wait3A_361 = tpu.memref_slice %arg9[%run_scoped3A_103, %dma_wait3A_360] : memref<8x128xi32, #tpu.memory_space<vmem>> -> memref<1x128xi32, #tpu.memory_space<vmem>>
        %dma_wait3A_362 = tpu.memref_squeeze %dma_wait3A_361 : memref<1x128xi32, #tpu.memory_space<vmem>> -> memref<128xi32, #tpu.memory_space<vmem>>
        %dma_wait3A_363 = arith.constant 0 : i32
        %dma_wait3A_364 = arith.constant 0 : i32
        %dma_wait3A_365 = tpu.memref_slice %arg13[%dma_wait3A_363, %dma_wait3A_364] : memref<10128x128xf32, #tpu.memory_space<vmem_shared>> -> memref<10128x128xf32, #tpu.memory_space<vmem_shared>>
        tpu.wait_indirect_dma semaphore(%run_scoped3A_353 : memref<!tpu.dma_semaphore, #tpu.memory_space<semaphore_mem>>) src(%arg11 : memref<128x128xf32, #tpu.memory_space<vmem>>) dst(%dma_wait3A_365 : memref<10128x128xf32, #tpu.memory_space<vmem_shared>>)
        tpu.yield
      }) : () -> ()
      %dma_start3A_104 = arith.constant 4 : i32
      %dma_start3A_105 = arith.constant 0 : i32
      %dma_start3A_106 = tpu.memref_slice %arg7[%dma_start3A_104, %dma_start3A_105] : memref<8x128xi32, #tpu.memory_space<vmem>> -> memref<1x128xi32, #tpu.memory_space<vmem>>
      %dma_start3A_107 = tpu.memref_squeeze %dma_start3A_106 : memref<1x128xi32, #tpu.memory_space<vmem>> -> memref<128xi32, #tpu.memory_space<vmem>>
      %dma_start3A_108 = arith.constant 0 : i32
      %dma_start3A_109 = arith.constant 0 : i32
      %dma_start3A_110 = tpu.memref_slice %arg2[%dma_start3A_108, %dma_start3A_109] : memref<10000x128xf32, #tpu.memory_space<hbm>> -> memref<10000x128xf32, #tpu.memory_space<hbm>>
      tpu.enqueue_indirect_dma source(%dma_start3A_110 : memref<10000x128xf32, #tpu.memory_space<hbm>>) target(%arg11 : memref<128x128xf32, #tpu.memory_space<vmem>>) offsets(%dma_start3A_107 : memref<128xi32, #tpu.memory_space<vmem>>) semaphore(%arg14 : memref<!tpu.dma_semaphore, #tpu.memory_space<semaphore_mem>>)
      %dma_wait3A_111 = arith.constant 3 : i32
      %dma_wait3A_112 = arith.constant 0 : i32
      %dma_wait3A_113 = tpu.memref_slice %arg7[%dma_wait3A_111, %dma_wait3A_112] : memref<8x128xi32, #tpu.memory_space<vmem>> -> memref<1x128xi32, #tpu.memory_space<vmem>>
      %dma_wait3A_114 = tpu.memref_squeeze %dma_wait3A_113 : memref<1x128xi32, #tpu.memory_space<vmem>> -> memref<128xi32, #tpu.memory_space<vmem>>
      %dma_wait3A_115 = arith.constant 0 : i32
      %dma_wait3A_116 = arith.constant 0 : i32
      %dma_wait3A_117 = tpu.memref_slice %arg2[%dma_wait3A_115, %dma_wait3A_116] : memref<10000x128xf32, #tpu.memory_space<hbm>> -> memref<10000x128xf32, #tpu.memory_space<hbm>>
      tpu.wait_indirect_dma semaphore(%arg15 : memref<!tpu.dma_semaphore, #tpu.memory_space<semaphore_mem>>) src(%dma_wait3A_117 : memref<10000x128xf32, #tpu.memory_space<hbm>>) dst(%arg12 : memref<128x128xf32, #tpu.memory_space<vmem>>)
      %run_scoped3A_118 = arith.constant 3 : i32
      "tpu.region"() ({
        %run_scoped3A_353 = tpu.sem_alloc : memref<!tpu.dma_semaphore, #tpu.memory_space<semaphore_mem>>
        %dma_start3A_354 = arith.constant 0 : i32
        %dma_start3A_355 = tpu.memref_slice %arg9[%run_scoped3A_118, %dma_start3A_354] : memref<8x128xi32, #tpu.memory_space<vmem>> -> memref<1x128xi32, #tpu.memory_space<vmem>>
        %dma_start3A_356 = tpu.memref_squeeze %dma_start3A_355 : memref<1x128xi32, #tpu.memory_space<vmem>> -> memref<128xi32, #tpu.memory_space<vmem>>
        %dma_start3A_357 = arith.constant 0 : i32
        %dma_start3A_358 = arith.constant 0 : i32
        %dma_start3A_359 = tpu.memref_slice %arg13[%dma_start3A_357, %dma_start3A_358] : memref<10128x128xf32, #tpu.memory_space<vmem_shared>> -> memref<10128x128xf32, #tpu.memory_space<vmem_shared>>
        tpu.enqueue_indirect_dma source(%arg12 : memref<128x128xf32, #tpu.memory_space<vmem>>) target(%dma_start3A_359 : memref<10128x128xf32, #tpu.memory_space<vmem_shared>>) offsets(%dma_start3A_356 : memref<128xi32, #tpu.memory_space<vmem>>) semaphore(%run_scoped3A_353 : memref<!tpu.dma_semaphore, #tpu.memory_space<semaphore_mem>>) {add = true}
        %dma_wait3A_360 = arith.constant 0 : i32
        %dma_wait3A_361 = tpu.memref_slice %arg9[%run_scoped3A_118, %dma_wait3A_360] : memref<8x128xi32, #tpu.memory_space<vmem>> -> memref<1x128xi32, #tpu.memory_space<vmem>>
        %dma_wait3A_362 = tpu.memref_squeeze %dma_wait3A_361 : memref<1x128xi32, #tpu.memory_space<vmem>> -> memref<128xi32, #tpu.memory_space<vmem>>
        %dma_wait3A_363 = arith.constant 0 : i32
        %dma_wait3A_364 = arith.constant 0 : i32
        %dma_wait3A_365 = tpu.memref_slice %arg13[%dma_wait3A_363, %dma_wait3A_364] : memref<10128x128xf32, #tpu.memory_space<vmem_shared>> -> memref<10128x128xf32, #tpu.memory_space<vmem_shared>>
        tpu.wait_indirect_dma semaphore(%run_scoped3A_353 : memref<!tpu.dma_semaphore, #tpu.memory_space<semaphore_mem>>) src(%arg12 : memref<128x128xf32, #tpu.memory_space<vmem>>) dst(%dma_wait3A_365 : memref<10128x128xf32, #tpu.memory_space<vmem_shared>>)
        tpu.yield
      }) : () -> ()
      %dma_start3A_119 = arith.constant 5 : i32
      %dma_start3A_120 = arith.constant 0 : i32
      %dma_start3A_121 = tpu.memref_slice %arg7[%dma_start3A_119, %dma_start3A_120] : memref<8x128xi32, #tpu.memory_space<vmem>> -> memref<1x128xi32, #tpu.memory_space<vmem>>
      %dma_start3A_122 = tpu.memref_squeeze %dma_start3A_121 : memref<1x128xi32, #tpu.memory_space<vmem>> -> memref<128xi32, #tpu.memory_space<vmem>>
      %dma_start3A_123 = arith.constant 0 : i32
      %dma_start3A_124 = arith.constant 0 : i32
      %dma_start3A_125 = tpu.memref_slice %arg2[%dma_start3A_123, %dma_start3A_124] : memref<10000x128xf32, #tpu.memory_space<hbm>> -> memref<10000x128xf32, #tpu.memory_space<hbm>>
      tpu.enqueue_indirect_dma source(%dma_start3A_125 : memref<10000x128xf32, #tpu.memory_space<hbm>>) target(%arg12 : memref<128x128xf32, #tpu.memory_space<vmem>>) offsets(%dma_start3A_122 : memref<128xi32, #tpu.memory_space<vmem>>) semaphore(%arg15 : memref<!tpu.dma_semaphore, #tpu.memory_space<semaphore_mem>>)
      %dma_wait3A_126 = arith.constant 4 : i32
      %dma_wait3A_127 = arith.constant 0 : i32
      %dma_wait3A_128 = tpu.memref_slice %arg7[%dma_wait3A_126, %dma_wait3A_127] : memref<8x128xi32, #tpu.memory_space<vmem>> -> memref<1x128xi32, #tpu.memory_space<vmem>>
      %dma_wait3A_129 = tpu.memref_squeeze %dma_wait3A_128 : memref<1x128xi32, #tpu.memory_space<vmem>> -> memref<128xi32, #tpu.memory_space<vmem>>
      %dma_wait3A_130 = arith.constant 0 : i32
      %dma_wait3A_131 = arith.constant 0 : i32
      %dma_wait3A_132 = tpu.memref_slice %arg2[%dma_wait3A_130, %dma_wait3A_131] : memref<10000x128xf32, #tpu.memory_space<hbm>> -> memref<10000x128xf32, #tpu.memory_space<hbm>>
      tpu.wait_indirect_dma semaphore(%arg14 : memref<!tpu.dma_semaphore, #tpu.memory_space<semaphore_mem>>) src(%dma_wait3A_132 : memref<10000x128xf32, #tpu.memory_space<hbm>>) dst(%arg11 : memref<128x128xf32, #tpu.memory_space<vmem>>)
      %run_scoped3A_133 = arith.constant 4 : i32
      "tpu.region"() ({
        %run_scoped3A_353 = tpu.sem_alloc : memref<!tpu.dma_semaphore, #tpu.memory_space<semaphore_mem>>
        %dma_start3A_354 = arith.constant 0 : i32
        %dma_start3A_355 = tpu.memref_slice %arg9[%run_scoped3A_133, %dma_start3A_354] : memref<8x128xi32, #tpu.memory_space<vmem>> -> memref<1x128xi32, #tpu.memory_space<vmem>>
        %dma_start3A_356 = tpu.memref_squeeze %dma_start3A_355 : memref<1x128xi32, #tpu.memory_space<vmem>> -> memref<128xi32, #tpu.memory_space<vmem>>
        %dma_start3A_357 = arith.constant 0 : i32
        %dma_start3A_358 = arith.constant 0 : i32
        %dma_start3A_359 = tpu.memref_slice %arg13[%dma_start3A_357, %dma_start3A_358] : memref<10128x128xf32, #tpu.memory_space<vmem_shared>> -> memref<10128x128xf32, #tpu.memory_space<vmem_shared>>
        tpu.enqueue_indirect_dma source(%arg11 : memref<128x128xf32, #tpu.memory_space<vmem>>) target(%dma_start3A_359 : memref<10128x128xf32, #tpu.memory_space<vmem_shared>>) offsets(%dma_start3A_356 : memref<128xi32, #tpu.memory_space<vmem>>) semaphore(%run_scoped3A_353 : memref<!tpu.dma_semaphore, #tpu.memory_space<semaphore_mem>>) {add = true}
        %dma_wait3A_360 = arith.constant 0 : i32
        %dma_wait3A_361 = tpu.memref_slice %arg9[%run_scoped3A_133, %dma_wait3A_360] : memref<8x128xi32, #tpu.memory_space<vmem>> -> memref<1x128xi32, #tpu.memory_space<vmem>>
        %dma_wait3A_362 = tpu.memref_squeeze %dma_wait3A_361 : memref<1x128xi32, #tpu.memory_space<vmem>> -> memref<128xi32, #tpu.memory_space<vmem>>
        %dma_wait3A_363 = arith.constant 0 : i32
        %dma_wait3A_364 = arith.constant 0 : i32
        %dma_wait3A_365 = tpu.memref_slice %arg13[%dma_wait3A_363, %dma_wait3A_364] : memref<10128x128xf32, #tpu.memory_space<vmem_shared>> -> memref<10128x128xf32, #tpu.memory_space<vmem_shared>>
        tpu.wait_indirect_dma semaphore(%run_scoped3A_353 : memref<!tpu.dma_semaphore, #tpu.memory_space<semaphore_mem>>) src(%arg11 : memref<128x128xf32, #tpu.memory_space<vmem>>) dst(%dma_wait3A_365 : memref<10128x128xf32, #tpu.memory_space<vmem_shared>>)
        tpu.yield
      }) : () -> ()
      %dma_start3A_134 = arith.constant 6 : i32
      %dma_start3A_135 = arith.constant 0 : i32
      %dma_start3A_136 = tpu.memref_slice %arg7[%dma_start3A_134, %dma_start3A_135] : memref<8x128xi32, #tpu.memory_space<vmem>> -> memref<1x128xi32, #tpu.memory_space<vmem>>
      %dma_start3A_137 = tpu.memref_squeeze %dma_start3A_136 : memref<1x128xi32, #tpu.memory_space<vmem>> -> memref<128xi32, #tpu.memory_space<vmem>>
      %dma_start3A_138 = arith.constant 0 : i32
      %dma_start3A_139 = arith.constant 0 : i32
      %dma_start3A_140 = tpu.memref_slice %arg2[%dma_start3A_138, %dma_start3A_139] : memref<10000x128xf32, #tpu.memory_space<hbm>> -> memref<10000x128xf32, #tpu.memory_space<hbm>>
      tpu.enqueue_indirect_dma source(%dma_start3A_140 : memref<10000x128xf32, #tpu.memory_space<hbm>>) target(%arg11 : memref<128x128xf32, #tpu.memory_space<vmem>>) offsets(%dma_start3A_137 : memref<128xi32, #tpu.memory_space<vmem>>) semaphore(%arg14 : memref<!tpu.dma_semaphore, #tpu.memory_space<semaphore_mem>>)
      %dma_wait3A_141 = arith.constant 5 : i32
      %dma_wait3A_142 = arith.constant 0 : i32
      %dma_wait3A_143 = tpu.memref_slice %arg7[%dma_wait3A_141, %dma_wait3A_142] : memref<8x128xi32, #tpu.memory_space<vmem>> -> memref<1x128xi32, #tpu.memory_space<vmem>>
      %dma_wait3A_144 = tpu.memref_squeeze %dma_wait3A_143 : memref<1x128xi32, #tpu.memory_space<vmem>> -> memref<128xi32, #tpu.memory_space<vmem>>
      %dma_wait3A_145 = arith.constant 0 : i32
      %dma_wait3A_146 = arith.constant 0 : i32
      %dma_wait3A_147 = tpu.memref_slice %arg2[%dma_wait3A_145, %dma_wait3A_146] : memref<10000x128xf32, #tpu.memory_space<hbm>> -> memref<10000x128xf32, #tpu.memory_space<hbm>>
      tpu.wait_indirect_dma semaphore(%arg15 : memref<!tpu.dma_semaphore, #tpu.memory_space<semaphore_mem>>) src(%dma_wait3A_147 : memref<10000x128xf32, #tpu.memory_space<hbm>>) dst(%arg12 : memref<128x128xf32, #tpu.memory_space<vmem>>)
      %run_scoped3A_148 = arith.constant 5 : i32
      "tpu.region"() ({
        %run_scoped3A_353 = tpu.sem_alloc : memref<!tpu.dma_semaphore, #tpu.memory_space<semaphore_mem>>
        %dma_start3A_354 = arith.constant 0 : i32
        %dma_start3A_355 = tpu.memref_slice %arg9[%run_scoped3A_148, %dma_start3A_354] : memref<8x128xi32, #tpu.memory_space<vmem>> -> memref<1x128xi32, #tpu.memory_space<vmem>>
        %dma_start3A_356 = tpu.memref_squeeze %dma_start3A_355 : memref<1x128xi32, #tpu.memory_space<vmem>> -> memref<128xi32, #tpu.memory_space<vmem>>
        %dma_start3A_357 = arith.constant 0 : i32
        %dma_start3A_358 = arith.constant 0 : i32
        %dma_start3A_359 = tpu.memref_slice %arg13[%dma_start3A_357, %dma_start3A_358] : memref<10128x128xf32, #tpu.memory_space<vmem_shared>> -> memref<10128x128xf32, #tpu.memory_space<vmem_shared>>
        tpu.enqueue_indirect_dma source(%arg12 : memref<128x128xf32, #tpu.memory_space<vmem>>) target(%dma_start3A_359 : memref<10128x128xf32, #tpu.memory_space<vmem_shared>>) offsets(%dma_start3A_356 : memref<128xi32, #tpu.memory_space<vmem>>) semaphore(%run_scoped3A_353 : memref<!tpu.dma_semaphore, #tpu.memory_space<semaphore_mem>>) {add = true}
        %dma_wait3A_360 = arith.constant 0 : i32
        %dma_wait3A_361 = tpu.memref_slice %arg9[%run_scoped3A_148, %dma_wait3A_360] : memref<8x128xi32, #tpu.memory_space<vmem>> -> memref<1x128xi32, #tpu.memory_space<vmem>>
        %dma_wait3A_362 = tpu.memref_squeeze %dma_wait3A_361 : memref<1x128xi32, #tpu.memory_space<vmem>> -> memref<128xi32, #tpu.memory_space<vmem>>
        %dma_wait3A_363 = arith.constant 0 : i32
        %dma_wait3A_364 = arith.constant 0 : i32
        %dma_wait3A_365 = tpu.memref_slice %arg13[%dma_wait3A_363, %dma_wait3A_364] : memref<10128x128xf32, #tpu.memory_space<vmem_shared>> -> memref<10128x128xf32, #tpu.memory_space<vmem_shared>>
        tpu.wait_indirect_dma semaphore(%run_scoped3A_353 : memref<!tpu.dma_semaphore, #tpu.memory_space<semaphore_mem>>) src(%arg12 : memref<128x128xf32, #tpu.memory_space<vmem>>) dst(%dma_wait3A_365 : memref<10128x128xf32, #tpu.memory_space<vmem_shared>>)
        tpu.yield
      }) : () -> ()
      %dma_start3A_149 = arith.constant 7 : i32
      %dma_start3A_150 = arith.constant 0 : i32
      %dma_start3A_151 = tpu.memref_slice %arg7[%dma_start3A_149, %dma_start3A_150] : memref<8x128xi32, #tpu.memory_space<vmem>> -> memref<1x128xi32, #tpu.memory_space<vmem>>
      %dma_start3A_152 = tpu.memref_squeeze %dma_start3A_151 : memref<1x128xi32, #tpu.memory_space<vmem>> -> memref<128xi32, #tpu.memory_space<vmem>>
      %dma_start3A_153 = arith.constant 0 : i32
      %dma_start3A_154 = arith.constant 0 : i32
      %dma_start3A_155 = tpu.memref_slice %arg2[%dma_start3A_153, %dma_start3A_154] : memref<10000x128xf32, #tpu.memory_space<hbm>> -> memref<10000x128xf32, #tpu.memory_space<hbm>>
      tpu.enqueue_indirect_dma source(%dma_start3A_155 : memref<10000x128xf32, #tpu.memory_space<hbm>>) target(%arg12 : memref<128x128xf32, #tpu.memory_space<vmem>>) offsets(%dma_start3A_152 : memref<128xi32, #tpu.memory_space<vmem>>) semaphore(%arg15 : memref<!tpu.dma_semaphore, #tpu.memory_space<semaphore_mem>>)
      %dma_wait3A_156 = arith.constant 6 : i32
      %dma_wait3A_157 = arith.constant 0 : i32
      %dma_wait3A_158 = tpu.memref_slice %arg7[%dma_wait3A_156, %dma_wait3A_157] : memref<8x128xi32, #tpu.memory_space<vmem>> -> memref<1x128xi32, #tpu.memory_space<vmem>>
      %dma_wait3A_159 = tpu.memref_squeeze %dma_wait3A_158 : memref<1x128xi32, #tpu.memory_space<vmem>> -> memref<128xi32, #tpu.memory_space<vmem>>
      %dma_wait3A_160 = arith.constant 0 : i32
      %dma_wait3A_161 = arith.constant 0 : i32
      %dma_wait3A_162 = tpu.memref_slice %arg2[%dma_wait3A_160, %dma_wait3A_161] : memref<10000x128xf32, #tpu.memory_space<hbm>> -> memref<10000x128xf32, #tpu.memory_space<hbm>>
      tpu.wait_indirect_dma semaphore(%arg14 : memref<!tpu.dma_semaphore, #tpu.memory_space<semaphore_mem>>) src(%dma_wait3A_162 : memref<10000x128xf32, #tpu.memory_space<hbm>>) dst(%arg11 : memref<128x128xf32, #tpu.memory_space<vmem>>)
      %run_scoped3A_163 = arith.constant 6 : i32
      "tpu.region"() ({
        %run_scoped3A_353 = tpu.sem_alloc : memref<!tpu.dma_semaphore, #tpu.memory_space<semaphore_mem>>
        %dma_start3A_354 = arith.constant 0 : i32
        %dma_start3A_355 = tpu.memref_slice %arg9[%run_scoped3A_163, %dma_start3A_354] : memref<8x128xi32, #tpu.memory_space<vmem>> -> memref<1x128xi32, #tpu.memory_space<vmem>>
        %dma_start3A_356 = tpu.memref_squeeze %dma_start3A_355 : memref<1x128xi32, #tpu.memory_space<vmem>> -> memref<128xi32, #tpu.memory_space<vmem>>
        %dma_start3A_357 = arith.constant 0 : i32
        %dma_start3A_358 = arith.constant 0 : i32
        %dma_start3A_359 = tpu.memref_slice %arg13[%dma_start3A_357, %dma_start3A_358] : memref<10128x128xf32, #tpu.memory_space<vmem_shared>> -> memref<10128x128xf32, #tpu.memory_space<vmem_shared>>
        tpu.enqueue_indirect_dma source(%arg11 : memref<128x128xf32, #tpu.memory_space<vmem>>) target(%dma_start3A_359 : memref<10128x128xf32, #tpu.memory_space<vmem_shared>>) offsets(%dma_start3A_356 : memref<128xi32, #tpu.memory_space<vmem>>) semaphore(%run_scoped3A_353 : memref<!tpu.dma_semaphore, #tpu.memory_space<semaphore_mem>>) {add = true}
        %dma_wait3A_360 = arith.constant 0 : i32
        %dma_wait3A_361 = tpu.memref_slice %arg9[%run_scoped3A_163, %dma_wait3A_360] : memref<8x128xi32, #tpu.memory_space<vmem>> -> memref<1x128xi32, #tpu.memory_space<vmem>>
        %dma_wait3A_362 = tpu.memref_squeeze %dma_wait3A_361 : memref<1x128xi32, #tpu.memory_space<vmem>> -> memref<128xi32, #tpu.memory_space<vmem>>
        %dma_wait3A_363 = arith.constant 0 : i32
        %dma_wait3A_364 = arith.constant 0 : i32
        %dma_wait3A_365 = tpu.memref_slice %arg13[%dma_wait3A_363, %dma_wait3A_364] : memref<10128x128xf32, #tpu.memory_space<vmem_shared>> -> memref<10128x128xf32, #tpu.memory_space<vmem_shared>>
        tpu.wait_indirect_dma semaphore(%run_scoped3A_353 : memref<!tpu.dma_semaphore, #tpu.memory_space<semaphore_mem>>) src(%arg11 : memref<128x128xf32, #tpu.memory_space<vmem>>) dst(%dma_wait3A_365 : memref<10128x128xf32, #tpu.memory_space<vmem_shared>>)
        tpu.yield
      }) : () -> ()
      %dma_wait3A_164 = arith.constant 0 : i32
      %dma_wait3A_165 = arith.constant 0 : i32
      %dma_wait3A_166 = tpu.memref_slice %arg3[%add3A_43, %dma_wait3A_164, %dma_wait3A_165] : memref<320x8x128xi32, #tpu.memory_space<hbm>> -> memref<1x8x128xi32, #tpu.memory_space<hbm>>
      %dma_wait3A_167 = tpu.memref_squeeze %dma_wait3A_166 : memref<1x8x128xi32, #tpu.memory_space<hbm>> -> memref<8x128xi32, #tpu.memory_space<hbm>>
      %dma_wait3A_168 = arith.constant 0 : i32
      %dma_wait3A_169 = arith.constant 0 : i32
      %dma_wait3A_170 = tpu.memref_slice %arg3[%add3A_43, %dma_wait3A_168, %dma_wait3A_169] : memref<320x8x128xi32, #tpu.memory_space<hbm>> -> memref<1x8x128xi32, #tpu.memory_space<hbm>>
      %dma_wait3A_171 = tpu.memref_squeeze %dma_wait3A_170 : memref<1x8x128xi32, #tpu.memory_space<hbm>> -> memref<8x128xi32, #tpu.memory_space<hbm>>
      tpu.wait_dma2 semaphore(%arg16 : memref<!tpu.dma_semaphore, #tpu.memory_space<semaphore_mem>>) src(%dma_wait3A_171 : memref<8x128xi32, #tpu.memory_space<hbm>>) dst(%arg8 : memref<8x128xi32, #tpu.memory_space<vmem>>)
      %dma_wait3A_172 = arith.constant 0 : i32
      %dma_wait3A_173 = arith.constant 0 : i32
      %dma_wait3A_174 = tpu.memref_slice %arg4[%add3A_43, %dma_wait3A_172, %dma_wait3A_173] : memref<320x8x128xi32, #tpu.memory_space<hbm>> -> memref<1x8x128xi32, #tpu.memory_space<hbm>>
      %dma_wait3A_175 = tpu.memref_squeeze %dma_wait3A_174 : memref<1x8x128xi32, #tpu.memory_space<hbm>> -> memref<8x128xi32, #tpu.memory_space<hbm>>
      %dma_wait3A_176 = arith.constant 0 : i32
      %dma_wait3A_177 = arith.constant 0 : i32
      %dma_wait3A_178 = tpu.memref_slice %arg4[%add3A_43, %dma_wait3A_176, %dma_wait3A_177] : memref<320x8x128xi32, #tpu.memory_space<hbm>> -> memref<1x8x128xi32, #tpu.memory_space<hbm>>
      %dma_wait3A_179 = tpu.memref_squeeze %dma_wait3A_178 : memref<1x8x128xi32, #tpu.memory_space<hbm>> -> memref<8x128xi32, #tpu.memory_space<hbm>>
      tpu.wait_dma2 semaphore(%arg16 : memref<!tpu.dma_semaphore, #tpu.memory_space<semaphore_mem>>) src(%dma_wait3A_179 : memref<8x128xi32, #tpu.memory_space<hbm>>) dst(%arg10 : memref<8x128xi32, #tpu.memory_space<vmem>>)
      %dma_start3A_180 = arith.constant 0 : i32
      %dma_start3A_181 = arith.constant 0 : i32
      %dma_start3A_182 = tpu.memref_slice %arg8[%dma_start3A_180, %dma_start3A_181] : memref<8x128xi32, #tpu.memory_space<vmem>> -> memref<1x128xi32, #tpu.memory_space<vmem>>
      %dma_start3A_183 = tpu.memref_squeeze %dma_start3A_182 : memref<1x128xi32, #tpu.memory_space<vmem>> -> memref<128xi32, #tpu.memory_space<vmem>>
      %dma_start3A_184 = arith.constant 0 : i32
      %dma_start3A_185 = arith.constant 0 : i32
      %dma_start3A_186 = tpu.memref_slice %arg2[%dma_start3A_184, %dma_start3A_185] : memref<10000x128xf32, #tpu.memory_space<hbm>> -> memref<10000x128xf32, #tpu.memory_space<hbm>>
      tpu.enqueue_indirect_dma source(%dma_start3A_186 : memref<10000x128xf32, #tpu.memory_space<hbm>>) target(%arg11 : memref<128x128xf32, #tpu.memory_space<vmem>>) offsets(%dma_start3A_183 : memref<128xi32, #tpu.memory_space<vmem>>) semaphore(%arg14 : memref<!tpu.dma_semaphore, #tpu.memory_space<semaphore_mem>>)
      %dma_wait3A_187 = arith.constant 7 : i32
      %dma_wait3A_188 = arith.constant 0 : i32
      %dma_wait3A_189 = tpu.memref_slice %arg7[%dma_wait3A_187, %dma_wait3A_188] : memref<8x128xi32, #tpu.memory_space<vmem>> -> memref<1x128xi32, #tpu.memory_space<vmem>>
      %dma_wait3A_190 = tpu.memref_squeeze %dma_wait3A_189 : memref<1x128xi32, #tpu.memory_space<vmem>> -> memref<128xi32, #tpu.memory_space<vmem>>
      %dma_wait3A_191 = arith.constant 0 : i32
      %dma_wait3A_192 = arith.constant 0 : i32
      %dma_wait3A_193 = tpu.memref_slice %arg2[%dma_wait3A_191, %dma_wait3A_192] : memref<10000x128xf32, #tpu.memory_space<hbm>> -> memref<10000x128xf32, #tpu.memory_space<hbm>>
      tpu.wait_indirect_dma semaphore(%arg15 : memref<!tpu.dma_semaphore, #tpu.memory_space<semaphore_mem>>) src(%dma_wait3A_193 : memref<10000x128xf32, #tpu.memory_space<hbm>>) dst(%arg12 : memref<128x128xf32, #tpu.memory_space<vmem>>)
      %run_scoped3A_194 = arith.constant 7 : i32
      "tpu.region"() ({
        %run_scoped3A_353 = tpu.sem_alloc : memref<!tpu.dma_semaphore, #tpu.memory_space<semaphore_mem>>
        %dma_start3A_354 = arith.constant 0 : i32
        %dma_start3A_355 = tpu.memref_slice %arg9[%run_scoped3A_194, %dma_start3A_354] : memref<8x128xi32, #tpu.memory_space<vmem>> -> memref<1x128xi32, #tpu.memory_space<vmem>>
        %dma_start3A_356 = tpu.memref_squeeze %dma_start3A_355 : memref<1x128xi32, #tpu.memory_space<vmem>> -> memref<128xi32, #tpu.memory_space<vmem>>
        %dma_start3A_357 = arith.constant 0 : i32
        %dma_start3A_358 = arith.constant 0 : i32
        %dma_start3A_359 = tpu.memref_slice %arg13[%dma_start3A_357, %dma_start3A_358] : memref<10128x128xf32, #tpu.memory_space<vmem_shared>> -> memref<10128x128xf32, #tpu.memory_space<vmem_shared>>
        tpu.enqueue_indirect_dma source(%arg12 : memref<128x128xf32, #tpu.memory_space<vmem>>) target(%dma_start3A_359 : memref<10128x128xf32, #tpu.memory_space<vmem_shared>>) offsets(%dma_start3A_356 : memref<128xi32, #tpu.memory_space<vmem>>) semaphore(%run_scoped3A_353 : memref<!tpu.dma_semaphore, #tpu.memory_space<semaphore_mem>>) {add = true}
        %dma_wait3A_360 = arith.constant 0 : i32
        %dma_wait3A_361 = tpu.memref_slice %arg9[%run_scoped3A_194, %dma_wait3A_360] : memref<8x128xi32, #tpu.memory_space<vmem>> -> memref<1x128xi32, #tpu.memory_space<vmem>>
        %dma_wait3A_362 = tpu.memref_squeeze %dma_wait3A_361 : memref<1x128xi32, #tpu.memory_space<vmem>> -> memref<128xi32, #tpu.memory_space<vmem>>
        %dma_wait3A_363 = arith.constant 0 : i32
        %dma_wait3A_364 = arith.constant 0 : i32
        %dma_wait3A_365 = tpu.memref_slice %arg13[%dma_wait3A_363, %dma_wait3A_364] : memref<10128x128xf32, #tpu.memory_space<vmem_shared>> -> memref<10128x128xf32, #tpu.memory_space<vmem_shared>>
        tpu.wait_indirect_dma semaphore(%run_scoped3A_353 : memref<!tpu.dma_semaphore, #tpu.memory_space<semaphore_mem>>) src(%arg12 : memref<128x128xf32, #tpu.memory_space<vmem>>) dst(%dma_wait3A_365 : memref<10128x128xf32, #tpu.memory_space<vmem_shared>>)
        tpu.yield
      }) : () -> ()
      %add3A_195 = arith.constant 2 : i32
      %add3A_196 = arith.addi %mul3A_38, %add3A_195 : i32
      %min3A = arith.constant 9 : i32
      %min3A_197 = arith.minsi %add3A_196, %min3A : i32
      %add3A_198 = arith.addi %mul3A_40, %min3A_197 : i32
      %add3A_199 = arith.constant 1 : i32
      %add3A_200 = arith.addi %mul3A_38, %add3A_199 : i32
      %dma_start3A_201 = arith.constant 0 : i32
      %dma_start3A_202 = arith.constant 0 : i32
      %dma_start3A_203 = tpu.memref_slice %arg3[%add3A_198, %dma_start3A_201, %dma_start3A_202] : memref<320x8x128xi32, #tpu.memory_space<hbm>> -> memref<1x8x128xi32, #tpu.memory_space<hbm>>
      %dma_start3A_204 = tpu.memref_squeeze %dma_start3A_203 : memref<1x8x128xi32, #tpu.memory_space<hbm>> -> memref<8x128xi32, #tpu.memory_space<hbm>>
      %dma_start3A_205 = arith.constant 0 : i32
      %dma_start3A_206 = arith.constant 0 : i32
      %dma_start3A_207 = tpu.memref_slice %arg3[%add3A_198, %dma_start3A_205, %dma_start3A_206] : memref<320x8x128xi32, #tpu.memory_space<hbm>> -> memref<1x8x128xi32, #tpu.memory_space<hbm>>
      %dma_start3A_208 = tpu.memref_squeeze %dma_start3A_207 : memref<1x8x128xi32, #tpu.memory_space<hbm>> -> memref<8x128xi32, #tpu.memory_space<hbm>>
      tpu.enqueue_dma source(%dma_start3A_208 : memref<8x128xi32, #tpu.memory_space<hbm>>) target(%arg7 : memref<8x128xi32, #tpu.memory_space<vmem>>) target_semaphore(%arg16 : memref<!tpu.dma_semaphore, #tpu.memory_space<semaphore_mem>>)
      %dma_start3A_209 = arith.constant 0 : i32
      %dma_start3A_210 = arith.constant 0 : i32
      %dma_start3A_211 = tpu.memref_slice %arg4[%add3A_198, %dma_start3A_209, %dma_start3A_210] : memref<320x8x128xi32, #tpu.memory_space<hbm>> -> memref<1x8x128xi32, #tpu.memory_space<hbm>>
      %dma_start3A_212 = tpu.memref_squeeze %dma_start3A_211 : memref<1x8x128xi32, #tpu.memory_space<hbm>> -> memref<8x128xi32, #tpu.memory_space<hbm>>
      %dma_start3A_213 = arith.constant 0 : i32
      %dma_start3A_214 = arith.constant 0 : i32
      %dma_start3A_215 = tpu.memref_slice %arg4[%add3A_198, %dma_start3A_213, %dma_start3A_214] : memref<320x8x128xi32, #tpu.memory_space<hbm>> -> memref<1x8x128xi32, #tpu.memory_space<hbm>>
      %dma_start3A_216 = tpu.memref_squeeze %dma_start3A_215 : memref<1x8x128xi32, #tpu.memory_space<hbm>> -> memref<8x128xi32, #tpu.memory_space<hbm>>
      tpu.enqueue_dma source(%dma_start3A_216 : memref<8x128xi32, #tpu.memory_space<hbm>>) target(%arg9 : memref<8x128xi32, #tpu.memory_space<vmem>>) target_semaphore(%arg16 : memref<!tpu.dma_semaphore, #tpu.memory_space<semaphore_mem>>)
      %dma_start3A_217 = arith.constant 1 : i32
      %dma_start3A_218 = arith.constant 0 : i32
      %dma_start3A_219 = tpu.memref_slice %arg8[%dma_start3A_217, %dma_start3A_218] : memref<8x128xi32, #tpu.memory_space<vmem>> -> memref<1x128xi32, #tpu.memory_space<vmem>>
      %dma_start3A_220 = tpu.memref_squeeze %dma_start3A_219 : memref<1x128xi32, #tpu.memory_space<vmem>> -> memref<128xi32, #tpu.memory_space<vmem>>
      %dma_start3A_221 = arith.constant 0 : i32
      %dma_start3A_222 = arith.constant 0 : i32
      %dma_start3A_223 = tpu.memref_slice %arg2[%dma_start3A_221, %dma_start3A_222] : memref<10000x128xf32, #tpu.memory_space<hbm>> -> memref<10000x128xf32, #tpu.memory_space<hbm>>
      tpu.enqueue_indirect_dma source(%dma_start3A_223 : memref<10000x128xf32, #tpu.memory_space<hbm>>) target(%arg12 : memref<128x128xf32, #tpu.memory_space<vmem>>) offsets(%dma_start3A_220 : memref<128xi32, #tpu.memory_space<vmem>>) semaphore(%arg15 : memref<!tpu.dma_semaphore, #tpu.memory_space<semaphore_mem>>)
      %dma_wait3A_224 = arith.constant 0 : i32
      %dma_wait3A_225 = arith.constant 0 : i32
      %dma_wait3A_226 = tpu.memref_slice %arg8[%dma_wait3A_224, %dma_wait3A_225] : memref<8x128xi32, #tpu.memory_space<vmem>> -> memref<1x128xi32, #tpu.memory_space<vmem>>
      %dma_wait3A_227 = tpu.memref_squeeze %dma_wait3A_226 : memref<1x128xi32, #tpu.memory_space<vmem>> -> memref<128xi32, #tpu.memory_space<vmem>>
      %dma_wait3A_228 = arith.constant 0 : i32
      %dma_wait3A_229 = arith.constant 0 : i32
      %dma_wait3A_230 = tpu.memref_slice %arg2[%dma_wait3A_228, %dma_wait3A_229] : memref<10000x128xf32, #tpu.memory_space<hbm>> -> memref<10000x128xf32, #tpu.memory_space<hbm>>
      tpu.wait_indirect_dma semaphore(%arg14 : memref<!tpu.dma_semaphore, #tpu.memory_space<semaphore_mem>>) src(%dma_wait3A_230 : memref<10000x128xf32, #tpu.memory_space<hbm>>) dst(%arg11 : memref<128x128xf32, #tpu.memory_space<vmem>>)
      %run_scoped3A_231 = arith.constant 0 : i32
      "tpu.region"() ({
        %run_scoped3A_353 = tpu.sem_alloc : memref<!tpu.dma_semaphore, #tpu.memory_space<semaphore_mem>>
        %dma_start3A_354 = arith.constant 0 : i32
        %dma_start3A_355 = tpu.memref_slice %arg10[%run_scoped3A_231, %dma_start3A_354] : memref<8x128xi32, #tpu.memory_space<vmem>> -> memref<1x128xi32, #tpu.memory_space<vmem>>
        %dma_start3A_356 = tpu.memref_squeeze %dma_start3A_355 : memref<1x128xi32, #tpu.memory_space<vmem>> -> memref<128xi32, #tpu.memory_space<vmem>>
        %dma_start3A_357 = arith.constant 0 : i32
        %dma_start3A_358 = arith.constant 0 : i32
        %dma_start3A_359 = tpu.memref_slice %arg13[%dma_start3A_357, %dma_start3A_358] : memref<10128x128xf32, #tpu.memory_space<vmem_shared>> -> memref<10128x128xf32, #tpu.memory_space<vmem_shared>>
        tpu.enqueue_indirect_dma source(%arg11 : memref<128x128xf32, #tpu.memory_space<vmem>>) target(%dma_start3A_359 : memref<10128x128xf32, #tpu.memory_space<vmem_shared>>) offsets(%dma_start3A_356 : memref<128xi32, #tpu.memory_space<vmem>>) semaphore(%run_scoped3A_353 : memref<!tpu.dma_semaphore, #tpu.memory_space<semaphore_mem>>) {add = true}
        %dma_wait3A_360 = arith.constant 0 : i32
        %dma_wait3A_361 = tpu.memref_slice %arg10[%run_scoped3A_231, %dma_wait3A_360] : memref<8x128xi32, #tpu.memory_space<vmem>> -> memref<1x128xi32, #tpu.memory_space<vmem>>
        %dma_wait3A_362 = tpu.memref_squeeze %dma_wait3A_361 : memref<1x128xi32, #tpu.memory_space<vmem>> -> memref<128xi32, #tpu.memory_space<vmem>>
        %dma_wait3A_363 = arith.constant 0 : i32
        %dma_wait3A_364 = arith.constant 0 : i32
        %dma_wait3A_365 = tpu.memref_slice %arg13[%dma_wait3A_363, %dma_wait3A_364] : memref<10128x128xf32, #tpu.memory_space<vmem_shared>> -> memref<10128x128xf32, #tpu.memory_space<vmem_shared>>
        tpu.wait_indirect_dma semaphore(%run_scoped3A_353 : memref<!tpu.dma_semaphore, #tpu.memory_space<semaphore_mem>>) src(%arg11 : memref<128x128xf32, #tpu.memory_space<vmem>>) dst(%dma_wait3A_365 : memref<10128x128xf32, #tpu.memory_space<vmem_shared>>)
        tpu.yield
      }) : () -> ()
      %dma_start3A_232 = arith.constant 2 : i32
      %dma_start3A_233 = arith.constant 0 : i32
      %dma_start3A_234 = tpu.memref_slice %arg8[%dma_start3A_232, %dma_start3A_233] : memref<8x128xi32, #tpu.memory_space<vmem>> -> memref<1x128xi32, #tpu.memory_space<vmem>>
      %dma_start3A_235 = tpu.memref_squeeze %dma_start3A_234 : memref<1x128xi32, #tpu.memory_space<vmem>> -> memref<128xi32, #tpu.memory_space<vmem>>
      %dma_start3A_236 = arith.constant 0 : i32
      %dma_start3A_237 = arith.constant 0 : i32
      %dma_start3A_238 = tpu.memref_slice %arg2[%dma_start3A_236, %dma_start3A_237] : memref<10000x128xf32, #tpu.memory_space<hbm>> -> memref<10000x128xf32, #tpu.memory_space<hbm>>
      tpu.enqueue_indirect_dma source(%dma_start3A_238 : memref<10000x128xf32, #tpu.memory_space<hbm>>) target(%arg11 : memref<128x128xf32, #tpu.memory_space<vmem>>) offsets(%dma_start3A_235 : memref<128xi32, #tpu.memory_space<vmem>>) semaphore(%arg14 : memref<!tpu.dma_semaphore, #tpu.memory_space<semaphore_mem>>)
      %dma_wait3A_239 = arith.constant 1 : i32
      %dma_wait3A_240 = arith.constant 0 : i32
      %dma_wait3A_241 = tpu.memref_slice %arg8[%dma_wait3A_239, %dma_wait3A_240] : memref<8x128xi32, #tpu.memory_space<vmem>> -> memref<1x128xi32, #tpu.memory_space<vmem>>
      %dma_wait3A_242 = tpu.memref_squeeze %dma_wait3A_241 : memref<1x128xi32, #tpu.memory_space<vmem>> -> memref<128xi32, #tpu.memory_space<vmem>>
      %dma_wait3A_243 = arith.constant 0 : i32
      %dma_wait3A_244 = arith.constant 0 : i32
      %dma_wait3A_245 = tpu.memref_slice %arg2[%dma_wait3A_243, %dma_wait3A_244] : memref<10000x128xf32, #tpu.memory_space<hbm>> -> memref<10000x128xf32, #tpu.memory_space<hbm>>
      tpu.wait_indirect_dma semaphore(%arg15 : memref<!tpu.dma_semaphore, #tpu.memory_space<semaphore_mem>>) src(%dma_wait3A_245 : memref<10000x128xf32, #tpu.memory_space<hbm>>) dst(%arg12 : memref<128x128xf32, #tpu.memory_space<vmem>>)
      %run_scoped3A_246 = arith.constant 1 : i32
      "tpu.region"() ({
        %run_scoped3A_353 = tpu.sem_alloc : memref<!tpu.dma_semaphore, #tpu.memory_space<semaphore_mem>>
        %dma_start3A_354 = arith.constant 0 : i32
        %dma_start3A_355 = tpu.memref_slice %arg10[%run_scoped3A_246, %dma_start3A_354] : memref<8x128xi32, #tpu.memory_space<vmem>> -> memref<1x128xi32, #tpu.memory_space<vmem>>
        %dma_start3A_356 = tpu.memref_squeeze %dma_start3A_355 : memref<1x128xi32, #tpu.memory_space<vmem>> -> memref<128xi32, #tpu.memory_space<vmem>>
        %dma_start3A_357 = arith.constant 0 : i32
        %dma_start3A_358 = arith.constant 0 : i32
        %dma_start3A_359 = tpu.memref_slice %arg13[%dma_start3A_357, %dma_start3A_358] : memref<10128x128xf32, #tpu.memory_space<vmem_shared>> -> memref<10128x128xf32, #tpu.memory_space<vmem_shared>>
        tpu.enqueue_indirect_dma source(%arg12 : memref<128x128xf32, #tpu.memory_space<vmem>>) target(%dma_start3A_359 : memref<10128x128xf32, #tpu.memory_space<vmem_shared>>) offsets(%dma_start3A_356 : memref<128xi32, #tpu.memory_space<vmem>>) semaphore(%run_scoped3A_353 : memref<!tpu.dma_semaphore, #tpu.memory_space<semaphore_mem>>) {add = true}
        %dma_wait3A_360 = arith.constant 0 : i32
        %dma_wait3A_361 = tpu.memref_slice %arg10[%run_scoped3A_246, %dma_wait3A_360] : memref<8x128xi32, #tpu.memory_space<vmem>> -> memref<1x128xi32, #tpu.memory_space<vmem>>
        %dma_wait3A_362 = tpu.memref_squeeze %dma_wait3A_361 : memref<1x128xi32, #tpu.memory_space<vmem>> -> memref<128xi32, #tpu.memory_space<vmem>>
        %dma_wait3A_363 = arith.constant 0 : i32
        %dma_wait3A_364 = arith.constant 0 : i32
        %dma_wait3A_365 = tpu.memref_slice %arg13[%dma_wait3A_363, %dma_wait3A_364] : memref<10128x128xf32, #tpu.memory_space<vmem_shared>> -> memref<10128x128xf32, #tpu.memory_space<vmem_shared>>
        tpu.wait_indirect_dma semaphore(%run_scoped3A_353 : memref<!tpu.dma_semaphore, #tpu.memory_space<semaphore_mem>>) src(%arg12 : memref<128x128xf32, #tpu.memory_space<vmem>>) dst(%dma_wait3A_365 : memref<10128x128xf32, #tpu.memory_space<vmem_shared>>)
        tpu.yield
      }) : () -> ()
      %dma_start3A_247 = arith.constant 3 : i32
      %dma_start3A_248 = arith.constant 0 : i32
      %dma_start3A_249 = tpu.memref_slice %arg8[%dma_start3A_247, %dma_start3A_248] : memref<8x128xi32, #tpu.memory_space<vmem>> -> memref<1x128xi32, #tpu.memory_space<vmem>>
      %dma_start3A_250 = tpu.memref_squeeze %dma_start3A_249 : memref<1x128xi32, #tpu.memory_space<vmem>> -> memref<128xi32, #tpu.memory_space<vmem>>
      %dma_start3A_251 = arith.constant 0 : i32
      %dma_start3A_252 = arith.constant 0 : i32
      %dma_start3A_253 = tpu.memref_slice %arg2[%dma_start3A_251, %dma_start3A_252] : memref<10000x128xf32, #tpu.memory_space<hbm>> -> memref<10000x128xf32, #tpu.memory_space<hbm>>
      tpu.enqueue_indirect_dma source(%dma_start3A_253 : memref<10000x128xf32, #tpu.memory_space<hbm>>) target(%arg12 : memref<128x128xf32, #tpu.memory_space<vmem>>) offsets(%dma_start3A_250 : memref<128xi32, #tpu.memory_space<vmem>>) semaphore(%arg15 : memref<!tpu.dma_semaphore, #tpu.memory_space<semaphore_mem>>)
      %dma_wait3A_254 = arith.constant 2 : i32
      %dma_wait3A_255 = arith.constant 0 : i32
      %dma_wait3A_256 = tpu.memref_slice %arg8[%dma_wait3A_254, %dma_wait3A_255] : memref<8x128xi32, #tpu.memory_space<vmem>> -> memref<1x128xi32, #tpu.memory_space<vmem>>
      %dma_wait3A_257 = tpu.memref_squeeze %dma_wait3A_256 : memref<1x128xi32, #tpu.memory_space<vmem>> -> memref<128xi32, #tpu.memory_space<vmem>>
      %dma_wait3A_258 = arith.constant 0 : i32
      %dma_wait3A_259 = arith.constant 0 : i32
      %dma_wait3A_260 = tpu.memref_slice %arg2[%dma_wait3A_258, %dma_wait3A_259] : memref<10000x128xf32, #tpu.memory_space<hbm>> -> memref<10000x128xf32, #tpu.memory_space<hbm>>
      tpu.wait_indirect_dma semaphore(%arg14 : memref<!tpu.dma_semaphore, #tpu.memory_space<semaphore_mem>>) src(%dma_wait3A_260 : memref<10000x128xf32, #tpu.memory_space<hbm>>) dst(%arg11 : memref<128x128xf32, #tpu.memory_space<vmem>>)
      %run_scoped3A_261 = arith.constant 2 : i32
      "tpu.region"() ({
        %run_scoped3A_353 = tpu.sem_alloc : memref<!tpu.dma_semaphore, #tpu.memory_space<semaphore_mem>>
        %dma_start3A_354 = arith.constant 0 : i32
        %dma_start3A_355 = tpu.memref_slice %arg10[%run_scoped3A_261, %dma_start3A_354] : memref<8x128xi32, #tpu.memory_space<vmem>> -> memref<1x128xi32, #tpu.memory_space<vmem>>
        %dma_start3A_356 = tpu.memref_squeeze %dma_start3A_355 : memref<1x128xi32, #tpu.memory_space<vmem>> -> memref<128xi32, #tpu.memory_space<vmem>>
        %dma_start3A_357 = arith.constant 0 : i32
        %dma_start3A_358 = arith.constant 0 : i32
        %dma_start3A_359 = tpu.memref_slice %arg13[%dma_start3A_357, %dma_start3A_358] : memref<10128x128xf32, #tpu.memory_space<vmem_shared>> -> memref<10128x128xf32, #tpu.memory_space<vmem_shared>>
        tpu.enqueue_indirect_dma source(%arg11 : memref<128x128xf32, #tpu.memory_space<vmem>>) target(%dma_start3A_359 : memref<10128x128xf32, #tpu.memory_space<vmem_shared>>) offsets(%dma_start3A_356 : memref<128xi32, #tpu.memory_space<vmem>>) semaphore(%run_scoped3A_353 : memref<!tpu.dma_semaphore, #tpu.memory_space<semaphore_mem>>) {add = true}
        %dma_wait3A_360 = arith.constant 0 : i32
        %dma_wait3A_361 = tpu.memref_slice %arg10[%run_scoped3A_261, %dma_wait3A_360] : memref<8x128xi32, #tpu.memory_space<vmem>> -> memref<1x128xi32, #tpu.memory_space<vmem>>
        %dma_wait3A_362 = tpu.memref_squeeze %dma_wait3A_361 : memref<1x128xi32, #tpu.memory_space<vmem>> -> memref<128xi32, #tpu.memory_space<vmem>>
        %dma_wait3A_363 = arith.constant 0 : i32
        %dma_wait3A_364 = arith.constant 0 : i32
        %dma_wait3A_365 = tpu.memref_slice %arg13[%dma_wait3A_363, %dma_wait3A_364] : memref<10128x128xf32, #tpu.memory_space<vmem_shared>> -> memref<10128x128xf32, #tpu.memory_space<vmem_shared>>
        tpu.wait_indirect_dma semaphore(%run_scoped3A_353 : memref<!tpu.dma_semaphore, #tpu.memory_space<semaphore_mem>>) src(%arg11 : memref<128x128xf32, #tpu.memory_space<vmem>>) dst(%dma_wait3A_365 : memref<10128x128xf32, #tpu.memory_space<vmem_shared>>)
        tpu.yield
      }) : () -> ()
      %dma_start3A_262 = arith.constant 4 : i32
      %dma_start3A_263 = arith.constant 0 : i32
      %dma_start3A_264 = tpu.memref_slice %arg8[%dma_start3A_262, %dma_start3A_263] : memref<8x128xi32, #tpu.memory_space<vmem>> -> memref<1x128xi32, #tpu.memory_space<vmem>>
      %dma_start3A_265 = tpu.memref_squeeze %dma_start3A_264 : memref<1x128xi32, #tpu.memory_space<vmem>> -> memref<128xi32, #tpu.memory_space<vmem>>
      %dma_start3A_266 = arith.constant 0 : i32
      %dma_start3A_267 = arith.constant 0 : i32
      %dma_start3A_268 = tpu.memref_slice %arg2[%dma_start3A_266, %dma_start3A_267] : memref<10000x128xf32, #tpu.memory_space<hbm>> -> memref<10000x128xf32, #tpu.memory_space<hbm>>
      tpu.enqueue_indirect_dma source(%dma_start3A_268 : memref<10000x128xf32, #tpu.memory_space<hbm>>) target(%arg11 : memref<128x128xf32, #tpu.memory_space<vmem>>) offsets(%dma_start3A_265 : memref<128xi32, #tpu.memory_space<vmem>>) semaphore(%arg14 : memref<!tpu.dma_semaphore, #tpu.memory_space<semaphore_mem>>)
      %dma_wait3A_269 = arith.constant 3 : i32
      %dma_wait3A_270 = arith.constant 0 : i32
      %dma_wait3A_271 = tpu.memref_slice %arg8[%dma_wait3A_269, %dma_wait3A_270] : memref<8x128xi32, #tpu.memory_space<vmem>> -> memref<1x128xi32, #tpu.memory_space<vmem>>
      %dma_wait3A_272 = tpu.memref_squeeze %dma_wait3A_271 : memref<1x128xi32, #tpu.memory_space<vmem>> -> memref<128xi32, #tpu.memory_space<vmem>>
      %dma_wait3A_273 = arith.constant 0 : i32
      %dma_wait3A_274 = arith.constant 0 : i32
      %dma_wait3A_275 = tpu.memref_slice %arg2[%dma_wait3A_273, %dma_wait3A_274] : memref<10000x128xf32, #tpu.memory_space<hbm>> -> memref<10000x128xf32, #tpu.memory_space<hbm>>
      tpu.wait_indirect_dma semaphore(%arg15 : memref<!tpu.dma_semaphore, #tpu.memory_space<semaphore_mem>>) src(%dma_wait3A_275 : memref<10000x128xf32, #tpu.memory_space<hbm>>) dst(%arg12 : memref<128x128xf32, #tpu.memory_space<vmem>>)
      %run_scoped3A_276 = arith.constant 3 : i32
      "tpu.region"() ({
        %run_scoped3A_353 = tpu.sem_alloc : memref<!tpu.dma_semaphore, #tpu.memory_space<semaphore_mem>>
        %dma_start3A_354 = arith.constant 0 : i32
        %dma_start3A_355 = tpu.memref_slice %arg10[%run_scoped3A_276, %dma_start3A_354] : memref<8x128xi32, #tpu.memory_space<vmem>> -> memref<1x128xi32, #tpu.memory_space<vmem>>
        %dma_start3A_356 = tpu.memref_squeeze %dma_start3A_355 : memref<1x128xi32, #tpu.memory_space<vmem>> -> memref<128xi32, #tpu.memory_space<vmem>>
        %dma_start3A_357 = arith.constant 0 : i32
        %dma_start3A_358 = arith.constant 0 : i32
        %dma_start3A_359 = tpu.memref_slice %arg13[%dma_start3A_357, %dma_start3A_358] : memref<10128x128xf32, #tpu.memory_space<vmem_shared>> -> memref<10128x128xf32, #tpu.memory_space<vmem_shared>>
        tpu.enqueue_indirect_dma source(%arg12 : memref<128x128xf32, #tpu.memory_space<vmem>>) target(%dma_start3A_359 : memref<10128x128xf32, #tpu.memory_space<vmem_shared>>) offsets(%dma_start3A_356 : memref<128xi32, #tpu.memory_space<vmem>>) semaphore(%run_scoped3A_353 : memref<!tpu.dma_semaphore, #tpu.memory_space<semaphore_mem>>) {add = true}
        %dma_wait3A_360 = arith.constant 0 : i32
        %dma_wait3A_361 = tpu.memref_slice %arg10[%run_scoped3A_276, %dma_wait3A_360] : memref<8x128xi32, #tpu.memory_space<vmem>> -> memref<1x128xi32, #tpu.memory_space<vmem>>
        %dma_wait3A_362 = tpu.memref_squeeze %dma_wait3A_361 : memref<1x128xi32, #tpu.memory_space<vmem>> -> memref<128xi32, #tpu.memory_space<vmem>>
        %dma_wait3A_363 = arith.constant 0 : i32
        %dma_wait3A_364 = arith.constant 0 : i32
        %dma_wait3A_365 = tpu.memref_slice %arg13[%dma_wait3A_363, %dma_wait3A_364] : memref<10128x128xf32, #tpu.memory_space<vmem_shared>> -> memref<10128x128xf32, #tpu.memory_space<vmem_shared>>
        tpu.wait_indirect_dma semaphore(%run_scoped3A_353 : memref<!tpu.dma_semaphore, #tpu.memory_space<semaphore_mem>>) src(%arg12 : memref<128x128xf32, #tpu.memory_space<vmem>>) dst(%dma_wait3A_365 : memref<10128x128xf32, #tpu.memory_space<vmem_shared>>)
        tpu.yield
      }) : () -> ()
      %dma_start3A_277 = arith.constant 5 : i32
      %dma_start3A_278 = arith.constant 0 : i32
      %dma_start3A_279 = tpu.memref_slice %arg8[%dma_start3A_277, %dma_start3A_278] : memref<8x128xi32, #tpu.memory_space<vmem>> -> memref<1x128xi32, #tpu.memory_space<vmem>>
      %dma_start3A_280 = tpu.memref_squeeze %dma_start3A_279 : memref<1x128xi32, #tpu.memory_space<vmem>> -> memref<128xi32, #tpu.memory_space<vmem>>
      %dma_start3A_281 = arith.constant 0 : i32
      %dma_start3A_282 = arith.constant 0 : i32
      %dma_start3A_283 = tpu.memref_slice %arg2[%dma_start3A_281, %dma_start3A_282] : memref<10000x128xf32, #tpu.memory_space<hbm>> -> memref<10000x128xf32, #tpu.memory_space<hbm>>
      tpu.enqueue_indirect_dma source(%dma_start3A_283 : memref<10000x128xf32, #tpu.memory_space<hbm>>) target(%arg12 : memref<128x128xf32, #tpu.memory_space<vmem>>) offsets(%dma_start3A_280 : memref<128xi32, #tpu.memory_space<vmem>>) semaphore(%arg15 : memref<!tpu.dma_semaphore, #tpu.memory_space<semaphore_mem>>)
      %dma_wait3A_284 = arith.constant 4 : i32
      %dma_wait3A_285 = arith.constant 0 : i32
      %dma_wait3A_286 = tpu.memref_slice %arg8[%dma_wait3A_284, %dma_wait3A_285] : memref<8x128xi32, #tpu.memory_space<vmem>> -> memref<1x128xi32, #tpu.memory_space<vmem>>
      %dma_wait3A_287 = tpu.memref_squeeze %dma_wait3A_286 : memref<1x128xi32, #tpu.memory_space<vmem>> -> memref<128xi32, #tpu.memory_space<vmem>>
      %dma_wait3A_288 = arith.constant 0 : i32
      %dma_wait3A_289 = arith.constant 0 : i32
      %dma_wait3A_290 = tpu.memref_slice %arg2[%dma_wait3A_288, %dma_wait3A_289] : memref<10000x128xf32, #tpu.memory_space<hbm>> -> memref<10000x128xf32, #tpu.memory_space<hbm>>
      tpu.wait_indirect_dma semaphore(%arg14 : memref<!tpu.dma_semaphore, #tpu.memory_space<semaphore_mem>>) src(%dma_wait3A_290 : memref<10000x128xf32, #tpu.memory_space<hbm>>) dst(%arg11 : memref<128x128xf32, #tpu.memory_space<vmem>>)
      %run_scoped3A_291 = arith.constant 4 : i32
      "tpu.region"() ({
        %run_scoped3A_353 = tpu.sem_alloc : memref<!tpu.dma_semaphore, #tpu.memory_space<semaphore_mem>>
        %dma_start3A_354 = arith.constant 0 : i32
        %dma_start3A_355 = tpu.memref_slice %arg10[%run_scoped3A_291, %dma_start3A_354] : memref<8x128xi32, #tpu.memory_space<vmem>> -> memref<1x128xi32, #tpu.memory_space<vmem>>
        %dma_start3A_356 = tpu.memref_squeeze %dma_start3A_355 : memref<1x128xi32, #tpu.memory_space<vmem>> -> memref<128xi32, #tpu.memory_space<vmem>>
        %dma_start3A_357 = arith.constant 0 : i32
        %dma_start3A_358 = arith.constant 0 : i32
        %dma_start3A_359 = tpu.memref_slice %arg13[%dma_start3A_357, %dma_start3A_358] : memref<10128x128xf32, #tpu.memory_space<vmem_shared>> -> memref<10128x128xf32, #tpu.memory_space<vmem_shared>>
        tpu.enqueue_indirect_dma source(%arg11 : memref<128x128xf32, #tpu.memory_space<vmem>>) target(%dma_start3A_359 : memref<10128x128xf32, #tpu.memory_space<vmem_shared>>) offsets(%dma_start3A_356 : memref<128xi32, #tpu.memory_space<vmem>>) semaphore(%run_scoped3A_353 : memref<!tpu.dma_semaphore, #tpu.memory_space<semaphore_mem>>) {add = true}
        %dma_wait3A_360 = arith.constant 0 : i32
        %dma_wait3A_361 = tpu.memref_slice %arg10[%run_scoped3A_291, %dma_wait3A_360] : memref<8x128xi32, #tpu.memory_space<vmem>> -> memref<1x128xi32, #tpu.memory_space<vmem>>
        %dma_wait3A_362 = tpu.memref_squeeze %dma_wait3A_361 : memref<1x128xi32, #tpu.memory_space<vmem>> -> memref<128xi32, #tpu.memory_space<vmem>>
        %dma_wait3A_363 = arith.constant 0 : i32
        %dma_wait3A_364 = arith.constant 0 : i32
        %dma_wait3A_365 = tpu.memref_slice %arg13[%dma_wait3A_363, %dma_wait3A_364] : memref<10128x128xf32, #tpu.memory_space<vmem_shared>> -> memref<10128x128xf32, #tpu.memory_space<vmem_shared>>
        tpu.wait_indirect_dma semaphore(%run_scoped3A_353 : memref<!tpu.dma_semaphore, #tpu.memory_space<semaphore_mem>>) src(%arg11 : memref<128x128xf32, #tpu.memory_space<vmem>>) dst(%dma_wait3A_365 : memref<10128x128xf32, #tpu.memory_space<vmem_shared>>)
        tpu.yield
      }) : () -> ()
      %dma_start3A_292 = arith.constant 6 : i32
      %dma_start3A_293 = arith.constant 0 : i32
      %dma_start3A_294 = tpu.memref_slice %arg8[%dma_start3A_292, %dma_start3A_293] : memref<8x128xi32, #tpu.memory_space<vmem>> -> memref<1x128xi32, #tpu.memory_space<vmem>>
      %dma_start3A_295 = tpu.memref_squeeze %dma_start3A_294 : memref<1x128xi32, #tpu.memory_space<vmem>> -> memref<128xi32, #tpu.memory_space<vmem>>
      %dma_start3A_296 = arith.constant 0 : i32
      %dma_start3A_297 = arith.constant 0 : i32
      %dma_start3A_298 = tpu.memref_slice %arg2[%dma_start3A_296, %dma_start3A_297] : memref<10000x128xf32, #tpu.memory_space<hbm>> -> memref<10000x128xf32, #tpu.memory_space<hbm>>
      tpu.enqueue_indirect_dma source(%dma_start3A_298 : memref<10000x128xf32, #tpu.memory_space<hbm>>) target(%arg11 : memref<128x128xf32, #tpu.memory_space<vmem>>) offsets(%dma_start3A_295 : memref<128xi32, #tpu.memory_space<vmem>>) semaphore(%arg14 : memref<!tpu.dma_semaphore, #tpu.memory_space<semaphore_mem>>)
      %dma_wait3A_299 = arith.constant 5 : i32
      %dma_wait3A_300 = arith.constant 0 : i32
      %dma_wait3A_301 = tpu.memref_slice %arg8[%dma_wait3A_299, %dma_wait3A_300] : memref<8x128xi32, #tpu.memory_space<vmem>> -> memref<1x128xi32, #tpu.memory_space<vmem>>
      %dma_wait3A_302 = tpu.memref_squeeze %dma_wait3A_301 : memref<1x128xi32, #tpu.memory_space<vmem>> -> memref<128xi32, #tpu.memory_space<vmem>>
      %dma_wait3A_303 = arith.constant 0 : i32
      %dma_wait3A_304 = arith.constant 0 : i32
      %dma_wait3A_305 = tpu.memref_slice %arg2[%dma_wait3A_303, %dma_wait3A_304] : memref<10000x128xf32, #tpu.memory_space<hbm>> -> memref<10000x128xf32, #tpu.memory_space<hbm>>
      tpu.wait_indirect_dma semaphore(%arg15 : memref<!tpu.dma_semaphore, #tpu.memory_space<semaphore_mem>>) src(%dma_wait3A_305 : memref<10000x128xf32, #tpu.memory_space<hbm>>) dst(%arg12 : memref<128x128xf32, #tpu.memory_space<vmem>>)
      %run_scoped3A_306 = arith.constant 5 : i32
      "tpu.region"() ({
        %run_scoped3A_353 = tpu.sem_alloc : memref<!tpu.dma_semaphore, #tpu.memory_space<semaphore_mem>>
        %dma_start3A_354 = arith.constant 0 : i32
        %dma_start3A_355 = tpu.memref_slice %arg10[%run_scoped3A_306, %dma_start3A_354] : memref<8x128xi32, #tpu.memory_space<vmem>> -> memref<1x128xi32, #tpu.memory_space<vmem>>
        %dma_start3A_356 = tpu.memref_squeeze %dma_start3A_355 : memref<1x128xi32, #tpu.memory_space<vmem>> -> memref<128xi32, #tpu.memory_space<vmem>>
        %dma_start3A_357 = arith.constant 0 : i32
        %dma_start3A_358 = arith.constant 0 : i32
        %dma_start3A_359 = tpu.memref_slice %arg13[%dma_start3A_357, %dma_start3A_358] : memref<10128x128xf32, #tpu.memory_space<vmem_shared>> -> memref<10128x128xf32, #tpu.memory_space<vmem_shared>>
        tpu.enqueue_indirect_dma source(%arg12 : memref<128x128xf32, #tpu.memory_space<vmem>>) target(%dma_start3A_359 : memref<10128x128xf32, #tpu.memory_space<vmem_shared>>) offsets(%dma_start3A_356 : memref<128xi32, #tpu.memory_space<vmem>>) semaphore(%run_scoped3A_353 : memref<!tpu.dma_semaphore, #tpu.memory_space<semaphore_mem>>) {add = true}
        %dma_wait3A_360 = arith.constant 0 : i32
        %dma_wait3A_361 = tpu.memref_slice %arg10[%run_scoped3A_306, %dma_wait3A_360] : memref<8x128xi32, #tpu.memory_space<vmem>> -> memref<1x128xi32, #tpu.memory_space<vmem>>
        %dma_wait3A_362 = tpu.memref_squeeze %dma_wait3A_361 : memref<1x128xi32, #tpu.memory_space<vmem>> -> memref<128xi32, #tpu.memory_space<vmem>>
        %dma_wait3A_363 = arith.constant 0 : i32
        %dma_wait3A_364 = arith.constant 0 : i32
        %dma_wait3A_365 = tpu.memref_slice %arg13[%dma_wait3A_363, %dma_wait3A_364] : memref<10128x128xf32, #tpu.memory_space<vmem_shared>> -> memref<10128x128xf32, #tpu.memory_space<vmem_shared>>
        tpu.wait_indirect_dma semaphore(%run_scoped3A_353 : memref<!tpu.dma_semaphore, #tpu.memory_space<semaphore_mem>>) src(%arg12 : memref<128x128xf32, #tpu.memory_space<vmem>>) dst(%dma_wait3A_365 : memref<10128x128xf32, #tpu.memory_space<vmem_shared>>)
        tpu.yield
      }) : () -> ()
      %dma_start3A_307 = arith.constant 7 : i32
      %dma_start3A_308 = arith.constant 0 : i32
      %dma_start3A_309 = tpu.memref_slice %arg8[%dma_start3A_307, %dma_start3A_308] : memref<8x128xi32, #tpu.memory_space<vmem>> -> memref<1x128xi32, #tpu.memory_space<vmem>>
      %dma_start3A_310 = tpu.memref_squeeze %dma_start3A_309 : memref<1x128xi32, #tpu.memory_space<vmem>> -> memref<128xi32, #tpu.memory_space<vmem>>
      %dma_start3A_311 = arith.constant 0 : i32
      %dma_start3A_312 = arith.constant 0 : i32
      %dma_start3A_313 = tpu.memref_slice %arg2[%dma_start3A_311, %dma_start3A_312] : memref<10000x128xf32, #tpu.memory_space<hbm>> -> memref<10000x128xf32, #tpu.memory_space<hbm>>
      tpu.enqueue_indirect_dma source(%dma_start3A_313 : memref<10000x128xf32, #tpu.memory_space<hbm>>) target(%arg12 : memref<128x128xf32, #tpu.memory_space<vmem>>) offsets(%dma_start3A_310 : memref<128xi32, #tpu.memory_space<vmem>>) semaphore(%arg15 : memref<!tpu.dma_semaphore, #tpu.memory_space<semaphore_mem>>)
      %dma_wait3A_314 = arith.constant 6 : i32
      %dma_wait3A_315 = arith.constant 0 : i32
      %dma_wait3A_316 = tpu.memref_slice %arg8[%dma_wait3A_314, %dma_wait3A_315] : memref<8x128xi32, #tpu.memory_space<vmem>> -> memref<1x128xi32, #tpu.memory_space<vmem>>
      %dma_wait3A_317 = tpu.memref_squeeze %dma_wait3A_316 : memref<1x128xi32, #tpu.memory_space<vmem>> -> memref<128xi32, #tpu.memory_space<vmem>>
      %dma_wait3A_318 = arith.constant 0 : i32
      %dma_wait3A_319 = arith.constant 0 : i32
      %dma_wait3A_320 = tpu.memref_slice %arg2[%dma_wait3A_318, %dma_wait3A_319] : memref<10000x128xf32, #tpu.memory_space<hbm>> -> memref<10000x128xf32, #tpu.memory_space<hbm>>
      tpu.wait_indirect_dma semaphore(%arg14 : memref<!tpu.dma_semaphore, #tpu.memory_space<semaphore_mem>>) src(%dma_wait3A_320 : memref<10000x128xf32, #tpu.memory_space<hbm>>) dst(%arg11 : memref<128x128xf32, #tpu.memory_space<vmem>>)
      %run_scoped3A_321 = arith.constant 6 : i32
      "tpu.region"() ({
        %run_scoped3A_353 = tpu.sem_alloc : memref<!tpu.dma_semaphore, #tpu.memory_space<semaphore_mem>>
        %dma_start3A_354 = arith.constant 0 : i32
        %dma_start3A_355 = tpu.memref_slice %arg10[%run_scoped3A_321, %dma_start3A_354] : memref<8x128xi32, #tpu.memory_space<vmem>> -> memref<1x128xi32, #tpu.memory_space<vmem>>
        %dma_start3A_356 = tpu.memref_squeeze %dma_start3A_355 : memref<1x128xi32, #tpu.memory_space<vmem>> -> memref<128xi32, #tpu.memory_space<vmem>>
        %dma_start3A_357 = arith.constant 0 : i32
        %dma_start3A_358 = arith.constant 0 : i32
        %dma_start3A_359 = tpu.memref_slice %arg13[%dma_start3A_357, %dma_start3A_358] : memref<10128x128xf32, #tpu.memory_space<vmem_shared>> -> memref<10128x128xf32, #tpu.memory_space<vmem_shared>>
        tpu.enqueue_indirect_dma source(%arg11 : memref<128x128xf32, #tpu.memory_space<vmem>>) target(%dma_start3A_359 : memref<10128x128xf32, #tpu.memory_space<vmem_shared>>) offsets(%dma_start3A_356 : memref<128xi32, #tpu.memory_space<vmem>>) semaphore(%run_scoped3A_353 : memref<!tpu.dma_semaphore, #tpu.memory_space<semaphore_mem>>) {add = true}
        %dma_wait3A_360 = arith.constant 0 : i32
        %dma_wait3A_361 = tpu.memref_slice %arg10[%run_scoped3A_321, %dma_wait3A_360] : memref<8x128xi32, #tpu.memory_space<vmem>> -> memref<1x128xi32, #tpu.memory_space<vmem>>
        %dma_wait3A_362 = tpu.memref_squeeze %dma_wait3A_361 : memref<1x128xi32, #tpu.memory_space<vmem>> -> memref<128xi32, #tpu.memory_space<vmem>>
        %dma_wait3A_363 = arith.constant 0 : i32
        %dma_wait3A_364 = arith.constant 0 : i32
        %dma_wait3A_365 = tpu.memref_slice %arg13[%dma_wait3A_363, %dma_wait3A_364] : memref<10128x128xf32, #tpu.memory_space<vmem_shared>> -> memref<10128x128xf32, #tpu.memory_space<vmem_shared>>
        tpu.wait_indirect_dma semaphore(%run_scoped3A_353 : memref<!tpu.dma_semaphore, #tpu.memory_space<semaphore_mem>>) src(%arg11 : memref<128x128xf32, #tpu.memory_space<vmem>>) dst(%dma_wait3A_365 : memref<10128x128xf32, #tpu.memory_space<vmem_shared>>)
        tpu.yield
      }) : () -> ()
      %dma_wait3A_322 = arith.constant 0 : i32
      %dma_wait3A_323 = arith.constant 0 : i32
      %dma_wait3A_324 = tpu.memref_slice %arg3[%add3A_198, %dma_wait3A_322, %dma_wait3A_323] : memref<320x8x128xi32, #tpu.memory_space<hbm>> -> memref<1x8x128xi32, #tpu.memory_space<hbm>>
      %dma_wait3A_325 = tpu.memref_squeeze %dma_wait3A_324 : memref<1x8x128xi32, #tpu.memory_space<hbm>> -> memref<8x128xi32, #tpu.memory_space<hbm>>
      %dma_wait3A_326 = arith.constant 0 : i32
      %dma_wait3A_327 = arith.constant 0 : i32
      %dma_wait3A_328 = tpu.memref_slice %arg3[%add3A_198, %dma_wait3A_326, %dma_wait3A_327] : memref<320x8x128xi32, #tpu.memory_space<hbm>> -> memref<1x8x128xi32, #tpu.memory_space<hbm>>
      %dma_wait3A_329 = tpu.memref_squeeze %dma_wait3A_328 : memref<1x8x128xi32, #tpu.memory_space<hbm>> -> memref<8x128xi32, #tpu.memory_space<hbm>>
      tpu.wait_dma2 semaphore(%arg16 : memref<!tpu.dma_semaphore, #tpu.memory_space<semaphore_mem>>) src(%dma_wait3A_329 : memref<8x128xi32, #tpu.memory_space<hbm>>) dst(%arg7 : memref<8x128xi32, #tpu.memory_space<vmem>>)
      %dma_wait3A_330 = arith.constant 0 : i32
      %dma_wait3A_331 = arith.constant 0 : i32
      %dma_wait3A_332 = tpu.memref_slice %arg4[%add3A_198, %dma_wait3A_330, %dma_wait3A_331] : memref<320x8x128xi32, #tpu.memory_space<hbm>> -> memref<1x8x128xi32, #tpu.memory_space<hbm>>
      %dma_wait3A_333 = tpu.memref_squeeze %dma_wait3A_332 : memref<1x8x128xi32, #tpu.memory_space<hbm>> -> memref<8x128xi32, #tpu.memory_space<hbm>>
      %dma_wait3A_334 = arith.constant 0 : i32
      %dma_wait3A_335 = arith.constant 0 : i32
      %dma_wait3A_336 = tpu.memref_slice %arg4[%add3A_198, %dma_wait3A_334, %dma_wait3A_335] : memref<320x8x128xi32, #tpu.memory_space<hbm>> -> memref<1x8x128xi32, #tpu.memory_space<hbm>>
      %dma_wait3A_337 = tpu.memref_squeeze %dma_wait3A_336 : memref<1x8x128xi32, #tpu.memory_space<hbm>> -> memref<8x128xi32, #tpu.memory_space<hbm>>
      tpu.wait_dma2 semaphore(%arg16 : memref<!tpu.dma_semaphore, #tpu.memory_space<semaphore_mem>>) src(%dma_wait3A_337 : memref<8x128xi32, #tpu.memory_space<hbm>>) dst(%arg9 : memref<8x128xi32, #tpu.memory_space<vmem>>)
      %dma_start3A_338 = arith.constant 0 : i32
      %dma_start3A_339 = arith.constant 0 : i32
      %dma_start3A_340 = tpu.memref_slice %arg7[%dma_start3A_338, %dma_start3A_339] : memref<8x128xi32, #tpu.memory_space<vmem>> -> memref<1x128xi32, #tpu.memory_space<vmem>>
      %dma_start3A_341 = tpu.memref_squeeze %dma_start3A_340 : memref<1x128xi32, #tpu.memory_space<vmem>> -> memref<128xi32, #tpu.memory_space<vmem>>
      %dma_start3A_342 = arith.constant 0 : i32
      %dma_start3A_343 = arith.constant 0 : i32
      %dma_start3A_344 = tpu.memref_slice %arg2[%dma_start3A_342, %dma_start3A_343] : memref<10000x128xf32, #tpu.memory_space<hbm>> -> memref<10000x128xf32, #tpu.memory_space<hbm>>
      tpu.enqueue_indirect_dma source(%dma_start3A_344 : memref<10000x128xf32, #tpu.memory_space<hbm>>) target(%arg11 : memref<128x128xf32, #tpu.memory_space<vmem>>) offsets(%dma_start3A_341 : memref<128xi32, #tpu.memory_space<vmem>>) semaphore(%arg14 : memref<!tpu.dma_semaphore, #tpu.memory_space<semaphore_mem>>)
      %dma_wait3A_345 = arith.constant 7 : i32
      %dma_wait3A_346 = arith.constant 0 : i32
      %dma_wait3A_347 = tpu.memref_slice %arg8[%dma_wait3A_345, %dma_wait3A_346] : memref<8x128xi32, #tpu.memory_space<vmem>> -> memref<1x128xi32, #tpu.memory_space<vmem>>
      %dma_wait3A_348 = tpu.memref_squeeze %dma_wait3A_347 : memref<1x128xi32, #tpu.memory_space<vmem>> -> memref<128xi32, #tpu.memory_space<vmem>>
      %dma_wait3A_349 = arith.constant 0 : i32
      %dma_wait3A_350 = arith.constant 0 : i32
      %dma_wait3A_351 = tpu.memref_slice %arg2[%dma_wait3A_349, %dma_wait3A_350] : memref<10000x128xf32, #tpu.memory_space<hbm>> -> memref<10000x128xf32, #tpu.memory_space<hbm>>
      tpu.wait_indirect_dma semaphore(%arg15 : memref<!tpu.dma_semaphore, #tpu.memory_space<semaphore_mem>>) src(%dma_wait3A_351 : memref<10000x128xf32, #tpu.memory_space<hbm>>) dst(%arg12 : memref<128x128xf32, #tpu.memory_space<vmem>>)
      %run_scoped3A_352 = arith.constant 7 : i32
      "tpu.region"() ({
        %run_scoped3A_353 = tpu.sem_alloc : memref<!tpu.dma_semaphore, #tpu.memory_space<semaphore_mem>>
        %dma_start3A_354 = arith.constant 0 : i32
        %dma_start3A_355 = tpu.memref_slice %arg10[%run_scoped3A_352, %dma_start3A_354] : memref<8x128xi32, #tpu.memory_space<vmem>> -> memref<1x128xi32, #tpu.memory_space<vmem>>
        %dma_start3A_356 = tpu.memref_squeeze %dma_start3A_355 : memref<1x128xi32, #tpu.memory_space<vmem>> -> memref<128xi32, #tpu.memory_space<vmem>>
        %dma_start3A_357 = arith.constant 0 : i32
        %dma_start3A_358 = arith.constant 0 : i32
        %dma_start3A_359 = tpu.memref_slice %arg13[%dma_start3A_357, %dma_start3A_358] : memref<10128x128xf32, #tpu.memory_space<vmem_shared>> -> memref<10128x128xf32, #tpu.memory_space<vmem_shared>>
        tpu.enqueue_indirect_dma source(%arg12 : memref<128x128xf32, #tpu.memory_space<vmem>>) target(%dma_start3A_359 : memref<10128x128xf32, #tpu.memory_space<vmem_shared>>) offsets(%dma_start3A_356 : memref<128xi32, #tpu.memory_space<vmem>>) semaphore(%run_scoped3A_353 : memref<!tpu.dma_semaphore, #tpu.memory_space<semaphore_mem>>) {add = true}
        %dma_wait3A_360 = arith.constant 0 : i32
        %dma_wait3A_361 = tpu.memref_slice %arg10[%run_scoped3A_352, %dma_wait3A_360] : memref<8x128xi32, #tpu.memory_space<vmem>> -> memref<1x128xi32, #tpu.memory_space<vmem>>
        %dma_wait3A_362 = tpu.memref_squeeze %dma_wait3A_361 : memref<1x128xi32, #tpu.memory_space<vmem>> -> memref<128xi32, #tpu.memory_space<vmem>>
        %dma_wait3A_363 = arith.constant 0 : i32
        %dma_wait3A_364 = arith.constant 0 : i32
        %dma_wait3A_365 = tpu.memref_slice %arg13[%dma_wait3A_363, %dma_wait3A_364] : memref<10128x128xf32, #tpu.memory_space<vmem_shared>> -> memref<10128x128xf32, #tpu.memory_space<vmem_shared>>
        tpu.wait_indirect_dma semaphore(%run_scoped3A_353 : memref<!tpu.dma_semaphore, #tpu.memory_space<semaphore_mem>>) src(%arg12 : memref<128x128xf32, #tpu.memory_space<vmem>>) dst(%dma_wait3A_365 : memref<10128x128xf32, #tpu.memory_space<vmem_shared>>)
        tpu.yield
      }) : () -> ()
    }
    %scan3A_19 = arith.constant 5 : i32
    %dma_wait3A = arith.constant 0 : i32
    %dma_wait3A_20 = arith.constant 0 : i32
    %dma_wait3A_21 = tpu.memref_slice %arg7[%dma_wait3A, %dma_wait3A_20] : memref<8x128xi32, #tpu.memory_space<vmem>> -> memref<1x128xi32, #tpu.memory_space<vmem>>
    %dma_wait3A_22 = tpu.memref_squeeze %dma_wait3A_21 : memref<1x128xi32, #tpu.memory_space<vmem>> -> memref<128xi32, #tpu.memory_space<vmem>>
    %dma_wait3A_23 = arith.constant 0 : i32
    %dma_wait3A_24 = arith.constant 0 : i32
    %dma_wait3A_25 = tpu.memref_slice %arg2[%dma_wait3A_23, %dma_wait3A_24] : memref<10000x128xf32, #tpu.memory_space<hbm>> -> memref<10000x128xf32, #tpu.memory_space<hbm>>
    tpu.wait_indirect_dma semaphore(%arg14 : memref<!tpu.dma_semaphore, #tpu.memory_space<semaphore_mem>>) src(%dma_wait3A_25 : memref<10000x128xf32, #tpu.memory_space<hbm>>) dst(%arg11 : memref<128x128xf32, #tpu.memory_space<vmem>>)
    %barrier3A_26 = arith.constant 0 : index
    tpu.barrier barrier_id(%barrier3A_26)
    %mul3A_27 = arith.constant 624 : i32
    %mul3A_28 = arith.muli %arg1, %mul3A_27 : i32
    %mul3A_29 = arith.constant 624 : i32
    %mul3A_30 = arith.muli %arg1, %mul3A_29 : i32
    "tpu.region"() ({
      %run_scoped3A = tpu.sem_alloc : memref<!tpu.dma_semaphore, #tpu.memory_space<semaphore_mem>>
      %dma_start3A_36 = arith.constant 0 : i32
      %dma_start3A_37 = tpu.memref_slice %arg6[%arg0, %mul3A_30, %dma_start3A_36] : memref<2x10000x128xf32, #tpu.memory_space<hbm>> -> memref<1x624x128xf32, #tpu.memory_space<hbm>>
      %dma_start3A_38 = tpu.memref_squeeze %dma_start3A_37 : memref<1x624x128xf32, #tpu.memory_space<hbm>> -> memref<624x128xf32, #tpu.memory_space<hbm>>
      %dma_start3A_39 = arith.constant 0 : i32
      %dma_start3A_40 = tpu.memref_slice %arg13[%mul3A_28, %dma_start3A_39] : memref<10128x128xf32, #tpu.memory_space<vmem_shared>> -> memref<624x128xf32, #tpu.memory_space<vmem_shared>>
      tpu.enqueue_dma source(%dma_start3A_40 : memref<624x128xf32, #tpu.memory_space<vmem_shared>>) target(%dma_start3A_38 : memref<624x128xf32, #tpu.memory_space<hbm>>) target_semaphore(%run_scoped3A : memref<!tpu.dma_semaphore, #tpu.memory_space<semaphore_mem>>)
      %dma_wait3A_41 = arith.constant 0 : i32
      %dma_wait3A_42 = tpu.memref_slice %arg6[%arg0, %mul3A_30, %dma_wait3A_41] : memref<2x10000x128xf32, #tpu.memory_space<hbm>> -> memref<1x624x128xf32, #tpu.memory_space<hbm>>
      %dma_wait3A_43 = tpu.memref_squeeze %dma_wait3A_42 : memref<1x624x128xf32, #tpu.memory_space<hbm>> -> memref<624x128xf32, #tpu.memory_space<hbm>>
      %dma_wait3A_44 = arith.constant 0 : i32
      %dma_wait3A_45 = tpu.memref_slice %arg13[%mul3A_28, %dma_wait3A_44] : memref<10128x128xf32, #tpu.memory_space<vmem_shared>> -> memref<624x128xf32, #tpu.memory_space<vmem_shared>>
      tpu.wait_dma2 semaphore(%run_scoped3A : memref<!tpu.dma_semaphore, #tpu.memory_space<semaphore_mem>>) src(%dma_wait3A_45 : memref<624x128xf32, #tpu.memory_space<vmem_shared>>) dst(%dma_wait3A_43 : memref<624x128xf32, #tpu.memory_space<hbm>>)
      tpu.yield
    }) : () -> ()
    %eq3A_31 = arith.constant 15 : i32
    %eq3A_32 = arith.cmpi eq, %arg1, %eq3A_31 : i32
    %convert_element_type3A_33 = arith.extui %eq3A_32 : i1 to i32
    %cond3A_34 = arith.constant 0 : i32
    %cond3A_35 = arith.cmpi ne, %convert_element_type3A_33, %cond3A_34 : i32
    scf.if %cond3A_35 {
      "tpu.region"() ({
        %run_scoped3A = tpu.sem_alloc : memref<!tpu.dma_semaphore, #tpu.memory_space<semaphore_mem>>
        %dma_start3A_36 = arith.constant 9984 : i32
        %dma_start3A_37 = arith.constant 0 : i32
        %dma_start3A_38 = tpu.memref_slice %arg6[%arg0, %dma_start3A_36, %dma_start3A_37] : memref<2x10000x128xf32, #tpu.memory_space<hbm>> -> memref<1x16x128xf32, #tpu.memory_space<hbm>>
        %dma_start3A_39 = tpu.memref_squeeze %dma_start3A_38 : memref<1x16x128xf32, #tpu.memory_space<hbm>> -> memref<16x128xf32, #tpu.memory_space<hbm>>
        %dma_start3A_40 = arith.constant 9984 : i32
        %dma_start3A_41 = arith.constant 0 : i32
        %dma_start3A_42 = tpu.memref_slice %arg13[%dma_start3A_40, %dma_start3A_41] : memref<10128x128xf32, #tpu.memory_space<vmem_shared>> -> memref<16x128xf32, #tpu.memory_space<vmem_shared>>
        tpu.enqueue_dma source(%dma_start3A_42 : memref<16x128xf32, #tpu.memory_space<vmem_shared>>) target(%dma_start3A_39 : memref<16x128xf32, #tpu.memory_space<hbm>>) target_semaphore(%run_scoped3A : memref<!tpu.dma_semaphore, #tpu.memory_space<semaphore_mem>>)
        %dma_wait3A_43 = arith.constant 9984 : i32
        %dma_wait3A_44 = arith.constant 0 : i32
        %dma_wait3A_45 = tpu.memref_slice %arg6[%arg0, %dma_wait3A_43, %dma_wait3A_44] : memref<2x10000x128xf32, #tpu.memory_space<hbm>> -> memref<1x16x128xf32, #tpu.memory_space<hbm>>
        %dma_wait3A_46 = tpu.memref_squeeze %dma_wait3A_45 : memref<1x16x128xf32, #tpu.memory_space<hbm>> -> memref<16x128xf32, #tpu.memory_space<hbm>>
        %dma_wait3A_47 = arith.constant 9984 : i32
        %dma_wait3A_48 = arith.constant 0 : i32
        %dma_wait3A_49 = tpu.memref_slice %arg13[%dma_wait3A_47, %dma_wait3A_48] : memref<10128x128xf32, #tpu.memory_space<vmem_shared>> -> memref<16x128xf32, #tpu.memory_space<vmem_shared>>
        tpu.wait_dma2 semaphore(%run_scoped3A : memref<!tpu.dma_semaphore, #tpu.memory_space<semaphore_mem>>) src(%dma_wait3A_49 : memref<16x128xf32, #tpu.memory_space<vmem_shared>>) dst(%dma_wait3A_46 : memref<16x128xf32, #tpu.memory_space<hbm>>)
        tpu.yield
      }) : () -> ()
    } else {
    }
    return
  }
}

#map = affine_map<(d0, d1) -> (0, 0)>
#map1 = affine_map<(d0, d1) -> (0, 0, 0)>
module attributes {stable_mosaic.version = 14 : i64} {
  func.func @_sc_aggregate(%arg0: i32, %arg1: i32, %arg2: memref<10000x128xf32, #tpu.memory_space<hbm>>, %arg3: memref<320x8x128xi32, #tpu.memory_space<hbm>>, %arg4: memref<320x8x128xi32, #tpu.memory_space<hbm>>, %arg5: memref<624x128xf32, #tpu.memory_space<hbm>>, %arg6: memref<2x10000x128xf32, #tpu.memory_space<hbm>>, %arg7: memref<8x128xi32, #tpu.memory_space<vmem>>, %arg8: memref<8x128xi32, #tpu.memory_space<vmem>>, %arg9: memref<8x128xi32, #tpu.memory_space<vmem>>, %arg10: memref<8x128xi32, #tpu.memory_space<vmem>>, %arg11: memref<128x128xf32, #tpu.memory_space<vmem>>, %arg12: memref<128x128xf32, #tpu.memory_space<vmem>>, %arg13: memref<10128x128xf32, #tpu.memory_space<vmem_shared>>, %arg14: memref<!tpu.dma_semaphore, #tpu.memory_space<semaphore_mem>>, %arg15: memref<!tpu.dma_semaphore, #tpu.memory_space<semaphore_mem>>, %arg16: memref<!tpu.dma_semaphore, #tpu.memory_space<semaphore_mem>>) attributes {dimension_semantics = [#tpu.dimension_semantics<core_parallel>, #tpu.dimension_semantics<subcore_parallel>], iteration_bounds = array<i64: 2, 16>, scalar_prefetch = 0 : i64, scratch_operands = 10 : i64, tpu.core_type = #tpu.core_type<sc_vector_subcore>, window_params = [{transform_indices = #map}, {transform_indices = #map1}, {transform_indices = #map1}, {transform_indices = #map}, {transform_indices = #map1}]} {
    %mul3A = arith.constant 16 : i32
    %mul3A_0 = arith.muli %arg0, %mul3A : i32
    %add3A = arith.addi %mul3A_0, %arg1 : i32
    %mul3A_1 = arith.constant 624 : i32
    %mul3A_2 = arith.muli %arg1, %mul3A_1 : i32
    "tpu.region"() ({
      %run_scoped3A = tpu.sem_alloc : memref<!tpu.dma_semaphore, #tpu.memory_space<semaphore_mem>>
      %dma_start3A_36 = arith.constant 0 : i32
      %dma_start3A_37 = tpu.memref_slice %arg13[%mul3A_2, %dma_start3A_36] : memref<10128x128xf32, #tpu.memory_space<vmem_shared>> -> memref<624x128xf32, #tpu.memory_space<vmem_shared>>
      tpu.enqueue_dma source(%arg5 : memref<624x128xf32, #tpu.memory_space<hbm>>) target(%dma_start3A_37 : memref<624x128xf32, #tpu.memory_space<vmem_shared>>) target_semaphore(%run_scoped3A : memref<!tpu.dma_semaphore, #tpu.memory_space<semaphore_mem>>)
      %dma_wait3A_38 = arith.constant 0 : i32
      %dma_wait3A_39 = tpu.memref_slice %arg13[%mul3A_2, %dma_wait3A_38] : memref<10128x128xf32, #tpu.memory_space<vmem_shared>> -> memref<624x128xf32, #tpu.memory_space<vmem_shared>>
      tpu.wait_dma2 semaphore(%run_scoped3A : memref<!tpu.dma_semaphore, #tpu.memory_space<semaphore_mem>>) src(%arg5 : memref<624x128xf32, #tpu.memory_space<hbm>>) dst(%dma_wait3A_39 : memref<624x128xf32, #tpu.memory_space<vmem_shared>>)
      tpu.yield
    }) : () -> ()
    %eq3A = arith.constant 15 : i32
    %eq3A_3 = arith.cmpi eq, %arg1, %eq3A : i32
    %convert_element_type3A = arith.extui %eq3A_3 : i1 to i32
    %cond3A = arith.constant 0 : i32
    %cond3A_4 = arith.cmpi ne, %convert_element_type3A, %cond3A : i32
    scf.if %cond3A_4 {
      "tpu.region"() ({
        %run_scoped3A = tpu.sem_alloc : memref<!tpu.dma_semaphore, #tpu.memory_space<semaphore_mem>>
        %dma_start3A_36 = arith.constant 9984 : i32
        %dma_start3A_37 = arith.constant 0 : i32
        %dma_start3A_38 = tpu.memref_slice %arg13[%dma_start3A_36, %dma_start3A_37] : memref<10128x128xf32, #tpu.memory_space<vmem_shared>> -> memref<144x128xf32, #tpu.memory_space<vmem_shared>>
        %dma_start3A_39 = arith.constant 0 : i32
        %dma_start3A_40 = arith.constant 0 : i32
        %dma_start3A_41 = tpu.memref_slice %arg5[%dma_start3A_39, %dma_start3A_40] : memref<624x128xf32, #tpu.memory_space<hbm>> -> memref<144x128xf32, #tpu.memory_space<hbm>>
        tpu.enqueue_dma source(%dma_start3A_41 : memref<144x128xf32, #tpu.memory_space<hbm>>) target(%dma_start3A_38 : memref<144x128xf32, #tpu.memory_space<vmem_shared>>) target_semaphore(%run_scoped3A : memref<!tpu.dma_semaphore, #tpu.memory_space<semaphore_mem>>)
        %dma_wait3A_42 = arith.constant 9984 : i32
        %dma_wait3A_43 = arith.constant 0 : i32
        %dma_wait3A_44 = tpu.memref_slice %arg13[%dma_wait3A_42, %dma_wait3A_43] : memref<10128x128xf32, #tpu.memory_space<vmem_shared>> -> memref<144x128xf32, #tpu.memory_space<vmem_shared>>
        %dma_wait3A_45 = arith.constant 0 : i32
        %dma_wait3A_46 = arith.constant 0 : i32
        %dma_wait3A_47 = tpu.memref_slice %arg5[%dma_wait3A_45, %dma_wait3A_46] : memref<624x128xf32, #tpu.memory_space<hbm>> -> memref<144x128xf32, #tpu.memory_space<hbm>>
        tpu.wait_dma2 semaphore(%run_scoped3A : memref<!tpu.dma_semaphore, #tpu.memory_space<semaphore_mem>>) src(%dma_wait3A_47 : memref<144x128xf32, #tpu.memory_space<hbm>>) dst(%dma_wait3A_44 : memref<144x128xf32, #tpu.memory_space<vmem_shared>>)
        tpu.yield
      }) : () -> ()
    } else {
    }
    %mul3A_5 = arith.constant 10 : i32
    %mul3A_6 = arith.muli %add3A, %mul3A_5 : i32
    "tpu.region"() ({
      %run_scoped3A = tpu.sem_alloc : memref<!tpu.dma_semaphore, #tpu.memory_space<semaphore_mem>>
      %dma_start3A_36 = arith.constant 0 : i32
      %dma_start3A_37 = arith.constant 0 : i32
      %dma_start3A_38 = tpu.memref_slice %arg3[%mul3A_6, %dma_start3A_36, %dma_start3A_37] : memref<320x8x128xi32, #tpu.memory_space<hbm>> -> memref<1x8x128xi32, #tpu.memory_space<hbm>>
      %dma_start3A_39 = tpu.memref_squeeze %dma_start3A_38 : memref<1x8x128xi32, #tpu.memory_space<hbm>> -> memref<8x128xi32, #tpu.memory_space<hbm>>
      %dma_start3A_40 = arith.constant 0 : i32
      %dma_start3A_41 = arith.constant 0 : i32
      %dma_start3A_42 = tpu.memref_slice %arg3[%mul3A_6, %dma_start3A_40, %dma_start3A_41] : memref<320x8x128xi32, #tpu.memory_space<hbm>> -> memref<1x8x128xi32, #tpu.memory_space<hbm>>
      %dma_start3A_43 = tpu.memref_squeeze %dma_start3A_42 : memref<1x8x128xi32, #tpu.memory_space<hbm>> -> memref<8x128xi32, #tpu.memory_space<hbm>>
      tpu.enqueue_dma source(%dma_start3A_43 : memref<8x128xi32, #tpu.memory_space<hbm>>) target(%arg7 : memref<8x128xi32, #tpu.memory_space<vmem>>) target_semaphore(%run_scoped3A : memref<!tpu.dma_semaphore, #tpu.memory_space<semaphore_mem>>)
      %dma_wait3A_44 = arith.constant 0 : i32
      %dma_wait3A_45 = arith.constant 0 : i32
      %dma_wait3A_46 = tpu.memref_slice %arg3[%mul3A_6, %dma_wait3A_44, %dma_wait3A_45] : memref<320x8x128xi32, #tpu.memory_space<hbm>> -> memref<1x8x128xi32, #tpu.memory_space<hbm>>
      %dma_wait3A_47 = tpu.memref_squeeze %dma_wait3A_46 : memref<1x8x128xi32, #tpu.memory_space<hbm>> -> memref<8x128xi32, #tpu.memory_space<hbm>>
      %dma_wait3A_48 = arith.constant 0 : i32
      %dma_wait3A_49 = arith.constant 0 : i32
      %dma_wait3A_50 = tpu.memref_slice %arg3[%mul3A_6, %dma_wait3A_48, %dma_wait3A_49] : memref<320x8x128xi32, #tpu.memory_space<hbm>> -> memref<1x8x128xi32, #tpu.memory_space<hbm>>
      %dma_wait3A_51 = tpu.memref_squeeze %dma_wait3A_50 : memref<1x8x128xi32, #tpu.memory_space<hbm>> -> memref<8x128xi32, #tpu.memory_space<hbm>>
      tpu.wait_dma2 semaphore(%run_scoped3A : memref<!tpu.dma_semaphore, #tpu.memory_space<semaphore_mem>>) src(%dma_wait3A_51 : memref<8x128xi32, #tpu.memory_space<hbm>>) dst(%arg7 : memref<8x128xi32, #tpu.memory_space<vmem>>)
      tpu.yield
    }) : () -> ()
    %mul3A_7 = arith.constant 10 : i32
    %mul3A_8 = arith.muli %add3A, %mul3A_7 : i32
    "tpu.region"() ({
      %run_scoped3A = tpu.sem_alloc : memref<!tpu.dma_semaphore, #tpu.memory_space<semaphore_mem>>
      %dma_start3A_36 = arith.constant 0 : i32
      %dma_start3A_37 = arith.constant 0 : i32
      %dma_start3A_38 = tpu.memref_slice %arg4[%mul3A_8, %dma_start3A_36, %dma_start3A_37] : memref<320x8x128xi32, #tpu.memory_space<hbm>> -> memref<1x8x128xi32, #tpu.memory_space<hbm>>
      %dma_start3A_39 = tpu.memref_squeeze %dma_start3A_38 : memref<1x8x128xi32, #tpu.memory_space<hbm>> -> memref<8x128xi32, #tpu.memory_space<hbm>>
      %dma_start3A_40 = arith.constant 0 : i32
      %dma_start3A_41 = arith.constant 0 : i32
      %dma_start3A_42 = tpu.memref_slice %arg4[%mul3A_8, %dma_start3A_40, %dma_start3A_41] : memref<320x8x128xi32, #tpu.memory_space<hbm>> -> memref<1x8x128xi32, #tpu.memory_space<hbm>>
      %dma_start3A_43 = tpu.memref_squeeze %dma_start3A_42 : memref<1x8x128xi32, #tpu.memory_space<hbm>> -> memref<8x128xi32, #tpu.memory_space<hbm>>
      tpu.enqueue_dma source(%dma_start3A_43 : memref<8x128xi32, #tpu.memory_space<hbm>>) target(%arg9 : memref<8x128xi32, #tpu.memory_space<vmem>>) target_semaphore(%run_scoped3A : memref<!tpu.dma_semaphore, #tpu.memory_space<semaphore_mem>>)
      %dma_wait3A_44 = arith.constant 0 : i32
      %dma_wait3A_45 = arith.constant 0 : i32
      %dma_wait3A_46 = tpu.memref_slice %arg4[%mul3A_8, %dma_wait3A_44, %dma_wait3A_45] : memref<320x8x128xi32, #tpu.memory_space<hbm>> -> memref<1x8x128xi32, #tpu.memory_space<hbm>>
      %dma_wait3A_47 = tpu.memref_squeeze %dma_wait3A_46 : memref<1x8x128xi32, #tpu.memory_space<hbm>> -> memref<8x128xi32, #tpu.memory_space<hbm>>
      %dma_wait3A_48 = arith.constant 0 : i32
      %dma_wait3A_49 = arith.constant 0 : i32
      %dma_wait3A_50 = tpu.memref_slice %arg4[%mul3A_8, %dma_wait3A_48, %dma_wait3A_49] : memref<320x8x128xi32, #tpu.memory_space<hbm>> -> memref<1x8x128xi32, #tpu.memory_space<hbm>>
      %dma_wait3A_51 = tpu.memref_squeeze %dma_wait3A_50 : memref<1x8x128xi32, #tpu.memory_space<hbm>> -> memref<8x128xi32, #tpu.memory_space<hbm>>
      tpu.wait_dma2 semaphore(%run_scoped3A : memref<!tpu.dma_semaphore, #tpu.memory_space<semaphore_mem>>) src(%dma_wait3A_51 : memref<8x128xi32, #tpu.memory_space<hbm>>) dst(%arg9 : memref<8x128xi32, #tpu.memory_space<vmem>>)
      tpu.yield
    }) : () -> ()
    %barrier3A = arith.constant 0 : index
    tpu.barrier barrier_id(%barrier3A)
    %dma_start3A = arith.constant 0 : i32
    %dma_start3A_9 = arith.constant 0 : i32
    %dma_start3A_10 = tpu.memref_slice %arg7[%dma_start3A, %dma_start3A_9] : memref<8x128xi32, #tpu.memory_space<vmem>> -> memref<1x128xi32, #tpu.memory_space<vmem>>
    %dma_start3A_11 = tpu.memref_squeeze %dma_start3A_10 : memref<1x128xi32, #tpu.memory_space<vmem>> -> memref<128xi32, #tpu.memory_space<vmem>>
    %dma_start3A_12 = arith.constant 0 : i32
    %dma_start3A_13 = arith.constant 0 : i32
    %dma_start3A_14 = tpu.memref_slice %arg2[%dma_start3A_12, %dma_start3A_13] : memref<10000x128xf32, #tpu.memory_space<hbm>> -> memref<10000x128xf32, #tpu.memory_space<hbm>>
    tpu.enqueue_indirect_dma source(%dma_start3A_14 : memref<10000x128xf32, #tpu.memory_space<hbm>>) target(%arg11 : memref<128x128xf32, #tpu.memory_space<vmem>>) offsets(%dma_start3A_11 : memref<128xi32, #tpu.memory_space<vmem>>) semaphore(%arg14 : memref<!tpu.dma_semaphore, #tpu.memory_space<semaphore_mem>>)
    %scan3A = arith.constant 0 : i32
    %scan3A_15 = arith.constant 0 : i32
    %scan3A_16 = arith.constant 5 : i32
    %scan3A_17 = arith.addi %scan3A_15, %scan3A_16 : i32
    %scan3A_18 = arith.constant 1 : i32
    scf.for %scan3A_36 = %scan3A_15 to %scan3A_17 step %scan3A_18  : i32 {
      %mul3A_37 = arith.constant 2 : i32
      %mul3A_38 = arith.muli %mul3A_37, %scan3A_36 : i32
      %mul3A_39 = arith.constant 10 : i32
      %mul3A_40 = arith.muli %add3A, %mul3A_39 : i32
      %add3A_41 = arith.addi %mul3A_40, %mul3A_38 : i32
      %add3A_42 = arith.constant 1 : i32
      %add3A_43 = arith.addi %add3A_41, %add3A_42 : i32
      %dma_start3A_44 = arith.constant 0 : i32
      %dma_start3A_45 = arith.constant 0 : i32
      %dma_start3A_46 = tpu.memref_slice %arg3[%add3A_43, %dma_start3A_44, %dma_start3A_45] : memref<320x8x128xi32, #tpu.memory_space<hbm>> -> memref<1x8x128xi32, #tpu.memory_space<hbm>>
      %dma_start3A_47 = tpu.memref_squeeze %dma_start3A_46 : memref<1x8x128xi32, #tpu.memory_space<hbm>> -> memref<8x128xi32, #tpu.memory_space<hbm>>
      %dma_start3A_48 = arith.constant 0 : i32
      %dma_start3A_49 = arith.constant 0 : i32
      %dma_start3A_50 = tpu.memref_slice %arg3[%add3A_43, %dma_start3A_48, %dma_start3A_49] : memref<320x8x128xi32, #tpu.memory_space<hbm>> -> memref<1x8x128xi32, #tpu.memory_space<hbm>>
      %dma_start3A_51 = tpu.memref_squeeze %dma_start3A_50 : memref<1x8x128xi32, #tpu.memory_space<hbm>> -> memref<8x128xi32, #tpu.memory_space<hbm>>
      tpu.enqueue_dma source(%dma_start3A_51 : memref<8x128xi32, #tpu.memory_space<hbm>>) target(%arg8 : memref<8x128xi32, #tpu.memory_space<vmem>>) target_semaphore(%arg16 : memref<!tpu.dma_semaphore, #tpu.memory_space<semaphore_mem>>)
      %dma_start3A_52 = arith.constant 0 : i32
      %dma_start3A_53 = arith.constant 0 : i32
      %dma_start3A_54 = tpu.memref_slice %arg4[%add3A_43, %dma_start3A_52, %dma_start3A_53] : memref<320x8x128xi32, #tpu.memory_space<hbm>> -> memref<1x8x128xi32, #tpu.memory_space<hbm>>
      %dma_start3A_55 = tpu.memref_squeeze %dma_start3A_54 : memref<1x8x128xi32, #tpu.memory_space<hbm>> -> memref<8x128xi32, #tpu.memory_space<hbm>>
      %dma_start3A_56 = arith.constant 0 : i32
      %dma_start3A_57 = arith.constant 0 : i32
      %dma_start3A_58 = tpu.memref_slice %arg4[%add3A_43, %dma_start3A_56, %dma_start3A_57] : memref<320x8x128xi32, #tpu.memory_space<hbm>> -> memref<1x8x128xi32, #tpu.memory_space<hbm>>
      %dma_start3A_59 = tpu.memref_squeeze %dma_start3A_58 : memref<1x8x128xi32, #tpu.memory_space<hbm>> -> memref<8x128xi32, #tpu.memory_space<hbm>>
      tpu.enqueue_dma source(%dma_start3A_59 : memref<8x128xi32, #tpu.memory_space<hbm>>) target(%arg10 : memref<8x128xi32, #tpu.memory_space<vmem>>) target_semaphore(%arg16 : memref<!tpu.dma_semaphore, #tpu.memory_space<semaphore_mem>>)
      %dma_start3A_60 = arith.constant 1 : i32
      %dma_start3A_61 = arith.constant 0 : i32
      %dma_start3A_62 = tpu.memref_slice %arg7[%dma_start3A_60, %dma_start3A_61] : memref<8x128xi32, #tpu.memory_space<vmem>> -> memref<1x128xi32, #tpu.memory_space<vmem>>
      %dma_start3A_63 = tpu.memref_squeeze %dma_start3A_62 : memref<1x128xi32, #tpu.memory_space<vmem>> -> memref<128xi32, #tpu.memory_space<vmem>>
      %dma_start3A_64 = arith.constant 0 : i32
      %dma_start3A_65 = arith.constant 0 : i32
      %dma_start3A_66 = tpu.memref_slice %arg2[%dma_start3A_64, %dma_start3A_65] : memref<10000x128xf32, #tpu.memory_space<hbm>> -> memref<10000x128xf32, #tpu.memory_space<hbm>>
      tpu.enqueue_indirect_dma source(%dma_start3A_66 : memref<10000x128xf32, #tpu.memory_space<hbm>>) target(%arg12 : memref<128x128xf32, #tpu.memory_space<vmem>>) offsets(%dma_start3A_63 : memref<128xi32, #tpu.memory_space<vmem>>) semaphore(%arg15 : memref<!tpu.dma_semaphore, #tpu.memory_space<semaphore_mem>>)
      %dma_wait3A_67 = arith.constant 0 : i32
      %dma_wait3A_68 = arith.constant 0 : i32
      %dma_wait3A_69 = tpu.memref_slice %arg7[%dma_wait3A_67, %dma_wait3A_68] : memref<8x128xi32, #tpu.memory_space<vmem>> -> memref<1x128xi32, #tpu.memory_space<vmem>>
      %dma_wait3A_70 = tpu.memref_squeeze %dma_wait3A_69 : memref<1x128xi32, #tpu.memory_space<vmem>> -> memref<128xi32, #tpu.memory_space<vmem>>
      %dma_wait3A_71 = arith.constant 0 : i32
      %dma_wait3A_72 = arith.constant 0 : i32
      %dma_wait3A_73 = tpu.memref_slice %arg2[%dma_wait3A_71, %dma_wait3A_72] : memref<10000x128xf32, #tpu.memory_space<hbm>> -> memref<10000x128xf32, #tpu.memory_space<hbm>>
      tpu.wait_indirect_dma semaphore(%arg14 : memref<!tpu.dma_semaphore, #tpu.memory_space<semaphore_mem>>) src(%dma_wait3A_73 : memref<10000x128xf32, #tpu.memory_space<hbm>>) dst(%arg11 : memref<128x128xf32, #tpu.memory_space<vmem>>)
      %run_scoped3A = arith.constant 0 : i32
      "tpu.region"() ({
        %run_scoped3A_353 = tpu.sem_alloc : memref<!tpu.dma_semaphore, #tpu.memory_space<semaphore_mem>>
        %dma_start3A_354 = arith.constant 0 : i32
        %dma_start3A_355 = tpu.memref_slice %arg9[%run_scoped3A, %dma_start3A_354] : memref<8x128xi32, #tpu.memory_space<vmem>> -> memref<1x128xi32, #tpu.memory_space<vmem>>
        %dma_start3A_356 = tpu.memref_squeeze %dma_start3A_355 : memref<1x128xi32, #tpu.memory_space<vmem>> -> memref<128xi32, #tpu.memory_space<vmem>>
        %dma_start3A_357 = arith.constant 0 : i32
        %dma_start3A_358 = arith.constant 0 : i32
        %dma_start3A_359 = tpu.memref_slice %arg13[%dma_start3A_357, %dma_start3A_358] : memref<10128x128xf32, #tpu.memory_space<vmem_shared>> -> memref<10128x128xf32, #tpu.memory_space<vmem_shared>>
        tpu.enqueue_indirect_dma source(%arg11 : memref<128x128xf32, #tpu.memory_space<vmem>>) target(%dma_start3A_359 : memref<10128x128xf32, #tpu.memory_space<vmem_shared>>) offsets(%dma_start3A_356 : memref<128xi32, #tpu.memory_space<vmem>>) semaphore(%run_scoped3A_353 : memref<!tpu.dma_semaphore, #tpu.memory_space<semaphore_mem>>) {add = true}
        %dma_wait3A_360 = arith.constant 0 : i32
        %dma_wait3A_361 = tpu.memref_slice %arg9[%run_scoped3A, %dma_wait3A_360] : memref<8x128xi32, #tpu.memory_space<vmem>> -> memref<1x128xi32, #tpu.memory_space<vmem>>
        %dma_wait3A_362 = tpu.memref_squeeze %dma_wait3A_361 : memref<1x128xi32, #tpu.memory_space<vmem>> -> memref<128xi32, #tpu.memory_space<vmem>>
        %dma_wait3A_363 = arith.constant 0 : i32
        %dma_wait3A_364 = arith.constant 0 : i32
        %dma_wait3A_365 = tpu.memref_slice %arg13[%dma_wait3A_363, %dma_wait3A_364] : memref<10128x128xf32, #tpu.memory_space<vmem_shared>> -> memref<10128x128xf32, #tpu.memory_space<vmem_shared>>
        tpu.wait_indirect_dma semaphore(%run_scoped3A_353 : memref<!tpu.dma_semaphore, #tpu.memory_space<semaphore_mem>>) src(%arg11 : memref<128x128xf32, #tpu.memory_space<vmem>>) dst(%dma_wait3A_365 : memref<10128x128xf32, #tpu.memory_space<vmem_shared>>)
        tpu.yield
      }) : () -> ()
      %dma_start3A_74 = arith.constant 2 : i32
      %dma_start3A_75 = arith.constant 0 : i32
      %dma_start3A_76 = tpu.memref_slice %arg7[%dma_start3A_74, %dma_start3A_75] : memref<8x128xi32, #tpu.memory_space<vmem>> -> memref<1x128xi32, #tpu.memory_space<vmem>>
      %dma_start3A_77 = tpu.memref_squeeze %dma_start3A_76 : memref<1x128xi32, #tpu.memory_space<vmem>> -> memref<128xi32, #tpu.memory_space<vmem>>
      %dma_start3A_78 = arith.constant 0 : i32
      %dma_start3A_79 = arith.constant 0 : i32
      %dma_start3A_80 = tpu.memref_slice %arg2[%dma_start3A_78, %dma_start3A_79] : memref<10000x128xf32, #tpu.memory_space<hbm>> -> memref<10000x128xf32, #tpu.memory_space<hbm>>
      tpu.enqueue_indirect_dma source(%dma_start3A_80 : memref<10000x128xf32, #tpu.memory_space<hbm>>) target(%arg11 : memref<128x128xf32, #tpu.memory_space<vmem>>) offsets(%dma_start3A_77 : memref<128xi32, #tpu.memory_space<vmem>>) semaphore(%arg14 : memref<!tpu.dma_semaphore, #tpu.memory_space<semaphore_mem>>)
      %dma_wait3A_81 = arith.constant 1 : i32
      %dma_wait3A_82 = arith.constant 0 : i32
      %dma_wait3A_83 = tpu.memref_slice %arg7[%dma_wait3A_81, %dma_wait3A_82] : memref<8x128xi32, #tpu.memory_space<vmem>> -> memref<1x128xi32, #tpu.memory_space<vmem>>
      %dma_wait3A_84 = tpu.memref_squeeze %dma_wait3A_83 : memref<1x128xi32, #tpu.memory_space<vmem>> -> memref<128xi32, #tpu.memory_space<vmem>>
      %dma_wait3A_85 = arith.constant 0 : i32
      %dma_wait3A_86 = arith.constant 0 : i32
      %dma_wait3A_87 = tpu.memref_slice %arg2[%dma_wait3A_85, %dma_wait3A_86] : memref<10000x128xf32, #tpu.memory_space<hbm>> -> memref<10000x128xf32, #tpu.memory_space<hbm>>
      tpu.wait_indirect_dma semaphore(%arg15 : memref<!tpu.dma_semaphore, #tpu.memory_space<semaphore_mem>>) src(%dma_wait3A_87 : memref<10000x128xf32, #tpu.memory_space<hbm>>) dst(%arg12 : memref<128x128xf32, #tpu.memory_space<vmem>>)
      %run_scoped3A_88 = arith.constant 1 : i32
      "tpu.region"() ({
        %run_scoped3A_353 = tpu.sem_alloc : memref<!tpu.dma_semaphore, #tpu.memory_space<semaphore_mem>>
        %dma_start3A_354 = arith.constant 0 : i32
        %dma_start3A_355 = tpu.memref_slice %arg9[%run_scoped3A_88, %dma_start3A_354] : memref<8x128xi32, #tpu.memory_space<vmem>> -> memref<1x128xi32, #tpu.memory_space<vmem>>
        %dma_start3A_356 = tpu.memref_squeeze %dma_start3A_355 : memref<1x128xi32, #tpu.memory_space<vmem>> -> memref<128xi32, #tpu.memory_space<vmem>>
        %dma_start3A_357 = arith.constant 0 : i32
        %dma_start3A_358 = arith.constant 0 : i32
        %dma_start3A_359 = tpu.memref_slice %arg13[%dma_start3A_357, %dma_start3A_358] : memref<10128x128xf32, #tpu.memory_space<vmem_shared>> -> memref<10128x128xf32, #tpu.memory_space<vmem_shared>>
        tpu.enqueue_indirect_dma source(%arg12 : memref<128x128xf32, #tpu.memory_space<vmem>>) target(%dma_start3A_359 : memref<10128x128xf32, #tpu.memory_space<vmem_shared>>) offsets(%dma_start3A_356 : memref<128xi32, #tpu.memory_space<vmem>>) semaphore(%run_scoped3A_353 : memref<!tpu.dma_semaphore, #tpu.memory_space<semaphore_mem>>) {add = true}
        %dma_wait3A_360 = arith.constant 0 : i32
        %dma_wait3A_361 = tpu.memref_slice %arg9[%run_scoped3A_88, %dma_wait3A_360] : memref<8x128xi32, #tpu.memory_space<vmem>> -> memref<1x128xi32, #tpu.memory_space<vmem>>
        %dma_wait3A_362 = tpu.memref_squeeze %dma_wait3A_361 : memref<1x128xi32, #tpu.memory_space<vmem>> -> memref<128xi32, #tpu.memory_space<vmem>>
        %dma_wait3A_363 = arith.constant 0 : i32
        %dma_wait3A_364 = arith.constant 0 : i32
        %dma_wait3A_365 = tpu.memref_slice %arg13[%dma_wait3A_363, %dma_wait3A_364] : memref<10128x128xf32, #tpu.memory_space<vmem_shared>> -> memref<10128x128xf32, #tpu.memory_space<vmem_shared>>
        tpu.wait_indirect_dma semaphore(%run_scoped3A_353 : memref<!tpu.dma_semaphore, #tpu.memory_space<semaphore_mem>>) src(%arg12 : memref<128x128xf32, #tpu.memory_space<vmem>>) dst(%dma_wait3A_365 : memref<10128x128xf32, #tpu.memory_space<vmem_shared>>)
        tpu.yield
      }) : () -> ()
      %dma_start3A_89 = arith.constant 3 : i32
      %dma_start3A_90 = arith.constant 0 : i32
      %dma_start3A_91 = tpu.memref_slice %arg7[%dma_start3A_89, %dma_start3A_90] : memref<8x128xi32, #tpu.memory_space<vmem>> -> memref<1x128xi32, #tpu.memory_space<vmem>>
      %dma_start3A_92 = tpu.memref_squeeze %dma_start3A_91 : memref<1x128xi32, #tpu.memory_space<vmem>> -> memref<128xi32, #tpu.memory_space<vmem>>
      %dma_start3A_93 = arith.constant 0 : i32
      %dma_start3A_94 = arith.constant 0 : i32
      %dma_start3A_95 = tpu.memref_slice %arg2[%dma_start3A_93, %dma_start3A_94] : memref<10000x128xf32, #tpu.memory_space<hbm>> -> memref<10000x128xf32, #tpu.memory_space<hbm>>
      tpu.enqueue_indirect_dma source(%dma_start3A_95 : memref<10000x128xf32, #tpu.memory_space<hbm>>) target(%arg12 : memref<128x128xf32, #tpu.memory_space<vmem>>) offsets(%dma_start3A_92 : memref<128xi32, #tpu.memory_space<vmem>>) semaphore(%arg15 : memref<!tpu.dma_semaphore, #tpu.memory_space<semaphore_mem>>)
      %dma_wait3A_96 = arith.constant 2 : i32
      %dma_wait3A_97 = arith.constant 0 : i32
      %dma_wait3A_98 = tpu.memref_slice %arg7[%dma_wait3A_96, %dma_wait3A_97] : memref<8x128xi32, #tpu.memory_space<vmem>> -> memref<1x128xi32, #tpu.memory_space<vmem>>
      %dma_wait3A_99 = tpu.memref_squeeze %dma_wait3A_98 : memref<1x128xi32, #tpu.memory_space<vmem>> -> memref<128xi32, #tpu.memory_space<vmem>>
      %dma_wait3A_100 = arith.constant 0 : i32
      %dma_wait3A_101 = arith.constant 0 : i32
      %dma_wait3A_102 = tpu.memref_slice %arg2[%dma_wait3A_100, %dma_wait3A_101] : memref<10000x128xf32, #tpu.memory_space<hbm>> -> memref<10000x128xf32, #tpu.memory_space<hbm>>
      tpu.wait_indirect_dma semaphore(%arg14 : memref<!tpu.dma_semaphore, #tpu.memory_space<semaphore_mem>>) src(%dma_wait3A_102 : memref<10000x128xf32, #tpu.memory_space<hbm>>) dst(%arg11 : memref<128x128xf32, #tpu.memory_space<vmem>>)
      %run_scoped3A_103 = arith.constant 2 : i32
      "tpu.region"() ({
        %run_scoped3A_353 = tpu.sem_alloc : memref<!tpu.dma_semaphore, #tpu.memory_space<semaphore_mem>>
        %dma_start3A_354 = arith.constant 0 : i32
        %dma_start3A_355 = tpu.memref_slice %arg9[%run_scoped3A_103, %dma_start3A_354] : memref<8x128xi32, #tpu.memory_space<vmem>> -> memref<1x128xi32, #tpu.memory_space<vmem>>
        %dma_start3A_356 = tpu.memref_squeeze %dma_start3A_355 : memref<1x128xi32, #tpu.memory_space<vmem>> -> memref<128xi32, #tpu.memory_space<vmem>>
        %dma_start3A_357 = arith.constant 0 : i32
        %dma_start3A_358 = arith.constant 0 : i32
        %dma_start3A_359 = tpu.memref_slice %arg13[%dma_start3A_357, %dma_start3A_358] : memref<10128x128xf32, #tpu.memory_space<vmem_shared>> -> memref<10128x128xf32, #tpu.memory_space<vmem_shared>>
        tpu.enqueue_indirect_dma source(%arg11 : memref<128x128xf32, #tpu.memory_space<vmem>>) target(%dma_start3A_359 : memref<10128x128xf32, #tpu.memory_space<vmem_shared>>) offsets(%dma_start3A_356 : memref<128xi32, #tpu.memory_space<vmem>>) semaphore(%run_scoped3A_353 : memref<!tpu.dma_semaphore, #tpu.memory_space<semaphore_mem>>) {add = true}
        %dma_wait3A_360 = arith.constant 0 : i32
        %dma_wait3A_361 = tpu.memref_slice %arg9[%run_scoped3A_103, %dma_wait3A_360] : memref<8x128xi32, #tpu.memory_space<vmem>> -> memref<1x128xi32, #tpu.memory_space<vmem>>
        %dma_wait3A_362 = tpu.memref_squeeze %dma_wait3A_361 : memref<1x128xi32, #tpu.memory_space<vmem>> -> memref<128xi32, #tpu.memory_space<vmem>>
        %dma_wait3A_363 = arith.constant 0 : i32
        %dma_wait3A_364 = arith.constant 0 : i32
        %dma_wait3A_365 = tpu.memref_slice %arg13[%dma_wait3A_363, %dma_wait3A_364] : memref<10128x128xf32, #tpu.memory_space<vmem_shared>> -> memref<10128x128xf32, #tpu.memory_space<vmem_shared>>
        tpu.wait_indirect_dma semaphore(%run_scoped3A_353 : memref<!tpu.dma_semaphore, #tpu.memory_space<semaphore_mem>>) src(%arg11 : memref<128x128xf32, #tpu.memory_space<vmem>>) dst(%dma_wait3A_365 : memref<10128x128xf32, #tpu.memory_space<vmem_shared>>)
        tpu.yield
      }) : () -> ()
      %dma_start3A_104 = arith.constant 4 : i32
      %dma_start3A_105 = arith.constant 0 : i32
      %dma_start3A_106 = tpu.memref_slice %arg7[%dma_start3A_104, %dma_start3A_105] : memref<8x128xi32, #tpu.memory_space<vmem>> -> memref<1x128xi32, #tpu.memory_space<vmem>>
      %dma_start3A_107 = tpu.memref_squeeze %dma_start3A_106 : memref<1x128xi32, #tpu.memory_space<vmem>> -> memref<128xi32, #tpu.memory_space<vmem>>
      %dma_start3A_108 = arith.constant 0 : i32
      %dma_start3A_109 = arith.constant 0 : i32
      %dma_start3A_110 = tpu.memref_slice %arg2[%dma_start3A_108, %dma_start3A_109] : memref<10000x128xf32, #tpu.memory_space<hbm>> -> memref<10000x128xf32, #tpu.memory_space<hbm>>
      tpu.enqueue_indirect_dma source(%dma_start3A_110 : memref<10000x128xf32, #tpu.memory_space<hbm>>) target(%arg11 : memref<128x128xf32, #tpu.memory_space<vmem>>) offsets(%dma_start3A_107 : memref<128xi32, #tpu.memory_space<vmem>>) semaphore(%arg14 : memref<!tpu.dma_semaphore, #tpu.memory_space<semaphore_mem>>)
      %dma_wait3A_111 = arith.constant 3 : i32
      %dma_wait3A_112 = arith.constant 0 : i32
      %dma_wait3A_113 = tpu.memref_slice %arg7[%dma_wait3A_111, %dma_wait3A_112] : memref<8x128xi32, #tpu.memory_space<vmem>> -> memref<1x128xi32, #tpu.memory_space<vmem>>
      %dma_wait3A_114 = tpu.memref_squeeze %dma_wait3A_113 : memref<1x128xi32, #tpu.memory_space<vmem>> -> memref<128xi32, #tpu.memory_space<vmem>>
      %dma_wait3A_115 = arith.constant 0 : i32
      %dma_wait3A_116 = arith.constant 0 : i32
      %dma_wait3A_117 = tpu.memref_slice %arg2[%dma_wait3A_115, %dma_wait3A_116] : memref<10000x128xf32, #tpu.memory_space<hbm>> -> memref<10000x128xf32, #tpu.memory_space<hbm>>
      tpu.wait_indirect_dma semaphore(%arg15 : memref<!tpu.dma_semaphore, #tpu.memory_space<semaphore_mem>>) src(%dma_wait3A_117 : memref<10000x128xf32, #tpu.memory_space<hbm>>) dst(%arg12 : memref<128x128xf32, #tpu.memory_space<vmem>>)
      %run_scoped3A_118 = arith.constant 3 : i32
      "tpu.region"() ({
        %run_scoped3A_353 = tpu.sem_alloc : memref<!tpu.dma_semaphore, #tpu.memory_space<semaphore_mem>>
        %dma_start3A_354 = arith.constant 0 : i32
        %dma_start3A_355 = tpu.memref_slice %arg9[%run_scoped3A_118, %dma_start3A_354] : memref<8x128xi32, #tpu.memory_space<vmem>> -> memref<1x128xi32, #tpu.memory_space<vmem>>
        %dma_start3A_356 = tpu.memref_squeeze %dma_start3A_355 : memref<1x128xi32, #tpu.memory_space<vmem>> -> memref<128xi32, #tpu.memory_space<vmem>>
        %dma_start3A_357 = arith.constant 0 : i32
        %dma_start3A_358 = arith.constant 0 : i32
        %dma_start3A_359 = tpu.memref_slice %arg13[%dma_start3A_357, %dma_start3A_358] : memref<10128x128xf32, #tpu.memory_space<vmem_shared>> -> memref<10128x128xf32, #tpu.memory_space<vmem_shared>>
        tpu.enqueue_indirect_dma source(%arg12 : memref<128x128xf32, #tpu.memory_space<vmem>>) target(%dma_start3A_359 : memref<10128x128xf32, #tpu.memory_space<vmem_shared>>) offsets(%dma_start3A_356 : memref<128xi32, #tpu.memory_space<vmem>>) semaphore(%run_scoped3A_353 : memref<!tpu.dma_semaphore, #tpu.memory_space<semaphore_mem>>) {add = true}
        %dma_wait3A_360 = arith.constant 0 : i32
        %dma_wait3A_361 = tpu.memref_slice %arg9[%run_scoped3A_118, %dma_wait3A_360] : memref<8x128xi32, #tpu.memory_space<vmem>> -> memref<1x128xi32, #tpu.memory_space<vmem>>
        %dma_wait3A_362 = tpu.memref_squeeze %dma_wait3A_361 : memref<1x128xi32, #tpu.memory_space<vmem>> -> memref<128xi32, #tpu.memory_space<vmem>>
        %dma_wait3A_363 = arith.constant 0 : i32
        %dma_wait3A_364 = arith.constant 0 : i32
        %dma_wait3A_365 = tpu.memref_slice %arg13[%dma_wait3A_363, %dma_wait3A_364] : memref<10128x128xf32, #tpu.memory_space<vmem_shared>> -> memref<10128x128xf32, #tpu.memory_space<vmem_shared>>
        tpu.wait_indirect_dma semaphore(%run_scoped3A_353 : memref<!tpu.dma_semaphore, #tpu.memory_space<semaphore_mem>>) src(%arg12 : memref<128x128xf32, #tpu.memory_space<vmem>>) dst(%dma_wait3A_365 : memref<10128x128xf32, #tpu.memory_space<vmem_shared>>)
        tpu.yield
      }) : () -> ()
      %dma_start3A_119 = arith.constant 5 : i32
      %dma_start3A_120 = arith.constant 0 : i32
      %dma_start3A_121 = tpu.memref_slice %arg7[%dma_start3A_119, %dma_start3A_120] : memref<8x128xi32, #tpu.memory_space<vmem>> -> memref<1x128xi32, #tpu.memory_space<vmem>>
      %dma_start3A_122 = tpu.memref_squeeze %dma_start3A_121 : memref<1x128xi32, #tpu.memory_space<vmem>> -> memref<128xi32, #tpu.memory_space<vmem>>
      %dma_start3A_123 = arith.constant 0 : i32
      %dma_start3A_124 = arith.constant 0 : i32
      %dma_start3A_125 = tpu.memref_slice %arg2[%dma_start3A_123, %dma_start3A_124] : memref<10000x128xf32, #tpu.memory_space<hbm>> -> memref<10000x128xf32, #tpu.memory_space<hbm>>
      tpu.enqueue_indirect_dma source(%dma_start3A_125 : memref<10000x128xf32, #tpu.memory_space<hbm>>) target(%arg12 : memref<128x128xf32, #tpu.memory_space<vmem>>) offsets(%dma_start3A_122 : memref<128xi32, #tpu.memory_space<vmem>>) semaphore(%arg15 : memref<!tpu.dma_semaphore, #tpu.memory_space<semaphore_mem>>)
      %dma_wait3A_126 = arith.constant 4 : i32
      %dma_wait3A_127 = arith.constant 0 : i32
      %dma_wait3A_128 = tpu.memref_slice %arg7[%dma_wait3A_126, %dma_wait3A_127] : memref<8x128xi32, #tpu.memory_space<vmem>> -> memref<1x128xi32, #tpu.memory_space<vmem>>
      %dma_wait3A_129 = tpu.memref_squeeze %dma_wait3A_128 : memref<1x128xi32, #tpu.memory_space<vmem>> -> memref<128xi32, #tpu.memory_space<vmem>>
      %dma_wait3A_130 = arith.constant 0 : i32
      %dma_wait3A_131 = arith.constant 0 : i32
      %dma_wait3A_132 = tpu.memref_slice %arg2[%dma_wait3A_130, %dma_wait3A_131] : memref<10000x128xf32, #tpu.memory_space<hbm>> -> memref<10000x128xf32, #tpu.memory_space<hbm>>
      tpu.wait_indirect_dma semaphore(%arg14 : memref<!tpu.dma_semaphore, #tpu.memory_space<semaphore_mem>>) src(%dma_wait3A_132 : memref<10000x128xf32, #tpu.memory_space<hbm>>) dst(%arg11 : memref<128x128xf32, #tpu.memory_space<vmem>>)
      %run_scoped3A_133 = arith.constant 4 : i32
      "tpu.region"() ({
        %run_scoped3A_353 = tpu.sem_alloc : memref<!tpu.dma_semaphore, #tpu.memory_space<semaphore_mem>>
        %dma_start3A_354 = arith.constant 0 : i32
        %dma_start3A_355 = tpu.memref_slice %arg9[%run_scoped3A_133, %dma_start3A_354] : memref<8x128xi32, #tpu.memory_space<vmem>> -> memref<1x128xi32, #tpu.memory_space<vmem>>
        %dma_start3A_356 = tpu.memref_squeeze %dma_start3A_355 : memref<1x128xi32, #tpu.memory_space<vmem>> -> memref<128xi32, #tpu.memory_space<vmem>>
        %dma_start3A_357 = arith.constant 0 : i32
        %dma_start3A_358 = arith.constant 0 : i32
        %dma_start3A_359 = tpu.memref_slice %arg13[%dma_start3A_357, %dma_start3A_358] : memref<10128x128xf32, #tpu.memory_space<vmem_shared>> -> memref<10128x128xf32, #tpu.memory_space<vmem_shared>>
        tpu.enqueue_indirect_dma source(%arg11 : memref<128x128xf32, #tpu.memory_space<vmem>>) target(%dma_start3A_359 : memref<10128x128xf32, #tpu.memory_space<vmem_shared>>) offsets(%dma_start3A_356 : memref<128xi32, #tpu.memory_space<vmem>>) semaphore(%run_scoped3A_353 : memref<!tpu.dma_semaphore, #tpu.memory_space<semaphore_mem>>) {add = true}
        %dma_wait3A_360 = arith.constant 0 : i32
        %dma_wait3A_361 = tpu.memref_slice %arg9[%run_scoped3A_133, %dma_wait3A_360] : memref<8x128xi32, #tpu.memory_space<vmem>> -> memref<1x128xi32, #tpu.memory_space<vmem>>
        %dma_wait3A_362 = tpu.memref_squeeze %dma_wait3A_361 : memref<1x128xi32, #tpu.memory_space<vmem>> -> memref<128xi32, #tpu.memory_space<vmem>>
        %dma_wait3A_363 = arith.constant 0 : i32
        %dma_wait3A_364 = arith.constant 0 : i32
        %dma_wait3A_365 = tpu.memref_slice %arg13[%dma_wait3A_363, %dma_wait3A_364] : memref<10128x128xf32, #tpu.memory_space<vmem_shared>> -> memref<10128x128xf32, #tpu.memory_space<vmem_shared>>
        tpu.wait_indirect_dma semaphore(%run_scoped3A_353 : memref<!tpu.dma_semaphore, #tpu.memory_space<semaphore_mem>>) src(%arg11 : memref<128x128xf32, #tpu.memory_space<vmem>>) dst(%dma_wait3A_365 : memref<10128x128xf32, #tpu.memory_space<vmem_shared>>)
        tpu.yield
      }) : () -> ()
      %dma_start3A_134 = arith.constant 6 : i32
      %dma_start3A_135 = arith.constant 0 : i32
      %dma_start3A_136 = tpu.memref_slice %arg7[%dma_start3A_134, %dma_start3A_135] : memref<8x128xi32, #tpu.memory_space<vmem>> -> memref<1x128xi32, #tpu.memory_space<vmem>>
      %dma_start3A_137 = tpu.memref_squeeze %dma_start3A_136 : memref<1x128xi32, #tpu.memory_space<vmem>> -> memref<128xi32, #tpu.memory_space<vmem>>
      %dma_start3A_138 = arith.constant 0 : i32
      %dma_start3A_139 = arith.constant 0 : i32
      %dma_start3A_140 = tpu.memref_slice %arg2[%dma_start3A_138, %dma_start3A_139] : memref<10000x128xf32, #tpu.memory_space<hbm>> -> memref<10000x128xf32, #tpu.memory_space<hbm>>
      tpu.enqueue_indirect_dma source(%dma_start3A_140 : memref<10000x128xf32, #tpu.memory_space<hbm>>) target(%arg11 : memref<128x128xf32, #tpu.memory_space<vmem>>) offsets(%dma_start3A_137 : memref<128xi32, #tpu.memory_space<vmem>>) semaphore(%arg14 : memref<!tpu.dma_semaphore, #tpu.memory_space<semaphore_mem>>)
      %dma_wait3A_141 = arith.constant 5 : i32
      %dma_wait3A_142 = arith.constant 0 : i32
      %dma_wait3A_143 = tpu.memref_slice %arg7[%dma_wait3A_141, %dma_wait3A_142] : memref<8x128xi32, #tpu.memory_space<vmem>> -> memref<1x128xi32, #tpu.memory_space<vmem>>
      %dma_wait3A_144 = tpu.memref_squeeze %dma_wait3A_143 : memref<1x128xi32, #tpu.memory_space<vmem>> -> memref<128xi32, #tpu.memory_space<vmem>>
      %dma_wait3A_145 = arith.constant 0 : i32
      %dma_wait3A_146 = arith.constant 0 : i32
      %dma_wait3A_147 = tpu.memref_slice %arg2[%dma_wait3A_145, %dma_wait3A_146] : memref<10000x128xf32, #tpu.memory_space<hbm>> -> memref<10000x128xf32, #tpu.memory_space<hbm>>
      tpu.wait_indirect_dma semaphore(%arg15 : memref<!tpu.dma_semaphore, #tpu.memory_space<semaphore_mem>>) src(%dma_wait3A_147 : memref<10000x128xf32, #tpu.memory_space<hbm>>) dst(%arg12 : memref<128x128xf32, #tpu.memory_space<vmem>>)
      %run_scoped3A_148 = arith.constant 5 : i32
      "tpu.region"() ({
        %run_scoped3A_353 = tpu.sem_alloc : memref<!tpu.dma_semaphore, #tpu.memory_space<semaphore_mem>>
        %dma_start3A_354 = arith.constant 0 : i32
        %dma_start3A_355 = tpu.memref_slice %arg9[%run_scoped3A_148, %dma_start3A_354] : memref<8x128xi32, #tpu.memory_space<vmem>> -> memref<1x128xi32, #tpu.memory_space<vmem>>
        %dma_start3A_356 = tpu.memref_squeeze %dma_start3A_355 : memref<1x128xi32, #tpu.memory_space<vmem>> -> memref<128xi32, #tpu.memory_space<vmem>>
        %dma_start3A_357 = arith.constant 0 : i32
        %dma_start3A_358 = arith.constant 0 : i32
        %dma_start3A_359 = tpu.memref_slice %arg13[%dma_start3A_357, %dma_start3A_358] : memref<10128x128xf32, #tpu.memory_space<vmem_shared>> -> memref<10128x128xf32, #tpu.memory_space<vmem_shared>>
        tpu.enqueue_indirect_dma source(%arg12 : memref<128x128xf32, #tpu.memory_space<vmem>>) target(%dma_start3A_359 : memref<10128x128xf32, #tpu.memory_space<vmem_shared>>) offsets(%dma_start3A_356 : memref<128xi32, #tpu.memory_space<vmem>>) semaphore(%run_scoped3A_353 : memref<!tpu.dma_semaphore, #tpu.memory_space<semaphore_mem>>) {add = true}
        %dma_wait3A_360 = arith.constant 0 : i32
        %dma_wait3A_361 = tpu.memref_slice %arg9[%run_scoped3A_148, %dma_wait3A_360] : memref<8x128xi32, #tpu.memory_space<vmem>> -> memref<1x128xi32, #tpu.memory_space<vmem>>
        %dma_wait3A_362 = tpu.memref_squeeze %dma_wait3A_361 : memref<1x128xi32, #tpu.memory_space<vmem>> -> memref<128xi32, #tpu.memory_space<vmem>>
        %dma_wait3A_363 = arith.constant 0 : i32
        %dma_wait3A_364 = arith.constant 0 : i32
        %dma_wait3A_365 = tpu.memref_slice %arg13[%dma_wait3A_363, %dma_wait3A_364] : memref<10128x128xf32, #tpu.memory_space<vmem_shared>> -> memref<10128x128xf32, #tpu.memory_space<vmem_shared>>
        tpu.wait_indirect_dma semaphore(%run_scoped3A_353 : memref<!tpu.dma_semaphore, #tpu.memory_space<semaphore_mem>>) src(%arg12 : memref<128x128xf32, #tpu.memory_space<vmem>>) dst(%dma_wait3A_365 : memref<10128x128xf32, #tpu.memory_space<vmem_shared>>)
        tpu.yield
      }) : () -> ()
      %dma_start3A_149 = arith.constant 7 : i32
      %dma_start3A_150 = arith.constant 0 : i32
      %dma_start3A_151 = tpu.memref_slice %arg7[%dma_start3A_149, %dma_start3A_150] : memref<8x128xi32, #tpu.memory_space<vmem>> -> memref<1x128xi32, #tpu.memory_space<vmem>>
      %dma_start3A_152 = tpu.memref_squeeze %dma_start3A_151 : memref<1x128xi32, #tpu.memory_space<vmem>> -> memref<128xi32, #tpu.memory_space<vmem>>
      %dma_start3A_153 = arith.constant 0 : i32
      %dma_start3A_154 = arith.constant 0 : i32
      %dma_start3A_155 = tpu.memref_slice %arg2[%dma_start3A_153, %dma_start3A_154] : memref<10000x128xf32, #tpu.memory_space<hbm>> -> memref<10000x128xf32, #tpu.memory_space<hbm>>
      tpu.enqueue_indirect_dma source(%dma_start3A_155 : memref<10000x128xf32, #tpu.memory_space<hbm>>) target(%arg12 : memref<128x128xf32, #tpu.memory_space<vmem>>) offsets(%dma_start3A_152 : memref<128xi32, #tpu.memory_space<vmem>>) semaphore(%arg15 : memref<!tpu.dma_semaphore, #tpu.memory_space<semaphore_mem>>)
      %dma_wait3A_156 = arith.constant 6 : i32
      %dma_wait3A_157 = arith.constant 0 : i32
      %dma_wait3A_158 = tpu.memref_slice %arg7[%dma_wait3A_156, %dma_wait3A_157] : memref<8x128xi32, #tpu.memory_space<vmem>> -> memref<1x128xi32, #tpu.memory_space<vmem>>
      %dma_wait3A_159 = tpu.memref_squeeze %dma_wait3A_158 : memref<1x128xi32, #tpu.memory_space<vmem>> -> memref<128xi32, #tpu.memory_space<vmem>>
      %dma_wait3A_160 = arith.constant 0 : i32
      %dma_wait3A_161 = arith.constant 0 : i32
      %dma_wait3A_162 = tpu.memref_slice %arg2[%dma_wait3A_160, %dma_wait3A_161] : memref<10000x128xf32, #tpu.memory_space<hbm>> -> memref<10000x128xf32, #tpu.memory_space<hbm>>
      tpu.wait_indirect_dma semaphore(%arg14 : memref<!tpu.dma_semaphore, #tpu.memory_space<semaphore_mem>>) src(%dma_wait3A_162 : memref<10000x128xf32, #tpu.memory_space<hbm>>) dst(%arg11 : memref<128x128xf32, #tpu.memory_space<vmem>>)
      %run_scoped3A_163 = arith.constant 6 : i32
      "tpu.region"() ({
        %run_scoped3A_353 = tpu.sem_alloc : memref<!tpu.dma_semaphore, #tpu.memory_space<semaphore_mem>>
        %dma_start3A_354 = arith.constant 0 : i32
        %dma_start3A_355 = tpu.memref_slice %arg9[%run_scoped3A_163, %dma_start3A_354] : memref<8x128xi32, #tpu.memory_space<vmem>> -> memref<1x128xi32, #tpu.memory_space<vmem>>
        %dma_start3A_356 = tpu.memref_squeeze %dma_start3A_355 : memref<1x128xi32, #tpu.memory_space<vmem>> -> memref<128xi32, #tpu.memory_space<vmem>>
        %dma_start3A_357 = arith.constant 0 : i32
        %dma_start3A_358 = arith.constant 0 : i32
        %dma_start3A_359 = tpu.memref_slice %arg13[%dma_start3A_357, %dma_start3A_358] : memref<10128x128xf32, #tpu.memory_space<vmem_shared>> -> memref<10128x128xf32, #tpu.memory_space<vmem_shared>>
        tpu.enqueue_indirect_dma source(%arg11 : memref<128x128xf32, #tpu.memory_space<vmem>>) target(%dma_start3A_359 : memref<10128x128xf32, #tpu.memory_space<vmem_shared>>) offsets(%dma_start3A_356 : memref<128xi32, #tpu.memory_space<vmem>>) semaphore(%run_scoped3A_353 : memref<!tpu.dma_semaphore, #tpu.memory_space<semaphore_mem>>) {add = true}
        %dma_wait3A_360 = arith.constant 0 : i32
        %dma_wait3A_361 = tpu.memref_slice %arg9[%run_scoped3A_163, %dma_wait3A_360] : memref<8x128xi32, #tpu.memory_space<vmem>> -> memref<1x128xi32, #tpu.memory_space<vmem>>
        %dma_wait3A_362 = tpu.memref_squeeze %dma_wait3A_361 : memref<1x128xi32, #tpu.memory_space<vmem>> -> memref<128xi32, #tpu.memory_space<vmem>>
        %dma_wait3A_363 = arith.constant 0 : i32
        %dma_wait3A_364 = arith.constant 0 : i32
        %dma_wait3A_365 = tpu.memref_slice %arg13[%dma_wait3A_363, %dma_wait3A_364] : memref<10128x128xf32, #tpu.memory_space<vmem_shared>> -> memref<10128x128xf32, #tpu.memory_space<vmem_shared>>
        tpu.wait_indirect_dma semaphore(%run_scoped3A_353 : memref<!tpu.dma_semaphore, #tpu.memory_space<semaphore_mem>>) src(%arg11 : memref<128x128xf32, #tpu.memory_space<vmem>>) dst(%dma_wait3A_365 : memref<10128x128xf32, #tpu.memory_space<vmem_shared>>)
        tpu.yield
      }) : () -> ()
      %dma_wait3A_164 = arith.constant 0 : i32
      %dma_wait3A_165 = arith.constant 0 : i32
      %dma_wait3A_166 = tpu.memref_slice %arg3[%add3A_43, %dma_wait3A_164, %dma_wait3A_165] : memref<320x8x128xi32, #tpu.memory_space<hbm>> -> memref<1x8x128xi32, #tpu.memory_space<hbm>>
      %dma_wait3A_167 = tpu.memref_squeeze %dma_wait3A_166 : memref<1x8x128xi32, #tpu.memory_space<hbm>> -> memref<8x128xi32, #tpu.memory_space<hbm>>
      %dma_wait3A_168 = arith.constant 0 : i32
      %dma_wait3A_169 = arith.constant 0 : i32
      %dma_wait3A_170 = tpu.memref_slice %arg3[%add3A_43, %dma_wait3A_168, %dma_wait3A_169] : memref<320x8x128xi32, #tpu.memory_space<hbm>> -> memref<1x8x128xi32, #tpu.memory_space<hbm>>
      %dma_wait3A_171 = tpu.memref_squeeze %dma_wait3A_170 : memref<1x8x128xi32, #tpu.memory_space<hbm>> -> memref<8x128xi32, #tpu.memory_space<hbm>>
      tpu.wait_dma2 semaphore(%arg16 : memref<!tpu.dma_semaphore, #tpu.memory_space<semaphore_mem>>) src(%dma_wait3A_171 : memref<8x128xi32, #tpu.memory_space<hbm>>) dst(%arg8 : memref<8x128xi32, #tpu.memory_space<vmem>>)
      %dma_wait3A_172 = arith.constant 0 : i32
      %dma_wait3A_173 = arith.constant 0 : i32
      %dma_wait3A_174 = tpu.memref_slice %arg4[%add3A_43, %dma_wait3A_172, %dma_wait3A_173] : memref<320x8x128xi32, #tpu.memory_space<hbm>> -> memref<1x8x128xi32, #tpu.memory_space<hbm>>
      %dma_wait3A_175 = tpu.memref_squeeze %dma_wait3A_174 : memref<1x8x128xi32, #tpu.memory_space<hbm>> -> memref<8x128xi32, #tpu.memory_space<hbm>>
      %dma_wait3A_176 = arith.constant 0 : i32
      %dma_wait3A_177 = arith.constant 0 : i32
      %dma_wait3A_178 = tpu.memref_slice %arg4[%add3A_43, %dma_wait3A_176, %dma_wait3A_177] : memref<320x8x128xi32, #tpu.memory_space<hbm>> -> memref<1x8x128xi32, #tpu.memory_space<hbm>>
      %dma_wait3A_179 = tpu.memref_squeeze %dma_wait3A_178 : memref<1x8x128xi32, #tpu.memory_space<hbm>> -> memref<8x128xi32, #tpu.memory_space<hbm>>
      tpu.wait_dma2 semaphore(%arg16 : memref<!tpu.dma_semaphore, #tpu.memory_space<semaphore_mem>>) src(%dma_wait3A_179 : memref<8x128xi32, #tpu.memory_space<hbm>>) dst(%arg10 : memref<8x128xi32, #tpu.memory_space<vmem>>)
      %dma_start3A_180 = arith.constant 0 : i32
      %dma_start3A_181 = arith.constant 0 : i32
      %dma_start3A_182 = tpu.memref_slice %arg8[%dma_start3A_180, %dma_start3A_181] : memref<8x128xi32, #tpu.memory_space<vmem>> -> memref<1x128xi32, #tpu.memory_space<vmem>>
      %dma_start3A_183 = tpu.memref_squeeze %dma_start3A_182 : memref<1x128xi32, #tpu.memory_space<vmem>> -> memref<128xi32, #tpu.memory_space<vmem>>
      %dma_start3A_184 = arith.constant 0 : i32
      %dma_start3A_185 = arith.constant 0 : i32
      %dma_start3A_186 = tpu.memref_slice %arg2[%dma_start3A_184, %dma_start3A_185] : memref<10000x128xf32, #tpu.memory_space<hbm>> -> memref<10000x128xf32, #tpu.memory_space<hbm>>
      tpu.enqueue_indirect_dma source(%dma_start3A_186 : memref<10000x128xf32, #tpu.memory_space<hbm>>) target(%arg11 : memref<128x128xf32, #tpu.memory_space<vmem>>) offsets(%dma_start3A_183 : memref<128xi32, #tpu.memory_space<vmem>>) semaphore(%arg14 : memref<!tpu.dma_semaphore, #tpu.memory_space<semaphore_mem>>)
      %dma_wait3A_187 = arith.constant 7 : i32
      %dma_wait3A_188 = arith.constant 0 : i32
      %dma_wait3A_189 = tpu.memref_slice %arg7[%dma_wait3A_187, %dma_wait3A_188] : memref<8x128xi32, #tpu.memory_space<vmem>> -> memref<1x128xi32, #tpu.memory_space<vmem>>
      %dma_wait3A_190 = tpu.memref_squeeze %dma_wait3A_189 : memref<1x128xi32, #tpu.memory_space<vmem>> -> memref<128xi32, #tpu.memory_space<vmem>>
      %dma_wait3A_191 = arith.constant 0 : i32
      %dma_wait3A_192 = arith.constant 0 : i32
      %dma_wait3A_193 = tpu.memref_slice %arg2[%dma_wait3A_191, %dma_wait3A_192] : memref<10000x128xf32, #tpu.memory_space<hbm>> -> memref<10000x128xf32, #tpu.memory_space<hbm>>
      tpu.wait_indirect_dma semaphore(%arg15 : memref<!tpu.dma_semaphore, #tpu.memory_space<semaphore_mem>>) src(%dma_wait3A_193 : memref<10000x128xf32, #tpu.memory_space<hbm>>) dst(%arg12 : memref<128x128xf32, #tpu.memory_space<vmem>>)
      %run_scoped3A_194 = arith.constant 7 : i32
      "tpu.region"() ({
        %run_scoped3A_353 = tpu.sem_alloc : memref<!tpu.dma_semaphore, #tpu.memory_space<semaphore_mem>>
        %dma_start3A_354 = arith.constant 0 : i32
        %dma_start3A_355 = tpu.memref_slice %arg9[%run_scoped3A_194, %dma_start3A_354] : memref<8x128xi32, #tpu.memory_space<vmem>> -> memref<1x128xi32, #tpu.memory_space<vmem>>
        %dma_start3A_356 = tpu.memref_squeeze %dma_start3A_355 : memref<1x128xi32, #tpu.memory_space<vmem>> -> memref<128xi32, #tpu.memory_space<vmem>>
        %dma_start3A_357 = arith.constant 0 : i32
        %dma_start3A_358 = arith.constant 0 : i32
        %dma_start3A_359 = tpu.memref_slice %arg13[%dma_start3A_357, %dma_start3A_358] : memref<10128x128xf32, #tpu.memory_space<vmem_shared>> -> memref<10128x128xf32, #tpu.memory_space<vmem_shared>>
        tpu.enqueue_indirect_dma source(%arg12 : memref<128x128xf32, #tpu.memory_space<vmem>>) target(%dma_start3A_359 : memref<10128x128xf32, #tpu.memory_space<vmem_shared>>) offsets(%dma_start3A_356 : memref<128xi32, #tpu.memory_space<vmem>>) semaphore(%run_scoped3A_353 : memref<!tpu.dma_semaphore, #tpu.memory_space<semaphore_mem>>) {add = true}
        %dma_wait3A_360 = arith.constant 0 : i32
        %dma_wait3A_361 = tpu.memref_slice %arg9[%run_scoped3A_194, %dma_wait3A_360] : memref<8x128xi32, #tpu.memory_space<vmem>> -> memref<1x128xi32, #tpu.memory_space<vmem>>
        %dma_wait3A_362 = tpu.memref_squeeze %dma_wait3A_361 : memref<1x128xi32, #tpu.memory_space<vmem>> -> memref<128xi32, #tpu.memory_space<vmem>>
        %dma_wait3A_363 = arith.constant 0 : i32
        %dma_wait3A_364 = arith.constant 0 : i32
        %dma_wait3A_365 = tpu.memref_slice %arg13[%dma_wait3A_363, %dma_wait3A_364] : memref<10128x128xf32, #tpu.memory_space<vmem_shared>> -> memref<10128x128xf32, #tpu.memory_space<vmem_shared>>
        tpu.wait_indirect_dma semaphore(%run_scoped3A_353 : memref<!tpu.dma_semaphore, #tpu.memory_space<semaphore_mem>>) src(%arg12 : memref<128x128xf32, #tpu.memory_space<vmem>>) dst(%dma_wait3A_365 : memref<10128x128xf32, #tpu.memory_space<vmem_shared>>)
        tpu.yield
      }) : () -> ()
      %add3A_195 = arith.constant 2 : i32
      %add3A_196 = arith.addi %mul3A_38, %add3A_195 : i32
      %min3A = arith.constant 9 : i32
      %min3A_197 = arith.minsi %add3A_196, %min3A : i32
      %add3A_198 = arith.addi %mul3A_40, %min3A_197 : i32
      %add3A_199 = arith.constant 1 : i32
      %add3A_200 = arith.addi %mul3A_38, %add3A_199 : i32
      %dma_start3A_201 = arith.constant 0 : i32
      %dma_start3A_202 = arith.constant 0 : i32
      %dma_start3A_203 = tpu.memref_slice %arg3[%add3A_198, %dma_start3A_201, %dma_start3A_202] : memref<320x8x128xi32, #tpu.memory_space<hbm>> -> memref<1x8x128xi32, #tpu.memory_space<hbm>>
      %dma_start3A_204 = tpu.memref_squeeze %dma_start3A_203 : memref<1x8x128xi32, #tpu.memory_space<hbm>> -> memref<8x128xi32, #tpu.memory_space<hbm>>
      %dma_start3A_205 = arith.constant 0 : i32
      %dma_start3A_206 = arith.constant 0 : i32
      %dma_start3A_207 = tpu.memref_slice %arg3[%add3A_198, %dma_start3A_205, %dma_start3A_206] : memref<320x8x128xi32, #tpu.memory_space<hbm>> -> memref<1x8x128xi32, #tpu.memory_space<hbm>>
      %dma_start3A_208 = tpu.memref_squeeze %dma_start3A_207 : memref<1x8x128xi32, #tpu.memory_space<hbm>> -> memref<8x128xi32, #tpu.memory_space<hbm>>
      tpu.enqueue_dma source(%dma_start3A_208 : memref<8x128xi32, #tpu.memory_space<hbm>>) target(%arg7 : memref<8x128xi32, #tpu.memory_space<vmem>>) target_semaphore(%arg16 : memref<!tpu.dma_semaphore, #tpu.memory_space<semaphore_mem>>)
      %dma_start3A_209 = arith.constant 0 : i32
      %dma_start3A_210 = arith.constant 0 : i32
      %dma_start3A_211 = tpu.memref_slice %arg4[%add3A_198, %dma_start3A_209, %dma_start3A_210] : memref<320x8x128xi32, #tpu.memory_space<hbm>> -> memref<1x8x128xi32, #tpu.memory_space<hbm>>
      %dma_start3A_212 = tpu.memref_squeeze %dma_start3A_211 : memref<1x8x128xi32, #tpu.memory_space<hbm>> -> memref<8x128xi32, #tpu.memory_space<hbm>>
      %dma_start3A_213 = arith.constant 0 : i32
      %dma_start3A_214 = arith.constant 0 : i32
      %dma_start3A_215 = tpu.memref_slice %arg4[%add3A_198, %dma_start3A_213, %dma_start3A_214] : memref<320x8x128xi32, #tpu.memory_space<hbm>> -> memref<1x8x128xi32, #tpu.memory_space<hbm>>
      %dma_start3A_216 = tpu.memref_squeeze %dma_start3A_215 : memref<1x8x128xi32, #tpu.memory_space<hbm>> -> memref<8x128xi32, #tpu.memory_space<hbm>>
      tpu.enqueue_dma source(%dma_start3A_216 : memref<8x128xi32, #tpu.memory_space<hbm>>) target(%arg9 : memref<8x128xi32, #tpu.memory_space<vmem>>) target_semaphore(%arg16 : memref<!tpu.dma_semaphore, #tpu.memory_space<semaphore_mem>>)
      %dma_start3A_217 = arith.constant 1 : i32
      %dma_start3A_218 = arith.constant 0 : i32
      %dma_start3A_219 = tpu.memref_slice %arg8[%dma_start3A_217, %dma_start3A_218] : memref<8x128xi32, #tpu.memory_space<vmem>> -> memref<1x128xi32, #tpu.memory_space<vmem>>
      %dma_start3A_220 = tpu.memref_squeeze %dma_start3A_219 : memref<1x128xi32, #tpu.memory_space<vmem>> -> memref<128xi32, #tpu.memory_space<vmem>>
      %dma_start3A_221 = arith.constant 0 : i32
      %dma_start3A_222 = arith.constant 0 : i32
      %dma_start3A_223 = tpu.memref_slice %arg2[%dma_start3A_221, %dma_start3A_222] : memref<10000x128xf32, #tpu.memory_space<hbm>> -> memref<10000x128xf32, #tpu.memory_space<hbm>>
      tpu.enqueue_indirect_dma source(%dma_start3A_223 : memref<10000x128xf32, #tpu.memory_space<hbm>>) target(%arg12 : memref<128x128xf32, #tpu.memory_space<vmem>>) offsets(%dma_start3A_220 : memref<128xi32, #tpu.memory_space<vmem>>) semaphore(%arg15 : memref<!tpu.dma_semaphore, #tpu.memory_space<semaphore_mem>>)
      %dma_wait3A_224 = arith.constant 0 : i32
      %dma_wait3A_225 = arith.constant 0 : i32
      %dma_wait3A_226 = tpu.memref_slice %arg8[%dma_wait3A_224, %dma_wait3A_225] : memref<8x128xi32, #tpu.memory_space<vmem>> -> memref<1x128xi32, #tpu.memory_space<vmem>>
      %dma_wait3A_227 = tpu.memref_squeeze %dma_wait3A_226 : memref<1x128xi32, #tpu.memory_space<vmem>> -> memref<128xi32, #tpu.memory_space<vmem>>
      %dma_wait3A_228 = arith.constant 0 : i32
      %dma_wait3A_229 = arith.constant 0 : i32
      %dma_wait3A_230 = tpu.memref_slice %arg2[%dma_wait3A_228, %dma_wait3A_229] : memref<10000x128xf32, #tpu.memory_space<hbm>> -> memref<10000x128xf32, #tpu.memory_space<hbm>>
      tpu.wait_indirect_dma semaphore(%arg14 : memref<!tpu.dma_semaphore, #tpu.memory_space<semaphore_mem>>) src(%dma_wait3A_230 : memref<10000x128xf32, #tpu.memory_space<hbm>>) dst(%arg11 : memref<128x128xf32, #tpu.memory_space<vmem>>)
      %run_scoped3A_231 = arith.constant 0 : i32
      "tpu.region"() ({
        %run_scoped3A_353 = tpu.sem_alloc : memref<!tpu.dma_semaphore, #tpu.memory_space<semaphore_mem>>
        %dma_start3A_354 = arith.constant 0 : i32
        %dma_start3A_355 = tpu.memref_slice %arg10[%run_scoped3A_231, %dma_start3A_354] : memref<8x128xi32, #tpu.memory_space<vmem>> -> memref<1x128xi32, #tpu.memory_space<vmem>>
        %dma_start3A_356 = tpu.memref_squeeze %dma_start3A_355 : memref<1x128xi32, #tpu.memory_space<vmem>> -> memref<128xi32, #tpu.memory_space<vmem>>
        %dma_start3A_357 = arith.constant 0 : i32
        %dma_start3A_358 = arith.constant 0 : i32
        %dma_start3A_359 = tpu.memref_slice %arg13[%dma_start3A_357, %dma_start3A_358] : memref<10128x128xf32, #tpu.memory_space<vmem_shared>> -> memref<10128x128xf32, #tpu.memory_space<vmem_shared>>
        tpu.enqueue_indirect_dma source(%arg11 : memref<128x128xf32, #tpu.memory_space<vmem>>) target(%dma_start3A_359 : memref<10128x128xf32, #tpu.memory_space<vmem_shared>>) offsets(%dma_start3A_356 : memref<128xi32, #tpu.memory_space<vmem>>) semaphore(%run_scoped3A_353 : memref<!tpu.dma_semaphore, #tpu.memory_space<semaphore_mem>>) {add = true}
        %dma_wait3A_360 = arith.constant 0 : i32
        %dma_wait3A_361 = tpu.memref_slice %arg10[%run_scoped3A_231, %dma_wait3A_360] : memref<8x128xi32, #tpu.memory_space<vmem>> -> memref<1x128xi32, #tpu.memory_space<vmem>>
        %dma_wait3A_362 = tpu.memref_squeeze %dma_wait3A_361 : memref<1x128xi32, #tpu.memory_space<vmem>> -> memref<128xi32, #tpu.memory_space<vmem>>
        %dma_wait3A_363 = arith.constant 0 : i32
        %dma_wait3A_364 = arith.constant 0 : i32
        %dma_wait3A_365 = tpu.memref_slice %arg13[%dma_wait3A_363, %dma_wait3A_364] : memref<10128x128xf32, #tpu.memory_space<vmem_shared>> -> memref<10128x128xf32, #tpu.memory_space<vmem_shared>>
        tpu.wait_indirect_dma semaphore(%run_scoped3A_353 : memref<!tpu.dma_semaphore, #tpu.memory_space<semaphore_mem>>) src(%arg11 : memref<128x128xf32, #tpu.memory_space<vmem>>) dst(%dma_wait3A_365 : memref<10128x128xf32, #tpu.memory_space<vmem_shared>>)
        tpu.yield
      }) : () -> ()
      %dma_start3A_232 = arith.constant 2 : i32
      %dma_start3A_233 = arith.constant 0 : i32
      %dma_start3A_234 = tpu.memref_slice %arg8[%dma_start3A_232, %dma_start3A_233] : memref<8x128xi32, #tpu.memory_space<vmem>> -> memref<1x128xi32, #tpu.memory_space<vmem>>
      %dma_start3A_235 = tpu.memref_squeeze %dma_start3A_234 : memref<1x128xi32, #tpu.memory_space<vmem>> -> memref<128xi32, #tpu.memory_space<vmem>>
      %dma_start3A_236 = arith.constant 0 : i32
      %dma_start3A_237 = arith.constant 0 : i32
      %dma_start3A_238 = tpu.memref_slice %arg2[%dma_start3A_236, %dma_start3A_237] : memref<10000x128xf32, #tpu.memory_space<hbm>> -> memref<10000x128xf32, #tpu.memory_space<hbm>>
      tpu.enqueue_indirect_dma source(%dma_start3A_238 : memref<10000x128xf32, #tpu.memory_space<hbm>>) target(%arg11 : memref<128x128xf32, #tpu.memory_space<vmem>>) offsets(%dma_start3A_235 : memref<128xi32, #tpu.memory_space<vmem>>) semaphore(%arg14 : memref<!tpu.dma_semaphore, #tpu.memory_space<semaphore_mem>>)
      %dma_wait3A_239 = arith.constant 1 : i32
      %dma_wait3A_240 = arith.constant 0 : i32
      %dma_wait3A_241 = tpu.memref_slice %arg8[%dma_wait3A_239, %dma_wait3A_240] : memref<8x128xi32, #tpu.memory_space<vmem>> -> memref<1x128xi32, #tpu.memory_space<vmem>>
      %dma_wait3A_242 = tpu.memref_squeeze %dma_wait3A_241 : memref<1x128xi32, #tpu.memory_space<vmem>> -> memref<128xi32, #tpu.memory_space<vmem>>
      %dma_wait3A_243 = arith.constant 0 : i32
      %dma_wait3A_244 = arith.constant 0 : i32
      %dma_wait3A_245 = tpu.memref_slice %arg2[%dma_wait3A_243, %dma_wait3A_244] : memref<10000x128xf32, #tpu.memory_space<hbm>> -> memref<10000x128xf32, #tpu.memory_space<hbm>>
      tpu.wait_indirect_dma semaphore(%arg15 : memref<!tpu.dma_semaphore, #tpu.memory_space<semaphore_mem>>) src(%dma_wait3A_245 : memref<10000x128xf32, #tpu.memory_space<hbm>>) dst(%arg12 : memref<128x128xf32, #tpu.memory_space<vmem>>)
      %run_scoped3A_246 = arith.constant 1 : i32
      "tpu.region"() ({
        %run_scoped3A_353 = tpu.sem_alloc : memref<!tpu.dma_semaphore, #tpu.memory_space<semaphore_mem>>
        %dma_start3A_354 = arith.constant 0 : i32
        %dma_start3A_355 = tpu.memref_slice %arg10[%run_scoped3A_246, %dma_start3A_354] : memref<8x128xi32, #tpu.memory_space<vmem>> -> memref<1x128xi32, #tpu.memory_space<vmem>>
        %dma_start3A_356 = tpu.memref_squeeze %dma_start3A_355 : memref<1x128xi32, #tpu.memory_space<vmem>> -> memref<128xi32, #tpu.memory_space<vmem>>
        %dma_start3A_357 = arith.constant 0 : i32
        %dma_start3A_358 = arith.constant 0 : i32
        %dma_start3A_359 = tpu.memref_slice %arg13[%dma_start3A_357, %dma_start3A_358] : memref<10128x128xf32, #tpu.memory_space<vmem_shared>> -> memref<10128x128xf32, #tpu.memory_space<vmem_shared>>
        tpu.enqueue_indirect_dma source(%arg12 : memref<128x128xf32, #tpu.memory_space<vmem>>) target(%dma_start3A_359 : memref<10128x128xf32, #tpu.memory_space<vmem_shared>>) offsets(%dma_start3A_356 : memref<128xi32, #tpu.memory_space<vmem>>) semaphore(%run_scoped3A_353 : memref<!tpu.dma_semaphore, #tpu.memory_space<semaphore_mem>>) {add = true}
        %dma_wait3A_360 = arith.constant 0 : i32
        %dma_wait3A_361 = tpu.memref_slice %arg10[%run_scoped3A_246, %dma_wait3A_360] : memref<8x128xi32, #tpu.memory_space<vmem>> -> memref<1x128xi32, #tpu.memory_space<vmem>>
        %dma_wait3A_362 = tpu.memref_squeeze %dma_wait3A_361 : memref<1x128xi32, #tpu.memory_space<vmem>> -> memref<128xi32, #tpu.memory_space<vmem>>
        %dma_wait3A_363 = arith.constant 0 : i32
        %dma_wait3A_364 = arith.constant 0 : i32
        %dma_wait3A_365 = tpu.memref_slice %arg13[%dma_wait3A_363, %dma_wait3A_364] : memref<10128x128xf32, #tpu.memory_space<vmem_shared>> -> memref<10128x128xf32, #tpu.memory_space<vmem_shared>>
        tpu.wait_indirect_dma semaphore(%run_scoped3A_353 : memref<!tpu.dma_semaphore, #tpu.memory_space<semaphore_mem>>) src(%arg12 : memref<128x128xf32, #tpu.memory_space<vmem>>) dst(%dma_wait3A_365 : memref<10128x128xf32, #tpu.memory_space<vmem_shared>>)
        tpu.yield
      }) : () -> ()
      %dma_start3A_247 = arith.constant 3 : i32
      %dma_start3A_248 = arith.constant 0 : i32
      %dma_start3A_249 = tpu.memref_slice %arg8[%dma_start3A_247, %dma_start3A_248] : memref<8x128xi32, #tpu.memory_space<vmem>> -> memref<1x128xi32, #tpu.memory_space<vmem>>
      %dma_start3A_250 = tpu.memref_squeeze %dma_start3A_249 : memref<1x128xi32, #tpu.memory_space<vmem>> -> memref<128xi32, #tpu.memory_space<vmem>>
      %dma_start3A_251 = arith.constant 0 : i32
      %dma_start3A_252 = arith.constant 0 : i32
      %dma_start3A_253 = tpu.memref_slice %arg2[%dma_start3A_251, %dma_start3A_252] : memref<10000x128xf32, #tpu.memory_space<hbm>> -> memref<10000x128xf32, #tpu.memory_space<hbm>>
      tpu.enqueue_indirect_dma source(%dma_start3A_253 : memref<10000x128xf32, #tpu.memory_space<hbm>>) target(%arg12 : memref<128x128xf32, #tpu.memory_space<vmem>>) offsets(%dma_start3A_250 : memref<128xi32, #tpu.memory_space<vmem>>) semaphore(%arg15 : memref<!tpu.dma_semaphore, #tpu.memory_space<semaphore_mem>>)
      %dma_wait3A_254 = arith.constant 2 : i32
      %dma_wait3A_255 = arith.constant 0 : i32
      %dma_wait3A_256 = tpu.memref_slice %arg8[%dma_wait3A_254, %dma_wait3A_255] : memref<8x128xi32, #tpu.memory_space<vmem>> -> memref<1x128xi32, #tpu.memory_space<vmem>>
      %dma_wait3A_257 = tpu.memref_squeeze %dma_wait3A_256 : memref<1x128xi32, #tpu.memory_space<vmem>> -> memref<128xi32, #tpu.memory_space<vmem>>
      %dma_wait3A_258 = arith.constant 0 : i32
      %dma_wait3A_259 = arith.constant 0 : i32
      %dma_wait3A_260 = tpu.memref_slice %arg2[%dma_wait3A_258, %dma_wait3A_259] : memref<10000x128xf32, #tpu.memory_space<hbm>> -> memref<10000x128xf32, #tpu.memory_space<hbm>>
      tpu.wait_indirect_dma semaphore(%arg14 : memref<!tpu.dma_semaphore, #tpu.memory_space<semaphore_mem>>) src(%dma_wait3A_260 : memref<10000x128xf32, #tpu.memory_space<hbm>>) dst(%arg11 : memref<128x128xf32, #tpu.memory_space<vmem>>)
      %run_scoped3A_261 = arith.constant 2 : i32
      "tpu.region"() ({
        %run_scoped3A_353 = tpu.sem_alloc : memref<!tpu.dma_semaphore, #tpu.memory_space<semaphore_mem>>
        %dma_start3A_354 = arith.constant 0 : i32
        %dma_start3A_355 = tpu.memref_slice %arg10[%run_scoped3A_261, %dma_start3A_354] : memref<8x128xi32, #tpu.memory_space<vmem>> -> memref<1x128xi32, #tpu.memory_space<vmem>>
        %dma_start3A_356 = tpu.memref_squeeze %dma_start3A_355 : memref<1x128xi32, #tpu.memory_space<vmem>> -> memref<128xi32, #tpu.memory_space<vmem>>
        %dma_start3A_357 = arith.constant 0 : i32
        %dma_start3A_358 = arith.constant 0 : i32
        %dma_start3A_359 = tpu.memref_slice %arg13[%dma_start3A_357, %dma_start3A_358] : memref<10128x128xf32, #tpu.memory_space<vmem_shared>> -> memref<10128x128xf32, #tpu.memory_space<vmem_shared>>
        tpu.enqueue_indirect_dma source(%arg11 : memref<128x128xf32, #tpu.memory_space<vmem>>) target(%dma_start3A_359 : memref<10128x128xf32, #tpu.memory_space<vmem_shared>>) offsets(%dma_start3A_356 : memref<128xi32, #tpu.memory_space<vmem>>) semaphore(%run_scoped3A_353 : memref<!tpu.dma_semaphore, #tpu.memory_space<semaphore_mem>>) {add = true}
        %dma_wait3A_360 = arith.constant 0 : i32
        %dma_wait3A_361 = tpu.memref_slice %arg10[%run_scoped3A_261, %dma_wait3A_360] : memref<8x128xi32, #tpu.memory_space<vmem>> -> memref<1x128xi32, #tpu.memory_space<vmem>>
        %dma_wait3A_362 = tpu.memref_squeeze %dma_wait3A_361 : memref<1x128xi32, #tpu.memory_space<vmem>> -> memref<128xi32, #tpu.memory_space<vmem>>
        %dma_wait3A_363 = arith.constant 0 : i32
        %dma_wait3A_364 = arith.constant 0 : i32
        %dma_wait3A_365 = tpu.memref_slice %arg13[%dma_wait3A_363, %dma_wait3A_364] : memref<10128x128xf32, #tpu.memory_space<vmem_shared>> -> memref<10128x128xf32, #tpu.memory_space<vmem_shared>>
        tpu.wait_indirect_dma semaphore(%run_scoped3A_353 : memref<!tpu.dma_semaphore, #tpu.memory_space<semaphore_mem>>) src(%arg11 : memref<128x128xf32, #tpu.memory_space<vmem>>) dst(%dma_wait3A_365 : memref<10128x128xf32, #tpu.memory_space<vmem_shared>>)
        tpu.yield
      }) : () -> ()
      %dma_start3A_262 = arith.constant 4 : i32
      %dma_start3A_263 = arith.constant 0 : i32
      %dma_start3A_264 = tpu.memref_slice %arg8[%dma_start3A_262, %dma_start3A_263] : memref<8x128xi32, #tpu.memory_space<vmem>> -> memref<1x128xi32, #tpu.memory_space<vmem>>
      %dma_start3A_265 = tpu.memref_squeeze %dma_start3A_264 : memref<1x128xi32, #tpu.memory_space<vmem>> -> memref<128xi32, #tpu.memory_space<vmem>>
      %dma_start3A_266 = arith.constant 0 : i32
      %dma_start3A_267 = arith.constant 0 : i32
      %dma_start3A_268 = tpu.memref_slice %arg2[%dma_start3A_266, %dma_start3A_267] : memref<10000x128xf32, #tpu.memory_space<hbm>> -> memref<10000x128xf32, #tpu.memory_space<hbm>>
      tpu.enqueue_indirect_dma source(%dma_start3A_268 : memref<10000x128xf32, #tpu.memory_space<hbm>>) target(%arg11 : memref<128x128xf32, #tpu.memory_space<vmem>>) offsets(%dma_start3A_265 : memref<128xi32, #tpu.memory_space<vmem>>) semaphore(%arg14 : memref<!tpu.dma_semaphore, #tpu.memory_space<semaphore_mem>>)
      %dma_wait3A_269 = arith.constant 3 : i32
      %dma_wait3A_270 = arith.constant 0 : i32
      %dma_wait3A_271 = tpu.memref_slice %arg8[%dma_wait3A_269, %dma_wait3A_270] : memref<8x128xi32, #tpu.memory_space<vmem>> -> memref<1x128xi32, #tpu.memory_space<vmem>>
      %dma_wait3A_272 = tpu.memref_squeeze %dma_wait3A_271 : memref<1x128xi32, #tpu.memory_space<vmem>> -> memref<128xi32, #tpu.memory_space<vmem>>
      %dma_wait3A_273 = arith.constant 0 : i32
      %dma_wait3A_274 = arith.constant 0 : i32
      %dma_wait3A_275 = tpu.memref_slice %arg2[%dma_wait3A_273, %dma_wait3A_274] : memref<10000x128xf32, #tpu.memory_space<hbm>> -> memref<10000x128xf32, #tpu.memory_space<hbm>>
      tpu.wait_indirect_dma semaphore(%arg15 : memref<!tpu.dma_semaphore, #tpu.memory_space<semaphore_mem>>) src(%dma_wait3A_275 : memref<10000x128xf32, #tpu.memory_space<hbm>>) dst(%arg12 : memref<128x128xf32, #tpu.memory_space<vmem>>)
      %run_scoped3A_276 = arith.constant 3 : i32
      "tpu.region"() ({
        %run_scoped3A_353 = tpu.sem_alloc : memref<!tpu.dma_semaphore, #tpu.memory_space<semaphore_mem>>
        %dma_start3A_354 = arith.constant 0 : i32
        %dma_start3A_355 = tpu.memref_slice %arg10[%run_scoped3A_276, %dma_start3A_354] : memref<8x128xi32, #tpu.memory_space<vmem>> -> memref<1x128xi32, #tpu.memory_space<vmem>>
        %dma_start3A_356 = tpu.memref_squeeze %dma_start3A_355 : memref<1x128xi32, #tpu.memory_space<vmem>> -> memref<128xi32, #tpu.memory_space<vmem>>
        %dma_start3A_357 = arith.constant 0 : i32
        %dma_start3A_358 = arith.constant 0 : i32
        %dma_start3A_359 = tpu.memref_slice %arg13[%dma_start3A_357, %dma_start3A_358] : memref<10128x128xf32, #tpu.memory_space<vmem_shared>> -> memref<10128x128xf32, #tpu.memory_space<vmem_shared>>
        tpu.enqueue_indirect_dma source(%arg12 : memref<128x128xf32, #tpu.memory_space<vmem>>) target(%dma_start3A_359 : memref<10128x128xf32, #tpu.memory_space<vmem_shared>>) offsets(%dma_start3A_356 : memref<128xi32, #tpu.memory_space<vmem>>) semaphore(%run_scoped3A_353 : memref<!tpu.dma_semaphore, #tpu.memory_space<semaphore_mem>>) {add = true}
        %dma_wait3A_360 = arith.constant 0 : i32
        %dma_wait3A_361 = tpu.memref_slice %arg10[%run_scoped3A_276, %dma_wait3A_360] : memref<8x128xi32, #tpu.memory_space<vmem>> -> memref<1x128xi32, #tpu.memory_space<vmem>>
        %dma_wait3A_362 = tpu.memref_squeeze %dma_wait3A_361 : memref<1x128xi32, #tpu.memory_space<vmem>> -> memref<128xi32, #tpu.memory_space<vmem>>
        %dma_wait3A_363 = arith.constant 0 : i32
        %dma_wait3A_364 = arith.constant 0 : i32
        %dma_wait3A_365 = tpu.memref_slice %arg13[%dma_wait3A_363, %dma_wait3A_364] : memref<10128x128xf32, #tpu.memory_space<vmem_shared>> -> memref<10128x128xf32, #tpu.memory_space<vmem_shared>>
        tpu.wait_indirect_dma semaphore(%run_scoped3A_353 : memref<!tpu.dma_semaphore, #tpu.memory_space<semaphore_mem>>) src(%arg12 : memref<128x128xf32, #tpu.memory_space<vmem>>) dst(%dma_wait3A_365 : memref<10128x128xf32, #tpu.memory_space<vmem_shared>>)
        tpu.yield
      }) : () -> ()
      %dma_start3A_277 = arith.constant 5 : i32
      %dma_start3A_278 = arith.constant 0 : i32
      %dma_start3A_279 = tpu.memref_slice %arg8[%dma_start3A_277, %dma_start3A_278] : memref<8x128xi32, #tpu.memory_space<vmem>> -> memref<1x128xi32, #tpu.memory_space<vmem>>
      %dma_start3A_280 = tpu.memref_squeeze %dma_start3A_279 : memref<1x128xi32, #tpu.memory_space<vmem>> -> memref<128xi32, #tpu.memory_space<vmem>>
      %dma_start3A_281 = arith.constant 0 : i32
      %dma_start3A_282 = arith.constant 0 : i32
      %dma_start3A_283 = tpu.memref_slice %arg2[%dma_start3A_281, %dma_start3A_282] : memref<10000x128xf32, #tpu.memory_space<hbm>> -> memref<10000x128xf32, #tpu.memory_space<hbm>>
      tpu.enqueue_indirect_dma source(%dma_start3A_283 : memref<10000x128xf32, #tpu.memory_space<hbm>>) target(%arg12 : memref<128x128xf32, #tpu.memory_space<vmem>>) offsets(%dma_start3A_280 : memref<128xi32, #tpu.memory_space<vmem>>) semaphore(%arg15 : memref<!tpu.dma_semaphore, #tpu.memory_space<semaphore_mem>>)
      %dma_wait3A_284 = arith.constant 4 : i32
      %dma_wait3A_285 = arith.constant 0 : i32
      %dma_wait3A_286 = tpu.memref_slice %arg8[%dma_wait3A_284, %dma_wait3A_285] : memref<8x128xi32, #tpu.memory_space<vmem>> -> memref<1x128xi32, #tpu.memory_space<vmem>>
      %dma_wait3A_287 = tpu.memref_squeeze %dma_wait3A_286 : memref<1x128xi32, #tpu.memory_space<vmem>> -> memref<128xi32, #tpu.memory_space<vmem>>
      %dma_wait3A_288 = arith.constant 0 : i32
      %dma_wait3A_289 = arith.constant 0 : i32
      %dma_wait3A_290 = tpu.memref_slice %arg2[%dma_wait3A_288, %dma_wait3A_289] : memref<10000x128xf32, #tpu.memory_space<hbm>> -> memref<10000x128xf32, #tpu.memory_space<hbm>>
      tpu.wait_indirect_dma semaphore(%arg14 : memref<!tpu.dma_semaphore, #tpu.memory_space<semaphore_mem>>) src(%dma_wait3A_290 : memref<10000x128xf32, #tpu.memory_space<hbm>>) dst(%arg11 : memref<128x128xf32, #tpu.memory_space<vmem>>)
      %run_scoped3A_291 = arith.constant 4 : i32
      "tpu.region"() ({
        %run_scoped3A_353 = tpu.sem_alloc : memref<!tpu.dma_semaphore, #tpu.memory_space<semaphore_mem>>
        %dma_start3A_354 = arith.constant 0 : i32
        %dma_start3A_355 = tpu.memref_slice %arg10[%run_scoped3A_291, %dma_start3A_354] : memref<8x128xi32, #tpu.memory_space<vmem>> -> memref<1x128xi32, #tpu.memory_space<vmem>>
        %dma_start3A_356 = tpu.memref_squeeze %dma_start3A_355 : memref<1x128xi32, #tpu.memory_space<vmem>> -> memref<128xi32, #tpu.memory_space<vmem>>
        %dma_start3A_357 = arith.constant 0 : i32
        %dma_start3A_358 = arith.constant 0 : i32
        %dma_start3A_359 = tpu.memref_slice %arg13[%dma_start3A_357, %dma_start3A_358] : memref<10128x128xf32, #tpu.memory_space<vmem_shared>> -> memref<10128x128xf32, #tpu.memory_space<vmem_shared>>
        tpu.enqueue_indirect_dma source(%arg11 : memref<128x128xf32, #tpu.memory_space<vmem>>) target(%dma_start3A_359 : memref<10128x128xf32, #tpu.memory_space<vmem_shared>>) offsets(%dma_start3A_356 : memref<128xi32, #tpu.memory_space<vmem>>) semaphore(%run_scoped3A_353 : memref<!tpu.dma_semaphore, #tpu.memory_space<semaphore_mem>>) {add = true}
        %dma_wait3A_360 = arith.constant 0 : i32
        %dma_wait3A_361 = tpu.memref_slice %arg10[%run_scoped3A_291, %dma_wait3A_360] : memref<8x128xi32, #tpu.memory_space<vmem>> -> memref<1x128xi32, #tpu.memory_space<vmem>>
        %dma_wait3A_362 = tpu.memref_squeeze %dma_wait3A_361 : memref<1x128xi32, #tpu.memory_space<vmem>> -> memref<128xi32, #tpu.memory_space<vmem>>
        %dma_wait3A_363 = arith.constant 0 : i32
        %dma_wait3A_364 = arith.constant 0 : i32
        %dma_wait3A_365 = tpu.memref_slice %arg13[%dma_wait3A_363, %dma_wait3A_364] : memref<10128x128xf32, #tpu.memory_space<vmem_shared>> -> memref<10128x128xf32, #tpu.memory_space<vmem_shared>>
        tpu.wait_indirect_dma semaphore(%run_scoped3A_353 : memref<!tpu.dma_semaphore, #tpu.memory_space<semaphore_mem>>) src(%arg11 : memref<128x128xf32, #tpu.memory_space<vmem>>) dst(%dma_wait3A_365 : memref<10128x128xf32, #tpu.memory_space<vmem_shared>>)
        tpu.yield
      }) : () -> ()
      %dma_start3A_292 = arith.constant 6 : i32
      %dma_start3A_293 = arith.constant 0 : i32
      %dma_start3A_294 = tpu.memref_slice %arg8[%dma_start3A_292, %dma_start3A_293] : memref<8x128xi32, #tpu.memory_space<vmem>> -> memref<1x128xi32, #tpu.memory_space<vmem>>
      %dma_start3A_295 = tpu.memref_squeeze %dma_start3A_294 : memref<1x128xi32, #tpu.memory_space<vmem>> -> memref<128xi32, #tpu.memory_space<vmem>>
      %dma_start3A_296 = arith.constant 0 : i32
      %dma_start3A_297 = arith.constant 0 : i32
      %dma_start3A_298 = tpu.memref_slice %arg2[%dma_start3A_296, %dma_start3A_297] : memref<10000x128xf32, #tpu.memory_space<hbm>> -> memref<10000x128xf32, #tpu.memory_space<hbm>>
      tpu.enqueue_indirect_dma source(%dma_start3A_298 : memref<10000x128xf32, #tpu.memory_space<hbm>>) target(%arg11 : memref<128x128xf32, #tpu.memory_space<vmem>>) offsets(%dma_start3A_295 : memref<128xi32, #tpu.memory_space<vmem>>) semaphore(%arg14 : memref<!tpu.dma_semaphore, #tpu.memory_space<semaphore_mem>>)
      %dma_wait3A_299 = arith.constant 5 : i32
      %dma_wait3A_300 = arith.constant 0 : i32
      %dma_wait3A_301 = tpu.memref_slice %arg8[%dma_wait3A_299, %dma_wait3A_300] : memref<8x128xi32, #tpu.memory_space<vmem>> -> memref<1x128xi32, #tpu.memory_space<vmem>>
      %dma_wait3A_302 = tpu.memref_squeeze %dma_wait3A_301 : memref<1x128xi32, #tpu.memory_space<vmem>> -> memref<128xi32, #tpu.memory_space<vmem>>
      %dma_wait3A_303 = arith.constant 0 : i32
      %dma_wait3A_304 = arith.constant 0 : i32
      %dma_wait3A_305 = tpu.memref_slice %arg2[%dma_wait3A_303, %dma_wait3A_304] : memref<10000x128xf32, #tpu.memory_space<hbm>> -> memref<10000x128xf32, #tpu.memory_space<hbm>>
      tpu.wait_indirect_dma semaphore(%arg15 : memref<!tpu.dma_semaphore, #tpu.memory_space<semaphore_mem>>) src(%dma_wait3A_305 : memref<10000x128xf32, #tpu.memory_space<hbm>>) dst(%arg12 : memref<128x128xf32, #tpu.memory_space<vmem>>)
      %run_scoped3A_306 = arith.constant 5 : i32
      "tpu.region"() ({
        %run_scoped3A_353 = tpu.sem_alloc : memref<!tpu.dma_semaphore, #tpu.memory_space<semaphore_mem>>
        %dma_start3A_354 = arith.constant 0 : i32
        %dma_start3A_355 = tpu.memref_slice %arg10[%run_scoped3A_306, %dma_start3A_354] : memref<8x128xi32, #tpu.memory_space<vmem>> -> memref<1x128xi32, #tpu.memory_space<vmem>>
        %dma_start3A_356 = tpu.memref_squeeze %dma_start3A_355 : memref<1x128xi32, #tpu.memory_space<vmem>> -> memref<128xi32, #tpu.memory_space<vmem>>
        %dma_start3A_357 = arith.constant 0 : i32
        %dma_start3A_358 = arith.constant 0 : i32
        %dma_start3A_359 = tpu.memref_slice %arg13[%dma_start3A_357, %dma_start3A_358] : memref<10128x128xf32, #tpu.memory_space<vmem_shared>> -> memref<10128x128xf32, #tpu.memory_space<vmem_shared>>
        tpu.enqueue_indirect_dma source(%arg12 : memref<128x128xf32, #tpu.memory_space<vmem>>) target(%dma_start3A_359 : memref<10128x128xf32, #tpu.memory_space<vmem_shared>>) offsets(%dma_start3A_356 : memref<128xi32, #tpu.memory_space<vmem>>) semaphore(%run_scoped3A_353 : memref<!tpu.dma_semaphore, #tpu.memory_space<semaphore_mem>>) {add = true}
        %dma_wait3A_360 = arith.constant 0 : i32
        %dma_wait3A_361 = tpu.memref_slice %arg10[%run_scoped3A_306, %dma_wait3A_360] : memref<8x128xi32, #tpu.memory_space<vmem>> -> memref<1x128xi32, #tpu.memory_space<vmem>>
        %dma_wait3A_362 = tpu.memref_squeeze %dma_wait3A_361 : memref<1x128xi32, #tpu.memory_space<vmem>> -> memref<128xi32, #tpu.memory_space<vmem>>
        %dma_wait3A_363 = arith.constant 0 : i32
        %dma_wait3A_364 = arith.constant 0 : i32
        %dma_wait3A_365 = tpu.memref_slice %arg13[%dma_wait3A_363, %dma_wait3A_364] : memref<10128x128xf32, #tpu.memory_space<vmem_shared>> -> memref<10128x128xf32, #tpu.memory_space<vmem_shared>>
        tpu.wait_indirect_dma semaphore(%run_scoped3A_353 : memref<!tpu.dma_semaphore, #tpu.memory_space<semaphore_mem>>) src(%arg12 : memref<128x128xf32, #tpu.memory_space<vmem>>) dst(%dma_wait3A_365 : memref<10128x128xf32, #tpu.memory_space<vmem_shared>>)
        tpu.yield
      }) : () -> ()
      %dma_start3A_307 = arith.constant 7 : i32
      %dma_start3A_308 = arith.constant 0 : i32
      %dma_start3A_309 = tpu.memref_slice %arg8[%dma_start3A_307, %dma_start3A_308] : memref<8x128xi32, #tpu.memory_space<vmem>> -> memref<1x128xi32, #tpu.memory_space<vmem>>
      %dma_start3A_310 = tpu.memref_squeeze %dma_start3A_309 : memref<1x128xi32, #tpu.memory_space<vmem>> -> memref<128xi32, #tpu.memory_space<vmem>>
      %dma_start3A_311 = arith.constant 0 : i32
      %dma_start3A_312 = arith.constant 0 : i32
      %dma_start3A_313 = tpu.memref_slice %arg2[%dma_start3A_311, %dma_start3A_312] : memref<10000x128xf32, #tpu.memory_space<hbm>> -> memref<10000x128xf32, #tpu.memory_space<hbm>>
      tpu.enqueue_indirect_dma source(%dma_start3A_313 : memref<10000x128xf32, #tpu.memory_space<hbm>>) target(%arg12 : memref<128x128xf32, #tpu.memory_space<vmem>>) offsets(%dma_start3A_310 : memref<128xi32, #tpu.memory_space<vmem>>) semaphore(%arg15 : memref<!tpu.dma_semaphore, #tpu.memory_space<semaphore_mem>>)
      %dma_wait3A_314 = arith.constant 6 : i32
      %dma_wait3A_315 = arith.constant 0 : i32
      %dma_wait3A_316 = tpu.memref_slice %arg8[%dma_wait3A_314, %dma_wait3A_315] : memref<8x128xi32, #tpu.memory_space<vmem>> -> memref<1x128xi32, #tpu.memory_space<vmem>>
      %dma_wait3A_317 = tpu.memref_squeeze %dma_wait3A_316 : memref<1x128xi32, #tpu.memory_space<vmem>> -> memref<128xi32, #tpu.memory_space<vmem>>
      %dma_wait3A_318 = arith.constant 0 : i32
      %dma_wait3A_319 = arith.constant 0 : i32
      %dma_wait3A_320 = tpu.memref_slice %arg2[%dma_wait3A_318, %dma_wait3A_319] : memref<10000x128xf32, #tpu.memory_space<hbm>> -> memref<10000x128xf32, #tpu.memory_space<hbm>>
      tpu.wait_indirect_dma semaphore(%arg14 : memref<!tpu.dma_semaphore, #tpu.memory_space<semaphore_mem>>) src(%dma_wait3A_320 : memref<10000x128xf32, #tpu.memory_space<hbm>>) dst(%arg11 : memref<128x128xf32, #tpu.memory_space<vmem>>)
      %run_scoped3A_321 = arith.constant 6 : i32
      "tpu.region"() ({
        %run_scoped3A_353 = tpu.sem_alloc : memref<!tpu.dma_semaphore, #tpu.memory_space<semaphore_mem>>
        %dma_start3A_354 = arith.constant 0 : i32
        %dma_start3A_355 = tpu.memref_slice %arg10[%run_scoped3A_321, %dma_start3A_354] : memref<8x128xi32, #tpu.memory_space<vmem>> -> memref<1x128xi32, #tpu.memory_space<vmem>>
        %dma_start3A_356 = tpu.memref_squeeze %dma_start3A_355 : memref<1x128xi32, #tpu.memory_space<vmem>> -> memref<128xi32, #tpu.memory_space<vmem>>
        %dma_start3A_357 = arith.constant 0 : i32
        %dma_start3A_358 = arith.constant 0 : i32
        %dma_start3A_359 = tpu.memref_slice %arg13[%dma_start3A_357, %dma_start3A_358] : memref<10128x128xf32, #tpu.memory_space<vmem_shared>> -> memref<10128x128xf32, #tpu.memory_space<vmem_shared>>
        tpu.enqueue_indirect_dma source(%arg11 : memref<128x128xf32, #tpu.memory_space<vmem>>) target(%dma_start3A_359 : memref<10128x128xf32, #tpu.memory_space<vmem_shared>>) offsets(%dma_start3A_356 : memref<128xi32, #tpu.memory_space<vmem>>) semaphore(%run_scoped3A_353 : memref<!tpu.dma_semaphore, #tpu.memory_space<semaphore_mem>>) {add = true}
        %dma_wait3A_360 = arith.constant 0 : i32
        %dma_wait3A_361 = tpu.memref_slice %arg10[%run_scoped3A_321, %dma_wait3A_360] : memref<8x128xi32, #tpu.memory_space<vmem>> -> memref<1x128xi32, #tpu.memory_space<vmem>>
        %dma_wait3A_362 = tpu.memref_squeeze %dma_wait3A_361 : memref<1x128xi32, #tpu.memory_space<vmem>> -> memref<128xi32, #tpu.memory_space<vmem>>
        %dma_wait3A_363 = arith.constant 0 : i32
        %dma_wait3A_364 = arith.constant 0 : i32
        %dma_wait3A_365 = tpu.memref_slice %arg13[%dma_wait3A_363, %dma_wait3A_364] : memref<10128x128xf32, #tpu.memory_space<vmem_shared>> -> memref<10128x128xf32, #tpu.memory_space<vmem_shared>>
        tpu.wait_indirect_dma semaphore(%run_scoped3A_353 : memref<!tpu.dma_semaphore, #tpu.memory_space<semaphore_mem>>) src(%arg11 : memref<128x128xf32, #tpu.memory_space<vmem>>) dst(%dma_wait3A_365 : memref<10128x128xf32, #tpu.memory_space<vmem_shared>>)
        tpu.yield
      }) : () -> ()
      %dma_wait3A_322 = arith.constant 0 : i32
      %dma_wait3A_323 = arith.constant 0 : i32
      %dma_wait3A_324 = tpu.memref_slice %arg3[%add3A_198, %dma_wait3A_322, %dma_wait3A_323] : memref<320x8x128xi32, #tpu.memory_space<hbm>> -> memref<1x8x128xi32, #tpu.memory_space<hbm>>
      %dma_wait3A_325 = tpu.memref_squeeze %dma_wait3A_324 : memref<1x8x128xi32, #tpu.memory_space<hbm>> -> memref<8x128xi32, #tpu.memory_space<hbm>>
      %dma_wait3A_326 = arith.constant 0 : i32
      %dma_wait3A_327 = arith.constant 0 : i32
      %dma_wait3A_328 = tpu.memref_slice %arg3[%add3A_198, %dma_wait3A_326, %dma_wait3A_327] : memref<320x8x128xi32, #tpu.memory_space<hbm>> -> memref<1x8x128xi32, #tpu.memory_space<hbm>>
      %dma_wait3A_329 = tpu.memref_squeeze %dma_wait3A_328 : memref<1x8x128xi32, #tpu.memory_space<hbm>> -> memref<8x128xi32, #tpu.memory_space<hbm>>
      tpu.wait_dma2 semaphore(%arg16 : memref<!tpu.dma_semaphore, #tpu.memory_space<semaphore_mem>>) src(%dma_wait3A_329 : memref<8x128xi32, #tpu.memory_space<hbm>>) dst(%arg7 : memref<8x128xi32, #tpu.memory_space<vmem>>)
      %dma_wait3A_330 = arith.constant 0 : i32
      %dma_wait3A_331 = arith.constant 0 : i32
      %dma_wait3A_332 = tpu.memref_slice %arg4[%add3A_198, %dma_wait3A_330, %dma_wait3A_331] : memref<320x8x128xi32, #tpu.memory_space<hbm>> -> memref<1x8x128xi32, #tpu.memory_space<hbm>>
      %dma_wait3A_333 = tpu.memref_squeeze %dma_wait3A_332 : memref<1x8x128xi32, #tpu.memory_space<hbm>> -> memref<8x128xi32, #tpu.memory_space<hbm>>
      %dma_wait3A_334 = arith.constant 0 : i32
      %dma_wait3A_335 = arith.constant 0 : i32
      %dma_wait3A_336 = tpu.memref_slice %arg4[%add3A_198, %dma_wait3A_334, %dma_wait3A_335] : memref<320x8x128xi32, #tpu.memory_space<hbm>> -> memref<1x8x128xi32, #tpu.memory_space<hbm>>
      %dma_wait3A_337 = tpu.memref_squeeze %dma_wait3A_336 : memref<1x8x128xi32, #tpu.memory_space<hbm>> -> memref<8x128xi32, #tpu.memory_space<hbm>>
      tpu.wait_dma2 semaphore(%arg16 : memref<!tpu.dma_semaphore, #tpu.memory_space<semaphore_mem>>) src(%dma_wait3A_337 : memref<8x128xi32, #tpu.memory_space<hbm>>) dst(%arg9 : memref<8x128xi32, #tpu.memory_space<vmem>>)
      %dma_start3A_338 = arith.constant 0 : i32
      %dma_start3A_339 = arith.constant 0 : i32
      %dma_start3A_340 = tpu.memref_slice %arg7[%dma_start3A_338, %dma_start3A_339] : memref<8x128xi32, #tpu.memory_space<vmem>> -> memref<1x128xi32, #tpu.memory_space<vmem>>
      %dma_start3A_341 = tpu.memref_squeeze %dma_start3A_340 : memref<1x128xi32, #tpu.memory_space<vmem>> -> memref<128xi32, #tpu.memory_space<vmem>>
      %dma_start3A_342 = arith.constant 0 : i32
      %dma_start3A_343 = arith.constant 0 : i32
      %dma_start3A_344 = tpu.memref_slice %arg2[%dma_start3A_342, %dma_start3A_343] : memref<10000x128xf32, #tpu.memory_space<hbm>> -> memref<10000x128xf32, #tpu.memory_space<hbm>>
      tpu.enqueue_indirect_dma source(%dma_start3A_344 : memref<10000x128xf32, #tpu.memory_space<hbm>>) target(%arg11 : memref<128x128xf32, #tpu.memory_space<vmem>>) offsets(%dma_start3A_341 : memref<128xi32, #tpu.memory_space<vmem>>) semaphore(%arg14 : memref<!tpu.dma_semaphore, #tpu.memory_space<semaphore_mem>>)
      %dma_wait3A_345 = arith.constant 7 : i32
      %dma_wait3A_346 = arith.constant 0 : i32
      %dma_wait3A_347 = tpu.memref_slice %arg8[%dma_wait3A_345, %dma_wait3A_346] : memref<8x128xi32, #tpu.memory_space<vmem>> -> memref<1x128xi32, #tpu.memory_space<vmem>>
      %dma_wait3A_348 = tpu.memref_squeeze %dma_wait3A_347 : memref<1x128xi32, #tpu.memory_space<vmem>> -> memref<128xi32, #tpu.memory_space<vmem>>
      %dma_wait3A_349 = arith.constant 0 : i32
      %dma_wait3A_350 = arith.constant 0 : i32
      %dma_wait3A_351 = tpu.memref_slice %arg2[%dma_wait3A_349, %dma_wait3A_350] : memref<10000x128xf32, #tpu.memory_space<hbm>> -> memref<10000x128xf32, #tpu.memory_space<hbm>>
      tpu.wait_indirect_dma semaphore(%arg15 : memref<!tpu.dma_semaphore, #tpu.memory_space<semaphore_mem>>) src(%dma_wait3A_351 : memref<10000x128xf32, #tpu.memory_space<hbm>>) dst(%arg12 : memref<128x128xf32, #tpu.memory_space<vmem>>)
      %run_scoped3A_352 = arith.constant 7 : i32
      "tpu.region"() ({
        %run_scoped3A_353 = tpu.sem_alloc : memref<!tpu.dma_semaphore, #tpu.memory_space<semaphore_mem>>
        %dma_start3A_354 = arith.constant 0 : i32
        %dma_start3A_355 = tpu.memref_slice %arg10[%run_scoped3A_352, %dma_start3A_354] : memref<8x128xi32, #tpu.memory_space<vmem>> -> memref<1x128xi32, #tpu.memory_space<vmem>>
        %dma_start3A_356 = tpu.memref_squeeze %dma_start3A_355 : memref<1x128xi32, #tpu.memory_space<vmem>> -> memref<128xi32, #tpu.memory_space<vmem>>
        %dma_start3A_357 = arith.constant 0 : i32
        %dma_start3A_358 = arith.constant 0 : i32
        %dma_start3A_359 = tpu.memref_slice %arg13[%dma_start3A_357, %dma_start3A_358] : memref<10128x128xf32, #tpu.memory_space<vmem_shared>> -> memref<10128x128xf32, #tpu.memory_space<vmem_shared>>
        tpu.enqueue_indirect_dma source(%arg12 : memref<128x128xf32, #tpu.memory_space<vmem>>) target(%dma_start3A_359 : memref<10128x128xf32, #tpu.memory_space<vmem_shared>>) offsets(%dma_start3A_356 : memref<128xi32, #tpu.memory_space<vmem>>) semaphore(%run_scoped3A_353 : memref<!tpu.dma_semaphore, #tpu.memory_space<semaphore_mem>>) {add = true}
        %dma_wait3A_360 = arith.constant 0 : i32
        %dma_wait3A_361 = tpu.memref_slice %arg10[%run_scoped3A_352, %dma_wait3A_360] : memref<8x128xi32, #tpu.memory_space<vmem>> -> memref<1x128xi32, #tpu.memory_space<vmem>>
        %dma_wait3A_362 = tpu.memref_squeeze %dma_wait3A_361 : memref<1x128xi32, #tpu.memory_space<vmem>> -> memref<128xi32, #tpu.memory_space<vmem>>
        %dma_wait3A_363 = arith.constant 0 : i32
        %dma_wait3A_364 = arith.constant 0 : i32
        %dma_wait3A_365 = tpu.memref_slice %arg13[%dma_wait3A_363, %dma_wait3A_364] : memref<10128x128xf32, #tpu.memory_space<vmem_shared>> -> memref<10128x128xf32, #tpu.memory_space<vmem_shared>>
        tpu.wait_indirect_dma semaphore(%run_scoped3A_353 : memref<!tpu.dma_semaphore, #tpu.memory_space<semaphore_mem>>) src(%arg12 : memref<128x128xf32, #tpu.memory_space<vmem>>) dst(%dma_wait3A_365 : memref<10128x128xf32, #tpu.memory_space<vmem_shared>>)
        tpu.yield
      }) : () -> ()
    }
    %scan3A_19 = arith.constant 5 : i32
    %dma_wait3A = arith.constant 0 : i32
    %dma_wait3A_20 = arith.constant 0 : i32
    %dma_wait3A_21 = tpu.memref_slice %arg7[%dma_wait3A, %dma_wait3A_20] : memref<8x128xi32, #tpu.memory_space<vmem>> -> memref<1x128xi32, #tpu.memory_space<vmem>>
    %dma_wait3A_22 = tpu.memref_squeeze %dma_wait3A_21 : memref<1x128xi32, #tpu.memory_space<vmem>> -> memref<128xi32, #tpu.memory_space<vmem>>
    %dma_wait3A_23 = arith.constant 0 : i32
    %dma_wait3A_24 = arith.constant 0 : i32
    %dma_wait3A_25 = tpu.memref_slice %arg2[%dma_wait3A_23, %dma_wait3A_24] : memref<10000x128xf32, #tpu.memory_space<hbm>> -> memref<10000x128xf32, #tpu.memory_space<hbm>>
    tpu.wait_indirect_dma semaphore(%arg14 : memref<!tpu.dma_semaphore, #tpu.memory_space<semaphore_mem>>) src(%dma_wait3A_25 : memref<10000x128xf32, #tpu.memory_space<hbm>>) dst(%arg11 : memref<128x128xf32, #tpu.memory_space<vmem>>)
    %barrier3A_26 = arith.constant 0 : index
    tpu.barrier barrier_id(%barrier3A_26)
    %mul3A_27 = arith.constant 624 : i32
    %mul3A_28 = arith.muli %arg1, %mul3A_27 : i32
    %mul3A_29 = arith.constant 624 : i32
    %mul3A_30 = arith.muli %arg1, %mul3A_29 : i32
    "tpu.region"() ({
      %run_scoped3A = tpu.sem_alloc : memref<!tpu.dma_semaphore, #tpu.memory_space<semaphore_mem>>
      %dma_start3A_36 = arith.constant 0 : i32
      %dma_start3A_37 = tpu.memref_slice %arg6[%arg0, %mul3A_30, %dma_start3A_36] : memref<2x10000x128xf32, #tpu.memory_space<hbm>> -> memref<1x624x128xf32, #tpu.memory_space<hbm>>
      %dma_start3A_38 = tpu.memref_squeeze %dma_start3A_37 : memref<1x624x128xf32, #tpu.memory_space<hbm>> -> memref<624x128xf32, #tpu.memory_space<hbm>>
      %dma_start3A_39 = arith.constant 0 : i32
      %dma_start3A_40 = tpu.memref_slice %arg13[%mul3A_28, %dma_start3A_39] : memref<10128x128xf32, #tpu.memory_space<vmem_shared>> -> memref<624x128xf32, #tpu.memory_space<vmem_shared>>
      tpu.enqueue_dma source(%dma_start3A_40 : memref<624x128xf32, #tpu.memory_space<vmem_shared>>) target(%dma_start3A_38 : memref<624x128xf32, #tpu.memory_space<hbm>>) target_semaphore(%run_scoped3A : memref<!tpu.dma_semaphore, #tpu.memory_space<semaphore_mem>>)
      %dma_wait3A_41 = arith.constant 0 : i32
      %dma_wait3A_42 = tpu.memref_slice %arg6[%arg0, %mul3A_30, %dma_wait3A_41] : memref<2x10000x128xf32, #tpu.memory_space<hbm>> -> memref<1x624x128xf32, #tpu.memory_space<hbm>>
      %dma_wait3A_43 = tpu.memref_squeeze %dma_wait3A_42 : memref<1x624x128xf32, #tpu.memory_space<hbm>> -> memref<624x128xf32, #tpu.memory_space<hbm>>
      %dma_wait3A_44 = arith.constant 0 : i32
      %dma_wait3A_45 = tpu.memref_slice %arg13[%mul3A_28, %dma_wait3A_44] : memref<10128x128xf32, #tpu.memory_space<vmem_shared>> -> memref<624x128xf32, #tpu.memory_space<vmem_shared>>
      tpu.wait_dma2 semaphore(%run_scoped3A : memref<!tpu.dma_semaphore, #tpu.memory_space<semaphore_mem>>) src(%dma_wait3A_45 : memref<624x128xf32, #tpu.memory_space<vmem_shared>>) dst(%dma_wait3A_43 : memref<624x128xf32, #tpu.memory_space<hbm>>)
      tpu.yield
    }) : () -> ()
    %eq3A_31 = arith.constant 15 : i32
    %eq3A_32 = arith.cmpi eq, %arg1, %eq3A_31 : i32
    %convert_element_type3A_33 = arith.extui %eq3A_32 : i1 to i32
    %cond3A_34 = arith.constant 0 : i32
    %cond3A_35 = arith.cmpi ne, %convert_element_type3A_33, %cond3A_34 : i32
    scf.if %cond3A_35 {
      "tpu.region"() ({
        %run_scoped3A = tpu.sem_alloc : memref<!tpu.dma_semaphore, #tpu.memory_space<semaphore_mem>>
        %dma_start3A_36 = arith.constant 9984 : i32
        %dma_start3A_37 = arith.constant 0 : i32
        %dma_start3A_38 = tpu.memref_slice %arg6[%arg0, %dma_start3A_36, %dma_start3A_37] : memref<2x10000x128xf32, #tpu.memory_space<hbm>> -> memref<1x16x128xf32, #tpu.memory_space<hbm>>
        %dma_start3A_39 = tpu.memref_squeeze %dma_start3A_38 : memref<1x16x128xf32, #tpu.memory_space<hbm>> -> memref<16x128xf32, #tpu.memory_space<hbm>>
        %dma_start3A_40 = arith.constant 9984 : i32
        %dma_start3A_41 = arith.constant 0 : i32
        %dma_start3A_42 = tpu.memref_slice %arg13[%dma_start3A_40, %dma_start3A_41] : memref<10128x128xf32, #tpu.memory_space<vmem_shared>> -> memref<16x128xf32, #tpu.memory_space<vmem_shared>>
        tpu.enqueue_dma source(%dma_start3A_42 : memref<16x128xf32, #tpu.memory_space<vmem_shared>>) target(%dma_start3A_39 : memref<16x128xf32, #tpu.memory_space<hbm>>) target_semaphore(%run_scoped3A : memref<!tpu.dma_semaphore, #tpu.memory_space<semaphore_mem>>)
        %dma_wait3A_43 = arith.constant 9984 : i32
        %dma_wait3A_44 = arith.constant 0 : i32
        %dma_wait3A_45 = tpu.memref_slice %arg6[%arg0, %dma_wait3A_43, %dma_wait3A_44] : memref<2x10000x128xf32, #tpu.memory_space<hbm>> -> memref<1x16x128xf32, #tpu.memory_space<hbm>>
        %dma_wait3A_46 = tpu.memref_squeeze %dma_wait3A_45 : memref<1x16x128xf32, #tpu.memory_space<hbm>> -> memref<16x128xf32, #tpu.memory_space<hbm>>
        %dma_wait3A_47 = arith.constant 9984 : i32
        %dma_wait3A_48 = arith.constant 0 : i32
        %dma_wait3A_49 = tpu.memref_slice %arg13[%dma_wait3A_47, %dma_wait3A_48] : memref<10128x128xf32, #tpu.memory_space<vmem_shared>> -> memref<16x128xf32, #tpu.memory_space<vmem_shared>>
        tpu.wait_dma2 semaphore(%run_scoped3A : memref<!tpu.dma_semaphore, #tpu.memory_space<semaphore_mem>>) src(%dma_wait3A_49 : memref<16x128xf32, #tpu.memory_space<vmem_shared>>) dst(%dma_wait3A_46 : memref<16x128xf32, #tpu.memory_space<hbm>>)
        tpu.yield
      }) : () -> ()
    } else {
    }
    return
  }
}

module attributes {stable_mosaic.version = 14 : i64} {
  func.func @_mm_first_body(%arg0: i32, %arg1: memref<10000x128xf32, #tpu.memory_space<vmem>>, %arg2: memref<128x128xf32, #tpu.memory_space<vmem>>, %arg3: memref<10000x128xf32, #tpu.memory_space<vmem>>) attributes {dimension_semantics = [#tpu.dimension_semantics<arbitrary>], iteration_bounds = array<i64: 1>, scalar_prefetch = 0 : i64, scratch_operands = 0 : i64, tpu.core_type = #tpu.core_type<tc>, window_params = [{transform_indices = @transform_0, window_bounds = array<i64: 10000, 128>}, {pipeline_mode = #tpu.pipeline_mode<synchronous>, transform_indices = @transform_1, window_bounds = array<i64: 128, 128>}, {transform_indices = @transform_2, window_bounds = array<i64: 10000, 128>}]} {
    %get3A = arith.constant 0 : index
    %get3A_0 = arith.constant 0 : index
    %get3A_1 = vector.load %arg1[%get3A, %get3A_0] : memref<10000x128xf32, #tpu.memory_space<vmem>>, vector<10000x128xf32>
    %get3A_2 = arith.constant 0 : index
    %get3A_3 = arith.constant 0 : index
    %get3A_4 = vector.load %arg2[%get3A_2, %get3A_3] : memref<128x128xf32, #tpu.memory_space<vmem>>, vector<128x128xf32>
    %dot_general3A = arith.constant dense<0.000000e+00> : vector<10000x128xf32>
    %dot_general3A_5 = tpu.matmul %get3A_1, %get3A_4, %dot_general3A {dimension_numbers = #tpu.dot_dimension_numbers<[1], [1], [0], [0], [0, 0, 1, 0], [], []>, transpose_lhs_hint = false} : vector<10000x128xf32>, vector<128x128xf32>, vector<10000x128xf32> -> vector<10000x128xf32>
    %swap3A = arith.constant 0 : index
    %swap3A_6 = arith.constant 0 : index
    %swap3A_7 = vector.load %arg3[%swap3A, %swap3A_6] : memref<10000x128xf32, #tpu.memory_space<vmem>>, vector<10000x128xf32>
    tpu.vector_store %arg3[%swap3A, %swap3A_6], %dot_general3A_5 {strides = array<i32>} : memref<10000x128xf32, #tpu.memory_space<vmem>>, vector<10000x128xf32>,
    return
  }
  func.func @transform_0(%arg0: i32) -> (i32, i32) {
    %c0_i32 = arith.constant 0 : i32
    %c0_i32_0 = arith.constant 0 : i32
    return %arg0, %c0_i32 : i32, i32
  }
  func.func @transform_1(%arg0: i32) -> (i32, i32) {
    %c0_i32 = arith.constant 0 : i32
    %c0_i32_0 = arith.constant 0 : i32
    %c0_i32_1 = arith.constant 0 : i32
    return %c0_i32, %c0_i32_0 : i32, i32
  }
  func.func @transform_2(%arg0: i32) -> (i32, i32) {
    %c0_i32 = arith.constant 0 : i32
    %c0_i32_0 = arith.constant 0 : i32
    return %arg0, %c0_i32 : i32, i32
  }
}

module attributes {stable_mosaic.version = 14 : i64} {
  func.func @_mm_fused_body(%arg0: i32, %arg1: memref<10000x128xf32, #tpu.memory_space<vmem>>, %arg2: memref<10000x128xf32, #tpu.memory_space<vmem>>, %arg3: memref<1x128xf32, #tpu.memory_space<vmem>>, %arg4: memref<128x128xf32, #tpu.memory_space<vmem>>, %arg5: memref<10000x128xf32, #tpu.memory_space<vmem>>) attributes {dimension_semantics = [#tpu.dimension_semantics<arbitrary>], iteration_bounds = array<i64: 1>, scalar_prefetch = 0 : i64, scratch_operands = 0 : i64, tpu.core_type = #tpu.core_type<tc>, window_params = [{transform_indices = @transform_0, window_bounds = array<i64: 10000, 128>}, {transform_indices = @transform_1, window_bounds = array<i64: 10000, 128>}, {pipeline_mode = #tpu.pipeline_mode<synchronous>, transform_indices = @transform_2, window_bounds = array<i64: 1, 128>}, {pipeline_mode = #tpu.pipeline_mode<synchronous>, transform_indices = @transform_3, window_bounds = array<i64: 128, 128>}, {transform_indices = @transform_4, window_bounds = array<i64: 10000, 128>}]} {
    %get3A = arith.constant 0 : index
    %get3A_0 = arith.constant 0 : index
    %get3A_1 = vector.load %arg1[%get3A, %get3A_0] : memref<10000x128xf32, #tpu.memory_space<vmem>>, vector<10000x128xf32>
    %get3A_2 = arith.constant 0 : index
    %get3A_3 = arith.constant 0 : index
    %get3A_4 = vector.load %arg2[%get3A_2, %get3A_3] : memref<10000x128xf32, #tpu.memory_space<vmem>>, vector<10000x128xf32>
    %add3A = arith.addf %get3A_1, %get3A_4 : vector<10000x128xf32>
    %get3A_5 = arith.constant 0 : index
    %get3A_6 = arith.constant 0 : index
    %get3A_7 = vector.load %arg3[%get3A_5, %get3A_6] : memref<1x128xf32, #tpu.memory_space<vmem>>, vector<1x128xf32>
    %add3A_8 = vector.broadcast %get3A_7 : vector<1x128xf32> to vector<10000x128xf32>
    %add3A_9 = arith.addf %add3A, %add3A_8 : vector<10000x128xf32>
    %get3A_10 = arith.constant 0 : index
    %get3A_11 = arith.constant 0 : index
    %get3A_12 = vector.load %arg4[%get3A_10, %get3A_11] : memref<128x128xf32, #tpu.memory_space<vmem>>, vector<128x128xf32>
    %dot_general3A = arith.constant dense<0.000000e+00> : vector<10000x128xf32>
    %dot_general3A_13 = tpu.matmul %add3A_9, %get3A_12, %dot_general3A {dimension_numbers = #tpu.dot_dimension_numbers<[1], [1], [0], [0], [0, 0, 1, 0], [], []>, transpose_lhs_hint = false} : vector<10000x128xf32>, vector<128x128xf32>, vector<10000x128xf32> -> vector<10000x128xf32>
    %swap3A = arith.constant 0 : index
    %swap3A_14 = arith.constant 0 : index
    %swap3A_15 = vector.load %arg5[%swap3A, %swap3A_14] : memref<10000x128xf32, #tpu.memory_space<vmem>>, vector<10000x128xf32>
    tpu.vector_store %arg5[%swap3A, %swap3A_14], %dot_general3A_13 {strides = array<i32>} : memref<10000x128xf32, #tpu.memory_space<vmem>>, vector<10000x128xf32>,
    return
  }
  func.func @transform_0(%arg0: i32) -> (i32, i32) {
    %c0_i32 = arith.constant 0 : i32
    %c0_i32_0 = arith.constant 0 : i32
    return %arg0, %c0_i32 : i32, i32
  }
  func.func @transform_1(%arg0: i32) -> (i32, i32) {
    %c0_i32 = arith.constant 0 : i32
    %c0_i32_0 = arith.constant 0 : i32
    return %arg0, %c0_i32 : i32, i32
  }
  func.func @transform_2(%arg0: i32) -> (i32, i32) {
    %c0_i32 = arith.constant 0 : i32
    %c0_i32_0 = arith.constant 0 : i32
    %c0_i32_1 = arith.constant 0 : i32
    return %c0_i32, %c0_i32_0 : i32, i32
  }
  func.func @transform_3(%arg0: i32) -> (i32, i32) {
    %c0_i32 = arith.constant 0 : i32
    %c0_i32_0 = arith.constant 0 : i32
    %c0_i32_1 = arith.constant 0 : i32
    return %c0_i32, %c0_i32_0 : i32, i32
  }
  func.func @transform_4(%arg0: i32) -> (i32, i32) {
    %c0_i32 = arith.constant 0 : i32
    %c0_i32_0 = arith.constant 0 : i32
    return %arg0, %c0_i32 : i32, i32
  }
}

module attributes {stable_mosaic.version = 14 : i64} {
  func.func @_add_bias_body(%arg0: i32, %arg1: memref<10000x128xf32, #tpu.memory_space<vmem>>, %arg2: memref<10000x128xf32, #tpu.memory_space<vmem>>, %arg3: memref<1x128xf32, #tpu.memory_space<vmem>>, %arg4: memref<10000x128xf32, #tpu.memory_space<vmem>>) attributes {dimension_semantics = [#tpu.dimension_semantics<arbitrary>], iteration_bounds = array<i64: 1>, scalar_prefetch = 0 : i64, scratch_operands = 0 : i64, tpu.core_type = #tpu.core_type<tc>, window_params = [{transform_indices = @transform_0, window_bounds = array<i64: 10000, 128>}, {transform_indices = @transform_1, window_bounds = array<i64: 10000, 128>}, {pipeline_mode = #tpu.pipeline_mode<synchronous>, transform_indices = @transform_2, window_bounds = array<i64: 1, 128>}, {transform_indices = @transform_3, window_bounds = array<i64: 10000, 128>}]} {
    %get3A = arith.constant 0 : index
    %get3A_0 = arith.constant 0 : index
    %get3A_1 = vector.load %arg1[%get3A, %get3A_0] : memref<10000x128xf32, #tpu.memory_space<vmem>>, vector<10000x128xf32>
    %get3A_2 = arith.constant 0 : index
    %get3A_3 = arith.constant 0 : index
    %get3A_4 = vector.load %arg2[%get3A_2, %get3A_3] : memref<10000x128xf32, #tpu.memory_space<vmem>>, vector<10000x128xf32>
    %add3A = arith.addf %get3A_1, %get3A_4 : vector<10000x128xf32>
    %get3A_5 = arith.constant 0 : index
    %get3A_6 = arith.constant 0 : index
    %get3A_7 = vector.load %arg3[%get3A_5, %get3A_6] : memref<1x128xf32, #tpu.memory_space<vmem>>, vector<1x128xf32>
    %add3A_8 = vector.broadcast %get3A_7 : vector<1x128xf32> to vector<10000x128xf32>
    %add3A_9 = arith.addf %add3A, %add3A_8 : vector<10000x128xf32>
    %swap3A = arith.constant 0 : index
    %swap3A_10 = arith.constant 0 : index
    %swap3A_11 = vector.load %arg4[%swap3A, %swap3A_10] : memref<10000x128xf32, #tpu.memory_space<vmem>>, vector<10000x128xf32>
    tpu.vector_store %arg4[%swap3A, %swap3A_10], %add3A_9 {strides = array<i32>} : memref<10000x128xf32, #tpu.memory_space<vmem>>, vector<10000x128xf32>,
    return
  }
  func.func @transform_0(%arg0: i32) -> (i32, i32) {
    %c0_i32 = arith.constant 0 : i32
    %c0_i32_0 = arith.constant 0 : i32
    return %arg0, %c0_i32 : i32, i32
  }
  func.func @transform_1(%arg0: i32) -> (i32, i32) {
    %c0_i32 = arith.constant 0 : i32
    %c0_i32_0 = arith.constant 0 : i32
    return %arg0, %c0_i32 : i32, i32
  }
  func.func @transform_2(%arg0: i32) -> (i32, i32) {
    %c0_i32 = arith.constant 0 : i32
    %c0_i32_0 = arith.constant 0 : i32
    %c0_i32_1 = arith.constant 0 : i32
    return %c0_i32, %c0_i32_0 : i32, i32
  }
  func.func @transform_3(%arg0: i32) -> (i32, i32) {
    %c0_i32 = arith.constant 0 : i32
    %c0_i32_0 = arith.constant 0 : i32
    return %arg0, %c0_i32 : i32, i32
  }
}

</mosaic_0001>

<sc_bundles>
// kernel: kernel.12.cloned.1.call-start
scs
__scs_entry_jumppad:
0x0: {  	(pc) =	sbr.rel $0x88, $3  }
0x1: {  	(tag) =	ssettag $0x0;
	lr =	simm.s32 $0x1  }
0x2: {  	[smem:$0x3F99] =	sst lr;
	_ =	strace $0xD0000000  }
0x3: {  	_ = 	snop  }
0x4: {  	_ = 	snop  }
0x5: {  	_ = 	snop  }
0x6: {  	_ = 	snop  }
0x7: {  	_ = 	snop  }
__scs_overlays_trampoline_lowered:
0x8: {  	[smem:$0x3FA8] =	sst s0  }
0x9: {  	[smem:$0x3FA9] =	sst s1  }
0xa: {  	[smem:$0x3FAA] =	sst s2  }
0xb: {  	[smem:$0x3FAB] =	sst s3  }
0xc: {  	[smem:$0x3FAC] =	sst s4  }
0xd: {  	[smem:$0x3FAD] =	sst s5  }
0xe: {  	[smem:$0x3FAE] =	sst s6  }
0xf: {  	[smem:$0x3FAF] =	sst s7  }
0x10: {  	[smem:$0x3FB0] =	sst s8  }
0x11: {  	[smem:$0x3FB1] =	sst s9;
	s0 =	simm.s32 @!p0 $0x0  }
0x12: {  	s1 =	sld [smem:$0x3F97];
	s0 =	simm.s32 @p0 $0x1  }
0x13: {  	[smem:$0x3FB2] =	sst s0;
	s0 =	simm.s32 @!p1 $0x0  }
0x14: {  	s2 =	sld [smem:$0x3F96];
	s0 =	simm.s32 @p1 $0x1  }
0x15: {  	[smem:$0x3FB3] =	sst s0;
	s0 =	simm.s32 @!p2 $0x0  }
0x16: {  	s3 =	sld [smem:$0x3FDB];
	s0 =	simm.s32 @p2 $0x1  }
0x17: {  	s4 =	simm.s32 $0x1BF5;
	[smem:$0x3FB5] =	sst s0  }
0x18: {  	s0 =	sld [smem:$0x3F98];
	_ =	swait.ge [sflag:s4], $0x0  }
0x19: {  	s7 =	sld [smem:$0x3F99]  }
0x1a: {  	s8 =	sadd.s32 $0xFFFFE003, lr  }
0x1b: {  	s9 =	sadd.s32 $0xFFFFFEF7, lr;
	s5 =	simm.s32 $0xFFFFFFFF;
	p2 =	slt.u32 s8, $0xFFFFF086  }
0x1c: {  	p1 =	slt.u32 s9, $0xF7A;
	s5 =	simm.s32 @!p2 $0x0  }
0x1d: {  	s5 =	simm.s32 @p1 $0x1;
	p0 =	seq.s32 s7, s2  }
0x1e: {  	s7 =	smul.u32 @!p0 $0xF7A, s2;
	p2 =	seq.s32 @!p0 s5, $0x0  }
0x1f: {  	s9 =	smul.u32 $0xF7A, s1;
	s8 =	simm.s32 @!p0 $0x1BF5;
	p2 =	por !p2, p0  }
0x20: {  	[sflag:s8] =	ssyncset.s32 @!p0 $0xFFFFF086;
	s6 =	sadd.s32 @!p0 s3, s7;
	s7 =	simm.s32 @!p0 $0x108  }
0x21: {  	s3 =	sadd.s32 s3, s9;
	s6 =	sadd.s32 @!p0 $0x88, s6;
	s7 =	simm.s32 @p2 $0x1082  }
0x22: {  	[simem:s7], [sflag:s8] =	dma.local @!p0 [hbm:s6], $0xF7A  }
0x23: {  	s9 =	sor.u32 $0xD0000000, s2;
	s6 =	simm.s32 $0x108;
	_ =	swait.ge @!p0 [sflag:s8], $0x0  }
0x24: {  	s3 =	sadd.s32 $0x88, s3;
	s6 =	simm.s32 @!p1 $0x1082;
	[sflag:s4] =	ssyncset.s32 $0xFFFFF086  }
0x25: {  	[simem:s6], [sflag:s4] =	dma.local [hbm:s3], $0xF7A  }
0x26: {  	[smem:$0x3F99] =	sst s1;
	(tag) =	ssettag s2;
	_ =	strace s9  }
0x27: {  	s1 =	sld [smem:$0x3FA9]  }
0x28: {  	s2 =	sld [smem:$0x3FAA]  }
0x29: {  	s4 =	sld [smem:$0x3FAC]  }
0x2a: {  	p0 =	seq.s32 s5, $0x0;
	s5 =	sld [smem:$0x3FAD]  }
0x2b: {  	s6 =	sld [smem:$0x3FAE]  }
0x2c: {  	s7 =	sld [smem:$0x3FAF]  }
0x2d: {  	s3 =	simm.s32 $0x108;
	s8 =	sld [smem:$0x3FB0]  }
0x2e: {  	s3 =	simm.s32 @!p0 $0x1082;
	s9 =	sld [smem:$0x3FB1]  }
0x2f: {  	lr =	sadd.s32 s0, s3;
	s0 =	sld [smem:$0x3FA8]  }
0x30: {  	s3 =	sld [smem:$0x3FAB]  }
0x31: {  	[smem:$0x3FB4] =	sst s10  }
0x32: {  	s10 =	sld [smem:$0x3FB2];
	_ =	sdelay $0x3  }
0x33: {  	p0 =	seq.s32 s10, $0x1;
	s10 =	sld [smem:$0x3FB4];
	_ =	sdelay $0x3  }
0x34: {  	[smem:$0x3FB4] =	sst s10  }
0x35: {  	s10 =	sld [smem:$0x3FB3];
	_ =	sdelay $0x3  }
0x36: {  	p1 =	seq.s32 s10, $0x1;
	s10 =	sld [smem:$0x3FB4];
	_ =	sdelay $0x3  }
0x37: {  	[smem:$0x3FB4] =	sst s10  }
0x38: {  	s10 =	sld [smem:$0x3FB5]  }
0x39: {  	_ = 	snop;
	(pc) =	sbr.ind lr, $3  }
0x3a: {  	_ = 	snop  }
0x3b: {  	_ = 	snop  }
0x3c: {  	p2 =	seq.s32 s10, $0x1;
	s10 =	sld [smem:$0x3FB4]  }
0x3d: {  	_ =	shalt  }
0x3e: {  	_ =	shalt  }
0x3f: {  	_ =	shalt  }
0x40: {  	_ =	shalt  }
0x41: {  	_ =	shalt  }
0x42: {  	_ =	shalt  }
0x43: {  	_ =	shalt  }
0x44: {  	_ =	shalt  }
0x45: {  	_ =	shalt  }
0x46: {  	_ =	shalt  }
0x47: {  	_ =	shalt  }
0x48: {  	_ =	shalt  }
0x49: {  	_ =	shalt  }
0x4a: {  	_ =	shalt  }
0x4b: {  	_ =	shalt  }
0x4c: {  	_ =	shalt  }
0x4d: {  	_ =	shalt  }
0x4e: {  	_ =	shalt  }
0x4f: {  	_ =	shalt  }
0x50: {  	_ =	shalt  }
0x51: {  	_ =	shalt  }
0x52: {  	_ =	shalt  }
0x53: {  	_ =	shalt  }
0x54: {  	_ =	shalt  }
0x55: {  	_ =	shalt  }
0x56: {  	_ =	shalt  }
0x57: {  	_ =	shalt  }
0x58: {  	_ =	shalt  }
0x59: {  	_ =	shalt  }
0x5a: {  	_ =	shalt  }
0x5b: {  	_ =	shalt  }
0x5c: {  	_ =	shalt  }
0x5d: {  	_ =	shalt  }
0x5e: {  	_ =	shalt  }
0x5f: {  	_ =	shalt  }
0x60: {  	_ =	shalt  }
0x61: {  	_ =	shalt  }
0x62: {  	_ =	shalt  }
0x63: {  	_ =	shalt  }
0x64: {  	_ =	shalt  }
0x65: {  	_ =	shalt  }
0x66: {  	_ =	shalt  }
0x67: {  	_ =	shalt  }
0x68: {  	_ =	shalt  }
0x69: {  	_ =	shalt  }
0x6a: {  	_ =	shalt  }
0x6b: {  	_ =	shalt  }
0x6c: {  	_ =	shalt  }
0x6d: {  	_ =	shalt  }
0x6e: {  	_ =	shalt  }
0x6f: {  	_ =	shalt  }
0x70: {  	_ =	shalt  }
0x71: {  	_ =	shalt  }
0x72: {  	_ =	shalt  }
0x73: {  	_ =	shalt  }
0x74: {  	_ =	shalt  }
0x75: {  	_ =	shalt  }
0x76: {  	_ =	shalt  }
0x77: {  	_ =	shalt  }
0x78: {  	_ =	shalt  }
0x79: {  	_ =	shalt  }
0x7a: {  	_ =	shalt  }
0x7b: {  	_ =	shalt  }
0x7c: {  	_ =	shalt  }
0x7d: {  	_ =	shalt  }
0x7e: {  	_ =	shalt  }
0x7f: {  	_ =	shalt  }
0x80: {  	_ =	shalt  }
0x81: {  	_ =	shalt  }
0x82: {  	_ =	shalt  }
0x83: {  	_ =	shalt  }
0x84: {  	_ =	shalt  }
0x85: {  	_ =	shalt  }
0x86: {  	_ =	shalt  }
0x87: {  	_ =	shalt  }
.Lfunc_end0:
.L_simem_size_0:
called_computation.1_lowered:
.L_overlay_start_0:
0x88: {  	s2 =	sld [smem:$0x3FD9]  }
0x89: {  	s3 =	sld [smem:$0x3FFE];
	_ =	sdelay $0x1  }
0x8a: {  	s1 =	srdreg.scid  }
0x8b: {  	s0 =	sand.u32 $0x1, s1  }
0x8c: {  	s17 =	sshll.u32 s0, $0xA;
	s2 =	sadd.s32 s3, s2  }
0x8d: {  	s2 =	sadd.s32 s2, s17  }
0x8e: {  	[smem:$0x3FC0] =	sst s2  }
0x8f: {  	_ = 	snop  }
0x90: {  	s2 =	sld [smem:$0x3FD0];
	(tm) =	ssettm $0x1  }
0x91: {  	s18 =	sld [smem:$0x3FFB];
	_ =	sdelay $0x3  }
0x92: {  	_ =	strace s18  }
0x93: {  	s3 =	sld [smem:$0x3FFC];
	_ =	sdelay $0x3  }
0x94: {  	_ =	strace s3  }
0x95: {  	s3 =	sld [smem:$0x3FFD];
	_ =	sdelay $0x3  }
0x96: {  	_ =	strace s3  }
0x97: {  	_ =	strace $0x8FFFFFFF  }
0x98: {  	s19 =	sld [smem:$0x3FDB];
	_ =	sdelay $0x1  }
0x99: {  	s4 =	simm.s32 $_scs_section_size  }
0x9a: {  	s5 =	simm.s32 $_size__tile_overlayer_lowered;
	s6 =	simm.s32 $_tile_overlayer_lowered  }
0x9b: {  	s22 =	simm.s32 $0x1BFF;
	s21 =	sshll.u32 s6, $0x1;
	s3 =	sadd.s32 s4, s19  }
0x9c: {  	s7 =	simm.s32 $0x0;
	s20 =	sshll.u32 s5, $0x1;
	s5 =	sadd.s32 s21, s3  }
0x9d: {  	[timem:s7], [sflag:s22] =	dma.local [hbm:s5], s20  }
0x9e: {  	_ =	swait.ge [sflag:s22], s20  }
0x9f: {  	s4 =	ssub.s32 $0x0, s20;
	[sflag:s22] =	ssyncset.done $0x0  }
0xa0: {  	[sflag:s22] =	ssyncadd.s32 s4;
	_ =	sdelay $0x1  }
0xa1: {  	s23 =	simm.s32 $0x1B8B  }
0xa2: {  	_ =	swait.ge [sflag:s23], $0x1  }
0xa3: {  	[sflag:s23] =	ssyncset.done $0x0  }
0xa4: {  	s25 =	simm.s32 $0x1B8E;
	s24 =	sld [smem:$0x3FFE];
	[sflag:s23] =	ssyncadd.s32 $0xFFFFFFFF  }
0xa5: {  	s26 =	simm.s32 $execute0_lowered;
	[smem:$0x3FD2] =	sst s25  }
0xa6: {  	s5 =	sshll.u32 s26, $0x1;
	_ =	strace $0x80000049;
	[dreg:$0x1] =	wrdreg $0xFFFFFFFF  }
0xa7: {  	s28 =	simm.s32 $_size_execute0_lowered;
	s3 =	sadd.s32 s3, s5;
	[dreg:$0x0] =	wrdreg $0x0  }
0xa8: {  	s5 =	sshll.u32 s28, $0x1;
	[dreg:$0x2] =	wrdreg s3  }
0xa9: {  	[dreg:$0x3] =	wrdreg s5  }
0xaa: {  	[dreg:$0x4] =	wrdreg $0xC0  }
0xab: {  	_ =	task [dreg:s7], $0x5FFFF  }
0xac: {  	[dreg:$0x1] =	wrdreg $0xFFFFFFFF  }
0xad: {  	[dreg:$0x0] =	wrdreg $0x60  }
0xae: {  	[dreg:$0x2] =	wrdreg s2  }
0xaf: {  	[dreg:$0x3] =	wrdreg s24  }
0xb0: {  	[dreg:$0x4] =	wrdreg $0x90000  }
0xb1: {  	[dreg:$0x5] =	wrdreg $0x9  }
0xb2: {  	_ =	task.clear_ibuf [dreg:s7], $0x6FFFF;
	_ =	strace $0x90000049  }
0xb3: {  	s29 =	simm.s32 $0x9;
	_ =	strace $0x8000004B  }
0xb4: {  	_ =	swait.ge [sflag:s29], $0x1  }
0xb5: {  	[sflag:s29] =	ssyncadd.s32 $0xFFFFFFFF  }
0xb6: {  	_ =	strace $0x9000004B  }
0xb7: {  	_ =	sfence  }
0xb8: {  	s30 =	sld [smem:$0x0];
	_ =	sdelay $0x2  }
0xb9: {  	s31 =	sshll.u32 s1, $0xD;
	s1 =	sshrl.u32 s1, $0x2  }
0xba: {  	s3 =	sand.u32 $0x4000, s31;
	s1 =	sadd.s32 s1, s30  }
0xbb: {  	s0 =	sor.u32 s3, s0;
	s1 =	sshll.u32 s1, $0x11  }
0xbc: {  	s0 =	sor.u32 s1, s0  }
0xbd: {  	s0 =	sadd.s32 $0x8F2B, s0  }
0xbe: {  	[sflag:s0] =	ssyncadd.remote.s32 $0x1  }
0xbf: {  	_ =	sfence.sel $0xFFFF  }
0xc0: {  	[dreg:$0x0] =	wrdreg $0xFFFFFFFF;
	(pc) =	sbr.abs _section_cstart, $3  }
0xc1: {  	[dreg:$0x1] =	wrdreg $0xFFFFFFFF  }
0xc2: {  	_ =	task.clear_ibuf [dreg:s7], $0x2FFFF;
	_ =	strace $0x9FFFFFFF  }
0xc3: {  	(tm) =	ssettm $0x7FFFFFFF  }
tec
execute0_lowered:
.L_overlay_start_1:
0x0: {  	(tag) =	ssettag $0x1  }
0x1: {  	s1 =	rddreg [dreg:$0x0]  }
0x2: {  	s0 =	rddreg [dreg:$0x1]  }
0x3: {  	s2 =	rddreg [dreg:$0x2];
	s3 =	simm.s32 $0x0;
	s4 =	srdreg.scid  }
0x4: {  	s16 =	stileid.u32;
	s17 =	simm.s32 $0x880;
	s18 =	simm.s32 $0x180  }
0x5: {  	s20 =	simm.s32 $0x900;
	s21 =	simm.s32 $0x200;
	s28 =	simm.s32 $0x3  }
0x6: {  	s29 =	simm.s32 $0xE00;
	s30 =	simm.s32 $0x700;
	s31 =	simm.s32 $0xE80  }
0x7: {  	[smem:$0x7FF] =	sst s3;
	s4 =	sand.u32 $0x1, s4;
	s5 =	sadd.s32 $0xC400, s0  }
0x8: {  	s8 =	smul.u32 $0x4E000, s16;
	s11 =	sadd.s32 $0x16400, s0;
	s12 =	sshll.u32 s16, $0x6  }
0x9: {  	s13 =	smul.u32 $0x13800, s16;
	_ =	strace $0x8000004A;
	[dreg:$0x1a] =	wrdreg s11  }
0xa: {  	s15 =	sadd.s32 $0x138000, s2;
	s22 =	smul.u32 $0x500, s16;
	[dreg:$0x6] =	wrdreg s17  }
0xb: {  	p0 =	sne.s32 s16, $0xF;
	s6 =	sshll.u32 s4, $0x4;
	[dreg:$0x7] =	wrdreg s18  }
0xc: {  	s9 =	ssub.s32 $0x2, s4;
	s24 =	smul.u32 $0x138800, s4;
	[dreg:$0x8] =	wrdreg s20  }
0xd: {  	s4 =	smul.u32 $0x5000, s4;
	[dreg:$0x9] =	wrdreg s21;
	s11 =	simm.s32 $0xA80  }
0xe: {  	s17 =	simm.s32 $0xB00;
	s18 =	simm.s32 $0xB80;
	s20 =	simm.s32 $0x500  }
0xf: {  	s21 =	simm.s32 $0xC80;
	s7 =	sor.u32 s16, s6;
	[dreg:$0xe] =	wrdreg s11  }
0x10: {  	s6 =	sadd.s32 $0x2400, s0;
	s23 =	sshrl.u32 s9, $0x1;
	[dreg:$0x10] =	wrdreg s17  }
0x11: {  	s0 =	sadd.s32 $0x18C00, s0;
	s8 =	sshrl.u32 s8, $0x2;
	[dreg:$0x11] =	wrdreg s18  }
0x12: {  	s17 =	simm.s32 $0x4;
	s18 =	sshrl.u32 @!p0 s15, $0x3;
	[dreg:$0x13] =	wrdreg s20  }
0x13: {  	[dreg:$0x14] =	wrdreg s21;
	s10 =	smul.u32 $0xA, s7;
	s9 =	ssub.s32 s9, s23  }
0x14: {  	s14 =	sadd.s32 s8, s2;
	s8 =	sor.u32 $0x1C04, s12;
	s26 =	sadd.s32 s13, s24  }
0x15: {  	s12 =	sshrl.u32 s24, $0x3;
	s13 =	simm.s32 $0x100;
	s23 =	simm.s32 $0x980  }
0x16: {  	s24 =	sadd.s32 s4, s5;
	s4 =	sadd.s32 s4, s6;
	[dreg:$0x5] =	wrdreg s13  }
0x17: {  	s19 =	smax.u32 s9, $0x1;
	[dreg:$0xa] =	wrdreg s23;
	s9 =	sadd.s32 s22, s24  }
0x18: {  	s4 =	sadd.s32 s22, s4;
	s22 =	simm.s32 $0x580;
	[dreg:$0x1f] =	wrdreg s19  }
0x19: {  	s7 =	smul.u32 $0x500, s7;
	s23 =	simm.s32 $0xD00;
	[dreg:$0x15] =	wrdreg s22  }
0x1a: {  	s20 =	simm.s32 $0x80;
	s24 =	simm.s32 $0x600;
	[dreg:$0x16] =	wrdreg s23  }
0x1b: {  	s21 =	simm.s32 $0x1000;
	s25 =	sadd.s32 s5, s7;
	[dreg:$0x17] =	wrdreg s24  }
0x1c: {  	s16 =	sshrl.u32 s14, $0x3;
	s7 =	sadd.s32 s6, s7;
	[dreg:$0x1b] =	wrdreg s25  }
0x1d: {  	s10 =	sadd.s32 $0x2, s10;
	s9 =	sadd.s32 $0x80, s9;
	[dreg:$0x1c] =	wrdreg s7  }
0x1e: {  	s13 =	sadd.s32 $0x80, s4;
	s19 =	simm.s32 $0x480;
	[dreg:$0x4] =	wrdreg s10  }
0x1f: {  	s22 =	simm.s32 $0x400;
	s23 =	simm.s32 $0xC00;
	[smem:$0x7FD] =	sst s9  }
0x20: {  	s24 =	simm.s32 $0x5000;
	s25 =	simm.s32 $0x280;
	[dreg:$0x12] =	wrdreg s19  }
0x21: {  	s10 =	sshrl.u32 s26, $0x3;
	s26 =	simm.s32 $0xA00;
	[dreg:$0xb] =	wrdreg s25  }
0x22: {  	s4 =	simm.s32 $0xF00;
	s7 =	sadd.s32 s0, s10;
	[dreg:$0xc] =	wrdreg s26  }
0x23: {  	s19 =	simm.s32 $0x800;
	s10 =	simm.s32 $0x300;
	[dreg:$0x1d] =	wrdreg s7  }
0x24: {  	s0 =	sadd.s32 s0, s12;
	s12 =	simm.s32 $0x380;
	[dreg:$0xd] =	wrdreg s10  }
0x25: {  	s9 =	simm.s32 $0xF80;
	s25 =	simm.s32 $0xD80;
	[dreg:$0xf] =	wrdreg s12  }
0x26: {  	s26 =	simm.s32 $0x680;
	s0 =	sadd.s32 $0x27000, s0;
	[dreg:$0x18] =	wrdreg s25  }
0x27: {  	[dreg:$0x19] =	wrdreg s26;
	s25 =	simm.s32 $0x1;
	s26 =	simm.s32 $0x2  }
0x28: {  	s10 =	simm.s32 $0x0;
	[dreg:$0x1e] =	wrdreg s0;
	s0 =	simm.s32 $0x780  }
.LBB2_1:
0x29: {  	s7 =	rddreg [dreg:$0x1a]  }
0x2a: {  	[spmem:s16], [sflag:s8] =	dma.local [hbm:s7], $0x2700  }
0x2b: {  	_ =	swait.ge [sflag:s17], $0x2700  }
0x2c: {  	[sflag:s17] =	ssyncset.done $0x0  }
0x2d: {  	[sflag:s17] =	ssyncadd.s32 $0xFFFFD900  }
0x2e: {  	[spmem:s18], [sflag:s8] =	dma.local @!p0 [hbm:s7], $0x900  }
0x2f: {  	s7 =	simm.s32 @!p0 $0x4  }
0x30: {  	_ =	swait.ge @!p0 [sflag:s7], $0x900  }
0x31: {  	[sflag:s7] =	ssyncset.done @!p0 $0x0  }
0x32: {  	s14 =	rddreg [dreg:$0x1b];
	[sflag:s7] =	ssyncadd.s32 @!p0 $0xFFFFF700  }
0x33: {  	[tilespmem:s3], [sflag:$0x4] =	stream.linear.gather [hbm4b:s14+s3], $0x400, $0x38;
	[tilespmem:$0x1CC80] =	vst v63  }
0x34: {  	_ =	swait.ge [sflag:s17], $0x400  }
0x35: {  	[sflag:s17] =	ssyncset.done $0x0  }
0x36: {  	s15 =	rddreg [dreg:$0x1c];
	[sflag:s17] =	ssyncadd.s32 $0xFFFFFC00  }
0x37: {  	[tilespmem:s19], [sflag:$0x4] =	stream.linear.gather [hbm4b:s15+s3], $0x400, $0x38;
	[tilespmem:$0x1CC80] =	vst v63  }
0x38: {  	_ =	swait.ge [sflag:s17], $0x400  }
0x39: {  	[sflag:s17] =	ssyncset.done $0x0  }
0x3a: {  	[sflag:s17] =	ssyncadd.s32 $0xFFFFFC00  }
0x3b: {  	[bflag:$0x0] =	sbarrier.arrive $0xFFFF  }
0x3c: {  	s14 =	sld [smem:$0x7FD]  }
0x3d: {  	[tilespmem:s21], [sflag:$0x1] =	stream.indirect.gather [hbm4b:s1+s20], $0x80, s3, s20, $0xb8;
	[tilespmem:$0x1CC80] =	vst v63  }
0x3e: {  	_ = 	snop  }
0x3f: {  	[tilespmem:s22], [sflag:$0x3] =	stream.linear.gather [hbm4b:s14+s3], $0x400, $0x38;
	[tilespmem:$0x1CC80] =	vst v63  }
0x40: {  	_ = 	snop  }
0x41: {  	[tilespmem:s23], [sflag:$0x3] =	stream.linear.gather [hbm4b:s13+s3], $0x400, $0x38;
	[tilespmem:$0x1CC80] =	vst v63  }
0x42: {  	_ = 	snop  }
0x43: {  	[tilespmem:s24], [sflag:$0x2] =	stream.indirect.gather [hbm4b:s1+s20], $0x80, s20, s20, $0xb8;
	[tilespmem:$0x1CC80] =	vst v63  }
0x44: {  	_ =	swait.ge [sflag:s25], $0x4000  }
0x45: {  	[sflag:s25] =	ssyncset.done $0x0  }
0x46: {  	[sflag:s25] =	ssyncadd.s32 $0xFFFFC000  }
0x47: {  	[spmem:s2] =	stream.indirect.scatter.add.f32 [tilespmem:s21], [sflag:$0x4], $0x80, s19, s20, $0xb8;
	[tilespmem:$0x1CC80] =	vst v63  }
0x48: {  	_ =	swait.ge [sflag:s17], $0x4000  }
0x49: {  	[sflag:s17] =	ssyncset.done $0x0  }
0x4a: {  	s11 =	rddreg [dreg:$0x5];
	[sflag:s17] =	ssyncadd.s32 $0xFFFFC000  }
0x4b: {  	[tilespmem:s21], [sflag:$0x1] =	stream.indirect.gather [hbm4b:s1+s20], $0x80, s11, s20, $0xb8;
	[tilespmem:$0x1CC80] =	vst v63  }
0x4c: {  	_ =	swait.ge [sflag:s26], $0x4000  }
0x4d: {  	[sflag:s26] =	ssyncset.done $0x0  }
0x4e: {  	s12 =	rddreg [dreg:$0x6];
	[sflag:s26] =	ssyncadd.s32 $0xFFFFC000  }
0x4f: {  	[spmem:s2] =	stream.indirect.scatter.add.f32 [tilespmem:s24], [sflag:$0x4], $0x80, s12, s20, $0xb8;
	[tilespmem:$0x1CC80] =	vst v63  }
0x50: {  	_ =	swait.ge [sflag:s17], $0x4000  }
0x51: {  	[sflag:s17] =	ssyncset.done $0x0  }
0x52: {  	s15 =	rddreg [dreg:$0x7];
	[sflag:s17] =	ssyncadd.s32 $0xFFFFC000  }
0x53: {  	[tilespmem:s24], [sflag:$0x2] =	stream.indirect.gather [hbm4b:s1+s20], $0x80, s15, s20, $0xb8;
	[tilespmem:$0x1CC80] =	vst v63  }
0x54: {  	_ =	swait.ge [sflag:s25], $0x4000  }
0x55: {  	[sflag:s25] =	ssyncset.done $0x0  }
0x56: {  	s11 =	rddreg [dreg:$0x8];
	[sflag:s25] =	ssyncadd.s32 $0xFFFFC000  }
0x57: {  	[spmem:s2] =	stream.indirect.scatter.add.f32 [tilespmem:s21], [sflag:$0x4], $0x80, s11, s20, $0xb8;
	[tilespmem:$0x1CC80] =	vst v63  }
0x58: {  	_ =	swait.ge [sflag:s17], $0x4000  }
0x59: {  	[sflag:s17] =	ssyncset.done $0x0  }
0x5a: {  	s12 =	rddreg [dreg:$0x9];
	[sflag:s17] =	ssyncadd.s32 $0xFFFFC000  }
0x5b: {  	[tilespmem:s21], [sflag:$0x1] =	stream.indirect.gather [hbm4b:s1+s20], $0x80, s12, s20, $0xb8;
	[tilespmem:$0x1CC80] =	vst v63  }
0x5c: {  	_ =	swait.ge [sflag:s26], $0x4000  }
0x5d: {  	[sflag:s26] =	ssyncset.done $0x0  }
0x5e: {  	s15 =	rddreg [dreg:$0xa];
	[sflag:s26] =	ssyncadd.s32 $0xFFFFC000  }
0x5f: {  	[spmem:s2] =	stream.indirect.scatter.add.f32 [tilespmem:s24], [sflag:$0x4], $0x80, s15, s20, $0xb8;
	[tilespmem:$0x1CC80] =	vst v63  }
0x60: {  	_ =	swait.ge [sflag:s17], $0x4000  }
0x61: {  	[sflag:s17] =	ssyncset.done $0x0  }
0x62: {  	s11 =	rddreg [dreg:$0xb];
	[sflag:s17] =	ssyncadd.s32 $0xFFFFC000  }
0x63: {  	[tilespmem:s24], [sflag:$0x2] =	stream.indirect.gather [hbm4b:s1+s20], $0x80, s11, s20, $0xb8;
	[tilespmem:$0x1CC80] =	vst v63  }
0x64: {  	_ =	swait.ge [sflag:s25], $0x4000  }
0x65: {  	[sflag:s25] =	ssyncset.done $0x0  }
0x66: {  	s12 =	rddreg [dreg:$0xc];
	[sflag:s25] =	ssyncadd.s32 $0xFFFFC000  }
0x67: {  	[spmem:s2] =	stream.indirect.scatter.add.f32 [tilespmem:s21], [sflag:$0x4], $0x80, s12, s20, $0xb8;
	[tilespmem:$0x1CC80] =	vst v63  }
0x68: {  	_ =	swait.ge [sflag:s17], $0x4000  }
0x69: {  	[sflag:s17] =	ssyncset.done $0x0  }
0x6a: {  	s15 =	rddreg [dreg:$0xd];
	[sflag:s17] =	ssyncadd.s32 $0xFFFFC000  }
0x6b: {  	[tilespmem:s21], [sflag:$0x1] =	stream.indirect.gather [hbm4b:s1+s20], $0x80, s15, s20, $0xb8;
	[tilespmem:$0x1CC80] =	vst v63  }
0x6c: {  	_ =	swait.ge [sflag:s26], $0x4000  }
0x6d: {  	[sflag:s26] =	ssyncset.done $0x0  }
0x6e: {  	s11 =	rddreg [dreg:$0xe];
	[sflag:s26] =	ssyncadd.s32 $0xFFFFC000  }
0x6f: {  	[spmem:s2] =	stream.indirect.scatter.add.f32 [tilespmem:s24], [sflag:$0x4], $0x80, s11, s20, $0xb8;
	[tilespmem:$0x1CC80] =	vst v63  }
0x70: {  	_ =	swait.ge [sflag:s17], $0x4000  }
0x71: {  	[sflag:s17] =	ssyncset.done $0x0  }
0x72: {  	s12 =	rddreg [dreg:$0xf];
	[sflag:s17] =	ssyncadd.s32 $0xFFFFC000  }
0x73: {  	[tilespmem:s24], [sflag:$0x2] =	stream.indirect.gather [hbm4b:s1+s20], $0x80, s12, s20, $0xb8;
	[tilespmem:$0x1CC80] =	vst v63  }
0x74: {  	_ =	swait.ge [sflag:s25], $0x4000  }
0x75: {  	[sflag:s25] =	ssyncset.done $0x0  }
0x76: {  	s15 =	rddreg [dreg:$0x10];
	[sflag:s25] =	ssyncadd.s32 $0xFFFFC000  }
0x77: {  	[spmem:s2] =	stream.indirect.scatter.add.f32 [tilespmem:s21], [sflag:$0x4], $0x80, s15, s20, $0xb8;
	[tilespmem:$0x1CC80] =	vst v63  }
0x78: {  	_ =	swait.ge [sflag:s17], $0x4000  }
0x79: {  	[sflag:s17] =	ssyncset.done $0x0  }
0x7a: {  	[sflag:s17] =	ssyncadd.s32 $0xFFFFC000  }
0x7b: {  	_ =	swait.ge [sflag:s28], $0x400  }
0x7c: {  	[sflag:s28] =	ssyncset.done $0x0  }
0x7d: {  	[sflag:s28] =	ssyncadd.s32 $0xFFFFFC00  }
0x7e: {  	_ =	swait.ge [sflag:s28], $0x400  }
0x7f: {  	[sflag:s28] =	ssyncset.done $0x0  }
0x80: {  	[sflag:s28] =	ssyncadd.s32 $0xFFFFFC00  }
0x81: {  	[tilespmem:s21], [sflag:$0x1] =	stream.indirect.gather [hbm4b:s1+s20], $0x80, s22, s20, $0xb8;
	[tilespmem:$0x1CC80] =	vst v63  }
0x82: {  	_ =	swait.ge [sflag:s26], $0x4000  }
0x83: {  	[sflag:s26] =	ssyncset.done $0x0  }
0x84: {  	s11 =	rddreg [dreg:$0x11];
	[sflag:s26] =	ssyncadd.s32 $0xFFFFC000  }
0x85: {  	[spmem:s2] =	stream.indirect.scatter.add.f32 [tilespmem:s24], [sflag:$0x4], $0x80, s11, s20, $0xb8;
	[tilespmem:$0x1CC80] =	vst v63  }
0x86: {  	_ =	swait.ge [sflag:s17], $0x4000  }
0x87: {  	s11 =	smin.u32 s3, $0x7;
	s12 =	rddreg [dreg:$0x4]  }
0x88: {  	s7 =	sadd.s32 s11, s12  }
0x89: {  	[sflag:s17] =	ssyncset.done $0x0;
	s7 =	sshll.u32 s7, $0x7  }
0x8a: {  	[sflag:s17] =	ssyncadd.s32 $0xFFFFC000;
	s15 =	sadd.s32 s5, s7  }
0x8b: {  	[tilespmem:s3], [sflag:$0x3] =	stream.linear.gather [hbm4b:s15+s3], $0x400, $0x38;
	[tilespmem:$0x1CC80] =	vst v63  }
0x8c: {  	s7 =	sadd.s32 s6, s7  }
0x8d: {  	[tilespmem:s19], [sflag:$0x3] =	stream.linear.gather [hbm4b:s7+s3], $0x400, $0x38;
	[tilespmem:$0x1CC80] =	vst v63  }
0x8e: {  	s12 =	rddreg [dreg:$0x12]  }
0x8f: {  	[tilespmem:s24], [sflag:$0x2] =	stream.indirect.gather [hbm4b:s1+s20], $0x80, s12, s20, $0xb8;
	[tilespmem:$0x1CC80] =	vst v63  }
0x90: {  	_ =	swait.ge [sflag:s25], $0x4000  }
0x91: {  	[sflag:s25] =	ssyncset.done $0x0  }
0x92: {  	[sflag:s25] =	ssyncadd.s32 $0xFFFFC000  }
0x93: {  	[spmem:s2] =	stream.indirect.scatter.add.f32 [tilespmem:s21], [sflag:$0x4], $0x80, s23, s20, $0xb8;
	[tilespmem:$0x1CC80] =	vst v63  }
0x94: {  	_ =	swait.ge [sflag:s17], $0x4000  }
0x95: {  	[sflag:s17] =	ssyncset.done $0x0  }
0x96: {  	s15 =	rddreg [dreg:$0x13];
	[sflag:s17] =	ssyncadd.s32 $0xFFFFC000  }
0x97: {  	[tilespmem:s21], [sflag:$0x1] =	stream.indirect.gather [hbm4b:s1+s20], $0x80, s15, s20, $0xb8;
	[tilespmem:$0x1CC80] =	vst v63  }
0x98: {  	_ =	swait.ge [sflag:s26], $0x4000  }
0x99: {  	[sflag:s26] =	ssyncset.done $0x0  }
0x9a: {  	s11 =	rddreg [dreg:$0x14];
	[sflag:s26] =	ssyncadd.s32 $0xFFFFC000  }
0x9b: {  	[spmem:s2] =	stream.indirect.scatter.add.f32 [tilespmem:s24], [sflag:$0x4], $0x80, s11, s20, $0xb8;
	[tilespmem:$0x1CC80] =	vst v63  }
0x9c: {  	_ =	swait.ge [sflag:s17], $0x4000  }
0x9d: {  	[sflag:s17] =	ssyncset.done $0x0  }
0x9e: {  	s12 =	rddreg [dreg:$0x15];
	[sflag:s17] =	ssyncadd.s32 $0xFFFFC000  }
0x9f: {  	[tilespmem:s24], [sflag:$0x2] =	stream.indirect.gather [hbm4b:s1+s20], $0x80, s12, s20, $0xb8;
	[tilespmem:$0x1CC80] =	vst v63  }
0xa0: {  	_ =	swait.ge [sflag:s25], $0x4000  }
0xa1: {  	[sflag:s25] =	ssyncset.done $0x0  }
0xa2: {  	s15 =	rddreg [dreg:$0x16];
	[sflag:s25] =	ssyncadd.s32 $0xFFFFC000  }
0xa3: {  	[spmem:s2] =	stream.indirect.scatter.add.f32 [tilespmem:s21], [sflag:$0x4], $0x80, s15, s20, $0xb8;
	[tilespmem:$0x1CC80] =	vst v63  }
0xa4: {  	_ =	swait.ge [sflag:s17], $0x4000  }
0xa5: {  	[sflag:s17] =	ssyncset.done $0x0  }
0xa6: {  	s11 =	rddreg [dreg:$0x17];
	[sflag:s17] =	ssyncadd.s32 $0xFFFFC000  }
0xa7: {  	[tilespmem:s21], [sflag:$0x1] =	stream.indirect.gather [hbm4b:s1+s20], $0x80, s11, s20, $0xb8;
	[tilespmem:$0x1CC80] =	vst v63  }
0xa8: {  	_ =	swait.ge [sflag:s26], $0x4000  }
0xa9: {  	[sflag:s26] =	ssyncset.done $0x0  }
0xaa: {  	s12 =	rddreg [dreg:$0x18];
	[sflag:s26] =	ssyncadd.s32 $0xFFFFC000  }
0xab: {  	[spmem:s2] =	stream.indirect.scatter.add.f32 [tilespmem:s24], [sflag:$0x4], $0x80, s12, s20, $0xb8;
	[tilespmem:$0x1CC80] =	vst v63  }
0xac: {  	_ =	swait.ge [sflag:s17], $0x4000  }
0xad: {  	[sflag:s17] =	ssyncset.done $0x0  }
0xae: {  	s15 =	rddreg [dreg:$0x19];
	[sflag:s17] =	ssyncadd.s32 $0xFFFFC000  }
0xaf: {  	[tilespmem:s24], [sflag:$0x2] =	stream.indirect.gather [hbm4b:s1+s20], $0x80, s15, s20, $0xb8;
	[tilespmem:$0x1CC80] =	vst v63  }
0xb0: {  	_ =	swait.ge [sflag:s25], $0x4000  }
0xb1: {  	[sflag:s25] =	ssyncset.done $0x0  }
0xb2: {  	[sflag:s25] =	ssyncadd.s32 $0xFFFFC000  }
0xb3: {  	[spmem:s2] =	stream.indirect.scatter.add.f32 [tilespmem:s21], [sflag:$0x4], $0x80, s29, s20, $0xb8;
	[tilespmem:$0x1CC80] =	vst v63  }
0xb4: {  	_ =	swait.ge [sflag:s17], $0x4000  }
0xb5: {  	[sflag:s17] =	ssyncset.done $0x0  }
0xb6: {  	[sflag:s17] =	ssyncadd.s32 $0xFFFFC000  }
0xb7: {  	[tilespmem:s21], [sflag:$0x1] =	stream.indirect.gather [hbm4b:s1+s20], $0x80, s30, s20, $0xb8;
	[tilespmem:$0x1CC80] =	vst v63  }
0xb8: {  	_ =	swait.ge [sflag:s26], $0x4000  }
0xb9: {  	[sflag:s26] =	ssyncset.done $0x0  }
0xba: {  	[sflag:s26] =	ssyncadd.s32 $0xFFFFC000  }
0xbb: {  	[spmem:s2] =	stream.indirect.scatter.add.f32 [tilespmem:s24], [sflag:$0x4], $0x80, s31, s20, $0xb8;
	[tilespmem:$0x1CC80] =	vst v63  }
0xbc: {  	_ =	swait.ge [sflag:s17], $0x4000  }
0xbd: {  	[sflag:s17] =	ssyncset.done $0x0  }
0xbe: {  	[sflag:s17] =	ssyncadd.s32 $0xFFFFC000  }
0xbf: {  	[tilespmem:s24], [sflag:$0x2] =	stream.indirect.gather [hbm4b:s1+s20], $0x80, s0, s20, $0xb8;
	[tilespmem:$0x1CC80] =	vst v63  }
0xc0: {  	_ =	swait.ge [sflag:s25], $0x4000  }
0xc1: {  	[sflag:s25] =	ssyncset.done $0x0  }
0xc2: {  	[sflag:s25] =	ssyncadd.s32 $0xFFFFC000  }
0xc3: {  	[spmem:s2] =	stream.indirect.scatter.add.f32 [tilespmem:s21], [sflag:$0x4], $0x80, s4, s20, $0xb8;
	[tilespmem:$0x1CC80] =	vst v63  }
0xc4: {  	_ =	swait.ge [sflag:s17], $0x4000  }
0xc5: {  	[sflag:s17] =	ssyncset.done $0x0  }
0xc6: {  	[sflag:s17] =	ssyncadd.s32 $0xFFFFC000  }
0xc7: {  	_ =	swait.ge [sflag:s28], $0x400  }
0xc8: {  	[sflag:s28] =	ssyncset.done $0x0  }
0xc9: {  	[sflag:s28] =	ssyncadd.s32 $0xFFFFFC00  }
0xca: {  	_ =	swait.ge [sflag:s28], $0x400  }
0xcb: {  	[sflag:s28] =	ssyncset.done $0x0  }
0xcc: {  	[sflag:s28] =	ssyncadd.s32 $0xFFFFFC00  }
0xcd: {  	[tilespmem:s21], [sflag:$0x1] =	stream.indirect.gather [hbm4b:s1+s20], $0x80, s3, s20, $0xb8;
	[tilespmem:$0x1CC80] =	vst v63  }
0xce: {  	_ =	swait.ge [sflag:s26], $0x4000  }
0xcf: {  	[sflag:s26] =	ssyncset.done $0x0  }
0xd0: {  	[sflag:s26] =	ssyncadd.s32 $0xFFFFC000  }
0xd1: {  	[spmem:s2] =	stream.indirect.scatter.add.f32 [tilespmem:s24], [sflag:$0x4], $0x80, s9, s20, $0xb8;
	[tilespmem:$0x1CC80] =	vst v63  }
0xd2: {  	_ =	swait.ge [sflag:s17], $0x4000  }
0xd3: {  	s11 =	simm.s32 $0x2;
	s15 =	smov.u32 s13;
	[sflag:s17] =	ssyncset.done $0x0  }
.LBB2_2:
0xd4: {  	[sflag:s17] =	ssyncadd.s32 $0xFFFFC000;
	s14 =	sadd.s32 $0x100, s14  }
0xd5: {  	[tilespmem:s22], [sflag:$0x3] =	stream.linear.gather [hbm4b:s14+s3], $0x400, $0x38;
	[tilespmem:$0x1CC80] =	vst v63  }
0xd6: {  	s15 =	sadd.s32 $0x100, s15  }
0xd7: {  	[tilespmem:s23], [sflag:$0x3] =	stream.linear.gather [hbm4b:s15+s3], $0x400, $0x38;
	[tilespmem:$0x1CC80] =	vst v63  }
0xd8: {  	_ = 	snop  }
0xd9: {  	[tilespmem:s24], [sflag:$0x2] =	stream.indirect.gather [hbm4b:s1+s20], $0x80, s20, s20, $0xb8;
	[tilespmem:$0x1CC80] =	vst v63  }
0xda: {  	_ =	swait.ge [sflag:s25], $0x4000  }
0xdb: {  	[sflag:s25] =	ssyncset.done $0x0  }
0xdc: {  	[sflag:s25] =	ssyncadd.s32 $0xFFFFC000  }
0xdd: {  	[spmem:s2] =	stream.indirect.scatter.add.f32 [tilespmem:s21], [sflag:$0x4], $0x80, s19, s20, $0xb8;
	[tilespmem:$0x1CC80] =	vst v63  }
0xde: {  	_ =	swait.ge [sflag:s17], $0x4000  }
0xdf: {  	[sflag:s17] =	ssyncset.done $0x0  }
0xe0: {  	s12 =	rddreg [dreg:$0x5];
	[sflag:s17] =	ssyncadd.s32 $0xFFFFC000  }
0xe1: {  	[tilespmem:s21], [sflag:$0x1] =	stream.indirect.gather [hbm4b:s1+s20], $0x80, s12, s20, $0xb8;
	[tilespmem:$0x1CC80] =	vst v63  }
0xe2: {  	_ =	swait.ge [sflag:s26], $0x4000  }
0xe3: {  	[sflag:s26] =	ssyncset.done $0x0  }
0xe4: {  	s12 =	rddreg [dreg:$0x6];
	[sflag:s26] =	ssyncadd.s32 $0xFFFFC000  }
0xe5: {  	[spmem:s2] =	stream.indirect.scatter.add.f32 [tilespmem:s24], [sflag:$0x4], $0x80, s12, s20, $0xb8;
	[tilespmem:$0x1CC80] =	vst v63  }
0xe6: {  	_ =	swait.ge [sflag:s17], $0x4000  }
0xe7: {  	[sflag:s17] =	ssyncset.done $0x0  }
0xe8: {  	s12 =	rddreg [dreg:$0x7];
	[sflag:s17] =	ssyncadd.s32 $0xFFFFC000  }
0xe9: {  	[tilespmem:s24], [sflag:$0x2] =	stream.indirect.gather [hbm4b:s1+s20], $0x80, s12, s20, $0xb8;
	[tilespmem:$0x1CC80] =	vst v63  }
0xea: {  	_ =	swait.ge [sflag:s25], $0x4000  }
0xeb: {  	[sflag:s25] =	ssyncset.done $0x0  }
0xec: {  	s12 =	rddreg [dreg:$0x8];
	[sflag:s25] =	ssyncadd.s32 $0xFFFFC000  }
0xed: {  	[spmem:s2] =	stream.indirect.scatter.add.f32 [tilespmem:s21], [sflag:$0x4], $0x80, s12, s20, $0xb8;
	[tilespmem:$0x1CC80] =	vst v63  }
0xee: {  	_ =	swait.ge [sflag:s17], $0x4000  }
0xef: {  	[sflag:s17] =	ssyncset.done $0x0  }
0xf0: {  	s12 =	rddreg [dreg:$0x9];
	[sflag:s17] =	ssyncadd.s32 $0xFFFFC000  }
0xf1: {  	[tilespmem:s21], [sflag:$0x1] =	stream.indirect.gather [hbm4b:s1+s20], $0x80, s12, s20, $0xb8;
	[tilespmem:$0x1CC80] =	vst v63  }
0xf2: {  	_ =	swait.ge [sflag:s26], $0x4000  }
0xf3: {  	[sflag:s26] =	ssyncset.done $0x0  }
0xf4: {  	s12 =	rddreg [dreg:$0xa];
	[sflag:s26] =	ssyncadd.s32 $0xFFFFC000  }
0xf5: {  	[spmem:s2] =	stream.indirect.scatter.add.f32 [tilespmem:s24], [sflag:$0x4], $0x80, s12, s20, $0xb8;
	[tilespmem:$0x1CC80] =	vst v63  }
0xf6: {  	_ =	swait.ge [sflag:s17], $0x4000  }
0xf7: {  	[sflag:s17] =	ssyncset.done $0x0  }
0xf8: {  	s12 =	rddreg [dreg:$0xb];
	[sflag:s17] =	ssyncadd.s32 $0xFFFFC000  }
0xf9: {  	[tilespmem:s24], [sflag:$0x2] =	stream.indirect.gather [hbm4b:s1+s20], $0x80, s12, s20, $0xb8;
	[tilespmem:$0x1CC80] =	vst v63  }
0xfa: {  	_ =	swait.ge [sflag:s25], $0x4000  }
0xfb: {  	[sflag:s25] =	ssyncset.done $0x0  }
0xfc: {  	s12 =	rddreg [dreg:$0xc];
	[sflag:s25] =	ssyncadd.s32 $0xFFFFC000  }
0xfd: {  	[spmem:s2] =	stream.indirect.scatter.add.f32 [tilespmem:s21], [sflag:$0x4], $0x80, s12, s20, $0xb8;
	[tilespmem:$0x1CC80] =	vst v63  }
0xfe: {  	_ =	swait.ge [sflag:s17], $0x4000  }
0xff: {  	[sflag:s17] =	ssyncset.done $0x0  }
0x100: {  	s12 =	rddreg [dreg:$0xd];
	[sflag:s17] =	ssyncadd.s32 $0xFFFFC000  }
0x101: {  	[tilespmem:s21], [sflag:$0x1] =	stream.indirect.gather [hbm4b:s1+s20], $0x80, s12, s20, $0xb8;
	[tilespmem:$0x1CC80] =	vst v63  }
0x102: {  	_ =	swait.ge [sflag:s26], $0x4000  }
0x103: {  	[sflag:s26] =	ssyncset.done $0x0  }
0x104: {  	s12 =	rddreg [dreg:$0xe];
	[sflag:s26] =	ssyncadd.s32 $0xFFFFC000  }
0x105: {  	[spmem:s2] =	stream.indirect.scatter.add.f32 [tilespmem:s24], [sflag:$0x4], $0x80, s12, s20, $0xb8;
	[tilespmem:$0x1CC80] =	vst v63  }
0x106: {  	_ =	swait.ge [sflag:s17], $0x4000  }
0x107: {  	[sflag:s17] =	ssyncset.done $0x0  }
0x108: {  	s12 =	rddreg [dreg:$0xf];
	[sflag:s17] =	ssyncadd.s32 $0xFFFFC000  }
0x109: {  	[tilespmem:s24], [sflag:$0x2] =	stream.indirect.gather [hbm4b:s1+s20], $0x80, s12, s20, $0xb8;
	[tilespmem:$0x1CC80] =	vst v63  }
0x10a: {  	_ =	swait.ge [sflag:s25], $0x4000  }
0x10b: {  	[sflag:s25] =	ssyncset.done $0x0  }
0x10c: {  	s12 =	rddreg [dreg:$0x10];
	[sflag:s25] =	ssyncadd.s32 $0xFFFFC000  }
0x10d: {  	[spmem:s2] =	stream.indirect.scatter.add.f32 [tilespmem:s21], [sflag:$0x4], $0x80, s12, s20, $0xb8;
	[tilespmem:$0x1CC80] =	vst v63  }
0x10e: {  	_ =	swait.ge [sflag:s17], $0x4000  }
0x10f: {  	[sflag:s17] =	ssyncset.done $0x0  }
0x110: {  	[sflag:s17] =	ssyncadd.s32 $0xFFFFC000  }
0x111: {  	_ =	swait.ge [sflag:s28], $0x400  }
0x112: {  	[sflag:s28] =	ssyncset.done $0x0  }
0x113: {  	[sflag:s28] =	ssyncadd.s32 $0xFFFFFC00  }
0x114: {  	_ =	swait.ge [sflag:s28], $0x400  }
0x115: {  	[sflag:s28] =	ssyncset.done $0x0  }
0x116: {  	[sflag:s28] =	ssyncadd.s32 $0xFFFFFC00  }
0x117: {  	[tilespmem:s21], [sflag:$0x1] =	stream.indirect.gather [hbm4b:s1+s20], $0x80, s22, s20, $0xb8;
	[tilespmem:$0x1CC80] =	vst v63  }
0x118: {  	_ =	swait.ge [sflag:s26], $0x4000  }
0x119: {  	[sflag:s26] =	ssyncset.done $0x0  }
0x11a: {  	s12 =	rddreg [dreg:$0x11];
	[sflag:s26] =	ssyncadd.s32 $0xFFFFC000  }
0x11b: {  	[spmem:s2] =	stream.indirect.scatter.add.f32 [tilespmem:s24], [sflag:$0x4], $0x80, s12, s20, $0xb8;
	[tilespmem:$0x1CC80] =	vst v63  }
0x11c: {  	s7 =	smov.u32 s11;
	_ =	swait.ge [sflag:s17], $0x4000  }
0x11d: {  	s7 =	smin.u32 s7, $0x7;
	s12 =	rddreg [dreg:$0x4]  }
0x11e: {  	s7 =	sadd.s32 s7, s12  }
0x11f: {  	[sflag:s17] =	ssyncset.done $0x0;
	s7 =	sshll.u32 s7, $0x7  }
0x120: {  	[sflag:s17] =	ssyncadd.s32 $0xFFFFC000;
	s12 =	sadd.s32 s5, s7  }
0x121: {  	[tilespmem:s3], [sflag:$0x3] =	stream.linear.gather [hbm4b:s12+s3], $0x400, $0x38;
	[tilespmem:$0x1CC80] =	vst v63  }
0x122: {  	s7 =	sadd.s32 s6, s7  }
0x123: {  	[tilespmem:s19], [sflag:$0x3] =	stream.linear.gather [hbm4b:s7+s3], $0x400, $0x38;
	[tilespmem:$0x1CC80] =	vst v63  }
0x124: {  	s12 =	rddreg [dreg:$0x12]  }
0x125: {  	[tilespmem:s24], [sflag:$0x2] =	stream.indirect.gather [hbm4b:s1+s20], $0x80, s12, s20, $0xb8;
	[tilespmem:$0x1CC80] =	vst v63  }
0x126: {  	_ =	swait.ge [sflag:s25], $0x4000  }
0x127: {  	[sflag:s25] =	ssyncset.done $0x0  }
0x128: {  	[sflag:s25] =	ssyncadd.s32 $0xFFFFC000  }
0x129: {  	[spmem:s2] =	stream.indirect.scatter.add.f32 [tilespmem:s21], [sflag:$0x4], $0x80, s23, s20, $0xb8;
	[tilespmem:$0x1CC80] =	vst v63  }
0x12a: {  	_ =	swait.ge [sflag:s17], $0x4000  }
0x12b: {  	[sflag:s17] =	ssyncset.done $0x0  }
0x12c: {  	s12 =	rddreg [dreg:$0x13];
	[sflag:s17] =	ssyncadd.s32 $0xFFFFC000  }
0x12d: {  	[tilespmem:s21], [sflag:$0x1] =	stream.indirect.gather [hbm4b:s1+s20], $0x80, s12, s20, $0xb8;
	[tilespmem:$0x1CC80] =	vst v63  }
0x12e: {  	_ =	swait.ge [sflag:s26], $0x4000  }
0x12f: {  	[sflag:s26] =	ssyncset.done $0x0  }
0x130: {  	s12 =	rddreg [dreg:$0x14];
	[sflag:s26] =	ssyncadd.s32 $0xFFFFC000  }
0x131: {  	[spmem:s2] =	stream.indirect.scatter.add.f32 [tilespmem:s24], [sflag:$0x4], $0x80, s12, s20, $0xb8;
	[tilespmem:$0x1CC80] =	vst v63  }
0x132: {  	_ =	swait.ge [sflag:s17], $0x4000  }
0x133: {  	[sflag:s17] =	ssyncset.done $0x0  }
0x134: {  	s12 =	rddreg [dreg:$0x15];
	[sflag:s17] =	ssyncadd.s32 $0xFFFFC000  }
0x135: {  	[tilespmem:s24], [sflag:$0x2] =	stream.indirect.gather [hbm4b:s1+s20], $0x80, s12, s20, $0xb8;
	[tilespmem:$0x1CC80] =	vst v63  }
0x136: {  	_ =	swait.ge [sflag:s25], $0x4000  }
0x137: {  	[sflag:s25] =	ssyncset.done $0x0  }
0x138: {  	s12 =	rddreg [dreg:$0x16];
	[sflag:s25] =	ssyncadd.s32 $0xFFFFC000  }
0x139: {  	[spmem:s2] =	stream.indirect.scatter.add.f32 [tilespmem:s21], [sflag:$0x4], $0x80, s12, s20, $0xb8;
	[tilespmem:$0x1CC80] =	vst v63  }
0x13a: {  	_ =	swait.ge [sflag:s17], $0x4000  }
0x13b: {  	[sflag:s17] =	ssyncset.done $0x0  }
0x13c: {  	s12 =	rddreg [dreg:$0x17];
	[sflag:s17] =	ssyncadd.s32 $0xFFFFC000  }
0x13d: {  	[tilespmem:s21], [sflag:$0x1] =	stream.indirect.gather [hbm4b:s1+s20], $0x80, s12, s20, $0xb8;
	[tilespmem:$0x1CC80] =	vst v63  }
0x13e: {  	_ =	swait.ge [sflag:s26], $0x4000  }
0x13f: {  	[sflag:s26] =	ssyncset.done $0x0  }
0x140: {  	s12 =	rddreg [dreg:$0x18];
	[sflag:s26] =	ssyncadd.s32 $0xFFFFC000  }
0x141: {  	[spmem:s2] =	stream.indirect.scatter.add.f32 [tilespmem:s24], [sflag:$0x4], $0x80, s12, s20, $0xb8;
	[tilespmem:$0x1CC80] =	vst v63  }
0x142: {  	_ =	swait.ge [sflag:s17], $0x4000  }
0x143: {  	[sflag:s17] =	ssyncset.done $0x0  }
0x144: {  	s12 =	rddreg [dreg:$0x19];
	[sflag:s17] =	ssyncadd.s32 $0xFFFFC000  }
0x145: {  	[tilespmem:s24], [sflag:$0x2] =	stream.indirect.gather [hbm4b:s1+s20], $0x80, s12, s20, $0xb8;
	[tilespmem:$0x1CC80] =	vst v63  }
0x146: {  	_ =	swait.ge [sflag:s25], $0x4000  }
0x147: {  	[sflag:s25] =	ssyncset.done $0x0  }
0x148: {  	[sflag:s25] =	ssyncadd.s32 $0xFFFFC000  }
0x149: {  	[spmem:s2] =	stream.indirect.scatter.add.f32 [tilespmem:s21], [sflag:$0x4], $0x80, s29, s20, $0xb8;
	[tilespmem:$0x1CC80] =	vst v63  }
0x14a: {  	_ =	swait.ge [sflag:s17], $0x4000  }
0x14b: {  	[sflag:s17] =	ssyncset.done $0x0  }
0x14c: {  	[sflag:s17] =	ssyncadd.s32 $0xFFFFC000  }
0x14d: {  	[tilespmem:s21], [sflag:$0x1] =	stream.indirect.gather [hbm4b:s1+s20], $0x80, s30, s20, $0xb8;
	[tilespmem:$0x1CC80] =	vst v63  }
0x14e: {  	_ =	swait.ge [sflag:s26], $0x4000  }
0x14f: {  	[sflag:s26] =	ssyncset.done $0x0  }
0x150: {  	[sflag:s26] =	ssyncadd.s32 $0xFFFFC000  }
0x151: {  	[spmem:s2] =	stream.indirect.scatter.add.f32 [tilespmem:s24], [sflag:$0x4], $0x80, s31, s20, $0xb8;
	[tilespmem:$0x1CC80] =	vst v63  }
0x152: {  	_ =	swait.ge [sflag:s17], $0x4000  }
0x153: {  	[sflag:s17] =	ssyncset.done $0x0  }
0x154: {  	[sflag:s17] =	ssyncadd.s32 $0xFFFFC000  }
0x155: {  	[tilespmem:s24], [sflag:$0x2] =	stream.indirect.gather [hbm4b:s1+s20], $0x80, s0, s20, $0xb8;
	[tilespmem:$0x1CC80] =	vst v63  }
0x156: {  	_ =	swait.ge [sflag:s25], $0x4000  }
0x157: {  	[sflag:s25] =	ssyncset.done $0x0  }
0x158: {  	[sflag:s25] =	ssyncadd.s32 $0xFFFFC000  }
0x159: {  	[spmem:s2] =	stream.indirect.scatter.add.f32 [tilespmem:s21], [sflag:$0x4], $0x80, s4, s20, $0xb8;
	[tilespmem:$0x1CC80] =	vst v63  }
0x15a: {  	_ =	swait.ge [sflag:s17], $0x4000  }
0x15b: {  	[sflag:s17] =	ssyncset.done $0x0  }
0x15c: {  	[sflag:s17] =	ssyncadd.s32 $0xFFFFC000  }
0x15d: {  	_ =	swait.ge [sflag:s28], $0x400  }
0x15e: {  	[sflag:s28] =	ssyncset.done $0x0  }
0x15f: {  	[sflag:s28] =	ssyncadd.s32 $0xFFFFFC00  }
0x160: {  	_ =	swait.ge [sflag:s28], $0x400  }
0x161: {  	[sflag:s28] =	ssyncset.done $0x0  }
0x162: {  	[sflag:s28] =	ssyncadd.s32 $0xFFFFFC00  }
0x163: {  	[tilespmem:s21], [sflag:$0x1] =	stream.indirect.gather [hbm4b:s1+s20], $0x80, s3, s20, $0xb8;
	[tilespmem:$0x1CC80] =	vst v63  }
0x164: {  	p1 =	sne.s32 s11, $0x8;
	_ =	swait.ge [sflag:s26], $0x4000  }
.Ltmp0:
0x165: {  	[sflag:s26] =	ssyncset.done $0x0;
	(pc) =	sbr.rel @p1 .LBB2_2-.Ltmp0, $4  }
0x166: {  	[sflag:s26] =	ssyncadd.s32 $0xFFFFC000  }
0x167: {  	[spmem:s2] =	stream.indirect.scatter.add.f32 [tilespmem:s24], [sflag:$0x4], $0x80, s9, s20, $0xb8;
	[tilespmem:$0x1CC80] =	vst v63  }
0x168: {  	_ =	swait.ge [sflag:s17], $0x4000  }
0x169: {  	s11 =	sadd.s32 $0x2, s11;
	[sflag:s17] =	ssyncset.done $0x0  }
0x16a: {  	[sflag:s17] =	ssyncadd.s32 $0xFFFFC000  }
0x16b: {  	_ =	swait.ge [sflag:s25], $0x4000  }
0x16c: {  	[sflag:s25] =	ssyncset.done $0x0  }
0x16d: {  	[sflag:s25] =	ssyncadd.s32 $0xFFFFC000  }
0x16e: {  	[bflag:$0x0] =	sbarrier.arrive $0xFFFF  }
0x16f: {  	s7 =	rddreg [dreg:$0x1d]  }
0x170: {  	[hbm:s7], [sflag:s8] =	dma.local [spmem:s16], $0x2700  }
0x171: {  	_ =	swait.ge [sflag:s17], $0x2700  }
0x172: {  	[sflag:s17] =	ssyncset.done $0x0  }
0x173: {  	s7 =	rddreg [dreg:$0x1e];
	[sflag:s17] =	ssyncadd.s32 $0xFFFFD900  }
0x174: {  	[hbm:s7], [sflag:s8] =	dma.local @!p0 [spmem:s18], $0x100  }
0x175: {  	s7 =	simm.s32 @!p0 $0x4  }
0x176: {  	_ =	swait.ge @!p0 [sflag:s7], $0x100  }
0x177: {  	s10 =	sadd.s32 $0x1, s10;
	s11 =	rddreg [dreg:$0x1f]  }
0x178: {  	p1 =	sne.s32 s10, s11  }
.Ltmp1:
0x179: {  	_ = 	snop;
	(pc) =	sbr.rel @p1 .LBB2_1-.Ltmp1, $3  }
0x17a: {  	_ =	sdelay $0x1  }
0x17b: {  	[sflag:s7] =	ssyncset.done @!p0 $0x0  }
0x17c: {  	[sflag:s7] =	ssyncadd.s32 @!p0 $0xFFFFFF00  }
0x17d: {  	_ =	sfence.sel $0x180000  }
0x17e: {  	[bflag:$0x0] =	sbarrier.arrive $0xFFFF  }
0x17f: {  	_ =	strace $0x9000004A  }
0x180: {  	s0 =	stileid.u32;
	[bflag:$0x2] =	sbarrier.arrive $0xFFFF  }
0x181: {  	p0 =	sne.s32 s0, $0x0;
	s0 =	rddreg [dreg:$0x3]  }
0x182: {  	s0 =	sadd.s32 @!p0 $0x100000, s0  }
0x183: {  	[sflag:s0] =	ssyncadd.tile.s32 @!p0 $0x1;
	_ =	shalt  }
.Lfunc_end2:
_tile_overlayer_lowered:
.L_overlay_start_2:
0x184: {  	(tag) =	ssettag $0x2  }
0x185: {  	s0 =	rddreg [dreg:$0x0];
	s2 =	stileid.u32  }
0x186: {  	s1 =	rddreg [dreg:$0x1];
	p0 =	sne.s32 s2, $0x0  }
0x187: {  	s3 =	rddreg [dreg:$0x2];
	[bflag:$0x3] =	sbarrier.arrive $0xFFFF;
	s2 =	simm.s32 @!p0 $0x1C04  }
0x188: {  	[timem:s3], [sflag:s2] =	dma.local @!p0 [hbm:s0], s1  }
0x189: {  	s0 =	simm.s32 @!p0 $0x4  }
0x18a: {  	_ =	swait.ge @!p0 [sflag:s0], s1  }
0x18b: {  	s1 =	ssub.s32 @!p0 $0x0, s1;
	[sflag:s0] =	ssyncset.done @!p0 $0x0  }
0x18c: {  	[sflag:s0] =	ssyncadd.s32 @!p0 s1  }
0x18d: {  	[bflag:$0x3] =	sbarrier.arrive $0xFFFF  }
0x18e: {  	_ =	shalt  }

// kernel: kernel.15.cloned.1.call-start
scs
__scs_entry_jumppad:
0x0: {  	(pc) =	sbr.rel $0x88, $3  }
0x1: {  	(tag) =	ssettag $0x0;
	lr =	simm.s32 $0x1  }
0x2: {  	[smem:$0x3F99] =	sst lr;
	_ =	strace $0xD0000000  }
0x3: {  	_ = 	snop  }
0x4: {  	_ = 	snop  }
0x5: {  	_ = 	snop  }
0x6: {  	_ = 	snop  }
0x7: {  	_ = 	snop  }
__scs_overlays_trampoline_lowered:
0x8: {  	[smem:$0x3FA8] =	sst s0  }
0x9: {  	[smem:$0x3FA9] =	sst s1  }
0xa: {  	[smem:$0x3FAA] =	sst s2  }
0xb: {  	[smem:$0x3FAB] =	sst s3  }
0xc: {  	[smem:$0x3FAC] =	sst s4  }
0xd: {  	[smem:$0x3FAD] =	sst s5  }
0xe: {  	[smem:$0x3FAE] =	sst s6  }
0xf: {  	[smem:$0x3FAF] =	sst s7  }
0x10: {  	[smem:$0x3FB0] =	sst s8  }
0x11: {  	[smem:$0x3FB1] =	sst s9;
	s0 =	simm.s32 @!p0 $0x0  }
0x12: {  	s1 =	sld [smem:$0x3F97];
	s0 =	simm.s32 @p0 $0x1  }
0x13: {  	[smem:$0x3FB2] =	sst s0;
	s0 =	simm.s32 @!p1 $0x0  }
0x14: {  	s2 =	sld [smem:$0x3F96];
	s0 =	simm.s32 @p1 $0x1  }
0x15: {  	[smem:$0x3FB3] =	sst s0;
	s0 =	simm.s32 @!p2 $0x0  }
0x16: {  	s3 =	sld [smem:$0x3FDB];
	s0 =	simm.s32 @p2 $0x1  }
0x17: {  	s4 =	simm.s32 $0x1BF5;
	[smem:$0x3FB5] =	sst s0  }
0x18: {  	s0 =	sld [smem:$0x3F98];
	_ =	swait.ge [sflag:s4], $0x0  }
0x19: {  	s7 =	sld [smem:$0x3F99]  }
0x1a: {  	s8 =	sadd.s32 $0xFFFFE003, lr  }
0x1b: {  	s9 =	sadd.s32 $0xFFFFFEF7, lr;
	s5 =	simm.s32 $0xFFFFFFFF;
	p2 =	slt.u32 s8, $0xFFFFF086  }
0x1c: {  	p1 =	slt.u32 s9, $0xF7A;
	s5 =	simm.s32 @!p2 $0x0  }
0x1d: {  	s5 =	simm.s32 @p1 $0x1;
	p0 =	seq.s32 s7, s2  }
0x1e: {  	s7 =	smul.u32 @!p0 $0xF7A, s2;
	p2 =	seq.s32 @!p0 s5, $0x0  }
0x1f: {  	s9 =	smul.u32 $0xF7A, s1;
	s8 =	simm.s32 @!p0 $0x1BF5;
	p2 =	por !p2, p0  }
0x20: {  	[sflag:s8] =	ssyncset.s32 @!p0 $0xFFFFF086;
	s6 =	sadd.s32 @!p0 s3, s7;
	s7 =	simm.s32 @!p0 $0x108  }
0x21: {  	s3 =	sadd.s32 s3, s9;
	s6 =	sadd.s32 @!p0 $0x88, s6;
	s7 =	simm.s32 @p2 $0x1082  }
0x22: {  	[simem:s7], [sflag:s8] =	dma.local @!p0 [hbm:s6], $0xF7A  }
0x23: {  	s9 =	sor.u32 $0xD0000000, s2;
	s6 =	simm.s32 $0x108;
	_ =	swait.ge @!p0 [sflag:s8], $0x0  }
0x24: {  	s3 =	sadd.s32 $0x88, s3;
	s6 =	simm.s32 @!p1 $0x1082;
	[sflag:s4] =	ssyncset.s32 $0xFFFFF086  }
0x25: {  	[simem:s6], [sflag:s4] =	dma.local [hbm:s3], $0xF7A  }
0x26: {  	[smem:$0x3F99] =	sst s1;
	(tag) =	ssettag s2;
	_ =	strace s9  }
0x27: {  	s1 =	sld [smem:$0x3FA9]  }
0x28: {  	s2 =	sld [smem:$0x3FAA]  }
0x29: {  	s4 =	sld [smem:$0x3FAC]  }
0x2a: {  	p0 =	seq.s32 s5, $0x0;
	s5 =	sld [smem:$0x3FAD]  }
0x2b: {  	s6 =	sld [smem:$0x3FAE]  }
0x2c: {  	s7 =	sld [smem:$0x3FAF]  }
0x2d: {  	s3 =	simm.s32 $0x108;
	s8 =	sld [smem:$0x3FB0]  }
0x2e: {  	s3 =	simm.s32 @!p0 $0x1082;
	s9 =	sld [smem:$0x3FB1]  }
0x2f: {  	lr =	sadd.s32 s0, s3;
	s0 =	sld [smem:$0x3FA8]  }
0x30: {  	s3 =	sld [smem:$0x3FAB]  }
0x31: {  	[smem:$0x3FB4] =	sst s10  }
0x32: {  	s10 =	sld [smem:$0x3FB2];
	_ =	sdelay $0x3  }
0x33: {  	p0 =	seq.s32 s10, $0x1;
	s10 =	sld [smem:$0x3FB4];
	_ =	sdelay $0x3  }
0x34: {  	[smem:$0x3FB4] =	sst s10  }
0x35: {  	s10 =	sld [smem:$0x3FB3];
	_ =	sdelay $0x3  }
0x36: {  	p1 =	seq.s32 s10, $0x1;
	s10 =	sld [smem:$0x3FB4];
	_ =	sdelay $0x3  }
0x37: {  	[smem:$0x3FB4] =	sst s10  }
0x38: {  	s10 =	sld [smem:$0x3FB5]  }
0x39: {  	_ = 	snop;
	(pc) =	sbr.ind lr, $3  }
0x3a: {  	_ = 	snop  }
0x3b: {  	_ = 	snop  }
0x3c: {  	p2 =	seq.s32 s10, $0x1;
	s10 =	sld [smem:$0x3FB4]  }
0x3d: {  	_ =	shalt  }
0x3e: {  	_ =	shalt  }
0x3f: {  	_ =	shalt  }
0x40: {  	_ =	shalt  }
0x41: {  	_ =	shalt  }
0x42: {  	_ =	shalt  }
0x43: {  	_ =	shalt  }
0x44: {  	_ =	shalt  }
0x45: {  	_ =	shalt  }
0x46: {  	_ =	shalt  }
0x47: {  	_ =	shalt  }
0x48: {  	_ =	shalt  }
0x49: {  	_ =	shalt  }
0x4a: {  	_ =	shalt  }
0x4b: {  	_ =	shalt  }
0x4c: {  	_ =	shalt  }
0x4d: {  	_ =	shalt  }
0x4e: {  	_ =	shalt  }
0x4f: {  	_ =	shalt  }
0x50: {  	_ =	shalt  }
0x51: {  	_ =	shalt  }
0x52: {  	_ =	shalt  }
0x53: {  	_ =	shalt  }
0x54: {  	_ =	shalt  }
0x55: {  	_ =	shalt  }
0x56: {  	_ =	shalt  }
0x57: {  	_ =	shalt  }
0x58: {  	_ =	shalt  }
0x59: {  	_ =	shalt  }
0x5a: {  	_ =	shalt  }
0x5b: {  	_ =	shalt  }
0x5c: {  	_ =	shalt  }
0x5d: {  	_ =	shalt  }
0x5e: {  	_ =	shalt  }
0x5f: {  	_ =	shalt  }
0x60: {  	_ =	shalt  }
0x61: {  	_ =	shalt  }
0x62: {  	_ =	shalt  }
0x63: {  	_ =	shalt  }
0x64: {  	_ =	shalt  }
0x65: {  	_ =	shalt  }
0x66: {  	_ =	shalt  }
0x67: {  	_ =	shalt  }
0x68: {  	_ =	shalt  }
0x69: {  	_ =	shalt  }
0x6a: {  	_ =	shalt  }
0x6b: {  	_ =	shalt  }
0x6c: {  	_ =	shalt  }
0x6d: {  	_ =	shalt  }
0x6e: {  	_ =	shalt  }
0x6f: {  	_ =	shalt  }
0x70: {  	_ =	shalt  }
0x71: {  	_ =	shalt  }
0x72: {  	_ =	shalt  }
0x73: {  	_ =	shalt  }
0x74: {  	_ =	shalt  }
0x75: {  	_ =	shalt  }
0x76: {  	_ =	shalt  }
0x77: {  	_ =	shalt  }
0x78: {  	_ =	shalt  }
0x79: {  	_ =	shalt  }
0x7a: {  	_ =	shalt  }
0x7b: {  	_ =	shalt  }
0x7c: {  	_ =	shalt  }
0x7d: {  	_ =	shalt  }
0x7e: {  	_ =	shalt  }
0x7f: {  	_ =	shalt  }
0x80: {  	_ =	shalt  }
0x81: {  	_ =	shalt  }
0x82: {  	_ =	shalt  }
0x83: {  	_ =	shalt  }
0x84: {  	_ =	shalt  }
0x85: {  	_ =	shalt  }
0x86: {  	_ =	shalt  }
0x87: {  	_ =	shalt  }
.Lfunc_end0:
.L_simem_size_0:
called_computation.2_lowered:
.L_overlay_start_0:
0x88: {  	s2 =	sld [smem:$0x3FD9]  }
0x89: {  	s3 =	sld [smem:$0x3FFE];
	_ =	sdelay $0x1  }
0x8a: {  	s1 =	srdreg.scid  }
0x8b: {  	s0 =	sand.u32 $0x1, s1  }
0x8c: {  	s17 =	sshll.u32 s0, $0xA;
	s2 =	sadd.s32 s3, s2  }
0x8d: {  	s2 =	sadd.s32 s2, s17  }
0x8e: {  	[smem:$0x3FC0] =	sst s2  }
0x8f: {  	_ = 	snop  }
0x90: {  	s2 =	sld [smem:$0x3FD0];
	(tm) =	ssettm $0x1  }
0x91: {  	s18 =	sld [smem:$0x3FFB];
	_ =	sdelay $0x3  }
0x92: {  	_ =	strace s18  }
0x93: {  	s3 =	sld [smem:$0x3FFC];
	_ =	sdelay $0x3  }
0x94: {  	_ =	strace s3  }
0x95: {  	s3 =	sld [smem:$0x3FFD];
	_ =	sdelay $0x3  }
0x96: {  	_ =	strace s3  }
0x97: {  	_ =	strace $0x8FFFFFFF  }
0x98: {  	s19 =	sld [smem:$0x3FDB];
	_ =	sdelay $0x1  }
0x99: {  	s4 =	simm.s32 $_scs_section_size  }
0x9a: {  	s5 =	simm.s32 $_size__tile_overlayer_lowered;
	s6 =	simm.s32 $_tile_overlayer_lowered  }
0x9b: {  	s22 =	simm.s32 $0x1BFF;
	s21 =	sshll.u32 s6, $0x1;
	s3 =	sadd.s32 s4, s19  }
0x9c: {  	s7 =	simm.s32 $0x0;
	s20 =	sshll.u32 s5, $0x1;
	s5 =	sadd.s32 s21, s3  }
0x9d: {  	[timem:s7], [sflag:s22] =	dma.local [hbm:s5], s20  }
0x9e: {  	_ =	swait.ge [sflag:s22], s20  }
0x9f: {  	s4 =	ssub.s32 $0x0, s20;
	[sflag:s22] =	ssyncset.done $0x0  }
0xa0: {  	[sflag:s22] =	ssyncadd.s32 s4;
	_ =	sdelay $0x1  }
0xa1: {  	s23 =	simm.s32 $0x1B8B  }
0xa2: {  	_ =	swait.ge [sflag:s23], $0x1  }
0xa3: {  	[sflag:s23] =	ssyncset.done $0x0  }
0xa4: {  	s25 =	simm.s32 $0x1B8E;
	s24 =	sld [smem:$0x3FFE];
	[sflag:s23] =	ssyncadd.s32 $0xFFFFFFFF  }
0xa5: {  	s26 =	simm.s32 $execute0_lowered;
	[smem:$0x3FD2] =	sst s25  }
0xa6: {  	s5 =	sshll.u32 s26, $0x1;
	_ =	strace $0x8000004C;
	[dreg:$0x1] =	wrdreg $0xFFFFFFFF  }
0xa7: {  	s28 =	simm.s32 $_size_execute0_lowered;
	s3 =	sadd.s32 s3, s5;
	[dreg:$0x0] =	wrdreg $0x0  }
0xa8: {  	s5 =	sshll.u32 s28, $0x1;
	[dreg:$0x2] =	wrdreg s3  }
0xa9: {  	[dreg:$0x3] =	wrdreg s5  }
0xaa: {  	[dreg:$0x4] =	wrdreg $0xC0  }
0xab: {  	_ =	task [dreg:s7], $0x5FFFF  }
0xac: {  	[dreg:$0x1] =	wrdreg $0xFFFFFFFF  }
0xad: {  	[dreg:$0x0] =	wrdreg $0x60  }
0xae: {  	[dreg:$0x2] =	wrdreg s2  }
0xaf: {  	[dreg:$0x3] =	wrdreg s24  }
0xb0: {  	[dreg:$0x4] =	wrdreg $0x90000  }
0xb1: {  	[dreg:$0x5] =	wrdreg $0x9  }
0xb2: {  	_ =	task.clear_ibuf [dreg:s7], $0x6FFFF;
	_ =	strace $0x9000004C  }
0xb3: {  	s29 =	simm.s32 $0x9;
	_ =	strace $0x8000004E  }
0xb4: {  	_ =	swait.ge [sflag:s29], $0x1  }
0xb5: {  	[sflag:s29] =	ssyncadd.s32 $0xFFFFFFFF  }
0xb6: {  	_ =	strace $0x9000004E  }
0xb7: {  	_ =	sfence  }
0xb8: {  	s30 =	sld [smem:$0x0];
	_ =	sdelay $0x2  }
0xb9: {  	s31 =	sshll.u32 s1, $0xD;
	s1 =	sshrl.u32 s1, $0x2  }
0xba: {  	s3 =	sand.u32 $0x4000, s31;
	s1 =	sadd.s32 s1, s30  }
0xbb: {  	s0 =	sor.u32 s3, s0;
	s1 =	sshll.u32 s1, $0x11  }
0xbc: {  	s0 =	sor.u32 s1, s0  }
0xbd: {  	s0 =	sadd.s32 $0x8F2B, s0  }
0xbe: {  	[sflag:s0] =	ssyncadd.remote.s32 $0x1  }
0xbf: {  	_ =	sfence.sel $0xFFFF  }
0xc0: {  	[dreg:$0x0] =	wrdreg $0xFFFFFFFF;
	(pc) =	sbr.abs _section_cstart, $3  }
0xc1: {  	[dreg:$0x1] =	wrdreg $0xFFFFFFFF  }
0xc2: {  	_ =	task.clear_ibuf [dreg:s7], $0x2FFFF;
	_ =	strace $0x9FFFFFFF  }
0xc3: {  	(tm) =	ssettm $0x7FFFFFFF  }
tec
execute0_lowered:
.L_overlay_start_1:
0x0: {  	(tag) =	ssettag $0x1  }
0x1: {  	s1 =	rddreg [dreg:$0x0]  }
0x2: {  	s0 =	rddreg [dreg:$0x1]  }
0x3: {  	s2 =	rddreg [dreg:$0x2];
	s3 =	simm.s32 $0x0;
	s4 =	srdreg.scid  }
0x4: {  	s16 =	stileid.u32;
	s17 =	simm.s32 $0x880;
	s18 =	simm.s32 $0x180  }
0x5: {  	s20 =	simm.s32 $0x900;
	s21 =	simm.s32 $0x200;
	s28 =	simm.s32 $0x3  }
0x6: {  	s29 =	simm.s32 $0xE00;
	s30 =	simm.s32 $0x700;
	s31 =	simm.s32 $0xE80  }
0x7: {  	[smem:$0x7FF] =	sst s3;
	s4 =	sand.u32 $0x1, s4;
	s5 =	sadd.s32 $0xC400, s0  }
0x8: {  	s8 =	smul.u32 $0x4E000, s16;
	s11 =	sadd.s32 $0x16400, s0;
	s12 =	sshll.u32 s16, $0x6  }
0x9: {  	s13 =	smul.u32 $0x13800, s16;
	_ =	strace $0x8000004D;
	[dreg:$0x1a] =	wrdreg s11  }
0xa: {  	s15 =	sadd.s32 $0x138000, s2;
	s22 =	smul.u32 $0x500, s16;
	[dreg:$0x6] =	wrdreg s17  }
0xb: {  	p0 =	sne.s32 s16, $0xF;
	s6 =	sshll.u32 s4, $0x4;
	[dreg:$0x7] =	wrdreg s18  }
0xc: {  	s9 =	ssub.s32 $0x2, s4;
	s24 =	smul.u32 $0x138800, s4;
	[dreg:$0x8] =	wrdreg s20  }
0xd: {  	s4 =	smul.u32 $0x5000, s4;
	[dreg:$0x9] =	wrdreg s21;
	s11 =	simm.s32 $0xA80  }
0xe: {  	s17 =	simm.s32 $0xB00;
	s18 =	simm.s32 $0xB80;
	s20 =	simm.s32 $0x500  }
0xf: {  	s21 =	simm.s32 $0xC80;
	s7 =	sor.u32 s16, s6;
	[dreg:$0xe] =	wrdreg s11  }
0x10: {  	s6 =	sadd.s32 $0x2400, s0;
	s23 =	sshrl.u32 s9, $0x1;
	[dreg:$0x10] =	wrdreg s17  }
0x11: {  	s0 =	sadd.s32 $0x18C00, s0;
	s8 =	sshrl.u32 s8, $0x2;
	[dreg:$0x11] =	wrdreg s18  }
0x12: {  	s17 =	simm.s32 $0x4;
	s18 =	sshrl.u32 @!p0 s15, $0x3;
	[dreg:$0x13] =	wrdreg s20  }
0x13: {  	[dreg:$0x14] =	wrdreg s21;
	s10 =	smul.u32 $0xA, s7;
	s9 =	ssub.s32 s9, s23  }
0x14: {  	s14 =	sadd.s32 s8, s2;
	s8 =	sor.u32 $0x1C04, s12;
	s26 =	sadd.s32 s13, s24  }
0x15: {  	s12 =	sshrl.u32 s24, $0x3;
	s13 =	simm.s32 $0x100;
	s23 =	simm.s32 $0x980  }
0x16: {  	s24 =	sadd.s32 s4, s5;
	s4 =	sadd.s32 s4, s6;
	[dreg:$0x5] =	wrdreg s13  }
0x17: {  	s19 =	smax.u32 s9, $0x1;
	[dreg:$0xa] =	wrdreg s23;
	s9 =	sadd.s32 s22, s24  }
0x18: {  	s4 =	sadd.s32 s22, s4;
	s22 =	simm.s32 $0x580;
	[dreg:$0x1f] =	wrdreg s19  }
0x19: {  	s7 =	smul.u32 $0x500, s7;
	s23 =	simm.s32 $0xD00;
	[dreg:$0x15] =	wrdreg s22  }
0x1a: {  	s20 =	simm.s32 $0x80;
	s24 =	simm.s32 $0x600;
	[dreg:$0x16] =	wrdreg s23  }
0x1b: {  	s21 =	simm.s32 $0x1000;
	s25 =	sadd.s32 s5, s7;
	[dreg:$0x17] =	wrdreg s24  }
0x1c: {  	s16 =	sshrl.u32 s14, $0x3;
	s7 =	sadd.s32 s6, s7;
	[dreg:$0x1b] =	wrdreg s25  }
0x1d: {  	s10 =	sadd.s32 $0x2, s10;
	s9 =	sadd.s32 $0x80, s9;
	[dreg:$0x1c] =	wrdreg s7  }
0x1e: {  	s13 =	sadd.s32 $0x80, s4;
	s19 =	simm.s32 $0x480;
	[dreg:$0x4] =	wrdreg s10  }
0x1f: {  	s22 =	simm.s32 $0x400;
	s23 =	simm.s32 $0xC00;
	[smem:$0x7FD] =	sst s9  }
0x20: {  	s24 =	simm.s32 $0x5000;
	s25 =	simm.s32 $0x280;
	[dreg:$0x12] =	wrdreg s19  }
0x21: {  	s10 =	sshrl.u32 s26, $0x3;
	s26 =	simm.s32 $0xA00;
	[dreg:$0xb] =	wrdreg s25  }
0x22: {  	s4 =	simm.s32 $0xF00;
	s7 =	sadd.s32 s0, s10;
	[dreg:$0xc] =	wrdreg s26  }
0x23: {  	s19 =	simm.s32 $0x800;
	s10 =	simm.s32 $0x300;
	[dreg:$0x1d] =	wrdreg s7  }
0x24: {  	s0 =	sadd.s32 s0, s12;
	s12 =	simm.s32 $0x380;
	[dreg:$0xd] =	wrdreg s10  }
0x25: {  	s9 =	simm.s32 $0xF80;
	s25 =	simm.s32 $0xD80;
	[dreg:$0xf] =	wrdreg s12  }
0x26: {  	s26 =	simm.s32 $0x680;
	s0 =	sadd.s32 $0x27000, s0;
	[dreg:$0x18] =	wrdreg s25  }
0x27: {  	[dreg:$0x19] =	wrdreg s26;
	s25 =	simm.s32 $0x1;
	s26 =	simm.s32 $0x2  }
0x28: {  	s10 =	simm.s32 $0x0;
	[dreg:$0x1e] =	wrdreg s0;
	s0 =	simm.s32 $0x780  }
.LBB2_1:
0x29: {  	s7 =	rddreg [dreg:$0x1a]  }
0x2a: {  	[spmem:s16], [sflag:s8] =	dma.local [hbm:s7], $0x2700  }
0x2b: {  	_ =	swait.ge [sflag:s17], $0x2700  }
0x2c: {  	[sflag:s17] =	ssyncset.done $0x0  }
0x2d: {  	[sflag:s17] =	ssyncadd.s32 $0xFFFFD900  }
0x2e: {  	[spmem:s18], [sflag:s8] =	dma.local @!p0 [hbm:s7], $0x900  }
0x2f: {  	s7 =	simm.s32 @!p0 $0x4  }
0x30: {  	_ =	swait.ge @!p0 [sflag:s7], $0x900  }
0x31: {  	[sflag:s7] =	ssyncset.done @!p0 $0x0  }
0x32: {  	s14 =	rddreg [dreg:$0x1b];
	[sflag:s7] =	ssyncadd.s32 @!p0 $0xFFFFF700  }
0x33: {  	[tilespmem:s3], [sflag:$0x4] =	stream.linear.gather [hbm4b:s14+s3], $0x400, $0x38;
	[tilespmem:$0x1CC80] =	vst v63  }
0x34: {  	_ =	swait.ge [sflag:s17], $0x400  }
0x35: {  	[sflag:s17] =	ssyncset.done $0x0  }
0x36: {  	s15 =	rddreg [dreg:$0x1c];
	[sflag:s17] =	ssyncadd.s32 $0xFFFFFC00  }
0x37: {  	[tilespmem:s19], [sflag:$0x4] =	stream.linear.gather [hbm4b:s15+s3], $0x400, $0x38;
	[tilespmem:$0x1CC80] =	vst v63  }
0x38: {  	_ =	swait.ge [sflag:s17], $0x400  }
0x39: {  	[sflag:s17] =	ssyncset.done $0x0  }
0x3a: {  	[sflag:s17] =	ssyncadd.s32 $0xFFFFFC00  }
0x3b: {  	[bflag:$0x0] =	sbarrier.arrive $0xFFFF  }
0x3c: {  	s14 =	sld [smem:$0x7FD]  }
0x3d: {  	[tilespmem:s21], [sflag:$0x1] =	stream.indirect.gather [hbm4b:s1+s20], $0x80, s3, s20, $0xb8;
	[tilespmem:$0x1CC80] =	vst v63  }
0x3e: {  	_ = 	snop  }
0x3f: {  	[tilespmem:s22], [sflag:$0x3] =	stream.linear.gather [hbm4b:s14+s3], $0x400, $0x38;
	[tilespmem:$0x1CC80] =	vst v63  }
0x40: {  	_ = 	snop  }
0x41: {  	[tilespmem:s23], [sflag:$0x3] =	stream.linear.gather [hbm4b:s13+s3], $0x400, $0x38;
	[tilespmem:$0x1CC80] =	vst v63  }
0x42: {  	_ = 	snop  }
0x43: {  	[tilespmem:s24], [sflag:$0x2] =	stream.indirect.gather [hbm4b:s1+s20], $0x80, s20, s20, $0xb8;
	[tilespmem:$0x1CC80] =	vst v63  }
0x44: {  	_ =	swait.ge [sflag:s25], $0x4000  }
0x45: {  	[sflag:s25] =	ssyncset.done $0x0  }
0x46: {  	[sflag:s25] =	ssyncadd.s32 $0xFFFFC000  }
0x47: {  	[spmem:s2] =	stream.indirect.scatter.add.f32 [tilespmem:s21], [sflag:$0x4], $0x80, s19, s20, $0xb8;
	[tilespmem:$0x1CC80] =	vst v63  }
0x48: {  	_ =	swait.ge [sflag:s17], $0x4000  }
0x49: {  	[sflag:s17] =	ssyncset.done $0x0  }
0x4a: {  	s11 =	rddreg [dreg:$0x5];
	[sflag:s17] =	ssyncadd.s32 $0xFFFFC000  }
0x4b: {  	[tilespmem:s21], [sflag:$0x1] =	stream.indirect.gather [hbm4b:s1+s20], $0x80, s11, s20, $0xb8;
	[tilespmem:$0x1CC80] =	vst v63  }
0x4c: {  	_ =	swait.ge [sflag:s26], $0x4000  }
0x4d: {  	[sflag:s26] =	ssyncset.done $0x0  }
0x4e: {  	s12 =	rddreg [dreg:$0x6];
	[sflag:s26] =	ssyncadd.s32 $0xFFFFC000  }
0x4f: {  	[spmem:s2] =	stream.indirect.scatter.add.f32 [tilespmem:s24], [sflag:$0x4], $0x80, s12, s20, $0xb8;
	[tilespmem:$0x1CC80] =	vst v63  }
0x50: {  	_ =	swait.ge [sflag:s17], $0x4000  }
0x51: {  	[sflag:s17] =	ssyncset.done $0x0  }
0x52: {  	s15 =	rddreg [dreg:$0x7];
	[sflag:s17] =	ssyncadd.s32 $0xFFFFC000  }
0x53: {  	[tilespmem:s24], [sflag:$0x2] =	stream.indirect.gather [hbm4b:s1+s20], $0x80, s15, s20, $0xb8;
	[tilespmem:$0x1CC80] =	vst v63  }
0x54: {  	_ =	swait.ge [sflag:s25], $0x4000  }
0x55: {  	[sflag:s25] =	ssyncset.done $0x0  }
0x56: {  	s11 =	rddreg [dreg:$0x8];
	[sflag:s25] =	ssyncadd.s32 $0xFFFFC000  }
0x57: {  	[spmem:s2] =	stream.indirect.scatter.add.f32 [tilespmem:s21], [sflag:$0x4], $0x80, s11, s20, $0xb8;
	[tilespmem:$0x1CC80] =	vst v63  }
0x58: {  	_ =	swait.ge [sflag:s17], $0x4000  }
0x59: {  	[sflag:s17] =	ssyncset.done $0x0  }
0x5a: {  	s12 =	rddreg [dreg:$0x9];
	[sflag:s17] =	ssyncadd.s32 $0xFFFFC000  }
0x5b: {  	[tilespmem:s21], [sflag:$0x1] =	stream.indirect.gather [hbm4b:s1+s20], $0x80, s12, s20, $0xb8;
	[tilespmem:$0x1CC80] =	vst v63  }
0x5c: {  	_ =	swait.ge [sflag:s26], $0x4000  }
0x5d: {  	[sflag:s26] =	ssyncset.done $0x0  }
0x5e: {  	s15 =	rddreg [dreg:$0xa];
	[sflag:s26] =	ssyncadd.s32 $0xFFFFC000  }
0x5f: {  	[spmem:s2] =	stream.indirect.scatter.add.f32 [tilespmem:s24], [sflag:$0x4], $0x80, s15, s20, $0xb8;
	[tilespmem:$0x1CC80] =	vst v63  }
0x60: {  	_ =	swait.ge [sflag:s17], $0x4000  }
0x61: {  	[sflag:s17] =	ssyncset.done $0x0  }
0x62: {  	s11 =	rddreg [dreg:$0xb];
	[sflag:s17] =	ssyncadd.s32 $0xFFFFC000  }
0x63: {  	[tilespmem:s24], [sflag:$0x2] =	stream.indirect.gather [hbm4b:s1+s20], $0x80, s11, s20, $0xb8;
	[tilespmem:$0x1CC80] =	vst v63  }
0x64: {  	_ =	swait.ge [sflag:s25], $0x4000  }
0x65: {  	[sflag:s25] =	ssyncset.done $0x0  }
0x66: {  	s12 =	rddreg [dreg:$0xc];
	[sflag:s25] =	ssyncadd.s32 $0xFFFFC000  }
0x67: {  	[spmem:s2] =	stream.indirect.scatter.add.f32 [tilespmem:s21], [sflag:$0x4], $0x80, s12, s20, $0xb8;
	[tilespmem:$0x1CC80] =	vst v63  }
0x68: {  	_ =	swait.ge [sflag:s17], $0x4000  }
0x69: {  	[sflag:s17] =	ssyncset.done $0x0  }
0x6a: {  	s15 =	rddreg [dreg:$0xd];
	[sflag:s17] =	ssyncadd.s32 $0xFFFFC000  }
0x6b: {  	[tilespmem:s21], [sflag:$0x1] =	stream.indirect.gather [hbm4b:s1+s20], $0x80, s15, s20, $0xb8;
	[tilespmem:$0x1CC80] =	vst v63  }
0x6c: {  	_ =	swait.ge [sflag:s26], $0x4000  }
0x6d: {  	[sflag:s26] =	ssyncset.done $0x0  }
0x6e: {  	s11 =	rddreg [dreg:$0xe];
	[sflag:s26] =	ssyncadd.s32 $0xFFFFC000  }
0x6f: {  	[spmem:s2] =	stream.indirect.scatter.add.f32 [tilespmem:s24], [sflag:$0x4], $0x80, s11, s20, $0xb8;
	[tilespmem:$0x1CC80] =	vst v63  }
0x70: {  	_ =	swait.ge [sflag:s17], $0x4000  }
0x71: {  	[sflag:s17] =	ssyncset.done $0x0  }
0x72: {  	s12 =	rddreg [dreg:$0xf];
	[sflag:s17] =	ssyncadd.s32 $0xFFFFC000  }
0x73: {  	[tilespmem:s24], [sflag:$0x2] =	stream.indirect.gather [hbm4b:s1+s20], $0x80, s12, s20, $0xb8;
	[tilespmem:$0x1CC80] =	vst v63  }
0x74: {  	_ =	swait.ge [sflag:s25], $0x4000  }
0x75: {  	[sflag:s25] =	ssyncset.done $0x0  }
0x76: {  	s15 =	rddreg [dreg:$0x10];
	[sflag:s25] =	ssyncadd.s32 $0xFFFFC000  }
0x77: {  	[spmem:s2] =	stream.indirect.scatter.add.f32 [tilespmem:s21], [sflag:$0x4], $0x80, s15, s20, $0xb8;
	[tilespmem:$0x1CC80] =	vst v63  }
0x78: {  	_ =	swait.ge [sflag:s17], $0x4000  }
0x79: {  	[sflag:s17] =	ssyncset.done $0x0  }
0x7a: {  	[sflag:s17] =	ssyncadd.s32 $0xFFFFC000  }
0x7b: {  	_ =	swait.ge [sflag:s28], $0x400  }
0x7c: {  	[sflag:s28] =	ssyncset.done $0x0  }
0x7d: {  	[sflag:s28] =	ssyncadd.s32 $0xFFFFFC00  }
0x7e: {  	_ =	swait.ge [sflag:s28], $0x400  }
0x7f: {  	[sflag:s28] =	ssyncset.done $0x0  }
0x80: {  	[sflag:s28] =	ssyncadd.s32 $0xFFFFFC00  }
0x81: {  	[tilespmem:s21], [sflag:$0x1] =	stream.indirect.gather [hbm4b:s1+s20], $0x80, s22, s20, $0xb8;
	[tilespmem:$0x1CC80] =	vst v63  }
0x82: {  	_ =	swait.ge [sflag:s26], $0x4000  }
0x83: {  	[sflag:s26] =	ssyncset.done $0x0  }
0x84: {  	s11 =	rddreg [dreg:$0x11];
	[sflag:s26] =	ssyncadd.s32 $0xFFFFC000  }
0x85: {  	[spmem:s2] =	stream.indirect.scatter.add.f32 [tilespmem:s24], [sflag:$0x4], $0x80, s11, s20, $0xb8;
	[tilespmem:$0x1CC80] =	vst v63  }
0x86: {  	_ =	swait.ge [sflag:s17], $0x4000  }
0x87: {  	s11 =	smin.u32 s3, $0x7;
	s12 =	rddreg [dreg:$0x4]  }
0x88: {  	s7 =	sadd.s32 s11, s12  }
0x89: {  	[sflag:s17] =	ssyncset.done $0x0;
	s7 =	sshll.u32 s7, $0x7  }
0x8a: {  	[sflag:s17] =	ssyncadd.s32 $0xFFFFC000;
	s15 =	sadd.s32 s5, s7  }
0x8b: {  	[tilespmem:s3], [sflag:$0x3] =	stream.linear.gather [hbm4b:s15+s3], $0x400, $0x38;
	[tilespmem:$0x1CC80] =	vst v63  }
0x8c: {  	s7 =	sadd.s32 s6, s7  }
0x8d: {  	[tilespmem:s19], [sflag:$0x3] =	stream.linear.gather [hbm4b:s7+s3], $0x400, $0x38;
	[tilespmem:$0x1CC80] =	vst v63  }
0x8e: {  	s12 =	rddreg [dreg:$0x12]  }
0x8f: {  	[tilespmem:s24], [sflag:$0x2] =	stream.indirect.gather [hbm4b:s1+s20], $0x80, s12, s20, $0xb8;
	[tilespmem:$0x1CC80] =	vst v63  }
0x90: {  	_ =	swait.ge [sflag:s25], $0x4000  }
0x91: {  	[sflag:s25] =	ssyncset.done $0x0  }
0x92: {  	[sflag:s25] =	ssyncadd.s32 $0xFFFFC000  }
0x93: {  	[spmem:s2] =	stream.indirect.scatter.add.f32 [tilespmem:s21], [sflag:$0x4], $0x80, s23, s20, $0xb8;
	[tilespmem:$0x1CC80] =	vst v63  }
0x94: {  	_ =	swait.ge [sflag:s17], $0x4000  }
0x95: {  	[sflag:s17] =	ssyncset.done $0x0  }
0x96: {  	s15 =	rddreg [dreg:$0x13];
	[sflag:s17] =	ssyncadd.s32 $0xFFFFC000  }
0x97: {  	[tilespmem:s21], [sflag:$0x1] =	stream.indirect.gather [hbm4b:s1+s20], $0x80, s15, s20, $0xb8;
	[tilespmem:$0x1CC80] =	vst v63  }
0x98: {  	_ =	swait.ge [sflag:s26], $0x4000  }
0x99: {  	[sflag:s26] =	ssyncset.done $0x0  }
0x9a: {  	s11 =	rddreg [dreg:$0x14];
	[sflag:s26] =	ssyncadd.s32 $0xFFFFC000  }
0x9b: {  	[spmem:s2] =	stream.indirect.scatter.add.f32 [tilespmem:s24], [sflag:$0x4], $0x80, s11, s20, $0xb8;
	[tilespmem:$0x1CC80] =	vst v63  }
0x9c: {  	_ =	swait.ge [sflag:s17], $0x4000  }
0x9d: {  	[sflag:s17] =	ssyncset.done $0x0  }
0x9e: {  	s12 =	rddreg [dreg:$0x15];
	[sflag:s17] =	ssyncadd.s32 $0xFFFFC000  }
0x9f: {  	[tilespmem:s24], [sflag:$0x2] =	stream.indirect.gather [hbm4b:s1+s20], $0x80, s12, s20, $0xb8;
	[tilespmem:$0x1CC80] =	vst v63  }
0xa0: {  	_ =	swait.ge [sflag:s25], $0x4000  }
0xa1: {  	[sflag:s25] =	ssyncset.done $0x0  }
0xa2: {  	s15 =	rddreg [dreg:$0x16];
	[sflag:s25] =	ssyncadd.s32 $0xFFFFC000  }
0xa3: {  	[spmem:s2] =	stream.indirect.scatter.add.f32 [tilespmem:s21], [sflag:$0x4], $0x80, s15, s20, $0xb8;
	[tilespmem:$0x1CC80] =	vst v63  }
0xa4: {  	_ =	swait.ge [sflag:s17], $0x4000  }
0xa5: {  	[sflag:s17] =	ssyncset.done $0x0  }
0xa6: {  	s11 =	rddreg [dreg:$0x17];
	[sflag:s17] =	ssyncadd.s32 $0xFFFFC000  }
0xa7: {  	[tilespmem:s21], [sflag:$0x1] =	stream.indirect.gather [hbm4b:s1+s20], $0x80, s11, s20, $0xb8;
	[tilespmem:$0x1CC80] =	vst v63  }
0xa8: {  	_ =	swait.ge [sflag:s26], $0x4000  }
0xa9: {  	[sflag:s26] =	ssyncset.done $0x0  }
0xaa: {  	s12 =	rddreg [dreg:$0x18];
	[sflag:s26] =	ssyncadd.s32 $0xFFFFC000  }
0xab: {  	[spmem:s2] =	stream.indirect.scatter.add.f32 [tilespmem:s24], [sflag:$0x4], $0x80, s12, s20, $0xb8;
	[tilespmem:$0x1CC80] =	vst v63  }
0xac: {  	_ =	swait.ge [sflag:s17], $0x4000  }
0xad: {  	[sflag:s17] =	ssyncset.done $0x0  }
0xae: {  	s15 =	rddreg [dreg:$0x19];
	[sflag:s17] =	ssyncadd.s32 $0xFFFFC000  }
0xaf: {  	[tilespmem:s24], [sflag:$0x2] =	stream.indirect.gather [hbm4b:s1+s20], $0x80, s15, s20, $0xb8;
	[tilespmem:$0x1CC80] =	vst v63  }
0xb0: {  	_ =	swait.ge [sflag:s25], $0x4000  }
0xb1: {  	[sflag:s25] =	ssyncset.done $0x0  }
0xb2: {  	[sflag:s25] =	ssyncadd.s32 $0xFFFFC000  }
0xb3: {  	[spmem:s2] =	stream.indirect.scatter.add.f32 [tilespmem:s21], [sflag:$0x4], $0x80, s29, s20, $0xb8;
	[tilespmem:$0x1CC80] =	vst v63  }
0xb4: {  	_ =	swait.ge [sflag:s17], $0x4000  }
0xb5: {  	[sflag:s17] =	ssyncset.done $0x0  }
0xb6: {  	[sflag:s17] =	ssyncadd.s32 $0xFFFFC000  }
0xb7: {  	[tilespmem:s21], [sflag:$0x1] =	stream.indirect.gather [hbm4b:s1+s20], $0x80, s30, s20, $0xb8;
	[tilespmem:$0x1CC80] =	vst v63  }
0xb8: {  	_ =	swait.ge [sflag:s26], $0x4000  }
0xb9: {  	[sflag:s26] =	ssyncset.done $0x0  }
0xba: {  	[sflag:s26] =	ssyncadd.s32 $0xFFFFC000  }
0xbb: {  	[spmem:s2] =	stream.indirect.scatter.add.f32 [tilespmem:s24], [sflag:$0x4], $0x80, s31, s20, $0xb8;
	[tilespmem:$0x1CC80] =	vst v63  }
0xbc: {  	_ =	swait.ge [sflag:s17], $0x4000  }
0xbd: {  	[sflag:s17] =	ssyncset.done $0x0  }
0xbe: {  	[sflag:s17] =	ssyncadd.s32 $0xFFFFC000  }
0xbf: {  	[tilespmem:s24], [sflag:$0x2] =	stream.indirect.gather [hbm4b:s1+s20], $0x80, s0, s20, $0xb8;
	[tilespmem:$0x1CC80] =	vst v63  }
0xc0: {  	_ =	swait.ge [sflag:s25], $0x4000  }
0xc1: {  	[sflag:s25] =	ssyncset.done $0x0  }
0xc2: {  	[sflag:s25] =	ssyncadd.s32 $0xFFFFC000  }
0xc3: {  	[spmem:s2] =	stream.indirect.scatter.add.f32 [tilespmem:s21], [sflag:$0x4], $0x80, s4, s20, $0xb8;
	[tilespmem:$0x1CC80] =	vst v63  }
0xc4: {  	_ =	swait.ge [sflag:s17], $0x4000  }
0xc5: {  	[sflag:s17] =	ssyncset.done $0x0  }
0xc6: {  	[sflag:s17] =	ssyncadd.s32 $0xFFFFC000  }
0xc7: {  	_ =	swait.ge [sflag:s28], $0x400  }
0xc8: {  	[sflag:s28] =	ssyncset.done $0x0  }
0xc9: {  	[sflag:s28] =	ssyncadd.s32 $0xFFFFFC00  }
0xca: {  	_ =	swait.ge [sflag:s28], $0x400  }
0xcb: {  	[sflag:s28] =	ssyncset.done $0x0  }
0xcc: {  	[sflag:s28] =	ssyncadd.s32 $0xFFFFFC00  }
0xcd: {  	[tilespmem:s21], [sflag:$0x1] =	stream.indirect.gather [hbm4b:s1+s20], $0x80, s3, s20, $0xb8;
	[tilespmem:$0x1CC80] =	vst v63  }
0xce: {  	_ =	swait.ge [sflag:s26], $0x4000  }
0xcf: {  	[sflag:s26] =	ssyncset.done $0x0  }
0xd0: {  	[sflag:s26] =	ssyncadd.s32 $0xFFFFC000  }
0xd1: {  	[spmem:s2] =	stream.indirect.scatter.add.f32 [tilespmem:s24], [sflag:$0x4], $0x80, s9, s20, $0xb8;
	[tilespmem:$0x1CC80] =	vst v63  }
0xd2: {  	_ =	swait.ge [sflag:s17], $0x4000  }
0xd3: {  	s11 =	simm.s32 $0x2;
	s15 =	smov.u32 s13;
	[sflag:s17] =	ssyncset.done $0x0  }
.LBB2_2:
0xd4: {  	[sflag:s17] =	ssyncadd.s32 $0xFFFFC000;
	s14 =	sadd.s32 $0x100, s14  }
0xd5: {  	[tilespmem:s22], [sflag:$0x3] =	stream.linear.gather [hbm4b:s14+s3], $0x400, $0x38;
	[tilespmem:$0x1CC80] =	vst v63  }
0xd6: {  	s15 =	sadd.s32 $0x100, s15  }
0xd7: {  	[tilespmem:s23], [sflag:$0x3] =	stream.linear.gather [hbm4b:s15+s3], $0x400, $0x38;
	[tilespmem:$0x1CC80] =	vst v63  }
0xd8: {  	_ = 	snop  }
0xd9: {  	[tilespmem:s24], [sflag:$0x2] =	stream.indirect.gather [hbm4b:s1+s20], $0x80, s20, s20, $0xb8;
	[tilespmem:$0x1CC80] =	vst v63  }
0xda: {  	_ =	swait.ge [sflag:s25], $0x4000  }
0xdb: {  	[sflag:s25] =	ssyncset.done $0x0  }
0xdc: {  	[sflag:s25] =	ssyncadd.s32 $0xFFFFC000  }
0xdd: {  	[spmem:s2] =	stream.indirect.scatter.add.f32 [tilespmem:s21], [sflag:$0x4], $0x80, s19, s20, $0xb8;
	[tilespmem:$0x1CC80] =	vst v63  }
0xde: {  	_ =	swait.ge [sflag:s17], $0x4000  }
0xdf: {  	[sflag:s17] =	ssyncset.done $0x0  }
0xe0: {  	s12 =	rddreg [dreg:$0x5];
	[sflag:s17] =	ssyncadd.s32 $0xFFFFC000  }
0xe1: {  	[tilespmem:s21], [sflag:$0x1] =	stream.indirect.gather [hbm4b:s1+s20], $0x80, s12, s20, $0xb8;
	[tilespmem:$0x1CC80] =	vst v63  }
0xe2: {  	_ =	swait.ge [sflag:s26], $0x4000  }
0xe3: {  	[sflag:s26] =	ssyncset.done $0x0  }
0xe4: {  	s12 =	rddreg [dreg:$0x6];
	[sflag:s26] =	ssyncadd.s32 $0xFFFFC000  }
0xe5: {  	[spmem:s2] =	stream.indirect.scatter.add.f32 [tilespmem:s24], [sflag:$0x4], $0x80, s12, s20, $0xb8;
	[tilespmem:$0x1CC80] =	vst v63  }
0xe6: {  	_ =	swait.ge [sflag:s17], $0x4000  }
0xe7: {  	[sflag:s17] =	ssyncset.done $0x0  }
0xe8: {  	s12 =	rddreg [dreg:$0x7];
	[sflag:s17] =	ssyncadd.s32 $0xFFFFC000  }
0xe9: {  	[tilespmem:s24], [sflag:$0x2] =	stream.indirect.gather [hbm4b:s1+s20], $0x80, s12, s20, $0xb8;
	[tilespmem:$0x1CC80] =	vst v63  }
0xea: {  	_ =	swait.ge [sflag:s25], $0x4000  }
0xeb: {  	[sflag:s25] =	ssyncset.done $0x0  }
0xec: {  	s12 =	rddreg [dreg:$0x8];
	[sflag:s25] =	ssyncadd.s32 $0xFFFFC000  }
0xed: {  	[spmem:s2] =	stream.indirect.scatter.add.f32 [tilespmem:s21], [sflag:$0x4], $0x80, s12, s20, $0xb8;
	[tilespmem:$0x1CC80] =	vst v63  }
0xee: {  	_ =	swait.ge [sflag:s17], $0x4000  }
0xef: {  	[sflag:s17] =	ssyncset.done $0x0  }
0xf0: {  	s12 =	rddreg [dreg:$0x9];
	[sflag:s17] =	ssyncadd.s32 $0xFFFFC000  }
0xf1: {  	[tilespmem:s21], [sflag:$0x1] =	stream.indirect.gather [hbm4b:s1+s20], $0x80, s12, s20, $0xb8;
	[tilespmem:$0x1CC80] =	vst v63  }
0xf2: {  	_ =	swait.ge [sflag:s26], $0x4000  }
0xf3: {  	[sflag:s26] =	ssyncset.done $0x0  }
0xf4: {  	s12 =	rddreg [dreg:$0xa];
	[sflag:s26] =	ssyncadd.s32 $0xFFFFC000  }
0xf5: {  	[spmem:s2] =	stream.indirect.scatter.add.f32 [tilespmem:s24], [sflag:$0x4], $0x80, s12, s20, $0xb8;
	[tilespmem:$0x1CC80] =	vst v63  }
0xf6: {  	_ =	swait.ge [sflag:s17], $0x4000  }
0xf7: {  	[sflag:s17] =	ssyncset.done $0x0  }
0xf8: {  	s12 =	rddreg [dreg:$0xb];
	[sflag:s17] =	ssyncadd.s32 $0xFFFFC000  }
0xf9: {  	[tilespmem:s24], [sflag:$0x2] =	stream.indirect.gather [hbm4b:s1+s20], $0x80, s12, s20, $0xb8;
	[tilespmem:$0x1CC80] =	vst v63  }
0xfa: {  	_ =	swait.ge [sflag:s25], $0x4000  }
0xfb: {  	[sflag:s25] =	ssyncset.done $0x0  }
0xfc: {  	s12 =	rddreg [dreg:$0xc];
	[sflag:s25] =	ssyncadd.s32 $0xFFFFC000  }
0xfd: {  	[spmem:s2] =	stream.indirect.scatter.add.f32 [tilespmem:s21], [sflag:$0x4], $0x80, s12, s20, $0xb8;
	[tilespmem:$0x1CC80] =	vst v63  }
0xfe: {  	_ =	swait.ge [sflag:s17], $0x4000  }
0xff: {  	[sflag:s17] =	ssyncset.done $0x0  }
0x100: {  	s12 =	rddreg [dreg:$0xd];
	[sflag:s17] =	ssyncadd.s32 $0xFFFFC000  }
0x101: {  	[tilespmem:s21], [sflag:$0x1] =	stream.indirect.gather [hbm4b:s1+s20], $0x80, s12, s20, $0xb8;
	[tilespmem:$0x1CC80] =	vst v63  }
0x102: {  	_ =	swait.ge [sflag:s26], $0x4000  }
0x103: {  	[sflag:s26] =	ssyncset.done $0x0  }
0x104: {  	s12 =	rddreg [dreg:$0xe];
	[sflag:s26] =	ssyncadd.s32 $0xFFFFC000  }
0x105: {  	[spmem:s2] =	stream.indirect.scatter.add.f32 [tilespmem:s24], [sflag:$0x4], $0x80, s12, s20, $0xb8;
	[tilespmem:$0x1CC80] =	vst v63  }
0x106: {  	_ =	swait.ge [sflag:s17], $0x4000  }
0x107: {  	[sflag:s17] =	ssyncset.done $0x0  }
0x108: {  	s12 =	rddreg [dreg:$0xf];
	[sflag:s17] =	ssyncadd.s32 $0xFFFFC000  }
0x109: {  	[tilespmem:s24], [sflag:$0x2] =	stream.indirect.gather [hbm4b:s1+s20], $0x80, s12, s20, $0xb8;
	[tilespmem:$0x1CC80] =	vst v63  }
0x10a: {  	_ =	swait.ge [sflag:s25], $0x4000  }
0x10b: {  	[sflag:s25] =	ssyncset.done $0x0  }
0x10c: {  	s12 =	rddreg [dreg:$0x10];
	[sflag:s25] =	ssyncadd.s32 $0xFFFFC000  }
0x10d: {  	[spmem:s2] =	stream.indirect.scatter.add.f32 [tilespmem:s21], [sflag:$0x4], $0x80, s12, s20, $0xb8;
	[tilespmem:$0x1CC80] =	vst v63  }
0x10e: {  	_ =	swait.ge [sflag:s17], $0x4000  }
0x10f: {  	[sflag:s17] =	ssyncset.done $0x0  }
0x110: {  	[sflag:s17] =	ssyncadd.s32 $0xFFFFC000  }
0x111: {  	_ =	swait.ge [sflag:s28], $0x400  }
0x112: {  	[sflag:s28] =	ssyncset.done $0x0  }
0x113: {  	[sflag:s28] =	ssyncadd.s32 $0xFFFFFC00  }
0x114: {  	_ =	swait.ge [sflag:s28], $0x400  }
0x115: {  	[sflag:s28] =	ssyncset.done $0x0  }
0x116: {  	[sflag:s28] =	ssyncadd.s32 $0xFFFFFC00  }
0x117: {  	[tilespmem:s21], [sflag:$0x1] =	stream.indirect.gather [hbm4b:s1+s20], $0x80, s22, s20, $0xb8;
	[tilespmem:$0x1CC80] =	vst v63  }
0x118: {  	_ =	swait.ge [sflag:s26], $0x4000  }
0x119: {  	[sflag:s26] =	ssyncset.done $0x0  }
0x11a: {  	s12 =	rddreg [dreg:$0x11];
	[sflag:s26] =	ssyncadd.s32 $0xFFFFC000  }
0x11b: {  	[spmem:s2] =	stream.indirect.scatter.add.f32 [tilespmem:s24], [sflag:$0x4], $0x80, s12, s20, $0xb8;
	[tilespmem:$0x1CC80] =	vst v63  }
0x11c: {  	s7 =	smov.u32 s11;
	_ =	swait.ge [sflag:s17], $0x4000  }
0x11d: {  	s7 =	smin.u32 s7, $0x7;
	s12 =	rddreg [dreg:$0x4]  }
0x11e: {  	s7 =	sadd.s32 s7, s12  }
0x11f: {  	[sflag:s17] =	ssyncset.done $0x0;
	s7 =	sshll.u32 s7, $0x7  }
0x120: {  	[sflag:s17] =	ssyncadd.s32 $0xFFFFC000;
	s12 =	sadd.s32 s5, s7  }
0x121: {  	[tilespmem:s3], [sflag:$0x3] =	stream.linear.gather [hbm4b:s12+s3], $0x400, $0x38;
	[tilespmem:$0x1CC80] =	vst v63  }
0x122: {  	s7 =	sadd.s32 s6, s7  }
0x123: {  	[tilespmem:s19], [sflag:$0x3] =	stream.linear.gather [hbm4b:s7+s3], $0x400, $0x38;
	[tilespmem:$0x1CC80] =	vst v63  }
0x124: {  	s12 =	rddreg [dreg:$0x12]  }
0x125: {  	[tilespmem:s24], [sflag:$0x2] =	stream.indirect.gather [hbm4b:s1+s20], $0x80, s12, s20, $0xb8;
	[tilespmem:$0x1CC80] =	vst v63  }
0x126: {  	_ =	swait.ge [sflag:s25], $0x4000  }
0x127: {  	[sflag:s25] =	ssyncset.done $0x0  }
0x128: {  	[sflag:s25] =	ssyncadd.s32 $0xFFFFC000  }
0x129: {  	[spmem:s2] =	stream.indirect.scatter.add.f32 [tilespmem:s21], [sflag:$0x4], $0x80, s23, s20, $0xb8;
	[tilespmem:$0x1CC80] =	vst v63  }
0x12a: {  	_ =	swait.ge [sflag:s17], $0x4000  }
0x12b: {  	[sflag:s17] =	ssyncset.done $0x0  }
0x12c: {  	s12 =	rddreg [dreg:$0x13];
	[sflag:s17] =	ssyncadd.s32 $0xFFFFC000  }
0x12d: {  	[tilespmem:s21], [sflag:$0x1] =	stream.indirect.gather [hbm4b:s1+s20], $0x80, s12, s20, $0xb8;
	[tilespmem:$0x1CC80] =	vst v63  }
0x12e: {  	_ =	swait.ge [sflag:s26], $0x4000  }
0x12f: {  	[sflag:s26] =	ssyncset.done $0x0  }
0x130: {  	s12 =	rddreg [dreg:$0x14];
	[sflag:s26] =	ssyncadd.s32 $0xFFFFC000  }
0x131: {  	[spmem:s2] =	stream.indirect.scatter.add.f32 [tilespmem:s24], [sflag:$0x4], $0x80, s12, s20, $0xb8;
	[tilespmem:$0x1CC80] =	vst v63  }
0x132: {  	_ =	swait.ge [sflag:s17], $0x4000  }
0x133: {  	[sflag:s17] =	ssyncset.done $0x0  }
0x134: {  	s12 =	rddreg [dreg:$0x15];
	[sflag:s17] =	ssyncadd.s32 $0xFFFFC000  }
0x135: {  	[tilespmem:s24], [sflag:$0x2] =	stream.indirect.gather [hbm4b:s1+s20], $0x80, s12, s20, $0xb8;
	[tilespmem:$0x1CC80] =	vst v63  }
0x136: {  	_ =	swait.ge [sflag:s25], $0x4000  }
0x137: {  	[sflag:s25] =	ssyncset.done $0x0  }
0x138: {  	s12 =	rddreg [dreg:$0x16];
	[sflag:s25] =	ssyncadd.s32 $0xFFFFC000  }
0x139: {  	[spmem:s2] =	stream.indirect.scatter.add.f32 [tilespmem:s21], [sflag:$0x4], $0x80, s12, s20, $0xb8;
	[tilespmem:$0x1CC80] =	vst v63  }
0x13a: {  	_ =	swait.ge [sflag:s17], $0x4000  }
0x13b: {  	[sflag:s17] =	ssyncset.done $0x0  }
0x13c: {  	s12 =	rddreg [dreg:$0x17];
	[sflag:s17] =	ssyncadd.s32 $0xFFFFC000  }
0x13d: {  	[tilespmem:s21], [sflag:$0x1] =	stream.indirect.gather [hbm4b:s1+s20], $0x80, s12, s20, $0xb8;
	[tilespmem:$0x1CC80] =	vst v63  }
0x13e: {  	_ =	swait.ge [sflag:s26], $0x4000  }
0x13f: {  	[sflag:s26] =	ssyncset.done $0x0  }
0x140: {  	s12 =	rddreg [dreg:$0x18];
	[sflag:s26] =	ssyncadd.s32 $0xFFFFC000  }
0x141: {  	[spmem:s2] =	stream.indirect.scatter.add.f32 [tilespmem:s24], [sflag:$0x4], $0x80, s12, s20, $0xb8;
	[tilespmem:$0x1CC80] =	vst v63  }
0x142: {  	_ =	swait.ge [sflag:s17], $0x4000  }
0x143: {  	[sflag:s17] =	ssyncset.done $0x0  }
0x144: {  	s12 =	rddreg [dreg:$0x19];
	[sflag:s17] =	ssyncadd.s32 $0xFFFFC000  }
0x145: {  	[tilespmem:s24], [sflag:$0x2] =	stream.indirect.gather [hbm4b:s1+s20], $0x80, s12, s20, $0xb8;
	[tilespmem:$0x1CC80] =	vst v63  }
0x146: {  	_ =	swait.ge [sflag:s25], $0x4000  }
0x147: {  	[sflag:s25] =	ssyncset.done $0x0  }
0x148: {  	[sflag:s25] =	ssyncadd.s32 $0xFFFFC000  }
0x149: {  	[spmem:s2] =	stream.indirect.scatter.add.f32 [tilespmem:s21], [sflag:$0x4], $0x80, s29, s20, $0xb8;
	[tilespmem:$0x1CC80] =	vst v63  }
0x14a: {  	_ =	swait.ge [sflag:s17], $0x4000  }
0x14b: {  	[sflag:s17] =	ssyncset.done $0x0  }
0x14c: {  	[sflag:s17] =	ssyncadd.s32 $0xFFFFC000  }
0x14d: {  	[tilespmem:s21], [sflag:$0x1] =	stream.indirect.gather [hbm4b:s1+s20], $0x80, s30, s20, $0xb8;
	[tilespmem:$0x1CC80] =	vst v63  }
0x14e: {  	_ =	swait.ge [sflag:s26], $0x4000  }
0x14f: {  	[sflag:s26] =	ssyncset.done $0x0  }
0x150: {  	[sflag:s26] =	ssyncadd.s32 $0xFFFFC000  }
0x151: {  	[spmem:s2] =	stream.indirect.scatter.add.f32 [tilespmem:s24], [sflag:$0x4], $0x80, s31, s20, $0xb8;
	[tilespmem:$0x1CC80] =	vst v63  }
0x152: {  	_ =	swait.ge [sflag:s17], $0x4000  }
0x153: {  	[sflag:s17] =	ssyncset.done $0x0  }
0x154: {  	[sflag:s17] =	ssyncadd.s32 $0xFFFFC000  }
0x155: {  	[tilespmem:s24], [sflag:$0x2] =	stream.indirect.gather [hbm4b:s1+s20], $0x80, s0, s20, $0xb8;
	[tilespmem:$0x1CC80] =	vst v63  }
0x156: {  	_ =	swait.ge [sflag:s25], $0x4000  }
0x157: {  	[sflag:s25] =	ssyncset.done $0x0  }
0x158: {  	[sflag:s25] =	ssyncadd.s32 $0xFFFFC000  }
0x159: {  	[spmem:s2] =	stream.indirect.scatter.add.f32 [tilespmem:s21], [sflag:$0x4], $0x80, s4, s20, $0xb8;
	[tilespmem:$0x1CC80] =	vst v63  }
0x15a: {  	_ =	swait.ge [sflag:s17], $0x4000  }
0x15b: {  	[sflag:s17] =	ssyncset.done $0x0  }
0x15c: {  	[sflag:s17] =	ssyncadd.s32 $0xFFFFC000  }
0x15d: {  	_ =	swait.ge [sflag:s28], $0x400  }
0x15e: {  	[sflag:s28] =	ssyncset.done $0x0  }
0x15f: {  	[sflag:s28] =	ssyncadd.s32 $0xFFFFFC00  }
0x160: {  	_ =	swait.ge [sflag:s28], $0x400  }
0x161: {  	[sflag:s28] =	ssyncset.done $0x0  }
0x162: {  	[sflag:s28] =	ssyncadd.s32 $0xFFFFFC00  }
0x163: {  	[tilespmem:s21], [sflag:$0x1] =	stream.indirect.gather [hbm4b:s1+s20], $0x80, s3, s20, $0xb8;
	[tilespmem:$0x1CC80] =	vst v63  }
0x164: {  	p1 =	sne.s32 s11, $0x8;
	_ =	swait.ge [sflag:s26], $0x4000  }
.Ltmp0:
0x165: {  	[sflag:s26] =	ssyncset.done $0x0;
	(pc) =	sbr.rel @p1 .LBB2_2-.Ltmp0, $4  }
0x166: {  	[sflag:s26] =	ssyncadd.s32 $0xFFFFC000  }
0x167: {  	[spmem:s2] =	stream.indirect.scatter.add.f32 [tilespmem:s24], [sflag:$0x4], $0x80, s9, s20, $0xb8;
	[tilespmem:$0x1CC80] =	vst v63  }
0x168: {  	_ =	swait.ge [sflag:s17], $0x4000  }
0x169: {  	s11 =	sadd.s32 $0x2, s11;
	[sflag:s17] =	ssyncset.done $0x0  }
0x16a: {  	[sflag:s17] =	ssyncadd.s32 $0xFFFFC000  }
0x16b: {  	_ =	swait.ge [sflag:s25], $0x4000  }
0x16c: {  	[sflag:s25] =	ssyncset.done $0x0  }
0x16d: {  	[sflag:s25] =	ssyncadd.s32 $0xFFFFC000  }
0x16e: {  	[bflag:$0x0] =	sbarrier.arrive $0xFFFF  }
0x16f: {  	s7 =	rddreg [dreg:$0x1d]  }
0x170: {  	[hbm:s7], [sflag:s8] =	dma.local [spmem:s16], $0x2700  }
0x171: {  	_ =	swait.ge [sflag:s17], $0x2700  }
0x172: {  	[sflag:s17] =	ssyncset.done $0x0  }
0x173: {  	s7 =	rddreg [dreg:$0x1e];
	[sflag:s17] =	ssyncadd.s32 $0xFFFFD900  }
0x174: {  	[hbm:s7], [sflag:s8] =	dma.local @!p0 [spmem:s18], $0x100  }
0x175: {  	s7 =	simm.s32 @!p0 $0x4  }
0x176: {  	_ =	swait.ge @!p0 [sflag:s7], $0x100  }
0x177: {  	s10 =	sadd.s32 $0x1, s10;
	s11 =	rddreg [dreg:$0x1f]  }
0x178: {  	p1 =	sne.s32 s10, s11  }
.Ltmp1:
0x179: {  	_ = 	snop;
	(pc) =	sbr.rel @p1 .LBB2_1-.Ltmp1, $3  }
0x17a: {  	_ =	sdelay $0x1  }
0x17b: {  	[sflag:s7] =	ssyncset.done @!p0 $0x0  }
0x17c: {  	[sflag:s7] =	ssyncadd.s32 @!p0 $0xFFFFFF00  }
0x17d: {  	_ =	sfence.sel $0x180000  }
0x17e: {  	[bflag:$0x0] =	sbarrier.arrive $0xFFFF  }
0x17f: {  	_ =	strace $0x9000004D  }
0x180: {  	s0 =	stileid.u32;
	[bflag:$0x2] =	sbarrier.arrive $0xFFFF  }
0x181: {  	p0 =	sne.s32 s0, $0x0;
	s0 =	rddreg [dreg:$0x3]  }
0x182: {  	s0 =	sadd.s32 @!p0 $0x100000, s0  }
0x183: {  	[sflag:s0] =	ssyncadd.tile.s32 @!p0 $0x1;
	_ =	shalt  }
.Lfunc_end2:
_tile_overlayer_lowered:
.L_overlay_start_2:
0x184: {  	(tag) =	ssettag $0x2  }
0x185: {  	s0 =	rddreg [dreg:$0x0];
	s2 =	stileid.u32  }
0x186: {  	s1 =	rddreg [dreg:$0x1];
	p0 =	sne.s32 s2, $0x0  }
0x187: {  	s3 =	rddreg [dreg:$0x2];
	[bflag:$0x3] =	sbarrier.arrive $0xFFFF;
	s2 =	simm.s32 @!p0 $0x1C04  }
0x188: {  	[timem:s3], [sflag:s2] =	dma.local @!p0 [hbm:s0], s1  }
0x189: {  	s0 =	simm.s32 @!p0 $0x4  }
0x18a: {  	_ =	swait.ge @!p0 [sflag:s0], s1  }
0x18b: {  	s1 =	ssub.s32 @!p0 $0x0, s1;
	[sflag:s0] =	ssyncset.done @!p0 $0x0  }
0x18c: {  	[sflag:s0] =	ssyncadd.s32 @!p0 s1  }
0x18d: {  	[bflag:$0x3] =	sbarrier.arrive $0xFFFF  }
0x18e: {  	_ =	shalt  }

// kernel: kernel.9.cloned.1.call-start
scs
__scs_entry_jumppad:
0x0: {  	(pc) =	sbr.rel $0x88, $3  }
0x1: {  	(tag) =	ssettag $0x0;
	lr =	simm.s32 $0x1  }
0x2: {  	[smem:$0x3F99] =	sst lr;
	_ =	strace $0xD0000000  }
0x3: {  	_ = 	snop  }
0x4: {  	_ = 	snop  }
0x5: {  	_ = 	snop  }
0x6: {  	_ = 	snop  }
0x7: {  	_ = 	snop  }
__scs_overlays_trampoline_lowered:
0x8: {  	[smem:$0x3FA8] =	sst s0  }
0x9: {  	[smem:$0x3FA9] =	sst s1  }
0xa: {  	[smem:$0x3FAA] =	sst s2  }
0xb: {  	[smem:$0x3FAB] =	sst s3  }
0xc: {  	[smem:$0x3FAC] =	sst s4  }
0xd: {  	[smem:$0x3FAD] =	sst s5  }
0xe: {  	[smem:$0x3FAE] =	sst s6  }
0xf: {  	[smem:$0x3FAF] =	sst s7  }
0x10: {  	[smem:$0x3FB0] =	sst s8  }
0x11: {  	[smem:$0x3FB1] =	sst s9;
	s0 =	simm.s32 @!p0 $0x0  }
0x12: {  	s1 =	sld [smem:$0x3F97];
	s0 =	simm.s32 @p0 $0x1  }
0x13: {  	[smem:$0x3FB2] =	sst s0;
	s0 =	simm.s32 @!p1 $0x0  }
0x14: {  	s2 =	sld [smem:$0x3F96];
	s0 =	simm.s32 @p1 $0x1  }
0x15: {  	[smem:$0x3FB3] =	sst s0;
	s0 =	simm.s32 @!p2 $0x0  }
0x16: {  	s3 =	sld [smem:$0x3FDB];
	s0 =	simm.s32 @p2 $0x1  }
0x17: {  	s4 =	simm.s32 $0x1BF5;
	[smem:$0x3FB5] =	sst s0  }
0x18: {  	s0 =	sld [smem:$0x3F98];
	_ =	swait.ge [sflag:s4], $0x0  }
0x19: {  	s7 =	sld [smem:$0x3F99]  }
0x1a: {  	s8 =	sadd.s32 $0xFFFFE003, lr  }
0x1b: {  	s9 =	sadd.s32 $0xFFFFFEF7, lr;
	s5 =	simm.s32 $0xFFFFFFFF;
	p2 =	slt.u32 s8, $0xFFFFF086  }
0x1c: {  	p1 =	slt.u32 s9, $0xF7A;
	s5 =	simm.s32 @!p2 $0x0  }
0x1d: {  	s5 =	simm.s32 @p1 $0x1;
	p0 =	seq.s32 s7, s2  }
0x1e: {  	s7 =	smul.u32 @!p0 $0xF7A, s2;
	p2 =	seq.s32 @!p0 s5, $0x0  }
0x1f: {  	s9 =	smul.u32 $0xF7A, s1;
	s8 =	simm.s32 @!p0 $0x1BF5;
	p2 =	por !p2, p0  }
0x20: {  	[sflag:s8] =	ssyncset.s32 @!p0 $0xFFFFF086;
	s6 =	sadd.s32 @!p0 s3, s7;
	s7 =	simm.s32 @!p0 $0x108  }
0x21: {  	s3 =	sadd.s32 s3, s9;
	s6 =	sadd.s32 @!p0 $0x88, s6;
	s7 =	simm.s32 @p2 $0x1082  }
0x22: {  	[simem:s7], [sflag:s8] =	dma.local @!p0 [hbm:s6], $0xF7A  }
0x23: {  	s9 =	sor.u32 $0xD0000000, s2;
	s6 =	simm.s32 $0x108;
	_ =	swait.ge @!p0 [sflag:s8], $0x0  }
0x24: {  	s3 =	sadd.s32 $0x88, s3;
	s6 =	simm.s32 @!p1 $0x1082;
	[sflag:s4] =	ssyncset.s32 $0xFFFFF086  }
0x25: {  	[simem:s6], [sflag:s4] =	dma.local [hbm:s3], $0xF7A  }
0x26: {  	[smem:$0x3F99] =	sst s1;
	(tag) =	ssettag s2;
	_ =	strace s9  }
0x27: {  	s1 =	sld [smem:$0x3FA9]  }
0x28: {  	s2 =	sld [smem:$0x3FAA]  }
0x29: {  	s4 =	sld [smem:$0x3FAC]  }
0x2a: {  	p0 =	seq.s32 s5, $0x0;
	s5 =	sld [smem:$0x3FAD]  }
0x2b: {  	s6 =	sld [smem:$0x3FAE]  }
0x2c: {  	s7 =	sld [smem:$0x3FAF]  }
0x2d: {  	s3 =	simm.s32 $0x108;
	s8 =	sld [smem:$0x3FB0]  }
0x2e: {  	s3 =	simm.s32 @!p0 $0x1082;
	s9 =	sld [smem:$0x3FB1]  }
0x2f: {  	lr =	sadd.s32 s0, s3;
	s0 =	sld [smem:$0x3FA8]  }
0x30: {  	s3 =	sld [smem:$0x3FAB]  }
0x31: {  	[smem:$0x3FB4] =	sst s10  }
0x32: {  	s10 =	sld [smem:$0x3FB2];
	_ =	sdelay $0x3  }
0x33: {  	p0 =	seq.s32 s10, $0x1;
	s10 =	sld [smem:$0x3FB4];
	_ =	sdelay $0x3  }
0x34: {  	[smem:$0x3FB4] =	sst s10  }
0x35: {  	s10 =	sld [smem:$0x3FB3];
	_ =	sdelay $0x3  }
0x36: {  	p1 =	seq.s32 s10, $0x1;
	s10 =	sld [smem:$0x3FB4];
	_ =	sdelay $0x3  }
0x37: {  	[smem:$0x3FB4] =	sst s10  }
0x38: {  	s10 =	sld [smem:$0x3FB5]  }
0x39: {  	_ = 	snop;
	(pc) =	sbr.ind lr, $3  }
0x3a: {  	_ = 	snop  }
0x3b: {  	_ = 	snop  }
0x3c: {  	p2 =	seq.s32 s10, $0x1;
	s10 =	sld [smem:$0x3FB4]  }
0x3d: {  	_ =	shalt  }
0x3e: {  	_ =	shalt  }
0x3f: {  	_ =	shalt  }
0x40: {  	_ =	shalt  }
0x41: {  	_ =	shalt  }
0x42: {  	_ =	shalt  }
0x43: {  	_ =	shalt  }
0x44: {  	_ =	shalt  }
0x45: {  	_ =	shalt  }
0x46: {  	_ =	shalt  }
0x47: {  	_ =	shalt  }
0x48: {  	_ =	shalt  }
0x49: {  	_ =	shalt  }
0x4a: {  	_ =	shalt  }
0x4b: {  	_ =	shalt  }
0x4c: {  	_ =	shalt  }
0x4d: {  	_ =	shalt  }
0x4e: {  	_ =	shalt  }
0x4f: {  	_ =	shalt  }
0x50: {  	_ =	shalt  }
0x51: {  	_ =	shalt  }
0x52: {  	_ =	shalt  }
0x53: {  	_ =	shalt  }
0x54: {  	_ =	shalt  }
0x55: {  	_ =	shalt  }
0x56: {  	_ =	shalt  }
0x57: {  	_ =	shalt  }
0x58: {  	_ =	shalt  }
0x59: {  	_ =	shalt  }
0x5a: {  	_ =	shalt  }
0x5b: {  	_ =	shalt  }
0x5c: {  	_ =	shalt  }
0x5d: {  	_ =	shalt  }
0x5e: {  	_ =	shalt  }
0x5f: {  	_ =	shalt  }
0x60: {  	_ =	shalt  }
0x61: {  	_ =	shalt  }
0x62: {  	_ =	shalt  }
0x63: {  	_ =	shalt  }
0x64: {  	_ =	shalt  }
0x65: {  	_ =	shalt  }
0x66: {  	_ =	shalt  }
0x67: {  	_ =	shalt  }
0x68: {  	_ =	shalt  }
0x69: {  	_ =	shalt  }
0x6a: {  	_ =	shalt  }
0x6b: {  	_ =	shalt  }
0x6c: {  	_ =	shalt  }
0x6d: {  	_ =	shalt  }
0x6e: {  	_ =	shalt  }
0x6f: {  	_ =	shalt  }
0x70: {  	_ =	shalt  }
0x71: {  	_ =	shalt  }
0x72: {  	_ =	shalt  }
0x73: {  	_ =	shalt  }
0x74: {  	_ =	shalt  }
0x75: {  	_ =	shalt  }
0x76: {  	_ =	shalt  }
0x77: {  	_ =	shalt  }
0x78: {  	_ =	shalt  }
0x79: {  	_ =	shalt  }
0x7a: {  	_ =	shalt  }
0x7b: {  	_ =	shalt  }
0x7c: {  	_ =	shalt  }
0x7d: {  	_ =	shalt  }
0x7e: {  	_ =	shalt  }
0x7f: {  	_ =	shalt  }
0x80: {  	_ =	shalt  }
0x81: {  	_ =	shalt  }
0x82: {  	_ =	shalt  }
0x83: {  	_ =	shalt  }
0x84: {  	_ =	shalt  }
0x85: {  	_ =	shalt  }
0x86: {  	_ =	shalt  }
0x87: {  	_ =	shalt  }
.Lfunc_end0:
.L_simem_size_0:
called_computation_lowered:
.L_overlay_start_0:
0x88: {  	s2 =	sld [smem:$0x3FD9]  }
0x89: {  	s3 =	sld [smem:$0x3FFE];
	_ =	sdelay $0x1  }
0x8a: {  	s1 =	srdreg.scid  }
0x8b: {  	s0 =	sand.u32 $0x1, s1  }
0x8c: {  	s17 =	sshll.u32 s0, $0xA;
	s2 =	sadd.s32 s3, s2  }
0x8d: {  	s2 =	sadd.s32 s2, s17  }
0x8e: {  	[smem:$0x3FC0] =	sst s2  }
0x8f: {  	_ = 	snop  }
0x90: {  	s2 =	sld [smem:$0x3FD0];
	(tm) =	ssettm $0x1  }
0x91: {  	s18 =	sld [smem:$0x3FFB];
	_ =	sdelay $0x3  }
0x92: {  	_ =	strace s18  }
0x93: {  	s3 =	sld [smem:$0x3FFC];
	_ =	sdelay $0x3  }
0x94: {  	_ =	strace s3  }
0x95: {  	s3 =	sld [smem:$0x3FFD];
	_ =	sdelay $0x3  }
0x96: {  	_ =	strace s3  }
0x97: {  	_ =	strace $0x8FFFFFFF  }
0x98: {  	s19 =	sld [smem:$0x3FDB];
	_ =	sdelay $0x1  }
0x99: {  	s4 =	simm.s32 $_scs_section_size  }
0x9a: {  	s5 =	simm.s32 $_size__tile_overlayer_lowered;
	s6 =	simm.s32 $_tile_overlayer_lowered  }
0x9b: {  	s22 =	simm.s32 $0x1BFF;
	s21 =	sshll.u32 s6, $0x1;
	s3 =	sadd.s32 s4, s19  }
0x9c: {  	s7 =	simm.s32 $0x0;
	s20 =	sshll.u32 s5, $0x1;
	s5 =	sadd.s32 s21, s3  }
0x9d: {  	[timem:s7], [sflag:s22] =	dma.local [hbm:s5], s20  }
0x9e: {  	_ =	swait.ge [sflag:s22], s20  }
0x9f: {  	s4 =	ssub.s32 $0x0, s20;
	[sflag:s22] =	ssyncset.done $0x0  }
0xa0: {  	[sflag:s22] =	ssyncadd.s32 s4;
	_ =	sdelay $0x1  }
0xa1: {  	s23 =	simm.s32 $0x1B8B  }
0xa2: {  	_ =	swait.ge [sflag:s23], $0x1  }
0xa3: {  	[sflag:s23] =	ssyncset.done $0x0  }
0xa4: {  	s25 =	simm.s32 $0x1B8E;
	s24 =	sld [smem:$0x3FFE];
	[sflag:s23] =	ssyncadd.s32 $0xFFFFFFFF  }
0xa5: {  	s26 =	simm.s32 $execute0_lowered;
	[smem:$0x3FD2] =	sst s25  }
0xa6: {  	s5 =	sshll.u32 s26, $0x1;
	_ =	strace $0x80000046;
	[dreg:$0x1] =	wrdreg $0xFFFFFFFF  }
0xa7: {  	s28 =	simm.s32 $_size_execute0_lowered;
	s3 =	sadd.s32 s3, s5;
	[dreg:$0x0] =	wrdreg $0x0  }
0xa8: {  	s5 =	sshll.u32 s28, $0x1;
	[dreg:$0x2] =	wrdreg s3  }
0xa9: {  	[dreg:$0x3] =	wrdreg s5  }
0xaa: {  	[dreg:$0x4] =	wrdreg $0xC0  }
0xab: {  	_ =	task [dreg:s7], $0x5FFFF  }
0xac: {  	[dreg:$0x1] =	wrdreg $0xFFFFFFFF  }
0xad: {  	[dreg:$0x0] =	wrdreg $0x60  }
0xae: {  	[dreg:$0x2] =	wrdreg s2  }
0xaf: {  	[dreg:$0x3] =	wrdreg s24  }
0xb0: {  	[dreg:$0x4] =	wrdreg $0x90000  }
0xb1: {  	[dreg:$0x5] =	wrdreg $0x9  }
0xb2: {  	_ =	task.clear_ibuf [dreg:s7], $0x6FFFF;
	_ =	strace $0x90000046  }
0xb3: {  	s29 =	simm.s32 $0x9;
	_ =	strace $0x80000048  }
0xb4: {  	_ =	swait.ge [sflag:s29], $0x1  }
0xb5: {  	[sflag:s29] =	ssyncadd.s32 $0xFFFFFFFF  }
0xb6: {  	_ =	strace $0x90000048  }
0xb7: {  	_ =	sfence  }
0xb8: {  	s30 =	sld [smem:$0x0];
	_ =	sdelay $0x2  }
0xb9: {  	s31 =	sshll.u32 s1, $0xD;
	s1 =	sshrl.u32 s1, $0x2  }
0xba: {  	s3 =	sand.u32 $0x4000, s31;
	s1 =	sadd.s32 s1, s30  }
0xbb: {  	s0 =	sor.u32 s3, s0;
	s1 =	sshll.u32 s1, $0x11  }
0xbc: {  	s0 =	sor.u32 s1, s0  }
0xbd: {  	s0 =	sadd.s32 $0x8F2B, s0  }
0xbe: {  	[sflag:s0] =	ssyncadd.remote.s32 $0x1  }
0xbf: {  	_ =	sfence.sel $0xFFFF  }
0xc0: {  	[dreg:$0x0] =	wrdreg $0xFFFFFFFF;
	(pc) =	sbr.abs _section_cstart, $3  }
0xc1: {  	[dreg:$0x1] =	wrdreg $0xFFFFFFFF  }
0xc2: {  	_ =	task.clear_ibuf [dreg:s7], $0x2FFFF;
	_ =	strace $0x9FFFFFFF  }
0xc3: {  	(tm) =	ssettm $0x7FFFFFFF  }
tec
execute0_lowered:
.L_overlay_start_1:
0x0: {  	(tag) =	ssettag $0x1  }
0x1: {  	s1 =	rddreg [dreg:$0x0]  }
0x2: {  	s0 =	rddreg [dreg:$0x1]  }
0x3: {  	s2 =	rddreg [dreg:$0x2];
	s3 =	simm.s32 $0x0;
	s4 =	srdreg.scid  }
0x4: {  	s16 =	stileid.u32;
	s17 =	simm.s32 $0x880;
	s18 =	simm.s32 $0x180  }
0x5: {  	s20 =	simm.s32 $0x900;
	s21 =	simm.s32 $0x200;
	s28 =	simm.s32 $0x3  }
0x6: {  	s29 =	simm.s32 $0xE00;
	s30 =	simm.s32 $0x700;
	s31 =	simm.s32 $0xE80  }
0x7: {  	[smem:$0x7FF] =	sst s3;
	s4 =	sand.u32 $0x1, s4;
	s5 =	sadd.s32 $0xC400, s0  }
0x8: {  	s8 =	smul.u32 $0x4E000, s16;
	s11 =	sadd.s32 $0x16400, s0;
	s12 =	sshll.u32 s16, $0x6  }
0x9: {  	s13 =	smul.u32 $0x13800, s16;
	_ =	strace $0x80000047;
	[dreg:$0x1a] =	wrdreg s11  }
0xa: {  	s15 =	sadd.s32 $0x138000, s2;
	s22 =	smul.u32 $0x500, s16;
	[dreg:$0x6] =	wrdreg s17  }
0xb: {  	p0 =	sne.s32 s16, $0xF;
	s6 =	sshll.u32 s4, $0x4;
	[dreg:$0x7] =	wrdreg s18  }
0xc: {  	s9 =	ssub.s32 $0x2, s4;
	s24 =	smul.u32 $0x138800, s4;
	[dreg:$0x8] =	wrdreg s20  }
0xd: {  	s4 =	smul.u32 $0x5000, s4;
	[dreg:$0x9] =	wrdreg s21;
	s11 =	simm.s32 $0xA80  }
0xe: {  	s17 =	simm.s32 $0xB00;
	s18 =	simm.s32 $0xB80;
	s20 =	simm.s32 $0x500  }
0xf: {  	s21 =	simm.s32 $0xC80;
	s7 =	sor.u32 s16, s6;
	[dreg:$0xe] =	wrdreg s11  }
0x10: {  	s6 =	sadd.s32 $0x2400, s0;
	s23 =	sshrl.u32 s9, $0x1;
	[dreg:$0x10] =	wrdreg s17  }
0x11: {  	s0 =	sadd.s32 $0x18C00, s0;
	s8 =	sshrl.u32 s8, $0x2;
	[dreg:$0x11] =	wrdreg s18  }
0x12: {  	s17 =	simm.s32 $0x4;
	s18 =	sshrl.u32 @!p0 s15, $0x3;
	[dreg:$0x13] =	wrdreg s20  }
0x13: {  	[dreg:$0x14] =	wrdreg s21;
	s10 =	smul.u32 $0xA, s7;
	s9 =	ssub.s32 s9, s23  }
0x14: {  	s14 =	sadd.s32 s8, s2;
	s8 =	sor.u32 $0x1C04, s12;
	s26 =	sadd.s32 s13, s24  }
0x15: {  	s12 =	sshrl.u32 s24, $0x3;
	s13 =	simm.s32 $0x100;
	s23 =	simm.s32 $0x980  }
0x16: {  	s24 =	sadd.s32 s4, s5;
	s4 =	sadd.s32 s4, s6;
	[dreg:$0x5] =	wrdreg s13  }
0x17: {  	s19 =	smax.u32 s9, $0x1;
	[dreg:$0xa] =	wrdreg s23;
	s9 =	sadd.s32 s22, s24  }
0x18: {  	s4 =	sadd.s32 s22, s4;
	s22 =	simm.s32 $0x580;
	[dreg:$0x1f] =	wrdreg s19  }
0x19: {  	s7 =	smul.u32 $0x500, s7;
	s23 =	simm.s32 $0xD00;
	[dreg:$0x15] =	wrdreg s22  }
0x1a: {  	s20 =	simm.s32 $0x80;
	s24 =	simm.s32 $0x600;
	[dreg:$0x16] =	wrdreg s23  }
0x1b: {  	s21 =	simm.s32 $0x1000;
	s25 =	sadd.s32 s5, s7;
	[dreg:$0x17] =	wrdreg s24  }
0x1c: {  	s16 =	sshrl.u32 s14, $0x3;
	s7 =	sadd.s32 s6, s7;
	[dreg:$0x1b] =	wrdreg s25  }
0x1d: {  	s10 =	sadd.s32 $0x2, s10;
	s9 =	sadd.s32 $0x80, s9;
	[dreg:$0x1c] =	wrdreg s7  }
0x1e: {  	s13 =	sadd.s32 $0x80, s4;
	s19 =	simm.s32 $0x480;
	[dreg:$0x4] =	wrdreg s10  }
0x1f: {  	s22 =	simm.s32 $0x400;
	s23 =	simm.s32 $0xC00;
	[smem:$0x7FD] =	sst s9  }
0x20: {  	s24 =	simm.s32 $0x5000;
	s25 =	simm.s32 $0x280;
	[dreg:$0x12] =	wrdreg s19  }
0x21: {  	s10 =	sshrl.u32 s26, $0x3;
	s26 =	simm.s32 $0xA00;
	[dreg:$0xb] =	wrdreg s25  }
0x22: {  	s4 =	simm.s32 $0xF00;
	s7 =	sadd.s32 s0, s10;
	[dreg:$0xc] =	wrdreg s26  }
0x23: {  	s19 =	simm.s32 $0x800;
	s10 =	simm.s32 $0x300;
	[dreg:$0x1d] =	wrdreg s7  }
0x24: {  	s0 =	sadd.s32 s0, s12;
	s12 =	simm.s32 $0x380;
	[dreg:$0xd] =	wrdreg s10  }
0x25: {  	s9 =	simm.s32 $0xF80;
	s25 =	simm.s32 $0xD80;
	[dreg:$0xf] =	wrdreg s12  }
0x26: {  	s26 =	simm.s32 $0x680;
	s0 =	sadd.s32 $0x27000, s0;
	[dreg:$0x18] =	wrdreg s25  }
0x27: {  	[dreg:$0x19] =	wrdreg s26;
	s25 =	simm.s32 $0x1;
	s26 =	simm.s32 $0x2  }
0x28: {  	s10 =	simm.s32 $0x0;
	[dreg:$0x1e] =	wrdreg s0;
	s0 =	simm.s32 $0x780  }
.LBB2_1:
0x29: {  	s7 =	rddreg [dreg:$0x1a]  }
0x2a: {  	[spmem:s16], [sflag:s8] =	dma.local [hbm:s7], $0x2700  }
0x2b: {  	_ =	swait.ge [sflag:s17], $0x2700  }
0x2c: {  	[sflag:s17] =	ssyncset.done $0x0  }
0x2d: {  	[sflag:s17] =	ssyncadd.s32 $0xFFFFD900  }
0x2e: {  	[spmem:s18], [sflag:s8] =	dma.local @!p0 [hbm:s7], $0x900  }
0x2f: {  	s7 =	simm.s32 @!p0 $0x4  }
0x30: {  	_ =	swait.ge @!p0 [sflag:s7], $0x900  }
0x31: {  	[sflag:s7] =	ssyncset.done @!p0 $0x0  }
0x32: {  	s14 =	rddreg [dreg:$0x1b];
	[sflag:s7] =	ssyncadd.s32 @!p0 $0xFFFFF700  }
0x33: {  	[tilespmem:s3], [sflag:$0x4] =	stream.linear.gather [hbm4b:s14+s3], $0x400, $0x38;
	[tilespmem:$0x1CC80] =	vst v63  }
0x34: {  	_ =	swait.ge [sflag:s17], $0x400  }
0x35: {  	[sflag:s17] =	ssyncset.done $0x0  }
0x36: {  	s15 =	rddreg [dreg:$0x1c];
	[sflag:s17] =	ssyncadd.s32 $0xFFFFFC00  }
0x37: {  	[tilespmem:s19], [sflag:$0x4] =	stream.linear.gather [hbm4b:s15+s3], $0x400, $0x38;
	[tilespmem:$0x1CC80] =	vst v63  }
0x38: {  	_ =	swait.ge [sflag:s17], $0x400  }
0x39: {  	[sflag:s17] =	ssyncset.done $0x0  }
0x3a: {  	[sflag:s17] =	ssyncadd.s32 $0xFFFFFC00  }
0x3b: {  	[bflag:$0x0] =	sbarrier.arrive $0xFFFF  }
0x3c: {  	s14 =	sld [smem:$0x7FD]  }
0x3d: {  	[tilespmem:s21], [sflag:$0x1] =	stream.indirect.gather [hbm4b:s1+s20], $0x80, s3, s20, $0xb8;
	[tilespmem:$0x1CC80] =	vst v63  }
0x3e: {  	_ = 	snop  }
0x3f: {  	[tilespmem:s22], [sflag:$0x3] =	stream.linear.gather [hbm4b:s14+s3], $0x400, $0x38;
	[tilespmem:$0x1CC80] =	vst v63  }
0x40: {  	_ = 	snop  }
0x41: {  	[tilespmem:s23], [sflag:$0x3] =	stream.linear.gather [hbm4b:s13+s3], $0x400, $0x38;
	[tilespmem:$0x1CC80] =	vst v63  }
0x42: {  	_ = 	snop  }
0x43: {  	[tilespmem:s24], [sflag:$0x2] =	stream.indirect.gather [hbm4b:s1+s20], $0x80, s20, s20, $0xb8;
	[tilespmem:$0x1CC80] =	vst v63  }
0x44: {  	_ =	swait.ge [sflag:s25], $0x4000  }
0x45: {  	[sflag:s25] =	ssyncset.done $0x0  }
0x46: {  	[sflag:s25] =	ssyncadd.s32 $0xFFFFC000  }
0x47: {  	[spmem:s2] =	stream.indirect.scatter.add.f32 [tilespmem:s21], [sflag:$0x4], $0x80, s19, s20, $0xb8;
	[tilespmem:$0x1CC80] =	vst v63  }
0x48: {  	_ =	swait.ge [sflag:s17], $0x4000  }
0x49: {  	[sflag:s17] =	ssyncset.done $0x0  }
0x4a: {  	s11 =	rddreg [dreg:$0x5];
	[sflag:s17] =	ssyncadd.s32 $0xFFFFC000  }
0x4b: {  	[tilespmem:s21], [sflag:$0x1] =	stream.indirect.gather [hbm4b:s1+s20], $0x80, s11, s20, $0xb8;
	[tilespmem:$0x1CC80] =	vst v63  }
0x4c: {  	_ =	swait.ge [sflag:s26], $0x4000  }
0x4d: {  	[sflag:s26] =	ssyncset.done $0x0  }
0x4e: {  	s12 =	rddreg [dreg:$0x6];
	[sflag:s26] =	ssyncadd.s32 $0xFFFFC000  }
0x4f: {  	[spmem:s2] =	stream.indirect.scatter.add.f32 [tilespmem:s24], [sflag:$0x4], $0x80, s12, s20, $0xb8;
	[tilespmem:$0x1CC80] =	vst v63  }
0x50: {  	_ =	swait.ge [sflag:s17], $0x4000  }
0x51: {  	[sflag:s17] =	ssyncset.done $0x0  }
0x52: {  	s15 =	rddreg [dreg:$0x7];
	[sflag:s17] =	ssyncadd.s32 $0xFFFFC000  }
0x53: {  	[tilespmem:s24], [sflag:$0x2] =	stream.indirect.gather [hbm4b:s1+s20], $0x80, s15, s20, $0xb8;
	[tilespmem:$0x1CC80] =	vst v63  }
0x54: {  	_ =	swait.ge [sflag:s25], $0x4000  }
0x55: {  	[sflag:s25] =	ssyncset.done $0x0  }
0x56: {  	s11 =	rddreg [dreg:$0x8];
	[sflag:s25] =	ssyncadd.s32 $0xFFFFC000  }
0x57: {  	[spmem:s2] =	stream.indirect.scatter.add.f32 [tilespmem:s21], [sflag:$0x4], $0x80, s11, s20, $0xb8;
	[tilespmem:$0x1CC80] =	vst v63  }
0x58: {  	_ =	swait.ge [sflag:s17], $0x4000  }
0x59: {  	[sflag:s17] =	ssyncset.done $0x0  }
0x5a: {  	s12 =	rddreg [dreg:$0x9];
	[sflag:s17] =	ssyncadd.s32 $0xFFFFC000  }
0x5b: {  	[tilespmem:s21], [sflag:$0x1] =	stream.indirect.gather [hbm4b:s1+s20], $0x80, s12, s20, $0xb8;
	[tilespmem:$0x1CC80] =	vst v63  }
0x5c: {  	_ =	swait.ge [sflag:s26], $0x4000  }
0x5d: {  	[sflag:s26] =	ssyncset.done $0x0  }
0x5e: {  	s15 =	rddreg [dreg:$0xa];
	[sflag:s26] =	ssyncadd.s32 $0xFFFFC000  }
0x5f: {  	[spmem:s2] =	stream.indirect.scatter.add.f32 [tilespmem:s24], [sflag:$0x4], $0x80, s15, s20, $0xb8;
	[tilespmem:$0x1CC80] =	vst v63  }
0x60: {  	_ =	swait.ge [sflag:s17], $0x4000  }
0x61: {  	[sflag:s17] =	ssyncset.done $0x0  }
0x62: {  	s11 =	rddreg [dreg:$0xb];
	[sflag:s17] =	ssyncadd.s32 $0xFFFFC000  }
0x63: {  	[tilespmem:s24], [sflag:$0x2] =	stream.indirect.gather [hbm4b:s1+s20], $0x80, s11, s20, $0xb8;
	[tilespmem:$0x1CC80] =	vst v63  }
0x64: {  	_ =	swait.ge [sflag:s25], $0x4000  }
0x65: {  	[sflag:s25] =	ssyncset.done $0x0  }
0x66: {  	s12 =	rddreg [dreg:$0xc];
	[sflag:s25] =	ssyncadd.s32 $0xFFFFC000  }
0x67: {  	[spmem:s2] =	stream.indirect.scatter.add.f32 [tilespmem:s21], [sflag:$0x4], $0x80, s12, s20, $0xb8;
	[tilespmem:$0x1CC80] =	vst v63  }
0x68: {  	_ =	swait.ge [sflag:s17], $0x4000  }
0x69: {  	[sflag:s17] =	ssyncset.done $0x0  }
0x6a: {  	s15 =	rddreg [dreg:$0xd];
	[sflag:s17] =	ssyncadd.s32 $0xFFFFC000  }
0x6b: {  	[tilespmem:s21], [sflag:$0x1] =	stream.indirect.gather [hbm4b:s1+s20], $0x80, s15, s20, $0xb8;
	[tilespmem:$0x1CC80] =	vst v63  }
0x6c: {  	_ =	swait.ge [sflag:s26], $0x4000  }
0x6d: {  	[sflag:s26] =	ssyncset.done $0x0  }
0x6e: {  	s11 =	rddreg [dreg:$0xe];
	[sflag:s26] =	ssyncadd.s32 $0xFFFFC000  }
0x6f: {  	[spmem:s2] =	stream.indirect.scatter.add.f32 [tilespmem:s24], [sflag:$0x4], $0x80, s11, s20, $0xb8;
	[tilespmem:$0x1CC80] =	vst v63  }
0x70: {  	_ =	swait.ge [sflag:s17], $0x4000  }
0x71: {  	[sflag:s17] =	ssyncset.done $0x0  }
0x72: {  	s12 =	rddreg [dreg:$0xf];
	[sflag:s17] =	ssyncadd.s32 $0xFFFFC000  }
0x73: {  	[tilespmem:s24], [sflag:$0x2] =	stream.indirect.gather [hbm4b:s1+s20], $0x80, s12, s20, $0xb8;
	[tilespmem:$0x1CC80] =	vst v63  }
0x74: {  	_ =	swait.ge [sflag:s25], $0x4000  }
0x75: {  	[sflag:s25] =	ssyncset.done $0x0  }
0x76: {  	s15 =	rddreg [dreg:$0x10];
	[sflag:s25] =	ssyncadd.s32 $0xFFFFC000  }
0x77: {  	[spmem:s2] =	stream.indirect.scatter.add.f32 [tilespmem:s21], [sflag:$0x4], $0x80, s15, s20, $0xb8;
	[tilespmem:$0x1CC80] =	vst v63  }
0x78: {  	_ =	swait.ge [sflag:s17], $0x4000  }
0x79: {  	[sflag:s17] =	ssyncset.done $0x0  }
0x7a: {  	[sflag:s17] =	ssyncadd.s32 $0xFFFFC000  }
0x7b: {  	_ =	swait.ge [sflag:s28], $0x400  }
0x7c: {  	[sflag:s28] =	ssyncset.done $0x0  }
0x7d: {  	[sflag:s28] =	ssyncadd.s32 $0xFFFFFC00  }
0x7e: {  	_ =	swait.ge [sflag:s28], $0x400  }
0x7f: {  	[sflag:s28] =	ssyncset.done $0x0  }
0x80: {  	[sflag:s28] =	ssyncadd.s32 $0xFFFFFC00  }
0x81: {  	[tilespmem:s21], [sflag:$0x1] =	stream.indirect.gather [hbm4b:s1+s20], $0x80, s22, s20, $0xb8;
	[tilespmem:$0x1CC80] =	vst v63  }
0x82: {  	_ =	swait.ge [sflag:s26], $0x4000  }
0x83: {  	[sflag:s26] =	ssyncset.done $0x0  }
0x84: {  	s11 =	rddreg [dreg:$0x11];
	[sflag:s26] =	ssyncadd.s32 $0xFFFFC000  }
0x85: {  	[spmem:s2] =	stream.indirect.scatter.add.f32 [tilespmem:s24], [sflag:$0x4], $0x80, s11, s20, $0xb8;
	[tilespmem:$0x1CC80] =	vst v63  }
0x86: {  	_ =	swait.ge [sflag:s17], $0x4000  }
0x87: {  	s11 =	smin.u32 s3, $0x7;
	s12 =	rddreg [dreg:$0x4]  }
0x88: {  	s7 =	sadd.s32 s11, s12  }
0x89: {  	[sflag:s17] =	ssyncset.done $0x0;
	s7 =	sshll.u32 s7, $0x7  }
0x8a: {  	[sflag:s17] =	ssyncadd.s32 $0xFFFFC000;
	s15 =	sadd.s32 s5, s7  }
0x8b: {  	[tilespmem:s3], [sflag:$0x3] =	stream.linear.gather [hbm4b:s15+s3], $0x400, $0x38;
	[tilespmem:$0x1CC80] =	vst v63  }
0x8c: {  	s7 =	sadd.s32 s6, s7  }
0x8d: {  	[tilespmem:s19], [sflag:$0x3] =	stream.linear.gather [hbm4b:s7+s3], $0x400, $0x38;
	[tilespmem:$0x1CC80] =	vst v63  }
0x8e: {  	s12 =	rddreg [dreg:$0x12]  }
0x8f: {  	[tilespmem:s24], [sflag:$0x2] =	stream.indirect.gather [hbm4b:s1+s20], $0x80, s12, s20, $0xb8;
	[tilespmem:$0x1CC80] =	vst v63  }
0x90: {  	_ =	swait.ge [sflag:s25], $0x4000  }
0x91: {  	[sflag:s25] =	ssyncset.done $0x0  }
0x92: {  	[sflag:s25] =	ssyncadd.s32 $0xFFFFC000  }
0x93: {  	[spmem:s2] =	stream.indirect.scatter.add.f32 [tilespmem:s21], [sflag:$0x4], $0x80, s23, s20, $0xb8;
	[tilespmem:$0x1CC80] =	vst v63  }
0x94: {  	_ =	swait.ge [sflag:s17], $0x4000  }
0x95: {  	[sflag:s17] =	ssyncset.done $0x0  }
0x96: {  	s15 =	rddreg [dreg:$0x13];
	[sflag:s17] =	ssyncadd.s32 $0xFFFFC000  }
0x97: {  	[tilespmem:s21], [sflag:$0x1] =	stream.indirect.gather [hbm4b:s1+s20], $0x80, s15, s20, $0xb8;
	[tilespmem:$0x1CC80] =	vst v63  }
0x98: {  	_ =	swait.ge [sflag:s26], $0x4000  }
0x99: {  	[sflag:s26] =	ssyncset.done $0x0  }
0x9a: {  	s11 =	rddreg [dreg:$0x14];
	[sflag:s26] =	ssyncadd.s32 $0xFFFFC000  }
0x9b: {  	[spmem:s2] =	stream.indirect.scatter.add.f32 [tilespmem:s24], [sflag:$0x4], $0x80, s11, s20, $0xb8;
	[tilespmem:$0x1CC80] =	vst v63  }
0x9c: {  	_ =	swait.ge [sflag:s17], $0x4000  }
0x9d: {  	[sflag:s17] =	ssyncset.done $0x0  }
0x9e: {  	s12 =	rddreg [dreg:$0x15];
	[sflag:s17] =	ssyncadd.s32 $0xFFFFC000  }
0x9f: {  	[tilespmem:s24], [sflag:$0x2] =	stream.indirect.gather [hbm4b:s1+s20], $0x80, s12, s20, $0xb8;
	[tilespmem:$0x1CC80] =	vst v63  }
0xa0: {  	_ =	swait.ge [sflag:s25], $0x4000  }
0xa1: {  	[sflag:s25] =	ssyncset.done $0x0  }
0xa2: {  	s15 =	rddreg [dreg:$0x16];
	[sflag:s25] =	ssyncadd.s32 $0xFFFFC000  }
0xa3: {  	[spmem:s2] =	stream.indirect.scatter.add.f32 [tilespmem:s21], [sflag:$0x4], $0x80, s15, s20, $0xb8;
	[tilespmem:$0x1CC80] =	vst v63  }
0xa4: {  	_ =	swait.ge [sflag:s17], $0x4000  }
0xa5: {  	[sflag:s17] =	ssyncset.done $0x0  }
0xa6: {  	s11 =	rddreg [dreg:$0x17];
	[sflag:s17] =	ssyncadd.s32 $0xFFFFC000  }
0xa7: {  	[tilespmem:s21], [sflag:$0x1] =	stream.indirect.gather [hbm4b:s1+s20], $0x80, s11, s20, $0xb8;
	[tilespmem:$0x1CC80] =	vst v63  }
0xa8: {  	_ =	swait.ge [sflag:s26], $0x4000  }
0xa9: {  	[sflag:s26] =	ssyncset.done $0x0  }
0xaa: {  	s12 =	rddreg [dreg:$0x18];
	[sflag:s26] =	ssyncadd.s32 $0xFFFFC000  }
0xab: {  	[spmem:s2] =	stream.indirect.scatter.add.f32 [tilespmem:s24], [sflag:$0x4], $0x80, s12, s20, $0xb8;
	[tilespmem:$0x1CC80] =	vst v63  }
0xac: {  	_ =	swait.ge [sflag:s17], $0x4000  }
0xad: {  	[sflag:s17] =	ssyncset.done $0x0  }
0xae: {  	s15 =	rddreg [dreg:$0x19];
	[sflag:s17] =	ssyncadd.s32 $0xFFFFC000  }
0xaf: {  	[tilespmem:s24], [sflag:$0x2] =	stream.indirect.gather [hbm4b:s1+s20], $0x80, s15, s20, $0xb8;
	[tilespmem:$0x1CC80] =	vst v63  }
0xb0: {  	_ =	swait.ge [sflag:s25], $0x4000  }
0xb1: {  	[sflag:s25] =	ssyncset.done $0x0  }
0xb2: {  	[sflag:s25] =	ssyncadd.s32 $0xFFFFC000  }
0xb3: {  	[spmem:s2] =	stream.indirect.scatter.add.f32 [tilespmem:s21], [sflag:$0x4], $0x80, s29, s20, $0xb8;
	[tilespmem:$0x1CC80] =	vst v63  }
0xb4: {  	_ =	swait.ge [sflag:s17], $0x4000  }
0xb5: {  	[sflag:s17] =	ssyncset.done $0x0  }
0xb6: {  	[sflag:s17] =	ssyncadd.s32 $0xFFFFC000  }
0xb7: {  	[tilespmem:s21], [sflag:$0x1] =	stream.indirect.gather [hbm4b:s1+s20], $0x80, s30, s20, $0xb8;
	[tilespmem:$0x1CC80] =	vst v63  }
0xb8: {  	_ =	swait.ge [sflag:s26], $0x4000  }
0xb9: {  	[sflag:s26] =	ssyncset.done $0x0  }
0xba: {  	[sflag:s26] =	ssyncadd.s32 $0xFFFFC000  }
0xbb: {  	[spmem:s2] =	stream.indirect.scatter.add.f32 [tilespmem:s24], [sflag:$0x4], $0x80, s31, s20, $0xb8;
	[tilespmem:$0x1CC80] =	vst v63  }
0xbc: {  	_ =	swait.ge [sflag:s17], $0x4000  }
0xbd: {  	[sflag:s17] =	ssyncset.done $0x0  }
0xbe: {  	[sflag:s17] =	ssyncadd.s32 $0xFFFFC000  }
0xbf: {  	[tilespmem:s24], [sflag:$0x2] =	stream.indirect.gather [hbm4b:s1+s20], $0x80, s0, s20, $0xb8;
	[tilespmem:$0x1CC80] =	vst v63  }
0xc0: {  	_ =	swait.ge [sflag:s25], $0x4000  }
0xc1: {  	[sflag:s25] =	ssyncset.done $0x0  }
0xc2: {  	[sflag:s25] =	ssyncadd.s32 $0xFFFFC000  }
0xc3: {  	[spmem:s2] =	stream.indirect.scatter.add.f32 [tilespmem:s21], [sflag:$0x4], $0x80, s4, s20, $0xb8;
	[tilespmem:$0x1CC80] =	vst v63  }
0xc4: {  	_ =	swait.ge [sflag:s17], $0x4000  }
0xc5: {  	[sflag:s17] =	ssyncset.done $0x0  }
0xc6: {  	[sflag:s17] =	ssyncadd.s32 $0xFFFFC000  }
0xc7: {  	_ =	swait.ge [sflag:s28], $0x400  }
0xc8: {  	[sflag:s28] =	ssyncset.done $0x0  }
0xc9: {  	[sflag:s28] =	ssyncadd.s32 $0xFFFFFC00  }
0xca: {  	_ =	swait.ge [sflag:s28], $0x400  }
0xcb: {  	[sflag:s28] =	ssyncset.done $0x0  }
0xcc: {  	[sflag:s28] =	ssyncadd.s32 $0xFFFFFC00  }
0xcd: {  	[tilespmem:s21], [sflag:$0x1] =	stream.indirect.gather [hbm4b:s1+s20], $0x80, s3, s20, $0xb8;
	[tilespmem:$0x1CC80] =	vst v63  }
0xce: {  	_ =	swait.ge [sflag:s26], $0x4000  }
0xcf: {  	[sflag:s26] =	ssyncset.done $0x0  }
0xd0: {  	[sflag:s26] =	ssyncadd.s32 $0xFFFFC000  }
0xd1: {  	[spmem:s2] =	stream.indirect.scatter.add.f32 [tilespmem:s24], [sflag:$0x4], $0x80, s9, s20, $0xb8;
	[tilespmem:$0x1CC80] =	vst v63  }
0xd2: {  	_ =	swait.ge [sflag:s17], $0x4000  }
0xd3: {  	s11 =	simm.s32 $0x2;
	s15 =	smov.u32 s13;
	[sflag:s17] =	ssyncset.done $0x0  }
.LBB2_2:
0xd4: {  	[sflag:s17] =	ssyncadd.s32 $0xFFFFC000;
	s14 =	sadd.s32 $0x100, s14  }
0xd5: {  	[tilespmem:s22], [sflag:$0x3] =	stream.linear.gather [hbm4b:s14+s3], $0x400, $0x38;
	[tilespmem:$0x1CC80] =	vst v63  }
0xd6: {  	s15 =	sadd.s32 $0x100, s15  }
0xd7: {  	[tilespmem:s23], [sflag:$0x3] =	stream.linear.gather [hbm4b:s15+s3], $0x400, $0x38;
	[tilespmem:$0x1CC80] =	vst v63  }
0xd8: {  	_ = 	snop  }
0xd9: {  	[tilespmem:s24], [sflag:$0x2] =	stream.indirect.gather [hbm4b:s1+s20], $0x80, s20, s20, $0xb8;
	[tilespmem:$0x1CC80] =	vst v63  }
0xda: {  	_ =	swait.ge [sflag:s25], $0x4000  }
0xdb: {  	[sflag:s25] =	ssyncset.done $0x0  }
0xdc: {  	[sflag:s25] =	ssyncadd.s32 $0xFFFFC000  }
0xdd: {  	[spmem:s2] =	stream.indirect.scatter.add.f32 [tilespmem:s21], [sflag:$0x4], $0x80, s19, s20, $0xb8;
	[tilespmem:$0x1CC80] =	vst v63  }
0xde: {  	_ =	swait.ge [sflag:s17], $0x4000  }
0xdf: {  	[sflag:s17] =	ssyncset.done $0x0  }
0xe0: {  	s12 =	rddreg [dreg:$0x5];
	[sflag:s17] =	ssyncadd.s32 $0xFFFFC000  }
0xe1: {  	[tilespmem:s21], [sflag:$0x1] =	stream.indirect.gather [hbm4b:s1+s20], $0x80, s12, s20, $0xb8;
	[tilespmem:$0x1CC80] =	vst v63  }
0xe2: {  	_ =	swait.ge [sflag:s26], $0x4000  }
0xe3: {  	[sflag:s26] =	ssyncset.done $0x0  }
0xe4: {  	s12 =	rddreg [dreg:$0x6];
	[sflag:s26] =	ssyncadd.s32 $0xFFFFC000  }
0xe5: {  	[spmem:s2] =	stream.indirect.scatter.add.f32 [tilespmem:s24], [sflag:$0x4], $0x80, s12, s20, $0xb8;
	[tilespmem:$0x1CC80] =	vst v63  }
0xe6: {  	_ =	swait.ge [sflag:s17], $0x4000  }
0xe7: {  	[sflag:s17] =	ssyncset.done $0x0  }
0xe8: {  	s12 =	rddreg [dreg:$0x7];
	[sflag:s17] =	ssyncadd.s32 $0xFFFFC000  }
0xe9: {  	[tilespmem:s24], [sflag:$0x2] =	stream.indirect.gather [hbm4b:s1+s20], $0x80, s12, s20, $0xb8;
	[tilespmem:$0x1CC80] =	vst v63  }
0xea: {  	_ =	swait.ge [sflag:s25], $0x4000  }
0xeb: {  	[sflag:s25] =	ssyncset.done $0x0  }
0xec: {  	s12 =	rddreg [dreg:$0x8];
	[sflag:s25] =	ssyncadd.s32 $0xFFFFC000  }
0xed: {  	[spmem:s2] =	stream.indirect.scatter.add.f32 [tilespmem:s21], [sflag:$0x4], $0x80, s12, s20, $0xb8;
	[tilespmem:$0x1CC80] =	vst v63  }
0xee: {  	_ =	swait.ge [sflag:s17], $0x4000  }
0xef: {  	[sflag:s17] =	ssyncset.done $0x0  }
0xf0: {  	s12 =	rddreg [dreg:$0x9];
	[sflag:s17] =	ssyncadd.s32 $0xFFFFC000  }
0xf1: {  	[tilespmem:s21], [sflag:$0x1] =	stream.indirect.gather [hbm4b:s1+s20], $0x80, s12, s20, $0xb8;
	[tilespmem:$0x1CC80] =	vst v63  }
0xf2: {  	_ =	swait.ge [sflag:s26], $0x4000  }
0xf3: {  	[sflag:s26] =	ssyncset.done $0x0  }
0xf4: {  	s12 =	rddreg [dreg:$0xa];
	[sflag:s26] =	ssyncadd.s32 $0xFFFFC000  }
0xf5: {  	[spmem:s2] =	stream.indirect.scatter.add.f32 [tilespmem:s24], [sflag:$0x4], $0x80, s12, s20, $0xb8;
	[tilespmem:$0x1CC80] =	vst v63  }
0xf6: {  	_ =	swait.ge [sflag:s17], $0x4000  }
0xf7: {  	[sflag:s17] =	ssyncset.done $0x0  }
0xf8: {  	s12 =	rddreg [dreg:$0xb];
	[sflag:s17] =	ssyncadd.s32 $0xFFFFC000  }
0xf9: {  	[tilespmem:s24], [sflag:$0x2] =	stream.indirect.gather [hbm4b:s1+s20], $0x80, s12, s20, $0xb8;
	[tilespmem:$0x1CC80] =	vst v63  }
0xfa: {  	_ =	swait.ge [sflag:s25], $0x4000  }
0xfb: {  	[sflag:s25] =	ssyncset.done $0x0  }
0xfc: {  	s12 =	rddreg [dreg:$0xc];
	[sflag:s25] =	ssyncadd.s32 $0xFFFFC000  }
0xfd: {  	[spmem:s2] =	stream.indirect.scatter.add.f32 [tilespmem:s21], [sflag:$0x4], $0x80, s12, s20, $0xb8;
	[tilespmem:$0x1CC80] =	vst v63  }
0xfe: {  	_ =	swait.ge [sflag:s17], $0x4000  }
0xff: {  	[sflag:s17] =	ssyncset.done $0x0  }
0x100: {  	s12 =	rddreg [dreg:$0xd];
	[sflag:s17] =	ssyncadd.s32 $0xFFFFC000  }
0x101: {  	[tilespmem:s21], [sflag:$0x1] =	stream.indirect.gather [hbm4b:s1+s20], $0x80, s12, s20, $0xb8;
	[tilespmem:$0x1CC80] =	vst v63  }
0x102: {  	_ =	swait.ge [sflag:s26], $0x4000  }
0x103: {  	[sflag:s26] =	ssyncset.done $0x0  }
0x104: {  	s12 =	rddreg [dreg:$0xe];
	[sflag:s26] =	ssyncadd.s32 $0xFFFFC000  }
0x105: {  	[spmem:s2] =	stream.indirect.scatter.add.f32 [tilespmem:s24], [sflag:$0x4], $0x80, s12, s20, $0xb8;
	[tilespmem:$0x1CC80] =	vst v63  }
0x106: {  	_ =	swait.ge [sflag:s17], $0x4000  }
0x107: {  	[sflag:s17] =	ssyncset.done $0x0  }
0x108: {  	s12 =	rddreg [dreg:$0xf];
	[sflag:s17] =	ssyncadd.s32 $0xFFFFC000  }
0x109: {  	[tilespmem:s24], [sflag:$0x2] =	stream.indirect.gather [hbm4b:s1+s20], $0x80, s12, s20, $0xb8;
	[tilespmem:$0x1CC80] =	vst v63  }
0x10a: {  	_ =	swait.ge [sflag:s25], $0x4000  }
0x10b: {  	[sflag:s25] =	ssyncset.done $0x0  }
0x10c: {  	s12 =	rddreg [dreg:$0x10];
	[sflag:s25] =	ssyncadd.s32 $0xFFFFC000  }
0x10d: {  	[spmem:s2] =	stream.indirect.scatter.add.f32 [tilespmem:s21], [sflag:$0x4], $0x80, s12, s20, $0xb8;
	[tilespmem:$0x1CC80] =	vst v63  }
0x10e: {  	_ =	swait.ge [sflag:s17], $0x4000  }
0x10f: {  	[sflag:s17] =	ssyncset.done $0x0  }
0x110: {  	[sflag:s17] =	ssyncadd.s32 $0xFFFFC000  }
0x111: {  	_ =	swait.ge [sflag:s28], $0x400  }
0x112: {  	[sflag:s28] =	ssyncset.done $0x0  }
0x113: {  	[sflag:s28] =	ssyncadd.s32 $0xFFFFFC00  }
0x114: {  	_ =	swait.ge [sflag:s28], $0x400  }
0x115: {  	[sflag:s28] =	ssyncset.done $0x0  }
0x116: {  	[sflag:s28] =	ssyncadd.s32 $0xFFFFFC00  }
0x117: {  	[tilespmem:s21], [sflag:$0x1] =	stream.indirect.gather [hbm4b:s1+s20], $0x80, s22, s20, $0xb8;
	[tilespmem:$0x1CC80] =	vst v63  }
0x118: {  	_ =	swait.ge [sflag:s26], $0x4000  }
0x119: {  	[sflag:s26] =	ssyncset.done $0x0  }
0x11a: {  	s12 =	rddreg [dreg:$0x11];
	[sflag:s26] =	ssyncadd.s32 $0xFFFFC000  }
0x11b: {  	[spmem:s2] =	stream.indirect.scatter.add.f32 [tilespmem:s24], [sflag:$0x4], $0x80, s12, s20, $0xb8;
	[tilespmem:$0x1CC80] =	vst v63  }
0x11c: {  	s7 =	smov.u32 s11;
	_ =	swait.ge [sflag:s17], $0x4000  }
0x11d: {  	s7 =	smin.u32 s7, $0x7;
	s12 =	rddreg [dreg:$0x4]  }
0x11e: {  	s7 =	sadd.s32 s7, s12  }
0x11f: {  	[sflag:s17] =	ssyncset.done $0x0;
	s7 =	sshll.u32 s7, $0x7  }
0x120: {  	[sflag:s17] =	ssyncadd.s32 $0xFFFFC000;
	s12 =	sadd.s32 s5, s7  }
0x121: {  	[tilespmem:s3], [sflag:$0x3] =	stream.linear.gather [hbm4b:s12+s3], $0x400, $0x38;
	[tilespmem:$0x1CC80] =	vst v63  }
0x122: {  	s7 =	sadd.s32 s6, s7  }
0x123: {  	[tilespmem:s19], [sflag:$0x3] =	stream.linear.gather [hbm4b:s7+s3], $0x400, $0x38;
	[tilespmem:$0x1CC80] =	vst v63  }
0x124: {  	s12 =	rddreg [dreg:$0x12]  }
0x125: {  	[tilespmem:s24], [sflag:$0x2] =	stream.indirect.gather [hbm4b:s1+s20], $0x80, s12, s20, $0xb8;
	[tilespmem:$0x1CC80] =	vst v63  }
0x126: {  	_ =	swait.ge [sflag:s25], $0x4000  }
0x127: {  	[sflag:s25] =	ssyncset.done $0x0  }
0x128: {  	[sflag:s25] =	ssyncadd.s32 $0xFFFFC000  }
0x129: {  	[spmem:s2] =	stream.indirect.scatter.add.f32 [tilespmem:s21], [sflag:$0x4], $0x80, s23, s20, $0xb8;
	[tilespmem:$0x1CC80] =	vst v63  }
0x12a: {  	_ =	swait.ge [sflag:s17], $0x4000  }
0x12b: {  	[sflag:s17] =	ssyncset.done $0x0  }
0x12c: {  	s12 =	rddreg [dreg:$0x13];
	[sflag:s17] =	ssyncadd.s32 $0xFFFFC000  }
0x12d: {  	[tilespmem:s21], [sflag:$0x1] =	stream.indirect.gather [hbm4b:s1+s20], $0x80, s12, s20, $0xb8;
	[tilespmem:$0x1CC80] =	vst v63  }
0x12e: {  	_ =	swait.ge [sflag:s26], $0x4000  }
0x12f: {  	[sflag:s26] =	ssyncset.done $0x0  }
0x130: {  	s12 =	rddreg [dreg:$0x14];
	[sflag:s26] =	ssyncadd.s32 $0xFFFFC000  }
0x131: {  	[spmem:s2] =	stream.indirect.scatter.add.f32 [tilespmem:s24], [sflag:$0x4], $0x80, s12, s20, $0xb8;
	[tilespmem:$0x1CC80] =	vst v63  }
0x132: {  	_ =	swait.ge [sflag:s17], $0x4000  }
0x133: {  	[sflag:s17] =	ssyncset.done $0x0  }
0x134: {  	s12 =	rddreg [dreg:$0x15];
	[sflag:s17] =	ssyncadd.s32 $0xFFFFC000  }
0x135: {  	[tilespmem:s24], [sflag:$0x2] =	stream.indirect.gather [hbm4b:s1+s20], $0x80, s12, s20, $0xb8;
	[tilespmem:$0x1CC80] =	vst v63  }
0x136: {  	_ =	swait.ge [sflag:s25], $0x4000  }
0x137: {  	[sflag:s25] =	ssyncset.done $0x0  }
0x138: {  	s12 =	rddreg [dreg:$0x16];
	[sflag:s25] =	ssyncadd.s32 $0xFFFFC000  }
0x139: {  	[spmem:s2] =	stream.indirect.scatter.add.f32 [tilespmem:s21], [sflag:$0x4], $0x80, s12, s20, $0xb8;
	[tilespmem:$0x1CC80] =	vst v63  }
0x13a: {  	_ =	swait.ge [sflag:s17], $0x4000  }
0x13b: {  	[sflag:s17] =	ssyncset.done $0x0  }
0x13c: {  	s12 =	rddreg [dreg:$0x17];
	[sflag:s17] =	ssyncadd.s32 $0xFFFFC000  }
0x13d: {  	[tilespmem:s21], [sflag:$0x1] =	stream.indirect.gather [hbm4b:s1+s20], $0x80, s12, s20, $0xb8;
	[tilespmem:$0x1CC80] =	vst v63  }
0x13e: {  	_ =	swait.ge [sflag:s26], $0x4000  }
0x13f: {  	[sflag:s26] =	ssyncset.done $0x0  }
0x140: {  	s12 =	rddreg [dreg:$0x18];
	[sflag:s26] =	ssyncadd.s32 $0xFFFFC000  }
0x141: {  	[spmem:s2] =	stream.indirect.scatter.add.f32 [tilespmem:s24], [sflag:$0x4], $0x80, s12, s20, $0xb8;
	[tilespmem:$0x1CC80] =	vst v63  }
0x142: {  	_ =	swait.ge [sflag:s17], $0x4000  }
0x143: {  	[sflag:s17] =	ssyncset.done $0x0  }
0x144: {  	s12 =	rddreg [dreg:$0x19];
	[sflag:s17] =	ssyncadd.s32 $0xFFFFC000  }
0x145: {  	[tilespmem:s24], [sflag:$0x2] =	stream.indirect.gather [hbm4b:s1+s20], $0x80, s12, s20, $0xb8;
	[tilespmem:$0x1CC80] =	vst v63  }
0x146: {  	_ =	swait.ge [sflag:s25], $0x4000  }
0x147: {  	[sflag:s25] =	ssyncset.done $0x0  }
0x148: {  	[sflag:s25] =	ssyncadd.s32 $0xFFFFC000  }
0x149: {  	[spmem:s2] =	stream.indirect.scatter.add.f32 [tilespmem:s21], [sflag:$0x4], $0x80, s29, s20, $0xb8;
	[tilespmem:$0x1CC80] =	vst v63  }
0x14a: {  	_ =	swait.ge [sflag:s17], $0x4000  }
0x14b: {  	[sflag:s17] =	ssyncset.done $0x0  }
0x14c: {  	[sflag:s17] =	ssyncadd.s32 $0xFFFFC000  }
0x14d: {  	[tilespmem:s21], [sflag:$0x1] =	stream.indirect.gather [hbm4b:s1+s20], $0x80, s30, s20, $0xb8;
	[tilespmem:$0x1CC80] =	vst v63  }
0x14e: {  	_ =	swait.ge [sflag:s26], $0x4000  }
0x14f: {  	[sflag:s26] =	ssyncset.done $0x0  }
0x150: {  	[sflag:s26] =	ssyncadd.s32 $0xFFFFC000  }
0x151: {  	[spmem:s2] =	stream.indirect.scatter.add.f32 [tilespmem:s24], [sflag:$0x4], $0x80, s31, s20, $0xb8;
	[tilespmem:$0x1CC80] =	vst v63  }
0x152: {  	_ =	swait.ge [sflag:s17], $0x4000  }
0x153: {  	[sflag:s17] =	ssyncset.done $0x0  }
0x154: {  	[sflag:s17] =	ssyncadd.s32 $0xFFFFC000  }
0x155: {  	[tilespmem:s24], [sflag:$0x2] =	stream.indirect.gather [hbm4b:s1+s20], $0x80, s0, s20, $0xb8;
	[tilespmem:$0x1CC80] =	vst v63  }
0x156: {  	_ =	swait.ge [sflag:s25], $0x4000  }
0x157: {  	[sflag:s25] =	ssyncset.done $0x0  }
0x158: {  	[sflag:s25] =	ssyncadd.s32 $0xFFFFC000  }
0x159: {  	[spmem:s2] =	stream.indirect.scatter.add.f32 [tilespmem:s21], [sflag:$0x4], $0x80, s4, s20, $0xb8;
	[tilespmem:$0x1CC80] =	vst v63  }
0x15a: {  	_ =	swait.ge [sflag:s17], $0x4000  }
0x15b: {  	[sflag:s17] =	ssyncset.done $0x0  }
0x15c: {  	[sflag:s17] =	ssyncadd.s32 $0xFFFFC000  }
0x15d: {  	_ =	swait.ge [sflag:s28], $0x400  }
0x15e: {  	[sflag:s28] =	ssyncset.done $0x0  }
0x15f: {  	[sflag:s28] =	ssyncadd.s32 $0xFFFFFC00  }
0x160: {  	_ =	swait.ge [sflag:s28], $0x400  }
0x161: {  	[sflag:s28] =	ssyncset.done $0x0  }
0x162: {  	[sflag:s28] =	ssyncadd.s32 $0xFFFFFC00  }
0x163: {  	[tilespmem:s21], [sflag:$0x1] =	stream.indirect.gather [hbm4b:s1+s20], $0x80, s3, s20, $0xb8;
	[tilespmem:$0x1CC80] =	vst v63  }
0x164: {  	p1 =	sne.s32 s11, $0x8;
	_ =	swait.ge [sflag:s26], $0x4000  }
.Ltmp0:
0x165: {  	[sflag:s26] =	ssyncset.done $0x0;
	(pc) =	sbr.rel @p1 .LBB2_2-.Ltmp0, $4  }
0x166: {  	[sflag:s26] =	ssyncadd.s32 $0xFFFFC000  }
0x167: {  	[spmem:s2] =	stream.indirect.scatter.add.f32 [tilespmem:s24], [sflag:$0x4], $0x80, s9, s20, $0xb8;
	[tilespmem:$0x1CC80] =	vst v63  }
0x168: {  	_ =	swait.ge [sflag:s17], $0x4000  }
0x169: {  	s11 =	sadd.s32 $0x2, s11;
	[sflag:s17] =	ssyncset.done $0x0  }
0x16a: {  	[sflag:s17] =	ssyncadd.s32 $0xFFFFC000  }
0x16b: {  	_ =	swait.ge [sflag:s25], $0x4000  }
0x16c: {  	[sflag:s25] =	ssyncset.done $0x0  }
0x16d: {  	[sflag:s25] =	ssyncadd.s32 $0xFFFFC000  }
0x16e: {  	[bflag:$0x0] =	sbarrier.arrive $0xFFFF  }
0x16f: {  	s7 =	rddreg [dreg:$0x1d]  }
0x170: {  	[hbm:s7], [sflag:s8] =	dma.local [spmem:s16], $0x2700  }
0x171: {  	_ =	swait.ge [sflag:s17], $0x2700  }
0x172: {  	[sflag:s17] =	ssyncset.done $0x0  }
0x173: {  	s7 =	rddreg [dreg:$0x1e];
	[sflag:s17] =	ssyncadd.s32 $0xFFFFD900  }
0x174: {  	[hbm:s7], [sflag:s8] =	dma.local @!p0 [spmem:s18], $0x100  }
0x175: {  	s7 =	simm.s32 @!p0 $0x4  }
0x176: {  	_ =	swait.ge @!p0 [sflag:s7], $0x100  }
0x177: {  	s10 =	sadd.s32 $0x1, s10;
	s11 =	rddreg [dreg:$0x1f]  }
0x178: {  	p1 =	sne.s32 s10, s11  }
.Ltmp1:
0x179: {  	_ = 	snop;
	(pc) =	sbr.rel @p1 .LBB2_1-.Ltmp1, $3  }
0x17a: {  	_ =	sdelay $0x1  }
0x17b: {  	[sflag:s7] =	ssyncset.done @!p0 $0x0  }
0x17c: {  	[sflag:s7] =	ssyncadd.s32 @!p0 $0xFFFFFF00  }
0x17d: {  	_ =	sfence.sel $0x180000  }
0x17e: {  	[bflag:$0x0] =	sbarrier.arrive $0xFFFF  }
0x17f: {  	_ =	strace $0x90000047  }
0x180: {  	s0 =	stileid.u32;
	[bflag:$0x2] =	sbarrier.arrive $0xFFFF  }
0x181: {  	p0 =	sne.s32 s0, $0x0;
	s0 =	rddreg [dreg:$0x3]  }
0x182: {  	s0 =	sadd.s32 @!p0 $0x100000, s0  }
0x183: {  	[sflag:s0] =	ssyncadd.tile.s32 @!p0 $0x1;
	_ =	shalt  }
.Lfunc_end2:
_tile_overlayer_lowered:
.L_overlay_start_2:
0x184: {  	(tag) =	ssettag $0x2  }
0x185: {  	s0 =	rddreg [dreg:$0x0];
	s2 =	stileid.u32  }
0x186: {  	s1 =	rddreg [dreg:$0x1];
	p0 =	sne.s32 s2, $0x0  }
0x187: {  	s3 =	rddreg [dreg:$0x2];
	[bflag:$0x3] =	sbarrier.arrive $0xFFFF;
	s2 =	simm.s32 @!p0 $0x1C04  }
0x188: {  	[timem:s3], [sflag:s2] =	dma.local @!p0 [hbm:s0], s1  }
0x189: {  	s0 =	simm.s32 @!p0 $0x4  }
0x18a: {  	_ =	swait.ge @!p0 [sflag:s0], s1  }
0x18b: {  	s1 =	ssub.s32 @!p0 $0x0, s1;
	[sflag:s0] =	ssyncset.done @!p0 $0x0  }
0x18c: {  	[sflag:s0] =	ssyncadd.s32 @!p0 s1  }
0x18d: {  	[bflag:$0x3] =	sbarrier.arrive $0xFFFF  }
0x18e: {  	_ =	shalt  }

</sc_bundles>
